<compile_context>
chip_gen: v7x
topology: tpu7x:2x2x1
jax: 0.10.2.dev20260603
libtpu: 0.0.44.dev20260713+nightly
codegen_flags: <defaults>
</compile_context>

<pallas_src>
import functools

import jax
import jax.numpy as jnp
from jax import lax
from jax.experimental import pallas as pl
from jax.experimental.pallas import tpu as pltpu
from jax.experimental.pallas import tpu_sc as plsc

NUM_GRAPHS = 100
N_VERT = 50000
N_EDGE = 1600000
D_V = 128
D_E = 16

NC, NS = 2, 16
NW = NC * NS

CV = 400
NV_CHUNKS = N_VERT // CV
CV_SUB = 80
NV_SUB = CV // CV_SUB
NV_ITERS = -(-NV_CHUNKS // NW)

KE = 640
NE_CHUNKS = N_EDGE // KE
U = 100
KB = KE * U
NB = NE_CHUNKS // U
KROWS = KE // 128
MAXM = 100
MP = 4


def _sc_vertex_sums(vdata, vidx):
    mesh = plsc.VectorSubcoreMesh(core_axis_name="c", subcore_axis_name="s")

    @functools.partial(
        pl.kernel,
        mesh=mesh,
        compiler_params=pltpu.CompilerParams(use_tc_tiling_on_sc=False),
        out_type=(
            jax.ShapeDtypeStruct((NC, NUM_GRAPHS, D_V), jnp.float32),
            jax.ShapeDtypeStruct((NC, NUM_GRAPHS, D_E), jnp.float32),
        ),
        scratch_types=(
            pltpu.VMEM((CV, D_V), jnp.float32),
            pltpu.VMEM((CV,), jnp.int32),
            pltpu.VMEM((NV_SUB, CV_SUB), jnp.int32),
            pltpu.VMEM((NUM_GRAPHS, D_E), jnp.float32),
            pltpu.VMEM((CV_SUB, D_E), jnp.float32),
            pltpu.VMEM_SHARED((NUM_GRAPHS, D_V), jnp.float32),
            pltpu.VMEM_SHARED((NUM_GRAPHS, D_E), jnp.float32),
        ),
    )
    def k(vdata_h, vidx_h, vout, cout,
          vbuf, vflat, vibuf, zbuf, ones, v_acc, c_acc):
        c = lax.axis_index("c")
        s = lax.axis_index("s")
        wid = s * NC + c

        one = jnp.full((16,), 1.0, jnp.float32)
        zero = jnp.zeros((16,), jnp.float32)

        def ones_row(r, carry):
            ones[r, pl.ds(0, 16)] = one
            return carry

        lax.fori_loop(0, CV_SUB, ones_row, 0)

        @pl.when(s == 0)
        def _():
            def zv(r, carry):
                for j in range(D_V // 16):
                    vbuf[r, pl.ds(j * 16, 16)] = zero
                return carry

            lax.fori_loop(0, NUM_GRAPHS, zv, 0)

            def ze(r, carry):
                zbuf[r, pl.ds(0, 16)] = zero
                return carry

            lax.fori_loop(0, NUM_GRAPHS, ze, 0)
            pltpu.sync_copy(vbuf.at[pl.ds(0, NUM_GRAPHS)], v_acc)
            pltpu.sync_copy(zbuf, c_acc)

        plsc.subcore_barrier()

        def vchunk(kk, carry):
            chunk = wid + NW * kk

            @pl.when(chunk < NV_CHUNKS)
            def _():
                pltpu.sync_copy(vdata_h.at[pl.ds(chunk * CV, CV)], vbuf)
                pltpu.sync_copy(vidx_h.at[pl.ds(chunk * CV, CV)], vflat)
                for j in range(NV_SUB):
                    for l in range(CV_SUB // 16):
                        vibuf[j, pl.ds(l * 16, 16)] = vflat[
                            pl.ds(j * CV_SUB + l * 16, 16)]
                for j in range(NV_SUB):
                    idx = vibuf.at[j]
                    pltpu.sync_copy(
                        vbuf.at[pl.ds(j * CV_SUB, CV_SUB)],
                        v_acc.at[idx], add=True)
                    pltpu.sync_copy(ones, c_acc.at[idx], add=True)

            return carry

        lax.fori_loop(0, NV_ITERS, vchunk, 0)

        plsc.subcore_barrier()

        @pl.when(s == 0)
        def _():
            pltpu.sync_copy(v_acc, vout.at[c])
            pltpu.sync_copy(c_acc, cout.at[c])

    return k(vdata, vidx)


def _tc_edge_full(edata_t, seg_first, seg_last):

    def body(first_ref, last_ref, e_ref, acc_ref):
        bi = pl.program_id(0)

        @pl.when(bi == 0)
        def _():
            acc_ref[...] = jnp.zeros_like(acc_ref)

        iota_row = lax.broadcasted_iota(jnp.int32, (1, NUM_GRAPHS), 1)
        upd = jnp.zeros((D_E, NUM_GRAPHS), jnp.float32)
        for u in range(U):
            ci = bi * U + u
            s0 = first_ref[ci]
            s1 = last_ref[ci]
            blk = e_ref[:, u * KE:(u + 1) * KE]
            csum = jnp.sum(blk, axis=1, keepdims=True)
            sel = jnp.where(s0 == s1, (iota_row == s0).astype(jnp.float32),
                            jnp.zeros((1, NUM_GRAPHS), jnp.float32))
            upd = upd + csum * sel
        acc_ref[...] += upd

    grid_spec = pltpu.PrefetchScalarGridSpec(
        num_scalar_prefetch=2,
        grid=(NB,),
        in_specs=[
            pl.BlockSpec((D_E, KB), lambda bi, *_: (0, bi)),
        ],
        out_specs=pl.BlockSpec((D_E, NUM_GRAPHS), lambda bi, *_: (0, 0)),
    )
    return pl.pallas_call(
        body,
        grid_spec=grid_spec,
        out_shape=jax.ShapeDtypeStruct((D_E, NUM_GRAPHS), jnp.float32),
    )(seg_first, seg_last, edata_t)


def _tc_edge_mixed(edata_t, eidx3, mixed_ids, valid_arr):

    def body(mid_ref, val_ref, *refs):
        e_refs = refs[0:MP]
        idx_refs = refs[MP:2 * MP]
        acc_ref = refs[2 * MP]
        m_ref = refs[2 * MP + 1]
        i = pl.program_id(0)

        @pl.when(i == 0)
        def _():
            acc_ref[...] = jnp.zeros_like(acc_ref)

        iota = lax.broadcasted_iota(jnp.int32, (NUM_GRAPHS, 1), 0)
        upd = jnp.zeros((D_E, NUM_GRAPHS), jnp.float32)
        for h in range(MP):
            e_ref = e_refs[h]
            idx_ref = idx_refs[h]
            valid = val_ref[MP * i + h] != 0
            for j in range(KROWS):
                idrow = idx_ref[:, j, :]
                m = jnp.logical_and(iota == idrow, valid)
                m_ref[:, j * 128:(j + 1) * 128] = m.astype(jnp.bfloat16)
            blk = e_ref[...]
            bhi = blk.astype(jnp.bfloat16)
            blo = (blk - bhi.astype(jnp.float32)).astype(jnp.bfloat16)
            mm = m_ref[...]
            upd = upd + lax.dot_general(
                bhi, mm, (((1,), (1,)), ((), ())),
                preferred_element_type=jnp.float32)
            upd = upd + lax.dot_general(
                blo, mm, (((1,), (1,)), ((), ())),
                preferred_element_type=jnp.float32)
        acc_ref[...] += upd

    def e_spec(h):
        return pl.BlockSpec((D_E, KE), lambda i, mid, val: (0, mid[MP * i + h]))

    def i_spec(h):
        return pl.BlockSpec((1, KROWS, 128),
                            lambda i, mid, val: (mid[MP * i + h], 0, 0))

    grid_spec = pltpu.PrefetchScalarGridSpec(
        num_scalar_prefetch=2,
        grid=(MAXM // MP,),
        in_specs=[e_spec(h) for h in range(MP)]
        + [i_spec(h) for h in range(MP)],
        out_specs=pl.BlockSpec((D_E, NUM_GRAPHS), lambda i, *_: (0, 0)),
        scratch_shapes=[pltpu.VMEM((NUM_GRAPHS, KE), jnp.bfloat16)],
    )
    return pl.pallas_call(
        body,
        grid_spec=grid_spec,
        out_shape=jax.ShapeDtypeStruct((D_E, NUM_GRAPHS), jnp.float32),
    )(mixed_ids, valid_arr, *([edata_t] * MP), *([eidx3] * MP))


def _tc_final(cdata, vpart, cpart, e_full, e_mix, W, b2):
    def body(c_ref, v_ref, cnt_ref, ef_ref, em_ref, w_ref, b_ref, o_ref):
        v_sum = v_ref[0] + v_ref[1]
        cnt = cnt_ref[0] + cnt_ref[1]
        denom = jnp.maximum(jnp.max(cnt, axis=1, keepdims=True), 1.0)
        v_agg = v_sum / denom
        e_agg_t = ef_ref[...] + em_ref[...]
        out = (
            jnp.dot(c_ref[...], w_ref[0:D_V, :],
                    preferred_element_type=jnp.float32)
            + jnp.dot(v_agg, w_ref[D_V:2 * D_V, :],
                      preferred_element_type=jnp.float32)
            + lax.dot_general(
                e_agg_t, w_ref[2 * D_V:2 * D_V + D_E, :],
                (((0,), (0,)), ((), ())),
                preferred_element_type=jnp.float32)
            + b_ref[...]
        )
        o_ref[...] = out

    return pl.pallas_call(
        body,
        out_shape=jax.ShapeDtypeStruct((NUM_GRAPHS, 128), jnp.float32),
    )(cdata, vpart, cpart, e_full, e_mix, W, b2)


def kernel(cdata, vdata, edata_e, vidx, eidx, W, b):
    edata_t = edata_e.T
    seg_first = eidx[::KE].astype(jnp.int32)
    seg_last = eidx[KE - 1::KE].astype(jnp.int32)
    svals = jnp.arange(1, MAXM + 1, dtype=jnp.int32)
    cnts = jnp.sum((seg_last[None, :] < svals[:, None]).astype(jnp.int32),
                   axis=1)
    ids = jnp.minimum(cnts, NE_CHUNKS - 1)
    prev = jnp.concatenate([jnp.full((1,), -1, jnp.int32), ids[:-1]])
    valid_arr = ((seg_first[ids] != seg_last[ids])
                 & (ids != prev)).astype(jnp.int32)
    eidx3 = eidx.reshape(NE_CHUNKS, KROWS, 128)

    vp, cp = _sc_vertex_sums(vdata, vidx)
    e_full = _tc_edge_full(edata_t, seg_first, seg_last)
    e_mix = _tc_edge_mixed(edata_t, eidx3, ids, valid_arr)
    return _tc_final(cdata, vp, cp, e_full, e_mix, W, b.reshape(1, -1))

# --- scband reference (transcript-rebuilt; emitter-appended) ---
"""Pipeline reference for scband-global-block-74285754352304 (READ-ONLY COPY).

The authoritative reference and input builder live on the scoring server;
editing this copy changes nothing except your own understanding.
"""

import jax, jax.numpy as jnp
import numpy as np

NUM_GRAPHS = 100
N_VERT = 50000
N_EDGE = 1600000
D_C = 128
D_V = 128
D_E = 16
D_IN = D_C + D_V + D_E  # 272
D_OUT = 128


def setup_inputs(seed: int = 0) -> dict:
    key = jax.random.key(seed)
    ks = jax.random.split(key, 8)
    cdata = jax.random.normal(ks[0], (NUM_GRAPHS, D_C), dtype=jnp.float32)
    vdata = jax.random.normal(ks[1], (N_VERT, D_V), dtype=jnp.float32)
    edata_e = jax.random.normal(ks[2], (N_EDGE, D_E), dtype=jnp.float32)
    vidx = jnp.sort(jax.random.randint(ks[3], (N_VERT,), 0, NUM_GRAPHS, dtype=jnp.int32))
    eidx = jnp.sort(jax.random.randint(ks[4], (N_EDGE,), 0, NUM_GRAPHS, dtype=jnp.int32))
    W = jax.random.normal(ks[5], (D_IN, D_OUT), dtype=jnp.float32) * 0.02
    b = jnp.zeros((D_OUT,), dtype=jnp.float32)
    return {"cdata": cdata, "vdata": vdata, "edata_e": edata_e, "vidx": vidx, "eidx": eidx, "W": W, "b": b}


def reference(cdata, vdata, edata_e, vidx, eidx, W, b):
    num = cdata.shape[0]
    # vertex aggregator: scatter_mean of vertex data into per-graph context slots
    v_sum = jax.ops.segment_sum(vdata, vidx, num_segments=num)
    v_cnt = jax.ops.segment_sum(jnp.ones((vdata.shape[0], 1), dtype=vdata.dtype), vidx, num_segments=num)
    v_agg = v_sum / jnp.maximum(v_cnt, 1.0)
    # edge aggregator (single edge type 'e'): scatter_sum with dim_size = cdata.shape[0]
    e_agg = jax.ops.segment_sum(edata_e, eidx, num_segments=num)
    # tin = cat([cdata, v_agg, e_agg], dim=1); updater = Linear
    tin = jnp.concatenate([cdata, v_agg, e_agg], axis=1)
    out = tin @ W + b
    return out

if __name__ == "__main__":
    import jax
    _d = setup_inputs()
    print(jax.jit(kernel)(*tuple(_d.values())))

</pallas_src>

<mosaic_0001>
#map = affine_map<(d0, d1) -> (0, 0)>
#map1 = affine_map<(d0, d1) -> (0)>
#map2 = affine_map<(d0, d1) -> (0, 0, 0)>
module attributes {stable_mosaic.version = 14 : i64} {
  func.func @k(%arg0: i32, %arg1: i32, %arg2: memref<50000x128xf32, #tpu.memory_space<hbm>>, %arg3: memref<50000xi32, #tpu.memory_space<hbm>>, %arg4: memref<2x100x128xf32, #tpu.memory_space<hbm>>, %arg5: memref<2x100x16xf32, #tpu.memory_space<hbm>>, %arg6: memref<400x128xf32, #tpu.memory_space<vmem>>, %arg7: memref<400xi32, #tpu.memory_space<vmem>>, %arg8: memref<5x80xi32, #tpu.memory_space<vmem>>, %arg9: memref<100x16xf32, #tpu.memory_space<vmem>>, %arg10: memref<80x16xf32, #tpu.memory_space<vmem>>, %arg11: memref<100x128xf32, #tpu.memory_space<vmem_shared>>, %arg12: memref<100x16xf32, #tpu.memory_space<vmem_shared>>) attributes {dimension_semantics = [#tpu.dimension_semantics<core_parallel>, #tpu.dimension_semantics<subcore_parallel>], iteration_bounds = array<i64: 2, 16>, scalar_prefetch = 0 : i64, scratch_operands = 7 : i64, tpu.core_type = #tpu.core_type<sc_vector_subcore>, window_params = [{transform_indices = #map}, {transform_indices = #map1}, {transform_indices = #map2}, {transform_indices = #map2}]} {
    %mul3A = arith.constant 2 : i32
    %mul3A_0 = arith.muli %arg1, %mul3A : i32
    %add3A = arith.addi %mul3A_0, %arg0 : i32
    %broadcast_in_dim3A = arith.constant 1.000000e+00 : f32
    %broadcast_in_dim3A_1 = vector.broadcast %broadcast_in_dim3A : f32 to vector<16xf32>
    %broadcast_in_dim3A_2 = arith.constant 0.000000e+00 : f32
    %broadcast_in_dim3A_3 = vector.broadcast %broadcast_in_dim3A_2 : f32 to vector<16xf32>
    %scan3A = arith.constant 0 : i32
    %scan3A_4 = arith.constant 0 : i32
    %scan3A_5 = arith.constant 80 : i32
    %scan3A_6 = arith.addi %scan3A_4, %scan3A_5 : i32
    %scan3A_7 = arith.constant 1 : i32
    scf.for %scan3A_23 = %scan3A_4 to %scan3A_6 step %scan3A_7  : i32 {
      %swap3A = arith.index_cast %scan3A_23 : i32 to index
      %swap3A_24 = arith.constant 0 : index
      %swap3A_25 = tpu.vector_load %arg10[%swap3A, %swap3A_24] {strides = array<i32>} : memref<80x16xf32, #tpu.memory_space<vmem>>, vector<1x16xf32>,
      %swap3A_26 = vector.shape_cast %swap3A_25 : vector<1x16xf32> to vector<16xf32>
      %swap3A_27 = vector.shape_cast %broadcast_in_dim3A_1 : vector<16xf32> to vector<1x16xf32>
      tpu.vector_store %arg10[%swap3A, %swap3A_24], %swap3A_27 {strides = array<i32>} : memref<80x16xf32, #tpu.memory_space<vmem>>, vector<1x16xf32>,
    }
    %scan3A_8 = arith.constant 80 : i32
    %eq3A = arith.constant 0 : i32
    %eq3A_9 = arith.cmpi eq, %arg1, %eq3A : i32
    %convert_element_type3A = arith.extui %eq3A_9 : i1 to i32
    %cond3A = arith.constant 0 : i32
    %cond3A_10 = arith.cmpi ne, %convert_element_type3A, %cond3A : i32
    scf.if %cond3A_10 {
      %scan3A_23 = arith.constant 0 : i32
      %scan3A_24 = arith.constant 0 : i32
      %scan3A_25 = arith.constant 100 : i32
      %scan3A_26 = arith.addi %scan3A_24, %scan3A_25 : i32
      %scan3A_27 = arith.constant 1 : i32
      scf.for %scan3A_35 = %scan3A_24 to %scan3A_26 step %scan3A_27  : i32 {
        %swap3A = arith.index_cast %scan3A_35 : i32 to index
        %swap3A_36 = arith.constant 0 : index
        %swap3A_37 = tpu.vector_load %arg6[%swap3A, %swap3A_36] {strides = array<i32>} : memref<400x128xf32, #tpu.memory_space<vmem>>, vector<1x16xf32>,
        %swap3A_38 = vector.shape_cast %swap3A_37 : vector<1x16xf32> to vector<16xf32>
        %swap3A_39 = vector.shape_cast %broadcast_in_dim3A_3 : vector<16xf32> to vector<1x16xf32>
        tpu.vector_store %arg6[%swap3A, %swap3A_36], %swap3A_39 {strides = array<i32>} : memref<400x128xf32, #tpu.memory_space<vmem>>, vector<1x16xf32>,
        %swap3A_40 = arith.index_cast %scan3A_35 : i32 to index
        %swap3A_41 = arith.constant 16 : index
        %swap3A_42 = tpu.vector_load %arg6[%swap3A_40, %swap3A_41] {strides = array<i32>} : memref<400x128xf32, #tpu.memory_space<vmem>>, vector<1x16xf32>,
        %swap3A_43 = vector.shape_cast %swap3A_42 : vector<1x16xf32> to vector<16xf32>
        %swap3A_44 = vector.shape_cast %broadcast_in_dim3A_3 : vector<16xf32> to vector<1x16xf32>
        tpu.vector_store %arg6[%swap3A_40, %swap3A_41], %swap3A_44 {strides = array<i32>} : memref<400x128xf32, #tpu.memory_space<vmem>>, vector<1x16xf32>,
        %swap3A_45 = arith.index_cast %scan3A_35 : i32 to index
        %swap3A_46 = arith.constant 32 : index
        %swap3A_47 = tpu.vector_load %arg6[%swap3A_45, %swap3A_46] {strides = array<i32>} : memref<400x128xf32, #tpu.memory_space<vmem>>, vector<1x16xf32>,
        %swap3A_48 = vector.shape_cast %swap3A_47 : vector<1x16xf32> to vector<16xf32>
        %swap3A_49 = vector.shape_cast %broadcast_in_dim3A_3 : vector<16xf32> to vector<1x16xf32>
        tpu.vector_store %arg6[%swap3A_45, %swap3A_46], %swap3A_49 {strides = array<i32>} : memref<400x128xf32, #tpu.memory_space<vmem>>, vector<1x16xf32>,
        %swap3A_50 = arith.index_cast %scan3A_35 : i32 to index
        %swap3A_51 = arith.constant 48 : index
        %swap3A_52 = tpu.vector_load %arg6[%swap3A_50, %swap3A_51] {strides = array<i32>} : memref<400x128xf32, #tpu.memory_space<vmem>>, vector<1x16xf32>,
        %swap3A_53 = vector.shape_cast %swap3A_52 : vector<1x16xf32> to vector<16xf32>
        %swap3A_54 = vector.shape_cast %broadcast_in_dim3A_3 : vector<16xf32> to vector<1x16xf32>
        tpu.vector_store %arg6[%swap3A_50, %swap3A_51], %swap3A_54 {strides = array<i32>} : memref<400x128xf32, #tpu.memory_space<vmem>>, vector<1x16xf32>,
        %swap3A_55 = arith.index_cast %scan3A_35 : i32 to index
        %swap3A_56 = arith.constant 64 : index
        %swap3A_57 = tpu.vector_load %arg6[%swap3A_55, %swap3A_56] {strides = array<i32>} : memref<400x128xf32, #tpu.memory_space<vmem>>, vector<1x16xf32>,
        %swap3A_58 = vector.shape_cast %swap3A_57 : vector<1x16xf32> to vector<16xf32>
        %swap3A_59 = vector.shape_cast %broadcast_in_dim3A_3 : vector<16xf32> to vector<1x16xf32>
        tpu.vector_store %arg6[%swap3A_55, %swap3A_56], %swap3A_59 {strides = array<i32>} : memref<400x128xf32, #tpu.memory_space<vmem>>, vector<1x16xf32>,
        %swap3A_60 = arith.index_cast %scan3A_35 : i32 to index
        %swap3A_61 = arith.constant 80 : index
        %swap3A_62 = tpu.vector_load %arg6[%swap3A_60, %swap3A_61] {strides = array<i32>} : memref<400x128xf32, #tpu.memory_space<vmem>>, vector<1x16xf32>,
        %swap3A_63 = vector.shape_cast %swap3A_62 : vector<1x16xf32> to vector<16xf32>
        %swap3A_64 = vector.shape_cast %broadcast_in_dim3A_3 : vector<16xf32> to vector<1x16xf32>
        tpu.vector_store %arg6[%swap3A_60, %swap3A_61], %swap3A_64 {strides = array<i32>} : memref<400x128xf32, #tpu.memory_space<vmem>>, vector<1x16xf32>,
        %swap3A_65 = arith.index_cast %scan3A_35 : i32 to index
        %swap3A_66 = arith.constant 96 : index
        %swap3A_67 = tpu.vector_load %arg6[%swap3A_65, %swap3A_66] {strides = array<i32>} : memref<400x128xf32, #tpu.memory_space<vmem>>, vector<1x16xf32>,
        %swap3A_68 = vector.shape_cast %swap3A_67 : vector<1x16xf32> to vector<16xf32>
        %swap3A_69 = vector.shape_cast %broadcast_in_dim3A_3 : vector<16xf32> to vector<1x16xf32>
        tpu.vector_store %arg6[%swap3A_65, %swap3A_66], %swap3A_69 {strides = array<i32>} : memref<400x128xf32, #tpu.memory_space<vmem>>, vector<1x16xf32>,
        %swap3A_70 = arith.index_cast %scan3A_35 : i32 to index
        %swap3A_71 = arith.constant 112 : index
        %swap3A_72 = tpu.vector_load %arg6[%swap3A_70, %swap3A_71] {strides = array<i32>} : memref<400x128xf32, #tpu.memory_space<vmem>>, vector<1x16xf32>,
        %swap3A_73 = vector.shape_cast %swap3A_72 : vector<1x16xf32> to vector<16xf32>
        %swap3A_74 = vector.shape_cast %broadcast_in_dim3A_3 : vector<16xf32> to vector<1x16xf32>
        tpu.vector_store %arg6[%swap3A_70, %swap3A_71], %swap3A_74 {strides = array<i32>} : memref<400x128xf32, #tpu.memory_space<vmem>>, vector<1x16xf32>,
      }
      %scan3A_28 = arith.constant 100 : i32
      %scan3A_29 = arith.constant 0 : i32
      %scan3A_30 = arith.constant 0 : i32
      %scan3A_31 = arith.constant 100 : i32
      %scan3A_32 = arith.addi %scan3A_30, %scan3A_31 : i32
      %scan3A_33 = arith.constant 1 : i32
      scf.for %scan3A_35 = %scan3A_30 to %scan3A_32 step %scan3A_33  : i32 {
        %swap3A = arith.index_cast %scan3A_35 : i32 to index
        %swap3A_36 = arith.constant 0 : index
        %swap3A_37 = tpu.vector_load %arg9[%swap3A, %swap3A_36] {strides = array<i32>} : memref<100x16xf32, #tpu.memory_space<vmem>>, vector<1x16xf32>,
        %swap3A_38 = vector.shape_cast %swap3A_37 : vector<1x16xf32> to vector<16xf32>
        %swap3A_39 = vector.shape_cast %broadcast_in_dim3A_3 : vector<16xf32> to vector<1x16xf32>
        tpu.vector_store %arg9[%swap3A, %swap3A_36], %swap3A_39 {strides = array<i32>} : memref<100x16xf32, #tpu.memory_space<vmem>>, vector<1x16xf32>,
      }
      %scan3A_34 = arith.constant 100 : i32
      "tpu.region"() ({
        %run_scoped3A = tpu.sem_alloc : memref<!tpu.dma_semaphore, #tpu.memory_space<semaphore_mem>>
        %dma_start3A = arith.constant 0 : i32
        %dma_start3A_35 = arith.constant 0 : i32
        %dma_start3A_36 = tpu.memref_slice %arg6[%dma_start3A, %dma_start3A_35] : memref<400x128xf32, #tpu.memory_space<vmem>> -> memref<100x128xf32, #tpu.memory_space<vmem>>
        %dma_start3A_37 = arith.constant 0 : i32
        %dma_start3A_38 = arith.constant 0 : i32
        %dma_start3A_39 = tpu.memref_slice %arg6[%dma_start3A_37, %dma_start3A_38] : memref<400x128xf32, #tpu.memory_space<vmem>> -> memref<100x128xf32, #tpu.memory_space<vmem>>
        tpu.enqueue_dma source(%dma_start3A_39 : memref<100x128xf32, #tpu.memory_space<vmem>>) target(%arg11 : memref<100x128xf32, #tpu.memory_space<vmem_shared>>) target_semaphore(%run_scoped3A : memref<!tpu.dma_semaphore, #tpu.memory_space<semaphore_mem>>)
        %dma_wait3A = arith.constant 0 : i32
        %dma_wait3A_40 = arith.constant 0 : i32
        %dma_wait3A_41 = tpu.memref_slice %arg6[%dma_wait3A, %dma_wait3A_40] : memref<400x128xf32, #tpu.memory_space<vmem>> -> memref<100x128xf32, #tpu.memory_space<vmem>>
        %dma_wait3A_42 = arith.constant 0 : i32
        %dma_wait3A_43 = arith.constant 0 : i32
        %dma_wait3A_44 = tpu.memref_slice %arg6[%dma_wait3A_42, %dma_wait3A_43] : memref<400x128xf32, #tpu.memory_space<vmem>> -> memref<100x128xf32, #tpu.memory_space<vmem>>
        tpu.wait_dma2 semaphore(%run_scoped3A : memref<!tpu.dma_semaphore, #tpu.memory_space<semaphore_mem>>) src(%dma_wait3A_44 : memref<100x128xf32, #tpu.memory_space<vmem>>) dst(%arg11 : memref<100x128xf32, #tpu.memory_space<vmem_shared>>)
        tpu.yield
      }) : () -> ()
      "tpu.region"() ({
        %run_scoped3A = tpu.sem_alloc : memref<!tpu.dma_semaphore, #tpu.memory_space<semaphore_mem>>
        tpu.enqueue_dma source(%arg9 : memref<100x16xf32, #tpu.memory_space<vmem>>) target(%arg12 : memref<100x16xf32, #tpu.memory_space<vmem_shared>>) target_semaphore(%run_scoped3A : memref<!tpu.dma_semaphore, #tpu.memory_space<semaphore_mem>>)
        tpu.wait_dma2 semaphore(%run_scoped3A : memref<!tpu.dma_semaphore, #tpu.memory_space<semaphore_mem>>) src(%arg9 : memref<100x16xf32, #tpu.memory_space<vmem>>) dst(%arg12 : memref<100x16xf32, #tpu.memory_space<vmem_shared>>)
        tpu.yield
      }) : () -> ()
    } else {
    }
    %barrier3A = arith.constant 0 : index
    tpu.barrier barrier_id(%barrier3A)
    %scan3A_11 = arith.constant 0 : i32
    %scan3A_12 = arith.constant 0 : i32
    %scan3A_13 = arith.constant 4 : i32
    %scan3A_14 = arith.addi %scan3A_12, %scan3A_13 : i32
    %scan3A_15 = arith.constant 1 : i32
    scf.for %scan3A_23 = %scan3A_12 to %scan3A_14 step %scan3A_15  : i32 {
      %mul3A_24 = arith.constant 32 : i32
      %mul3A_25 = arith.muli %mul3A_24, %scan3A_23 : i32
      %add3A_26 = arith.addi %add3A, %mul3A_25 : i32
      %lt3A = arith.constant 125 : i32
      %lt3A_27 = arith.cmpi slt, %add3A_26, %lt3A : i32
      %convert_element_type3A_28 = arith.extui %lt3A_27 : i1 to i32
      %cond3A_29 = arith.constant 0 : i32
      %cond3A_30 = arith.cmpi ne, %convert_element_type3A_28, %cond3A_29 : i32
      scf.if %cond3A_30 {
        %mul3A_31 = arith.constant 400 : i32
        %mul3A_32 = arith.muli %add3A_26, %mul3A_31 : i32
        "tpu.region"() ({
          %run_scoped3A_267 = tpu.sem_alloc : memref<!tpu.dma_semaphore, #tpu.memory_space<semaphore_mem>>
          %dma_start3A = arith.constant 0 : i32
          %dma_start3A_268 = tpu.memref_slice %arg2[%mul3A_32, %dma_start3A] : memref<50000x128xf32, #tpu.memory_space<hbm>> -> memref<400x128xf32, #tpu.memory_space<hbm>>
          %dma_start3A_269 = arith.constant 0 : i32
          %dma_start3A_270 = tpu.memref_slice %arg2[%mul3A_32, %dma_start3A_269] : memref<50000x128xf32, #tpu.memory_space<hbm>> -> memref<400x128xf32, #tpu.memory_space<hbm>>
          tpu.enqueue_dma source(%dma_start3A_270 : memref<400x128xf32, #tpu.memory_space<hbm>>) target(%arg6 : memref<400x128xf32, #tpu.memory_space<vmem>>) target_semaphore(%run_scoped3A_267 : memref<!tpu.dma_semaphore, #tpu.memory_space<semaphore_mem>>)
          %dma_wait3A = arith.constant 0 : i32
          %dma_wait3A_271 = tpu.memref_slice %arg2[%mul3A_32, %dma_wait3A] : memref<50000x128xf32, #tpu.memory_space<hbm>> -> memref<400x128xf32, #tpu.memory_space<hbm>>
          %dma_wait3A_272 = arith.constant 0 : i32
          %dma_wait3A_273 = tpu.memref_slice %arg2[%mul3A_32, %dma_wait3A_272] : memref<50000x128xf32, #tpu.memory_space<hbm>> -> memref<400x128xf32, #tpu.memory_space<hbm>>
          tpu.wait_dma2 semaphore(%run_scoped3A_267 : memref<!tpu.dma_semaphore, #tpu.memory_space<semaphore_mem>>) src(%dma_wait3A_273 : memref<400x128xf32, #tpu.memory_space<hbm>>) dst(%arg6 : memref<400x128xf32, #tpu.memory_space<vmem>>)
          tpu.yield
        }) : () -> ()
        %mul3A_33 = arith.constant 400 : i32
        %mul3A_34 = arith.muli %add3A_26, %mul3A_33 : i32
        "tpu.region"() ({
          %run_scoped3A_267 = tpu.sem_alloc : memref<!tpu.dma_semaphore, #tpu.memory_space<semaphore_mem>>
          %dma_start3A = tpu.memref_slice %arg3[%mul3A_34] : memref<50000xi32, #tpu.memory_space<hbm>> -> memref<400xi32, #tpu.memory_space<hbm>>
          %dma_start3A_268 = tpu.memref_slice %arg3[%mul3A_34] : memref<50000xi32, #tpu.memory_space<hbm>> -> memref<400xi32, #tpu.memory_space<hbm>>
          tpu.enqueue_dma source(%dma_start3A_268 : memref<400xi32, #tpu.memory_space<hbm>>) target(%arg7 : memref<400xi32, #tpu.memory_space<vmem>>) target_semaphore(%run_scoped3A_267 : memref<!tpu.dma_semaphore, #tpu.memory_space<semaphore_mem>>)
          %dma_wait3A = tpu.memref_slice %arg3[%mul3A_34] : memref<50000xi32, #tpu.memory_space<hbm>> -> memref<400xi32, #tpu.memory_space<hbm>>
          %dma_wait3A_269 = tpu.memref_slice %arg3[%mul3A_34] : memref<50000xi32, #tpu.memory_space<hbm>> -> memref<400xi32, #tpu.memory_space<hbm>>
          tpu.wait_dma2 semaphore(%run_scoped3A_267 : memref<!tpu.dma_semaphore, #tpu.memory_space<semaphore_mem>>) src(%dma_wait3A_269 : memref<400xi32, #tpu.memory_space<hbm>>) dst(%arg7 : memref<400xi32, #tpu.memory_space<vmem>>)
          tpu.yield
        }) : () -> ()
        %get3A = arith.constant 0 : index
        %get3A_35 = tpu.vector_load %arg7[%get3A] {strides = array<i32>} : memref<400xi32, #tpu.memory_space<vmem>>, vector<16xi32>,
        %get3A_36 = vector.shape_cast %get3A_35 : vector<16xi32> to vector<16xi32>
        %swap3A = arith.constant 0 : i32
        %swap3A_37 = arith.index_cast %swap3A : i32 to index
        %swap3A_38 = arith.constant 0 : index
        %swap3A_39 = tpu.vector_load %arg8[%swap3A_37, %swap3A_38] {strides = array<i32>} : memref<5x80xi32, #tpu.memory_space<vmem>>, vector<1x16xi32>,
        %swap3A_40 = vector.shape_cast %swap3A_39 : vector<1x16xi32> to vector<16xi32>
        %swap3A_41 = vector.shape_cast %get3A_36 : vector<16xi32> to vector<1x16xi32>
        tpu.vector_store %arg8[%swap3A_37, %swap3A_38], %swap3A_41 {strides = array<i32>} : memref<5x80xi32, #tpu.memory_space<vmem>>, vector<1x16xi32>,
        %get3A_42 = arith.constant 16 : index
        %get3A_43 = tpu.vector_load %arg7[%get3A_42] {strides = array<i32>} : memref<400xi32, #tpu.memory_space<vmem>>, vector<16xi32>,
        %get3A_44 = vector.shape_cast %get3A_43 : vector<16xi32> to vector<16xi32>
        %swap3A_45 = arith.constant 0 : i32
        %swap3A_46 = arith.index_cast %swap3A_45 : i32 to index
        %swap3A_47 = arith.constant 16 : index
        %swap3A_48 = tpu.vector_load %arg8[%swap3A_46, %swap3A_47] {strides = array<i32>} : memref<5x80xi32, #tpu.memory_space<vmem>>, vector<1x16xi32>,
        %swap3A_49 = vector.shape_cast %swap3A_48 : vector<1x16xi32> to vector<16xi32>
        %swap3A_50 = vector.shape_cast %get3A_44 : vector<16xi32> to vector<1x16xi32>
        tpu.vector_store %arg8[%swap3A_46, %swap3A_47], %swap3A_50 {strides = array<i32>} : memref<5x80xi32, #tpu.memory_space<vmem>>, vector<1x16xi32>,
        %get3A_51 = arith.constant 32 : index
        %get3A_52 = tpu.vector_load %arg7[%get3A_51] {strides = array<i32>} : memref<400xi32, #tpu.memory_space<vmem>>, vector<16xi32>,
        %get3A_53 = vector.shape_cast %get3A_52 : vector<16xi32> to vector<16xi32>
        %swap3A_54 = arith.constant 0 : i32
        %swap3A_55 = arith.index_cast %swap3A_54 : i32 to index
        %swap3A_56 = arith.constant 32 : index
        %swap3A_57 = tpu.vector_load %arg8[%swap3A_55, %swap3A_56] {strides = array<i32>} : memref<5x80xi32, #tpu.memory_space<vmem>>, vector<1x16xi32>,
        %swap3A_58 = vector.shape_cast %swap3A_57 : vector<1x16xi32> to vector<16xi32>
        %swap3A_59 = vector.shape_cast %get3A_53 : vector<16xi32> to vector<1x16xi32>
        tpu.vector_store %arg8[%swap3A_55, %swap3A_56], %swap3A_59 {strides = array<i32>} : memref<5x80xi32, #tpu.memory_space<vmem>>, vector<1x16xi32>,
        %get3A_60 = arith.constant 48 : index
        %get3A_61 = tpu.vector_load %arg7[%get3A_60] {strides = array<i32>} : memref<400xi32, #tpu.memory_space<vmem>>, vector<16xi32>,
        %get3A_62 = vector.shape_cast %get3A_61 : vector<16xi32> to vector<16xi32>
        %swap3A_63 = arith.constant 0 : i32
        %swap3A_64 = arith.index_cast %swap3A_63 : i32 to index
        %swap3A_65 = arith.constant 48 : index
        %swap3A_66 = tpu.vector_load %arg8[%swap3A_64, %swap3A_65] {strides = array<i32>} : memref<5x80xi32, #tpu.memory_space<vmem>>, vector<1x16xi32>,
        %swap3A_67 = vector.shape_cast %swap3A_66 : vector<1x16xi32> to vector<16xi32>
        %swap3A_68 = vector.shape_cast %get3A_62 : vector<16xi32> to vector<1x16xi32>
        tpu.vector_store %arg8[%swap3A_64, %swap3A_65], %swap3A_68 {strides = array<i32>} : memref<5x80xi32, #tpu.memory_space<vmem>>, vector<1x16xi32>,
        %get3A_69 = arith.constant 64 : index
        %get3A_70 = tpu.vector_load %arg7[%get3A_69] {strides = array<i32>} : memref<400xi32, #tpu.memory_space<vmem>>, vector<16xi32>,
        %get3A_71 = vector.shape_cast %get3A_70 : vector<16xi32> to vector<16xi32>
        %swap3A_72 = arith.constant 0 : i32
        %swap3A_73 = arith.index_cast %swap3A_72 : i32 to index
        %swap3A_74 = arith.constant 64 : index
        %swap3A_75 = tpu.vector_load %arg8[%swap3A_73, %swap3A_74] {strides = array<i32>} : memref<5x80xi32, #tpu.memory_space<vmem>>, vector<1x16xi32>,
        %swap3A_76 = vector.shape_cast %swap3A_75 : vector<1x16xi32> to vector<16xi32>
        %swap3A_77 = vector.shape_cast %get3A_71 : vector<16xi32> to vector<1x16xi32>
        tpu.vector_store %arg8[%swap3A_73, %swap3A_74], %swap3A_77 {strides = array<i32>} : memref<5x80xi32, #tpu.memory_space<vmem>>, vector<1x16xi32>,
        %get3A_78 = arith.constant 80 : index
        %get3A_79 = tpu.vector_load %arg7[%get3A_78] {strides = array<i32>} : memref<400xi32, #tpu.memory_space<vmem>>, vector<16xi32>,
        %get3A_80 = vector.shape_cast %get3A_79 : vector<16xi32> to vector<16xi32>
        %swap3A_81 = arith.constant 1 : i32
        %swap3A_82 = arith.index_cast %swap3A_81 : i32 to index
        %swap3A_83 = arith.constant 0 : index
        %swap3A_84 = tpu.vector_load %arg8[%swap3A_82, %swap3A_83] {strides = array<i32>} : memref<5x80xi32, #tpu.memory_space<vmem>>, vector<1x16xi32>,
        %swap3A_85 = vector.shape_cast %swap3A_84 : vector<1x16xi32> to vector<16xi32>
        %swap3A_86 = vector.shape_cast %get3A_80 : vector<16xi32> to vector<1x16xi32>
        tpu.vector_store %arg8[%swap3A_82, %swap3A_83], %swap3A_86 {strides = array<i32>} : memref<5x80xi32, #tpu.memory_space<vmem>>, vector<1x16xi32>,
        %get3A_87 = arith.constant 96 : index
        %get3A_88 = tpu.vector_load %arg7[%get3A_87] {strides = array<i32>} : memref<400xi32, #tpu.memory_space<vmem>>, vector<16xi32>,
        %get3A_89 = vector.shape_cast %get3A_88 : vector<16xi32> to vector<16xi32>
        %swap3A_90 = arith.constant 1 : i32
        %swap3A_91 = arith.index_cast %swap3A_90 : i32 to index
        %swap3A_92 = arith.constant 16 : index
        %swap3A_93 = tpu.vector_load %arg8[%swap3A_91, %swap3A_92] {strides = array<i32>} : memref<5x80xi32, #tpu.memory_space<vmem>>, vector<1x16xi32>,
        %swap3A_94 = vector.shape_cast %swap3A_93 : vector<1x16xi32> to vector<16xi32>
        %swap3A_95 = vector.shape_cast %get3A_89 : vector<16xi32> to vector<1x16xi32>
        tpu.vector_store %arg8[%swap3A_91, %swap3A_92], %swap3A_95 {strides = array<i32>} : memref<5x80xi32, #tpu.memory_space<vmem>>, vector<1x16xi32>,
        %get3A_96 = arith.constant 112 : index
        %get3A_97 = tpu.vector_load %arg7[%get3A_96] {strides = array<i32>} : memref<400xi32, #tpu.memory_space<vmem>>, vector<16xi32>,
        %get3A_98 = vector.shape_cast %get3A_97 : vector<16xi32> to vector<16xi32>
        %swap3A_99 = arith.constant 1 : i32
        %swap3A_100 = arith.index_cast %swap3A_99 : i32 to index
        %swap3A_101 = arith.constant 32 : index
        %swap3A_102 = tpu.vector_load %arg8[%swap3A_100, %swap3A_101] {strides = array<i32>} : memref<5x80xi32, #tpu.memory_space<vmem>>, vector<1x16xi32>,
        %swap3A_103 = vector.shape_cast %swap3A_102 : vector<1x16xi32> to vector<16xi32>
        %swap3A_104 = vector.shape_cast %get3A_98 : vector<16xi32> to vector<1x16xi32>
        tpu.vector_store %arg8[%swap3A_100, %swap3A_101], %swap3A_104 {strides = array<i32>} : memref<5x80xi32, #tpu.memory_space<vmem>>, vector<1x16xi32>,
        %get3A_105 = arith.constant 128 : index
        %get3A_106 = tpu.vector_load %arg7[%get3A_105] {strides = array<i32>} : memref<400xi32, #tpu.memory_space<vmem>>, vector<16xi32>,
        %get3A_107 = vector.shape_cast %get3A_106 : vector<16xi32> to vector<16xi32>
        %swap3A_108 = arith.constant 1 : i32
        %swap3A_109 = arith.index_cast %swap3A_108 : i32 to index
        %swap3A_110 = arith.constant 48 : index
        %swap3A_111 = tpu.vector_load %arg8[%swap3A_109, %swap3A_110] {strides = array<i32>} : memref<5x80xi32, #tpu.memory_space<vmem>>, vector<1x16xi32>,
        %swap3A_112 = vector.shape_cast %swap3A_111 : vector<1x16xi32> to vector<16xi32>
        %swap3A_113 = vector.shape_cast %get3A_107 : vector<16xi32> to vector<1x16xi32>
        tpu.vector_store %arg8[%swap3A_109, %swap3A_110], %swap3A_113 {strides = array<i32>} : memref<5x80xi32, #tpu.memory_space<vmem>>, vector<1x16xi32>,
        %get3A_114 = arith.constant 144 : index
        %get3A_115 = tpu.vector_load %arg7[%get3A_114] {strides = array<i32>} : memref<400xi32, #tpu.memory_space<vmem>>, vector<16xi32>,
        %get3A_116 = vector.shape_cast %get3A_115 : vector<16xi32> to vector<16xi32>
        %swap3A_117 = arith.constant 1 : i32
        %swap3A_118 = arith.index_cast %swap3A_117 : i32 to index
        %swap3A_119 = arith.constant 64 : index
        %swap3A_120 = tpu.vector_load %arg8[%swap3A_118, %swap3A_119] {strides = array<i32>} : memref<5x80xi32, #tpu.memory_space<vmem>>, vector<1x16xi32>,
        %swap3A_121 = vector.shape_cast %swap3A_120 : vector<1x16xi32> to vector<16xi32>
        %swap3A_122 = vector.shape_cast %get3A_116 : vector<16xi32> to vector<1x16xi32>
        tpu.vector_store %arg8[%swap3A_118, %swap3A_119], %swap3A_122 {strides = array<i32>} : memref<5x80xi32, #tpu.memory_space<vmem>>, vector<1x16xi32>,
        %get3A_123 = arith.constant 160 : index
        %get3A_124 = tpu.vector_load %arg7[%get3A_123] {strides = array<i32>} : memref<400xi32, #tpu.memory_space<vmem>>, vector<16xi32>,
        %get3A_125 = vector.shape_cast %get3A_124 : vector<16xi32> to vector<16xi32>
        %swap3A_126 = arith.constant 2 : i32
        %swap3A_127 = arith.index_cast %swap3A_126 : i32 to index
        %swap3A_128 = arith.constant 0 : index
        %swap3A_129 = tpu.vector_load %arg8[%swap3A_127, %swap3A_128] {strides = array<i32>} : memref<5x80xi32, #tpu.memory_space<vmem>>, vector<1x16xi32>,
        %swap3A_130 = vector.shape_cast %swap3A_129 : vector<1x16xi32> to vector<16xi32>
        %swap3A_131 = vector.shape_cast %get3A_125 : vector<16xi32> to vector<1x16xi32>
        tpu.vector_store %arg8[%swap3A_127, %swap3A_128], %swap3A_131 {strides = array<i32>} : memref<5x80xi32, #tpu.memory_space<vmem>>, vector<1x16xi32>,
        %get3A_132 = arith.constant 176 : index
        %get3A_133 = tpu.vector_load %arg7[%get3A_132] {strides = array<i32>} : memref<400xi32, #tpu.memory_space<vmem>>, vector<16xi32>,
        %get3A_134 = vector.shape_cast %get3A_133 : vector<16xi32> to vector<16xi32>
        %swap3A_135 = arith.constant 2 : i32
        %swap3A_136 = arith.index_cast %swap3A_135 : i32 to index
        %swap3A_137 = arith.constant 16 : index
        %swap3A_138 = tpu.vector_load %arg8[%swap3A_136, %swap3A_137] {strides = array<i32>} : memref<5x80xi32, #tpu.memory_space<vmem>>, vector<1x16xi32>,
        %swap3A_139 = vector.shape_cast %swap3A_138 : vector<1x16xi32> to vector<16xi32>
        %swap3A_140 = vector.shape_cast %get3A_134 : vector<16xi32> to vector<1x16xi32>
        tpu.vector_store %arg8[%swap3A_136, %swap3A_137], %swap3A_140 {strides = array<i32>} : memref<5x80xi32, #tpu.memory_space<vmem>>, vector<1x16xi32>,
        %get3A_141 = arith.constant 192 : index
        %get3A_142 = tpu.vector_load %arg7[%get3A_141] {strides = array<i32>} : memref<400xi32, #tpu.memory_space<vmem>>, vector<16xi32>,
        %get3A_143 = vector.shape_cast %get3A_142 : vector<16xi32> to vector<16xi32>
        %swap3A_144 = arith.constant 2 : i32
        %swap3A_145 = arith.index_cast %swap3A_144 : i32 to index
        %swap3A_146 = arith.constant 32 : index
        %swap3A_147 = tpu.vector_load %arg8[%swap3A_145, %swap3A_146] {strides = array<i32>} : memref<5x80xi32, #tpu.memory_space<vmem>>, vector<1x16xi32>,
        %swap3A_148 = vector.shape_cast %swap3A_147 : vector<1x16xi32> to vector<16xi32>
        %swap3A_149 = vector.shape_cast %get3A_143 : vector<16xi32> to vector<1x16xi32>
        tpu.vector_store %arg8[%swap3A_145, %swap3A_146], %swap3A_149 {strides = array<i32>} : memref<5x80xi32, #tpu.memory_space<vmem>>, vector<1x16xi32>,
        %get3A_150 = arith.constant 208 : index
        %get3A_151 = tpu.vector_load %arg7[%get3A_150] {strides = array<i32>} : memref<400xi32, #tpu.memory_space<vmem>>, vector<16xi32>,
        %get3A_152 = vector.shape_cast %get3A_151 : vector<16xi32> to vector<16xi32>
        %swap3A_153 = arith.constant 2 : i32
        %swap3A_154 = arith.index_cast %swap3A_153 : i32 to index
        %swap3A_155 = arith.constant 48 : index
        %swap3A_156 = tpu.vector_load %arg8[%swap3A_154, %swap3A_155] {strides = array<i32>} : memref<5x80xi32, #tpu.memory_space<vmem>>, vector<1x16xi32>,
        %swap3A_157 = vector.shape_cast %swap3A_156 : vector<1x16xi32> to vector<16xi32>
        %swap3A_158 = vector.shape_cast %get3A_152 : vector<16xi32> to vector<1x16xi32>
        tpu.vector_store %arg8[%swap3A_154, %swap3A_155], %swap3A_158 {strides = array<i32>} : memref<5x80xi32, #tpu.memory_space<vmem>>, vector<1x16xi32>,
        %get3A_159 = arith.constant 224 : index
        %get3A_160 = tpu.vector_load %arg7[%get3A_159] {strides = array<i32>} : memref<400xi32, #tpu.memory_space<vmem>>, vector<16xi32>,
        %get3A_161 = vector.shape_cast %get3A_160 : vector<16xi32> to vector<16xi32>
        %swap3A_162 = arith.constant 2 : i32
        %swap3A_163 = arith.index_cast %swap3A_162 : i32 to index
        %swap3A_164 = arith.constant 64 : index
        %swap3A_165 = tpu.vector_load %arg8[%swap3A_163, %swap3A_164] {strides = array<i32>} : memref<5x80xi32, #tpu.memory_space<vmem>>, vector<1x16xi32>,
        %swap3A_166 = vector.shape_cast %swap3A_165 : vector<1x16xi32> to vector<16xi32>
        %swap3A_167 = vector.shape_cast %get3A_161 : vector<16xi32> to vector<1x16xi32>
        tpu.vector_store %arg8[%swap3A_163, %swap3A_164], %swap3A_167 {strides = array<i32>} : memref<5x80xi32, #tpu.memory_space<vmem>>, vector<1x16xi32>,
        %get3A_168 = arith.constant 240 : index
        %get3A_169 = tpu.vector_load %arg7[%get3A_168] {strides = array<i32>} : memref<400xi32, #tpu.memory_space<vmem>>, vector<16xi32>,
        %get3A_170 = vector.shape_cast %get3A_169 : vector<16xi32> to vector<16xi32>
        %swap3A_171 = arith.constant 3 : i32
        %swap3A_172 = arith.index_cast %swap3A_171 : i32 to index
        %swap3A_173 = arith.constant 0 : index
        %swap3A_174 = tpu.vector_load %arg8[%swap3A_172, %swap3A_173] {strides = array<i32>} : memref<5x80xi32, #tpu.memory_space<vmem>>, vector<1x16xi32>,
        %swap3A_175 = vector.shape_cast %swap3A_174 : vector<1x16xi32> to vector<16xi32>
        %swap3A_176 = vector.shape_cast %get3A_170 : vector<16xi32> to vector<1x16xi32>
        tpu.vector_store %arg8[%swap3A_172, %swap3A_173], %swap3A_176 {strides = array<i32>} : memref<5x80xi32, #tpu.memory_space<vmem>>, vector<1x16xi32>,
        %get3A_177 = arith.constant 256 : index
        %get3A_178 = tpu.vector_load %arg7[%get3A_177] {strides = array<i32>} : memref<400xi32, #tpu.memory_space<vmem>>, vector<16xi32>,
        %get3A_179 = vector.shape_cast %get3A_178 : vector<16xi32> to vector<16xi32>
        %swap3A_180 = arith.constant 3 : i32
        %swap3A_181 = arith.index_cast %swap3A_180 : i32 to index
        %swap3A_182 = arith.constant 16 : index
        %swap3A_183 = tpu.vector_load %arg8[%swap3A_181, %swap3A_182] {strides = array<i32>} : memref<5x80xi32, #tpu.memory_space<vmem>>, vector<1x16xi32>,
        %swap3A_184 = vector.shape_cast %swap3A_183 : vector<1x16xi32> to vector<16xi32>
        %swap3A_185 = vector.shape_cast %get3A_179 : vector<16xi32> to vector<1x16xi32>
        tpu.vector_store %arg8[%swap3A_181, %swap3A_182], %swap3A_185 {strides = array<i32>} : memref<5x80xi32, #tpu.memory_space<vmem>>, vector<1x16xi32>,
        %get3A_186 = arith.constant 272 : index
        %get3A_187 = tpu.vector_load %arg7[%get3A_186] {strides = array<i32>} : memref<400xi32, #tpu.memory_space<vmem>>, vector<16xi32>,
        %get3A_188 = vector.shape_cast %get3A_187 : vector<16xi32> to vector<16xi32>
        %swap3A_189 = arith.constant 3 : i32
        %swap3A_190 = arith.index_cast %swap3A_189 : i32 to index
        %swap3A_191 = arith.constant 32 : index
        %swap3A_192 = tpu.vector_load %arg8[%swap3A_190, %swap3A_191] {strides = array<i32>} : memref<5x80xi32, #tpu.memory_space<vmem>>, vector<1x16xi32>,
        %swap3A_193 = vector.shape_cast %swap3A_192 : vector<1x16xi32> to vector<16xi32>
        %swap3A_194 = vector.shape_cast %get3A_188 : vector<16xi32> to vector<1x16xi32>
        tpu.vector_store %arg8[%swap3A_190, %swap3A_191], %swap3A_194 {strides = array<i32>} : memref<5x80xi32, #tpu.memory_space<vmem>>, vector<1x16xi32>,
        %get3A_195 = arith.constant 288 : index
        %get3A_196 = tpu.vector_load %arg7[%get3A_195] {strides = array<i32>} : memref<400xi32, #tpu.memory_space<vmem>>, vector<16xi32>,
        %get3A_197 = vector.shape_cast %get3A_196 : vector<16xi32> to vector<16xi32>
        %swap3A_198 = arith.constant 3 : i32
        %swap3A_199 = arith.index_cast %swap3A_198 : i32 to index
        %swap3A_200 = arith.constant 48 : index
        %swap3A_201 = tpu.vector_load %arg8[%swap3A_199, %swap3A_200] {strides = array<i32>} : memref<5x80xi32, #tpu.memory_space<vmem>>, vector<1x16xi32>,
        %swap3A_202 = vector.shape_cast %swap3A_201 : vector<1x16xi32> to vector<16xi32>
        %swap3A_203 = vector.shape_cast %get3A_197 : vector<16xi32> to vector<1x16xi32>
        tpu.vector_store %arg8[%swap3A_199, %swap3A_200], %swap3A_203 {strides = array<i32>} : memref<5x80xi32, #tpu.memory_space<vmem>>, vector<1x16xi32>,
        %get3A_204 = arith.constant 304 : index
        %get3A_205 = tpu.vector_load %arg7[%get3A_204] {strides = array<i32>} : memref<400xi32, #tpu.memory_space<vmem>>, vector<16xi32>,
        %get3A_206 = vector.shape_cast %get3A_205 : vector<16xi32> to vector<16xi32>
        %swap3A_207 = arith.constant 3 : i32
        %swap3A_208 = arith.index_cast %swap3A_207 : i32 to index
        %swap3A_209 = arith.constant 64 : index
        %swap3A_210 = tpu.vector_load %arg8[%swap3A_208, %swap3A_209] {strides = array<i32>} : memref<5x80xi32, #tpu.memory_space<vmem>>, vector<1x16xi32>,
        %swap3A_211 = vector.shape_cast %swap3A_210 : vector<1x16xi32> to vector<16xi32>
        %swap3A_212 = vector.shape_cast %get3A_206 : vector<16xi32> to vector<1x16xi32>
        tpu.vector_store %arg8[%swap3A_208, %swap3A_209], %swap3A_212 {strides = array<i32>} : memref<5x80xi32, #tpu.memory_space<vmem>>, vector<1x16xi32>,
        %get3A_213 = arith.constant 320 : index
        %get3A_214 = tpu.vector_load %arg7[%get3A_213] {strides = array<i32>} : memref<400xi32, #tpu.memory_space<vmem>>, vector<16xi32>,
        %get3A_215 = vector.shape_cast %get3A_214 : vector<16xi32> to vector<16xi32>
        %swap3A_216 = arith.constant 4 : i32
        %swap3A_217 = arith.index_cast %swap3A_216 : i32 to index
        %swap3A_218 = arith.constant 0 : index
        %swap3A_219 = tpu.vector_load %arg8[%swap3A_217, %swap3A_218] {strides = array<i32>} : memref<5x80xi32, #tpu.memory_space<vmem>>, vector<1x16xi32>,
        %swap3A_220 = vector.shape_cast %swap3A_219 : vector<1x16xi32> to vector<16xi32>
        %swap3A_221 = vector.shape_cast %get3A_215 : vector<16xi32> to vector<1x16xi32>
        tpu.vector_store %arg8[%swap3A_217, %swap3A_218], %swap3A_221 {strides = array<i32>} : memref<5x80xi32, #tpu.memory_space<vmem>>, vector<1x16xi32>,
        %get3A_222 = arith.constant 336 : index
        %get3A_223 = tpu.vector_load %arg7[%get3A_222] {strides = array<i32>} : memref<400xi32, #tpu.memory_space<vmem>>, vector<16xi32>,
        %get3A_224 = vector.shape_cast %get3A_223 : vector<16xi32> to vector<16xi32>
        %swap3A_225 = arith.constant 4 : i32
        %swap3A_226 = arith.index_cast %swap3A_225 : i32 to index
        %swap3A_227 = arith.constant 16 : index
        %swap3A_228 = tpu.vector_load %arg8[%swap3A_226, %swap3A_227] {strides = array<i32>} : memref<5x80xi32, #tpu.memory_space<vmem>>, vector<1x16xi32>,
        %swap3A_229 = vector.shape_cast %swap3A_228 : vector<1x16xi32> to vector<16xi32>
        %swap3A_230 = vector.shape_cast %get3A_224 : vector<16xi32> to vector<1x16xi32>
        tpu.vector_store %arg8[%swap3A_226, %swap3A_227], %swap3A_230 {strides = array<i32>} : memref<5x80xi32, #tpu.memory_space<vmem>>, vector<1x16xi32>,
        %get3A_231 = arith.constant 352 : index
        %get3A_232 = tpu.vector_load %arg7[%get3A_231] {strides = array<i32>} : memref<400xi32, #tpu.memory_space<vmem>>, vector<16xi32>,
        %get3A_233 = vector.shape_cast %get3A_232 : vector<16xi32> to vector<16xi32>
        %swap3A_234 = arith.constant 4 : i32
        %swap3A_235 = arith.index_cast %swap3A_234 : i32 to index
        %swap3A_236 = arith.constant 32 : index
        %swap3A_237 = tpu.vector_load %arg8[%swap3A_235, %swap3A_236] {strides = array<i32>} : memref<5x80xi32, #tpu.memory_space<vmem>>, vector<1x16xi32>,
        %swap3A_238 = vector.shape_cast %swap3A_237 : vector<1x16xi32> to vector<16xi32>
        %swap3A_239 = vector.shape_cast %get3A_233 : vector<16xi32> to vector<1x16xi32>
        tpu.vector_store %arg8[%swap3A_235, %swap3A_236], %swap3A_239 {strides = array<i32>} : memref<5x80xi32, #tpu.memory_space<vmem>>, vector<1x16xi32>,
        %get3A_240 = arith.constant 368 : index
        %get3A_241 = tpu.vector_load %arg7[%get3A_240] {strides = array<i32>} : memref<400xi32, #tpu.memory_space<vmem>>, vector<16xi32>,
        %get3A_242 = vector.shape_cast %get3A_241 : vector<16xi32> to vector<16xi32>
        %swap3A_243 = arith.constant 4 : i32
        %swap3A_244 = arith.index_cast %swap3A_243 : i32 to index
        %swap3A_245 = arith.constant 48 : index
        %swap3A_246 = tpu.vector_load %arg8[%swap3A_244, %swap3A_245] {strides = array<i32>} : memref<5x80xi32, #tpu.memory_space<vmem>>, vector<1x16xi32>,
        %swap3A_247 = vector.shape_cast %swap3A_246 : vector<1x16xi32> to vector<16xi32>
        %swap3A_248 = vector.shape_cast %get3A_242 : vector<16xi32> to vector<1x16xi32>
        tpu.vector_store %arg8[%swap3A_244, %swap3A_245], %swap3A_248 {strides = array<i32>} : memref<5x80xi32, #tpu.memory_space<vmem>>, vector<1x16xi32>,
        %get3A_249 = arith.constant 384 : index
        %get3A_250 = tpu.vector_load %arg7[%get3A_249] {strides = array<i32>} : memref<400xi32, #tpu.memory_space<vmem>>, vector<16xi32>,
        %get3A_251 = vector.shape_cast %get3A_250 : vector<16xi32> to vector<16xi32>
        %swap3A_252 = arith.constant 4 : i32
        %swap3A_253 = arith.index_cast %swap3A_252 : i32 to index
        %swap3A_254 = arith.constant 64 : index
        %swap3A_255 = tpu.vector_load %arg8[%swap3A_253, %swap3A_254] {strides = array<i32>} : memref<5x80xi32, #tpu.memory_space<vmem>>, vector<1x16xi32>,
        %swap3A_256 = vector.shape_cast %swap3A_255 : vector<1x16xi32> to vector<16xi32>
        %swap3A_257 = vector.shape_cast %get3A_251 : vector<16xi32> to vector<1x16xi32>
        tpu.vector_store %arg8[%swap3A_253, %swap3A_254], %swap3A_257 {strides = array<i32>} : memref<5x80xi32, #tpu.memory_space<vmem>>, vector<1x16xi32>,
        %run_scoped3A = arith.constant 0 : i32
        "tpu.region"() ({
          %run_scoped3A_267 = tpu.sem_alloc : memref<!tpu.dma_semaphore, #tpu.memory_space<semaphore_mem>>
          %dma_start3A = arith.constant 0 : i32
          %dma_start3A_268 = arith.constant 0 : i32
          %dma_start3A_269 = tpu.memref_slice %arg6[%dma_start3A, %dma_start3A_268] : memref<400x128xf32, #tpu.memory_space<vmem>> -> memref<80x128xf32, #tpu.memory_space<vmem>>
          %dma_start3A_270 = arith.constant 0 : i32
          %dma_start3A_271 = tpu.memref_slice %arg8[%run_scoped3A, %dma_start3A_270] : memref<5x80xi32, #tpu.memory_space<vmem>> -> memref<1x80xi32, #tpu.memory_space<vmem>>
          %dma_start3A_272 = tpu.memref_squeeze %dma_start3A_271 : memref<1x80xi32, #tpu.memory_space<vmem>> -> memref<80xi32, #tpu.memory_space<vmem>>
          %dma_start3A_273 = arith.constant 0 : i32
          %dma_start3A_274 = arith.constant 0 : i32
          %dma_start3A_275 = tpu.memref_slice %arg11[%dma_start3A_273, %dma_start3A_274] : memref<100x128xf32, #tpu.memory_space<vmem_shared>> -> memref<100x128xf32, #tpu.memory_space<vmem_shared>>
          tpu.enqueue_indirect_dma source(%dma_start3A_269 : memref<80x128xf32, #tpu.memory_space<vmem>>) target(%dma_start3A_275 : memref<100x128xf32, #tpu.memory_space<vmem_shared>>) offsets(%dma_start3A_272 : memref<80xi32, #tpu.memory_space<vmem>>) semaphore(%run_scoped3A_267 : memref<!tpu.dma_semaphore, #tpu.memory_space<semaphore_mem>>) {add = true}
          %dma_wait3A = arith.constant 0 : i32
          %dma_wait3A_276 = arith.constant 0 : i32
          %dma_wait3A_277 = tpu.memref_slice %arg6[%dma_wait3A, %dma_wait3A_276] : memref<400x128xf32, #tpu.memory_space<vmem>> -> memref<80x128xf32, #tpu.memory_space<vmem>>
          %dma_wait3A_278 = arith.constant 0 : i32
          %dma_wait3A_279 = tpu.memref_slice %arg8[%run_scoped3A, %dma_wait3A_278] : memref<5x80xi32, #tpu.memory_space<vmem>> -> memref<1x80xi32, #tpu.memory_space<vmem>>
          %dma_wait3A_280 = tpu.memref_squeeze %dma_wait3A_279 : memref<1x80xi32, #tpu.memory_space<vmem>> -> memref<80xi32, #tpu.memory_space<vmem>>
          %dma_wait3A_281 = arith.constant 0 : i32
          %dma_wait3A_282 = arith.constant 0 : i32
          %dma_wait3A_283 = tpu.memref_slice %arg11[%dma_wait3A_281, %dma_wait3A_282] : memref<100x128xf32, #tpu.memory_space<vmem_shared>> -> memref<100x128xf32, #tpu.memory_space<vmem_shared>>
          tpu.wait_indirect_dma semaphore(%run_scoped3A_267 : memref<!tpu.dma_semaphore, #tpu.memory_space<semaphore_mem>>) src(%dma_wait3A_277 : memref<80x128xf32, #tpu.memory_space<vmem>>) dst(%dma_wait3A_283 : memref<100x128xf32, #tpu.memory_space<vmem_shared>>)
          tpu.yield
        }) : () -> ()
        %run_scoped3A_258 = arith.constant 0 : i32
        "tpu.region"() ({
          %run_scoped3A_267 = tpu.sem_alloc : memref<!tpu.dma_semaphore, #tpu.memory_space<semaphore_mem>>
          %dma_start3A = arith.constant 0 : i32
          %dma_start3A_268 = tpu.memref_slice %arg8[%run_scoped3A_258, %dma_start3A] : memref<5x80xi32, #tpu.memory_space<vmem>> -> memref<1x80xi32, #tpu.memory_space<vmem>>
          %dma_start3A_269 = tpu.memref_squeeze %dma_start3A_268 : memref<1x80xi32, #tpu.memory_space<vmem>> -> memref<80xi32, #tpu.memory_space<vmem>>
          %dma_start3A_270 = arith.constant 0 : i32
          %dma_start3A_271 = arith.constant 0 : i32
          %dma_start3A_272 = tpu.memref_slice %arg12[%dma_start3A_270, %dma_start3A_271] : memref<100x16xf32, #tpu.memory_space<vmem_shared>> -> memref<100x16xf32, #tpu.memory_space<vmem_shared>>
          tpu.enqueue_indirect_dma source(%arg10 : memref<80x16xf32, #tpu.memory_space<vmem>>) target(%dma_start3A_272 : memref<100x16xf32, #tpu.memory_space<vmem_shared>>) offsets(%dma_start3A_269 : memref<80xi32, #tpu.memory_space<vmem>>) semaphore(%run_scoped3A_267 : memref<!tpu.dma_semaphore, #tpu.memory_space<semaphore_mem>>) {add = true}
          %dma_wait3A = arith.constant 0 : i32
          %dma_wait3A_273 = tpu.memref_slice %arg8[%run_scoped3A_258, %dma_wait3A] : memref<5x80xi32, #tpu.memory_space<vmem>> -> memref<1x80xi32, #tpu.memory_space<vmem>>
          %dma_wait3A_274 = tpu.memref_squeeze %dma_wait3A_273 : memref<1x80xi32, #tpu.memory_space<vmem>> -> memref<80xi32, #tpu.memory_space<vmem>>
          %dma_wait3A_275 = arith.constant 0 : i32
          %dma_wait3A_276 = arith.constant 0 : i32
          %dma_wait3A_277 = tpu.memref_slice %arg12[%dma_wait3A_275, %dma_wait3A_276] : memref<100x16xf32, #tpu.memory_space<vmem_shared>> -> memref<100x16xf32, #tpu.memory_space<vmem_shared>>
          tpu.wait_indirect_dma semaphore(%run_scoped3A_267 : memref<!tpu.dma_semaphore, #tpu.memory_space<semaphore_mem>>) src(%arg10 : memref<80x16xf32, #tpu.memory_space<vmem>>) dst(%dma_wait3A_277 : memref<100x16xf32, #tpu.memory_space<vmem_shared>>)
          tpu.yield
        }) : () -> ()
        %run_scoped3A_259 = arith.constant 1 : i32
        "tpu.region"() ({
          %run_scoped3A_267 = tpu.sem_alloc : memref<!tpu.dma_semaphore, #tpu.memory_space<semaphore_mem>>
          %dma_start3A = arith.constant 80 : i32
          %dma_start3A_268 = arith.constant 0 : i32
          %dma_start3A_269 = tpu.memref_slice %arg6[%dma_start3A, %dma_start3A_268] : memref<400x128xf32, #tpu.memory_space<vmem>> -> memref<80x128xf32, #tpu.memory_space<vmem>>
          %dma_start3A_270 = arith.constant 0 : i32
          %dma_start3A_271 = tpu.memref_slice %arg8[%run_scoped3A_259, %dma_start3A_270] : memref<5x80xi32, #tpu.memory_space<vmem>> -> memref<1x80xi32, #tpu.memory_space<vmem>>
          %dma_start3A_272 = tpu.memref_squeeze %dma_start3A_271 : memref<1x80xi32, #tpu.memory_space<vmem>> -> memref<80xi32, #tpu.memory_space<vmem>>
          %dma_start3A_273 = arith.constant 0 : i32
          %dma_start3A_274 = arith.constant 0 : i32
          %dma_start3A_275 = tpu.memref_slice %arg11[%dma_start3A_273, %dma_start3A_274] : memref<100x128xf32, #tpu.memory_space<vmem_shared>> -> memref<100x128xf32, #tpu.memory_space<vmem_shared>>
          tpu.enqueue_indirect_dma source(%dma_start3A_269 : memref<80x128xf32, #tpu.memory_space<vmem>>) target(%dma_start3A_275 : memref<100x128xf32, #tpu.memory_space<vmem_shared>>) offsets(%dma_start3A_272 : memref<80xi32, #tpu.memory_space<vmem>>) semaphore(%run_scoped3A_267 : memref<!tpu.dma_semaphore, #tpu.memory_space<semaphore_mem>>) {add = true}
          %dma_wait3A = arith.constant 80 : i32
          %dma_wait3A_276 = arith.constant 0 : i32
          %dma_wait3A_277 = tpu.memref_slice %arg6[%dma_wait3A, %dma_wait3A_276] : memref<400x128xf32, #tpu.memory_space<vmem>> -> memref<80x128xf32, #tpu.memory_space<vmem>>
          %dma_wait3A_278 = arith.constant 0 : i32
          %dma_wait3A_279 = tpu.memref_slice %arg8[%run_scoped3A_259, %dma_wait3A_278] : memref<5x80xi32, #tpu.memory_space<vmem>> -> memref<1x80xi32, #tpu.memory_space<vmem>>
          %dma_wait3A_280 = tpu.memref_squeeze %dma_wait3A_279 : memref<1x80xi32, #tpu.memory_space<vmem>> -> memref<80xi32, #tpu.memory_space<vmem>>
          %dma_wait3A_281 = arith.constant 0 : i32
          %dma_wait3A_282 = arith.constant 0 : i32
          %dma_wait3A_283 = tpu.memref_slice %arg11[%dma_wait3A_281, %dma_wait3A_282] : memref<100x128xf32, #tpu.memory_space<vmem_shared>> -> memref<100x128xf32, #tpu.memory_space<vmem_shared>>
          tpu.wait_indirect_dma semaphore(%run_scoped3A_267 : memref<!tpu.dma_semaphore, #tpu.memory_space<semaphore_mem>>) src(%dma_wait3A_277 : memref<80x128xf32, #tpu.memory_space<vmem>>) dst(%dma_wait3A_283 : memref<100x128xf32, #tpu.memory_space<vmem_shared>>)
          tpu.yield
        }) : () -> ()
        %run_scoped3A_260 = arith.constant 1 : i32
        "tpu.region"() ({
          %run_scoped3A_267 = tpu.sem_alloc : memref<!tpu.dma_semaphore, #tpu.memory_space<semaphore_mem>>
          %dma_start3A = arith.constant 0 : i32
          %dma_start3A_268 = tpu.memref_slice %arg8[%run_scoped3A_260, %dma_start3A] : memref<5x80xi32, #tpu.memory_space<vmem>> -> memref<1x80xi32, #tpu.memory_space<vmem>>
          %dma_start3A_269 = tpu.memref_squeeze %dma_start3A_268 : memref<1x80xi32, #tpu.memory_space<vmem>> -> memref<80xi32, #tpu.memory_space<vmem>>
          %dma_start3A_270 = arith.constant 0 : i32
          %dma_start3A_271 = arith.constant 0 : i32
          %dma_start3A_272 = tpu.memref_slice %arg12[%dma_start3A_270, %dma_start3A_271] : memref<100x16xf32, #tpu.memory_space<vmem_shared>> -> memref<100x16xf32, #tpu.memory_space<vmem_shared>>
          tpu.enqueue_indirect_dma source(%arg10 : memref<80x16xf32, #tpu.memory_space<vmem>>) target(%dma_start3A_272 : memref<100x16xf32, #tpu.memory_space<vmem_shared>>) offsets(%dma_start3A_269 : memref<80xi32, #tpu.memory_space<vmem>>) semaphore(%run_scoped3A_267 : memref<!tpu.dma_semaphore, #tpu.memory_space<semaphore_mem>>) {add = true}
          %dma_wait3A = arith.constant 0 : i32
          %dma_wait3A_273 = tpu.memref_slice %arg8[%run_scoped3A_260, %dma_wait3A] : memref<5x80xi32, #tpu.memory_space<vmem>> -> memref<1x80xi32, #tpu.memory_space<vmem>>
          %dma_wait3A_274 = tpu.memref_squeeze %dma_wait3A_273 : memref<1x80xi32, #tpu.memory_space<vmem>> -> memref<80xi32, #tpu.memory_space<vmem>>
          %dma_wait3A_275 = arith.constant 0 : i32
          %dma_wait3A_276 = arith.constant 0 : i32
          %dma_wait3A_277 = tpu.memref_slice %arg12[%dma_wait3A_275, %dma_wait3A_276] : memref<100x16xf32, #tpu.memory_space<vmem_shared>> -> memref<100x16xf32, #tpu.memory_space<vmem_shared>>
          tpu.wait_indirect_dma semaphore(%run_scoped3A_267 : memref<!tpu.dma_semaphore, #tpu.memory_space<semaphore_mem>>) src(%arg10 : memref<80x16xf32, #tpu.memory_space<vmem>>) dst(%dma_wait3A_277 : memref<100x16xf32, #tpu.memory_space<vmem_shared>>)
          tpu.yield
        }) : () -> ()
        %run_scoped3A_261 = arith.constant 2 : i32
        "tpu.region"() ({
          %run_scoped3A_267 = tpu.sem_alloc : memref<!tpu.dma_semaphore, #tpu.memory_space<semaphore_mem>>
          %dma_start3A = arith.constant 160 : i32
          %dma_start3A_268 = arith.constant 0 : i32
          %dma_start3A_269 = tpu.memref_slice %arg6[%dma_start3A, %dma_start3A_268] : memref<400x128xf32, #tpu.memory_space<vmem>> -> memref<80x128xf32, #tpu.memory_space<vmem>>
          %dma_start3A_270 = arith.constant 0 : i32
          %dma_start3A_271 = tpu.memref_slice %arg8[%run_scoped3A_261, %dma_start3A_270] : memref<5x80xi32, #tpu.memory_space<vmem>> -> memref<1x80xi32, #tpu.memory_space<vmem>>
          %dma_start3A_272 = tpu.memref_squeeze %dma_start3A_271 : memref<1x80xi32, #tpu.memory_space<vmem>> -> memref<80xi32, #tpu.memory_space<vmem>>
          %dma_start3A_273 = arith.constant 0 : i32
          %dma_start3A_274 = arith.constant 0 : i32
          %dma_start3A_275 = tpu.memref_slice %arg11[%dma_start3A_273, %dma_start3A_274] : memref<100x128xf32, #tpu.memory_space<vmem_shared>> -> memref<100x128xf32, #tpu.memory_space<vmem_shared>>
          tpu.enqueue_indirect_dma source(%dma_start3A_269 : memref<80x128xf32, #tpu.memory_space<vmem>>) target(%dma_start3A_275 : memref<100x128xf32, #tpu.memory_space<vmem_shared>>) offsets(%dma_start3A_272 : memref<80xi32, #tpu.memory_space<vmem>>) semaphore(%run_scoped3A_267 : memref<!tpu.dma_semaphore, #tpu.memory_space<semaphore_mem>>) {add = true}
          %dma_wait3A = arith.constant 160 : i32
          %dma_wait3A_276 = arith.constant 0 : i32
          %dma_wait3A_277 = tpu.memref_slice %arg6[%dma_wait3A, %dma_wait3A_276] : memref<400x128xf32, #tpu.memory_space<vmem>> -> memref<80x128xf32, #tpu.memory_space<vmem>>
          %dma_wait3A_278 = arith.constant 0 : i32
          %dma_wait3A_279 = tpu.memref_slice %arg8[%run_scoped3A_261, %dma_wait3A_278] : memref<5x80xi32, #tpu.memory_space<vmem>> -> memref<1x80xi32, #tpu.memory_space<vmem>>
          %dma_wait3A_280 = tpu.memref_squeeze %dma_wait3A_279 : memref<1x80xi32, #tpu.memory_space<vmem>> -> memref<80xi32, #tpu.memory_space<vmem>>
          %dma_wait3A_281 = arith.constant 0 : i32
          %dma_wait3A_282 = arith.constant 0 : i32
          %dma_wait3A_283 = tpu.memref_slice %arg11[%dma_wait3A_281, %dma_wait3A_282] : memref<100x128xf32, #tpu.memory_space<vmem_shared>> -> memref<100x128xf32, #tpu.memory_space<vmem_shared>>
          tpu.wait_indirect_dma semaphore(%run_scoped3A_267 : memref<!tpu.dma_semaphore, #tpu.memory_space<semaphore_mem>>) src(%dma_wait3A_277 : memref<80x128xf32, #tpu.memory_space<vmem>>) dst(%dma_wait3A_283 : memref<100x128xf32, #tpu.memory_space<vmem_shared>>)
          tpu.yield
        }) : () -> ()
        %run_scoped3A_262 = arith.constant 2 : i32
        "tpu.region"() ({
          %run_scoped3A_267 = tpu.sem_alloc : memref<!tpu.dma_semaphore, #tpu.memory_space<semaphore_mem>>
          %dma_start3A = arith.constant 0 : i32
          %dma_start3A_268 = tpu.memref_slice %arg8[%run_scoped3A_262, %dma_start3A] : memref<5x80xi32, #tpu.memory_space<vmem>> -> memref<1x80xi32, #tpu.memory_space<vmem>>
          %dma_start3A_269 = tpu.memref_squeeze %dma_start3A_268 : memref<1x80xi32, #tpu.memory_space<vmem>> -> memref<80xi32, #tpu.memory_space<vmem>>
          %dma_start3A_270 = arith.constant 0 : i32
          %dma_start3A_271 = arith.constant 0 : i32
          %dma_start3A_272 = tpu.memref_slice %arg12[%dma_start3A_270, %dma_start3A_271] : memref<100x16xf32, #tpu.memory_space<vmem_shared>> -> memref<100x16xf32, #tpu.memory_space<vmem_shared>>
          tpu.enqueue_indirect_dma source(%arg10 : memref<80x16xf32, #tpu.memory_space<vmem>>) target(%dma_start3A_272 : memref<100x16xf32, #tpu.memory_space<vmem_shared>>) offsets(%dma_start3A_269 : memref<80xi32, #tpu.memory_space<vmem>>) semaphore(%run_scoped3A_267 : memref<!tpu.dma_semaphore, #tpu.memory_space<semaphore_mem>>) {add = true}
          %dma_wait3A = arith.constant 0 : i32
          %dma_wait3A_273 = tpu.memref_slice %arg8[%run_scoped3A_262, %dma_wait3A] : memref<5x80xi32, #tpu.memory_space<vmem>> -> memref<1x80xi32, #tpu.memory_space<vmem>>
          %dma_wait3A_274 = tpu.memref_squeeze %dma_wait3A_273 : memref<1x80xi32, #tpu.memory_space<vmem>> -> memref<80xi32, #tpu.memory_space<vmem>>
          %dma_wait3A_275 = arith.constant 0 : i32
          %dma_wait3A_276 = arith.constant 0 : i32
          %dma_wait3A_277 = tpu.memref_slice %arg12[%dma_wait3A_275, %dma_wait3A_276] : memref<100x16xf32, #tpu.memory_space<vmem_shared>> -> memref<100x16xf32, #tpu.memory_space<vmem_shared>>
          tpu.wait_indirect_dma semaphore(%run_scoped3A_267 : memref<!tpu.dma_semaphore, #tpu.memory_space<semaphore_mem>>) src(%arg10 : memref<80x16xf32, #tpu.memory_space<vmem>>) dst(%dma_wait3A_277 : memref<100x16xf32, #tpu.memory_space<vmem_shared>>)
          tpu.yield
        }) : () -> ()
        %run_scoped3A_263 = arith.constant 3 : i32
        "tpu.region"() ({
          %run_scoped3A_267 = tpu.sem_alloc : memref<!tpu.dma_semaphore, #tpu.memory_space<semaphore_mem>>
          %dma_start3A = arith.constant 240 : i32
          %dma_start3A_268 = arith.constant 0 : i32
          %dma_start3A_269 = tpu.memref_slice %arg6[%dma_start3A, %dma_start3A_268] : memref<400x128xf32, #tpu.memory_space<vmem>> -> memref<80x128xf32, #tpu.memory_space<vmem>>
          %dma_start3A_270 = arith.constant 0 : i32
          %dma_start3A_271 = tpu.memref_slice %arg8[%run_scoped3A_263, %dma_start3A_270] : memref<5x80xi32, #tpu.memory_space<vmem>> -> memref<1x80xi32, #tpu.memory_space<vmem>>
          %dma_start3A_272 = tpu.memref_squeeze %dma_start3A_271 : memref<1x80xi32, #tpu.memory_space<vmem>> -> memref<80xi32, #tpu.memory_space<vmem>>
          %dma_start3A_273 = arith.constant 0 : i32
          %dma_start3A_274 = arith.constant 0 : i32
          %dma_start3A_275 = tpu.memref_slice %arg11[%dma_start3A_273, %dma_start3A_274] : memref<100x128xf32, #tpu.memory_space<vmem_shared>> -> memref<100x128xf32, #tpu.memory_space<vmem_shared>>
          tpu.enqueue_indirect_dma source(%dma_start3A_269 : memref<80x128xf32, #tpu.memory_space<vmem>>) target(%dma_start3A_275 : memref<100x128xf32, #tpu.memory_space<vmem_shared>>) offsets(%dma_start3A_272 : memref<80xi32, #tpu.memory_space<vmem>>) semaphore(%run_scoped3A_267 : memref<!tpu.dma_semaphore, #tpu.memory_space<semaphore_mem>>) {add = true}
          %dma_wait3A = arith.constant 240 : i32
          %dma_wait3A_276 = arith.constant 0 : i32
          %dma_wait3A_277 = tpu.memref_slice %arg6[%dma_wait3A, %dma_wait3A_276] : memref<400x128xf32, #tpu.memory_space<vmem>> -> memref<80x128xf32, #tpu.memory_space<vmem>>
          %dma_wait3A_278 = arith.constant 0 : i32
          %dma_wait3A_279 = tpu.memref_slice %arg8[%run_scoped3A_263, %dma_wait3A_278] : memref<5x80xi32, #tpu.memory_space<vmem>> -> memref<1x80xi32, #tpu.memory_space<vmem>>
          %dma_wait3A_280 = tpu.memref_squeeze %dma_wait3A_279 : memref<1x80xi32, #tpu.memory_space<vmem>> -> memref<80xi32, #tpu.memory_space<vmem>>
          %dma_wait3A_281 = arith.constant 0 : i32
          %dma_wait3A_282 = arith.constant 0 : i32
          %dma_wait3A_283 = tpu.memref_slice %arg11[%dma_wait3A_281, %dma_wait3A_282] : memref<100x128xf32, #tpu.memory_space<vmem_shared>> -> memref<100x128xf32, #tpu.memory_space<vmem_shared>>
          tpu.wait_indirect_dma semaphore(%run_scoped3A_267 : memref<!tpu.dma_semaphore, #tpu.memory_space<semaphore_mem>>) src(%dma_wait3A_277 : memref<80x128xf32, #tpu.memory_space<vmem>>) dst(%dma_wait3A_283 : memref<100x128xf32, #tpu.memory_space<vmem_shared>>)
          tpu.yield
        }) : () -> ()
        %run_scoped3A_264 = arith.constant 3 : i32
        "tpu.region"() ({
          %run_scoped3A_267 = tpu.sem_alloc : memref<!tpu.dma_semaphore, #tpu.memory_space<semaphore_mem>>
          %dma_start3A = arith.constant 0 : i32
          %dma_start3A_268 = tpu.memref_slice %arg8[%run_scoped3A_264, %dma_start3A] : memref<5x80xi32, #tpu.memory_space<vmem>> -> memref<1x80xi32, #tpu.memory_space<vmem>>
          %dma_start3A_269 = tpu.memref_squeeze %dma_start3A_268 : memref<1x80xi32, #tpu.memory_space<vmem>> -> memref<80xi32, #tpu.memory_space<vmem>>
          %dma_start3A_270 = arith.constant 0 : i32
          %dma_start3A_271 = arith.constant 0 : i32
          %dma_start3A_272 = tpu.memref_slice %arg12[%dma_start3A_270, %dma_start3A_271] : memref<100x16xf32, #tpu.memory_space<vmem_shared>> -> memref<100x16xf32, #tpu.memory_space<vmem_shared>>
          tpu.enqueue_indirect_dma source(%arg10 : memref<80x16xf32, #tpu.memory_space<vmem>>) target(%dma_start3A_272 : memref<100x16xf32, #tpu.memory_space<vmem_shared>>) offsets(%dma_start3A_269 : memref<80xi32, #tpu.memory_space<vmem>>) semaphore(%run_scoped3A_267 : memref<!tpu.dma_semaphore, #tpu.memory_space<semaphore_mem>>) {add = true}
          %dma_wait3A = arith.constant 0 : i32
          %dma_wait3A_273 = tpu.memref_slice %arg8[%run_scoped3A_264, %dma_wait3A] : memref<5x80xi32, #tpu.memory_space<vmem>> -> memref<1x80xi32, #tpu.memory_space<vmem>>
          %dma_wait3A_274 = tpu.memref_squeeze %dma_wait3A_273 : memref<1x80xi32, #tpu.memory_space<vmem>> -> memref<80xi32, #tpu.memory_space<vmem>>
          %dma_wait3A_275 = arith.constant 0 : i32
          %dma_wait3A_276 = arith.constant 0 : i32
          %dma_wait3A_277 = tpu.memref_slice %arg12[%dma_wait3A_275, %dma_wait3A_276] : memref<100x16xf32, #tpu.memory_space<vmem_shared>> -> memref<100x16xf32, #tpu.memory_space<vmem_shared>>
          tpu.wait_indirect_dma semaphore(%run_scoped3A_267 : memref<!tpu.dma_semaphore, #tpu.memory_space<semaphore_mem>>) src(%arg10 : memref<80x16xf32, #tpu.memory_space<vmem>>) dst(%dma_wait3A_277 : memref<100x16xf32, #tpu.memory_space<vmem_shared>>)
          tpu.yield
        }) : () -> ()
        %run_scoped3A_265 = arith.constant 4 : i32
        "tpu.region"() ({
          %run_scoped3A_267 = tpu.sem_alloc : memref<!tpu.dma_semaphore, #tpu.memory_space<semaphore_mem>>
          %dma_start3A = arith.constant 320 : i32
          %dma_start3A_268 = arith.constant 0 : i32
          %dma_start3A_269 = tpu.memref_slice %arg6[%dma_start3A, %dma_start3A_268] : memref<400x128xf32, #tpu.memory_space<vmem>> -> memref<80x128xf32, #tpu.memory_space<vmem>>
          %dma_start3A_270 = arith.constant 0 : i32
          %dma_start3A_271 = tpu.memref_slice %arg8[%run_scoped3A_265, %dma_start3A_270] : memref<5x80xi32, #tpu.memory_space<vmem>> -> memref<1x80xi32, #tpu.memory_space<vmem>>
          %dma_start3A_272 = tpu.memref_squeeze %dma_start3A_271 : memref<1x80xi32, #tpu.memory_space<vmem>> -> memref<80xi32, #tpu.memory_space<vmem>>
          %dma_start3A_273 = arith.constant 0 : i32
          %dma_start3A_274 = arith.constant 0 : i32
          %dma_start3A_275 = tpu.memref_slice %arg11[%dma_start3A_273, %dma_start3A_274] : memref<100x128xf32, #tpu.memory_space<vmem_shared>> -> memref<100x128xf32, #tpu.memory_space<vmem_shared>>
          tpu.enqueue_indirect_dma source(%dma_start3A_269 : memref<80x128xf32, #tpu.memory_space<vmem>>) target(%dma_start3A_275 : memref<100x128xf32, #tpu.memory_space<vmem_shared>>) offsets(%dma_start3A_272 : memref<80xi32, #tpu.memory_space<vmem>>) semaphore(%run_scoped3A_267 : memref<!tpu.dma_semaphore, #tpu.memory_space<semaphore_mem>>) {add = true}
          %dma_wait3A = arith.constant 320 : i32
          %dma_wait3A_276 = arith.constant 0 : i32
          %dma_wait3A_277 = tpu.memref_slice %arg6[%dma_wait3A, %dma_wait3A_276] : memref<400x128xf32, #tpu.memory_space<vmem>> -> memref<80x128xf32, #tpu.memory_space<vmem>>
          %dma_wait3A_278 = arith.constant 0 : i32
          %dma_wait3A_279 = tpu.memref_slice %arg8[%run_scoped3A_265, %dma_wait3A_278] : memref<5x80xi32, #tpu.memory_space<vmem>> -> memref<1x80xi32, #tpu.memory_space<vmem>>
          %dma_wait3A_280 = tpu.memref_squeeze %dma_wait3A_279 : memref<1x80xi32, #tpu.memory_space<vmem>> -> memref<80xi32, #tpu.memory_space<vmem>>
          %dma_wait3A_281 = arith.constant 0 : i32
          %dma_wait3A_282 = arith.constant 0 : i32
          %dma_wait3A_283 = tpu.memref_slice %arg11[%dma_wait3A_281, %dma_wait3A_282] : memref<100x128xf32, #tpu.memory_space<vmem_shared>> -> memref<100x128xf32, #tpu.memory_space<vmem_shared>>
          tpu.wait_indirect_dma semaphore(%run_scoped3A_267 : memref<!tpu.dma_semaphore, #tpu.memory_space<semaphore_mem>>) src(%dma_wait3A_277 : memref<80x128xf32, #tpu.memory_space<vmem>>) dst(%dma_wait3A_283 : memref<100x128xf32, #tpu.memory_space<vmem_shared>>)
          tpu.yield
        }) : () -> ()
        %run_scoped3A_266 = arith.constant 4 : i32
        "tpu.region"() ({
          %run_scoped3A_267 = tpu.sem_alloc : memref<!tpu.dma_semaphore, #tpu.memory_space<semaphore_mem>>
          %dma_start3A = arith.constant 0 : i32
          %dma_start3A_268 = tpu.memref_slice %arg8[%run_scoped3A_266, %dma_start3A] : memref<5x80xi32, #tpu.memory_space<vmem>> -> memref<1x80xi32, #tpu.memory_space<vmem>>
          %dma_start3A_269 = tpu.memref_squeeze %dma_start3A_268 : memref<1x80xi32, #tpu.memory_space<vmem>> -> memref<80xi32, #tpu.memory_space<vmem>>
          %dma_start3A_270 = arith.constant 0 : i32
          %dma_start3A_271 = arith.constant 0 : i32
          %dma_start3A_272 = tpu.memref_slice %arg12[%dma_start3A_270, %dma_start3A_271] : memref<100x16xf32, #tpu.memory_space<vmem_shared>> -> memref<100x16xf32, #tpu.memory_space<vmem_shared>>
          tpu.enqueue_indirect_dma source(%arg10 : memref<80x16xf32, #tpu.memory_space<vmem>>) target(%dma_start3A_272 : memref<100x16xf32, #tpu.memory_space<vmem_shared>>) offsets(%dma_start3A_269 : memref<80xi32, #tpu.memory_space<vmem>>) semaphore(%run_scoped3A_267 : memref<!tpu.dma_semaphore, #tpu.memory_space<semaphore_mem>>) {add = true}
          %dma_wait3A = arith.constant 0 : i32
          %dma_wait3A_273 = tpu.memref_slice %arg8[%run_scoped3A_266, %dma_wait3A] : memref<5x80xi32, #tpu.memory_space<vmem>> -> memref<1x80xi32, #tpu.memory_space<vmem>>
          %dma_wait3A_274 = tpu.memref_squeeze %dma_wait3A_273 : memref<1x80xi32, #tpu.memory_space<vmem>> -> memref<80xi32, #tpu.memory_space<vmem>>
          %dma_wait3A_275 = arith.constant 0 : i32
          %dma_wait3A_276 = arith.constant 0 : i32
          %dma_wait3A_277 = tpu.memref_slice %arg12[%dma_wait3A_275, %dma_wait3A_276] : memref<100x16xf32, #tpu.memory_space<vmem_shared>> -> memref<100x16xf32, #tpu.memory_space<vmem_shared>>
          tpu.wait_indirect_dma semaphore(%run_scoped3A_267 : memref<!tpu.dma_semaphore, #tpu.memory_space<semaphore_mem>>) src(%arg10 : memref<80x16xf32, #tpu.memory_space<vmem>>) dst(%dma_wait3A_277 : memref<100x16xf32, #tpu.memory_space<vmem_shared>>)
          tpu.yield
        }) : () -> ()
      } else {
      }
    }
    %scan3A_16 = arith.constant 4 : i32
    %barrier3A_17 = arith.constant 0 : index
    tpu.barrier barrier_id(%barrier3A_17)
    %eq3A_18 = arith.constant 0 : i32
    %eq3A_19 = arith.cmpi eq, %arg1, %eq3A_18 : i32
    %convert_element_type3A_20 = arith.extui %eq3A_19 : i1 to i32
    %cond3A_21 = arith.constant 0 : i32
    %cond3A_22 = arith.cmpi ne, %convert_element_type3A_20, %cond3A_21 : i32
    scf.if %cond3A_22 {
      "tpu.region"() ({
        %run_scoped3A = tpu.sem_alloc : memref<!tpu.dma_semaphore, #tpu.memory_space<semaphore_mem>>
        %dma_start3A = arith.constant 0 : i32
        %dma_start3A_23 = arith.constant 0 : i32
        %dma_start3A_24 = tpu.memref_slice %arg4[%arg0, %dma_start3A, %dma_start3A_23] : memref<2x100x128xf32, #tpu.memory_space<hbm>> -> memref<1x100x128xf32, #tpu.memory_space<hbm>>
        %dma_start3A_25 = tpu.memref_squeeze %dma_start3A_24 : memref<1x100x128xf32, #tpu.memory_space<hbm>> -> memref<100x128xf32, #tpu.memory_space<hbm>>
        tpu.enqueue_dma source(%arg11 : memref<100x128xf32, #tpu.memory_space<vmem_shared>>) target(%dma_start3A_25 : memref<100x128xf32, #tpu.memory_space<hbm>>) target_semaphore(%run_scoped3A : memref<!tpu.dma_semaphore, #tpu.memory_space<semaphore_mem>>)
        %dma_wait3A = arith.constant 0 : i32
        %dma_wait3A_26 = arith.constant 0 : i32
        %dma_wait3A_27 = tpu.memref_slice %arg4[%arg0, %dma_wait3A, %dma_wait3A_26] : memref<2x100x128xf32, #tpu.memory_space<hbm>> -> memref<1x100x128xf32, #tpu.memory_space<hbm>>
        %dma_wait3A_28 = tpu.memref_squeeze %dma_wait3A_27 : memref<1x100x128xf32, #tpu.memory_space<hbm>> -> memref<100x128xf32, #tpu.memory_space<hbm>>
        tpu.wait_dma2 semaphore(%run_scoped3A : memref<!tpu.dma_semaphore, #tpu.memory_space<semaphore_mem>>) src(%arg11 : memref<100x128xf32, #tpu.memory_space<vmem_shared>>) dst(%dma_wait3A_28 : memref<100x128xf32, #tpu.memory_space<hbm>>)
        tpu.yield
      }) : () -> ()
      "tpu.region"() ({
        %run_scoped3A = tpu.sem_alloc : memref<!tpu.dma_semaphore, #tpu.memory_space<semaphore_mem>>
        %dma_start3A = arith.constant 0 : i32
        %dma_start3A_23 = arith.constant 0 : i32
        %dma_start3A_24 = tpu.memref_slice %arg5[%arg0, %dma_start3A, %dma_start3A_23] : memref<2x100x16xf32, #tpu.memory_space<hbm>> -> memref<1x100x16xf32, #tpu.memory_space<hbm>>
        %dma_start3A_25 = tpu.memref_squeeze %dma_start3A_24 : memref<1x100x16xf32, #tpu.memory_space<hbm>> -> memref<100x16xf32, #tpu.memory_space<hbm>>
        tpu.enqueue_dma source(%arg12 : memref<100x16xf32, #tpu.memory_space<vmem_shared>>) target(%dma_start3A_25 : memref<100x16xf32, #tpu.memory_space<hbm>>) target_semaphore(%run_scoped3A : memref<!tpu.dma_semaphore, #tpu.memory_space<semaphore_mem>>)
        %dma_wait3A = arith.constant 0 : i32
        %dma_wait3A_26 = arith.constant 0 : i32
        %dma_wait3A_27 = tpu.memref_slice %arg5[%arg0, %dma_wait3A, %dma_wait3A_26] : memref<2x100x16xf32, #tpu.memory_space<hbm>> -> memref<1x100x16xf32, #tpu.memory_space<hbm>>
        %dma_wait3A_28 = tpu.memref_squeeze %dma_wait3A_27 : memref<1x100x16xf32, #tpu.memory_space<hbm>> -> memref<100x16xf32, #tpu.memory_space<hbm>>
        tpu.wait_dma2 semaphore(%run_scoped3A : memref<!tpu.dma_semaphore, #tpu.memory_space<semaphore_mem>>) src(%arg12 : memref<100x16xf32, #tpu.memory_space<vmem_shared>>) dst(%dma_wait3A_28 : memref<100x16xf32, #tpu.memory_space<hbm>>)
        tpu.yield
      }) : () -> ()
    } else {
    }
    return
  }
}

module attributes {stable_mosaic.version = 14 : i64} {
  func.func @body(%arg0: i32, %arg1: memref<2500xi32, #tpu.memory_space<smem>>, %arg2: memref<2500xi32, #tpu.memory_space<smem>>, %arg3: memref<16x64000xf32, #tpu.memory_space<vmem>>, %arg4: memref<16x100xf32, #tpu.memory_space<vmem>>) attributes {dimension_semantics = [#tpu.dimension_semantics<arbitrary>], iteration_bounds = array<i64: 25>, scalar_prefetch = 2 : i64, scratch_operands = 0 : i64, tpu.core_type = #tpu.core_type<tc>, window_params = [{transform_indices = @transform_0, window_bounds = array<i64: 16, 64000>}, {pipeline_mode = #tpu.pipeline_mode<synchronous>, transform_indices = @transform_1, window_bounds = array<i64: 16, 100>}]} {
    %eq3A = arith.constant 0 : i32
    %eq3A_0 = arith.cmpi eq, %arg0, %eq3A : i32
    %convert_element_type3A = arith.extui %eq3A_0 : i1 to i32
    %cond3A = arith.constant 0 : i32
    %cond3A_1 = arith.cmpi ne, %convert_element_type3A, %cond3A : i32
    scf.if %cond3A_1 {
      %broadcast_in_dim3A_2604 = arith.constant 0.000000e+00 : f32
      %broadcast_in_dim3A_2605 = vector.broadcast %broadcast_in_dim3A_2604 : f32 to vector<16x100xf32>
      %swap3A_2606 = arith.constant 0 : index
      %swap3A_2607 = arith.constant 0 : index
      %swap3A_2608 = vector.load %arg4[%swap3A_2606, %swap3A_2607] : memref<16x100xf32, #tpu.memory_space<vmem>>, vector<16x100xf32>
      tpu.vector_store %arg4[%swap3A_2606, %swap3A_2607], %broadcast_in_dim3A_2605 {strides = array<i32>} : memref<16x100xf32, #tpu.memory_space<vmem>>, vector<16x100xf32>,
    } else {
    }
    %iota3A = tpu.iota {dimensions = array<i32: 1>} : vector<1x100xi32>
    %broadcast_in_dim3A = arith.constant 0.000000e+00 : f32
    %broadcast_in_dim3A_2 = vector.broadcast %broadcast_in_dim3A : f32 to vector<16x100xf32>
    %mul3A = arith.constant 100 : i32
    %mul3A_3 = arith.muli %arg0, %mul3A : i32
    %add3A = arith.constant 0 : i32
    %add3A_4 = arith.addi %mul3A_3, %add3A : i32
    %get3A = arith.index_cast %add3A_4 : i32 to index
    %get3A_5 = memref.load %arg1[%get3A] : memref<2500xi32, #tpu.memory_space<smem>>
    %get3A_6 = arith.index_cast %add3A_4 : i32 to index
    %get3A_7 = memref.load %arg2[%get3A_6] : memref<2500xi32, #tpu.memory_space<smem>>
    %get3A_8 = arith.constant 0 : index
    %get3A_9 = arith.constant 0 : index
    %get3A_10 = vector.load %arg3[%get3A_8, %get3A_9] : memref<16x64000xf32, #tpu.memory_space<vmem>>, vector<16x640xf32>
    %reduce_sum3A = arith.constant dense<0.000000e+00> : vector<16xf32>
    %reduce_sum3A_11 = vector.multi_reduction <add>, %get3A_10, %reduce_sum3A [1] : vector<16x640xf32> to vector<16xf32>
    %broadcast_in_dim3A_12 = vector.shape_cast %reduce_sum3A_11 : vector<16xf32> to vector<16x1xf32>
    %eq3A_13 = arith.cmpi eq, %get3A_5, %get3A_7 : i32
    %eq3A_14 = vector.broadcast %get3A_5 : i32 to vector<1x100xi32>
    %eq3A_15 = arith.cmpi eq, %iota3A, %eq3A_14 : vector<1x100xi32>
    %convert_element_type3A_16 = arith.extui %eq3A_15 : vector<1x100xi1> to vector<1x100xi32>
    %convert_element_type3A_17 = arith.sitofp %convert_element_type3A_16 : vector<1x100xi32> to vector<1x100xf32>
    %broadcast_in_dim3A_18 = arith.constant 0.000000e+00 : f32
    %broadcast_in_dim3A_19 = vector.broadcast %broadcast_in_dim3A_18 : f32 to vector<1x100xf32>
    %select_n3A = arith.select %eq3A_13, %convert_element_type3A_17, %broadcast_in_dim3A_19 : vector<1x100xf32>
    %mul3A_20 = vector.broadcast %broadcast_in_dim3A_12 : vector<16x1xf32> to vector<16x100xf32>
    %mul3A_21 = vector.broadcast %select_n3A : vector<1x100xf32> to vector<16x100xf32>
    %mul3A_22 = arith.mulf %mul3A_20, %mul3A_21 : vector<16x100xf32>
    %add3A_23 = arith.addf %broadcast_in_dim3A_2, %mul3A_22 : vector<16x100xf32>
    %mul3A_24 = arith.constant 100 : i32
    %mul3A_25 = arith.muli %arg0, %mul3A_24 : i32
    %add3A_26 = arith.constant 1 : i32
    %add3A_27 = arith.addi %mul3A_25, %add3A_26 : i32
    %get3A_28 = arith.index_cast %add3A_27 : i32 to index
    %get3A_29 = memref.load %arg1[%get3A_28] : memref<2500xi32, #tpu.memory_space<smem>>
    %get3A_30 = arith.index_cast %add3A_27 : i32 to index
    %get3A_31 = memref.load %arg2[%get3A_30] : memref<2500xi32, #tpu.memory_space<smem>>
    %get3A_32 = arith.constant 0 : index
    %get3A_33 = arith.constant 640 : index
    %get3A_34 = vector.load %arg3[%get3A_32, %get3A_33] : memref<16x64000xf32, #tpu.memory_space<vmem>>, vector<16x640xf32>
    %reduce_sum3A_35 = arith.constant dense<0.000000e+00> : vector<16xf32>
    %reduce_sum3A_36 = vector.multi_reduction <add>, %get3A_34, %reduce_sum3A_35 [1] : vector<16x640xf32> to vector<16xf32>
    %broadcast_in_dim3A_37 = vector.shape_cast %reduce_sum3A_36 : vector<16xf32> to vector<16x1xf32>
    %eq3A_38 = arith.cmpi eq, %get3A_29, %get3A_31 : i32
    %eq3A_39 = vector.broadcast %get3A_29 : i32 to vector<1x100xi32>
    %eq3A_40 = arith.cmpi eq, %iota3A, %eq3A_39 : vector<1x100xi32>
    %convert_element_type3A_41 = arith.extui %eq3A_40 : vector<1x100xi1> to vector<1x100xi32>
    %convert_element_type3A_42 = arith.sitofp %convert_element_type3A_41 : vector<1x100xi32> to vector<1x100xf32>
    %broadcast_in_dim3A_43 = arith.constant 0.000000e+00 : f32
    %broadcast_in_dim3A_44 = vector.broadcast %broadcast_in_dim3A_43 : f32 to vector<1x100xf32>
    %select_n3A_45 = arith.select %eq3A_38, %convert_element_type3A_42, %broadcast_in_dim3A_44 : vector<1x100xf32>
    %mul3A_46 = vector.broadcast %broadcast_in_dim3A_37 : vector<16x1xf32> to vector<16x100xf32>
    %mul3A_47 = vector.broadcast %select_n3A_45 : vector<1x100xf32> to vector<16x100xf32>
    %mul3A_48 = arith.mulf %mul3A_46, %mul3A_47 : vector<16x100xf32>
    %add3A_49 = arith.addf %add3A_23, %mul3A_48 : vector<16x100xf32>
    %mul3A_50 = arith.constant 100 : i32
    %mul3A_51 = arith.muli %arg0, %mul3A_50 : i32
    %add3A_52 = arith.constant 2 : i32
    %add3A_53 = arith.addi %mul3A_51, %add3A_52 : i32
    %get3A_54 = arith.index_cast %add3A_53 : i32 to index
    %get3A_55 = memref.load %arg1[%get3A_54] : memref<2500xi32, #tpu.memory_space<smem>>
    %get3A_56 = arith.index_cast %add3A_53 : i32 to index
    %get3A_57 = memref.load %arg2[%get3A_56] : memref<2500xi32, #tpu.memory_space<smem>>
    %get3A_58 = arith.constant 0 : index
    %get3A_59 = arith.constant 1280 : index
    %get3A_60 = vector.load %arg3[%get3A_58, %get3A_59] : memref<16x64000xf32, #tpu.memory_space<vmem>>, vector<16x640xf32>
    %reduce_sum3A_61 = arith.constant dense<0.000000e+00> : vector<16xf32>
    %reduce_sum3A_62 = vector.multi_reduction <add>, %get3A_60, %reduce_sum3A_61 [1] : vector<16x640xf32> to vector<16xf32>
    %broadcast_in_dim3A_63 = vector.shape_cast %reduce_sum3A_62 : vector<16xf32> to vector<16x1xf32>
    %eq3A_64 = arith.cmpi eq, %get3A_55, %get3A_57 : i32
    %eq3A_65 = vector.broadcast %get3A_55 : i32 to vector<1x100xi32>
    %eq3A_66 = arith.cmpi eq, %iota3A, %eq3A_65 : vector<1x100xi32>
    %convert_element_type3A_67 = arith.extui %eq3A_66 : vector<1x100xi1> to vector<1x100xi32>
    %convert_element_type3A_68 = arith.sitofp %convert_element_type3A_67 : vector<1x100xi32> to vector<1x100xf32>
    %broadcast_in_dim3A_69 = arith.constant 0.000000e+00 : f32
    %broadcast_in_dim3A_70 = vector.broadcast %broadcast_in_dim3A_69 : f32 to vector<1x100xf32>
    %select_n3A_71 = arith.select %eq3A_64, %convert_element_type3A_68, %broadcast_in_dim3A_70 : vector<1x100xf32>
    %mul3A_72 = vector.broadcast %broadcast_in_dim3A_63 : vector<16x1xf32> to vector<16x100xf32>
    %mul3A_73 = vector.broadcast %select_n3A_71 : vector<1x100xf32> to vector<16x100xf32>
    %mul3A_74 = arith.mulf %mul3A_72, %mul3A_73 : vector<16x100xf32>
    %add3A_75 = arith.addf %add3A_49, %mul3A_74 : vector<16x100xf32>
    %mul3A_76 = arith.constant 100 : i32
    %mul3A_77 = arith.muli %arg0, %mul3A_76 : i32
    %add3A_78 = arith.constant 3 : i32
    %add3A_79 = arith.addi %mul3A_77, %add3A_78 : i32
    %get3A_80 = arith.index_cast %add3A_79 : i32 to index
    %get3A_81 = memref.load %arg1[%get3A_80] : memref<2500xi32, #tpu.memory_space<smem>>
    %get3A_82 = arith.index_cast %add3A_79 : i32 to index
    %get3A_83 = memref.load %arg2[%get3A_82] : memref<2500xi32, #tpu.memory_space<smem>>
    %get3A_84 = arith.constant 0 : index
    %get3A_85 = arith.constant 1920 : index
    %get3A_86 = vector.load %arg3[%get3A_84, %get3A_85] : memref<16x64000xf32, #tpu.memory_space<vmem>>, vector<16x640xf32>
    %reduce_sum3A_87 = arith.constant dense<0.000000e+00> : vector<16xf32>
    %reduce_sum3A_88 = vector.multi_reduction <add>, %get3A_86, %reduce_sum3A_87 [1] : vector<16x640xf32> to vector<16xf32>
    %broadcast_in_dim3A_89 = vector.shape_cast %reduce_sum3A_88 : vector<16xf32> to vector<16x1xf32>
    %eq3A_90 = arith.cmpi eq, %get3A_81, %get3A_83 : i32
    %eq3A_91 = vector.broadcast %get3A_81 : i32 to vector<1x100xi32>
    %eq3A_92 = arith.cmpi eq, %iota3A, %eq3A_91 : vector<1x100xi32>
    %convert_element_type3A_93 = arith.extui %eq3A_92 : vector<1x100xi1> to vector<1x100xi32>
    %convert_element_type3A_94 = arith.sitofp %convert_element_type3A_93 : vector<1x100xi32> to vector<1x100xf32>
    %broadcast_in_dim3A_95 = arith.constant 0.000000e+00 : f32
    %broadcast_in_dim3A_96 = vector.broadcast %broadcast_in_dim3A_95 : f32 to vector<1x100xf32>
    %select_n3A_97 = arith.select %eq3A_90, %convert_element_type3A_94, %broadcast_in_dim3A_96 : vector<1x100xf32>
    %mul3A_98 = vector.broadcast %broadcast_in_dim3A_89 : vector<16x1xf32> to vector<16x100xf32>
    %mul3A_99 = vector.broadcast %select_n3A_97 : vector<1x100xf32> to vector<16x100xf32>
    %mul3A_100 = arith.mulf %mul3A_98, %mul3A_99 : vector<16x100xf32>
    %add3A_101 = arith.addf %add3A_75, %mul3A_100 : vector<16x100xf32>
    %mul3A_102 = arith.constant 100 : i32
    %mul3A_103 = arith.muli %arg0, %mul3A_102 : i32
    %add3A_104 = arith.constant 4 : i32
    %add3A_105 = arith.addi %mul3A_103, %add3A_104 : i32
    %get3A_106 = arith.index_cast %add3A_105 : i32 to index
    %get3A_107 = memref.load %arg1[%get3A_106] : memref<2500xi32, #tpu.memory_space<smem>>
    %get3A_108 = arith.index_cast %add3A_105 : i32 to index
    %get3A_109 = memref.load %arg2[%get3A_108] : memref<2500xi32, #tpu.memory_space<smem>>
    %get3A_110 = arith.constant 0 : index
    %get3A_111 = arith.constant 2560 : index
    %get3A_112 = vector.load %arg3[%get3A_110, %get3A_111] : memref<16x64000xf32, #tpu.memory_space<vmem>>, vector<16x640xf32>
    %reduce_sum3A_113 = arith.constant dense<0.000000e+00> : vector<16xf32>
    %reduce_sum3A_114 = vector.multi_reduction <add>, %get3A_112, %reduce_sum3A_113 [1] : vector<16x640xf32> to vector<16xf32>
    %broadcast_in_dim3A_115 = vector.shape_cast %reduce_sum3A_114 : vector<16xf32> to vector<16x1xf32>
    %eq3A_116 = arith.cmpi eq, %get3A_107, %get3A_109 : i32
    %eq3A_117 = vector.broadcast %get3A_107 : i32 to vector<1x100xi32>
    %eq3A_118 = arith.cmpi eq, %iota3A, %eq3A_117 : vector<1x100xi32>
    %convert_element_type3A_119 = arith.extui %eq3A_118 : vector<1x100xi1> to vector<1x100xi32>
    %convert_element_type3A_120 = arith.sitofp %convert_element_type3A_119 : vector<1x100xi32> to vector<1x100xf32>
    %broadcast_in_dim3A_121 = arith.constant 0.000000e+00 : f32
    %broadcast_in_dim3A_122 = vector.broadcast %broadcast_in_dim3A_121 : f32 to vector<1x100xf32>
    %select_n3A_123 = arith.select %eq3A_116, %convert_element_type3A_120, %broadcast_in_dim3A_122 : vector<1x100xf32>
    %mul3A_124 = vector.broadcast %broadcast_in_dim3A_115 : vector<16x1xf32> to vector<16x100xf32>
    %mul3A_125 = vector.broadcast %select_n3A_123 : vector<1x100xf32> to vector<16x100xf32>
    %mul3A_126 = arith.mulf %mul3A_124, %mul3A_125 : vector<16x100xf32>
    %add3A_127 = arith.addf %add3A_101, %mul3A_126 : vector<16x100xf32>
    %mul3A_128 = arith.constant 100 : i32
    %mul3A_129 = arith.muli %arg0, %mul3A_128 : i32
    %add3A_130 = arith.constant 5 : i32
    %add3A_131 = arith.addi %mul3A_129, %add3A_130 : i32
    %get3A_132 = arith.index_cast %add3A_131 : i32 to index
    %get3A_133 = memref.load %arg1[%get3A_132] : memref<2500xi32, #tpu.memory_space<smem>>
    %get3A_134 = arith.index_cast %add3A_131 : i32 to index
    %get3A_135 = memref.load %arg2[%get3A_134] : memref<2500xi32, #tpu.memory_space<smem>>
    %get3A_136 = arith.constant 0 : index
    %get3A_137 = arith.constant 3200 : index
    %get3A_138 = vector.load %arg3[%get3A_136, %get3A_137] : memref<16x64000xf32, #tpu.memory_space<vmem>>, vector<16x640xf32>
    %reduce_sum3A_139 = arith.constant dense<0.000000e+00> : vector<16xf32>
    %reduce_sum3A_140 = vector.multi_reduction <add>, %get3A_138, %reduce_sum3A_139 [1] : vector<16x640xf32> to vector<16xf32>
    %broadcast_in_dim3A_141 = vector.shape_cast %reduce_sum3A_140 : vector<16xf32> to vector<16x1xf32>
    %eq3A_142 = arith.cmpi eq, %get3A_133, %get3A_135 : i32
    %eq3A_143 = vector.broadcast %get3A_133 : i32 to vector<1x100xi32>
    %eq3A_144 = arith.cmpi eq, %iota3A, %eq3A_143 : vector<1x100xi32>
    %convert_element_type3A_145 = arith.extui %eq3A_144 : vector<1x100xi1> to vector<1x100xi32>
    %convert_element_type3A_146 = arith.sitofp %convert_element_type3A_145 : vector<1x100xi32> to vector<1x100xf32>
    %broadcast_in_dim3A_147 = arith.constant 0.000000e+00 : f32
    %broadcast_in_dim3A_148 = vector.broadcast %broadcast_in_dim3A_147 : f32 to vector<1x100xf32>
    %select_n3A_149 = arith.select %eq3A_142, %convert_element_type3A_146, %broadcast_in_dim3A_148 : vector<1x100xf32>
    %mul3A_150 = vector.broadcast %broadcast_in_dim3A_141 : vector<16x1xf32> to vector<16x100xf32>
    %mul3A_151 = vector.broadcast %select_n3A_149 : vector<1x100xf32> to vector<16x100xf32>
    %mul3A_152 = arith.mulf %mul3A_150, %mul3A_151 : vector<16x100xf32>
    %add3A_153 = arith.addf %add3A_127, %mul3A_152 : vector<16x100xf32>
    %mul3A_154 = arith.constant 100 : i32
    %mul3A_155 = arith.muli %arg0, %mul3A_154 : i32
    %add3A_156 = arith.constant 6 : i32
    %add3A_157 = arith.addi %mul3A_155, %add3A_156 : i32
    %get3A_158 = arith.index_cast %add3A_157 : i32 to index
    %get3A_159 = memref.load %arg1[%get3A_158] : memref<2500xi32, #tpu.memory_space<smem>>
    %get3A_160 = arith.index_cast %add3A_157 : i32 to index
    %get3A_161 = memref.load %arg2[%get3A_160] : memref<2500xi32, #tpu.memory_space<smem>>
    %get3A_162 = arith.constant 0 : index
    %get3A_163 = arith.constant 3840 : index
    %get3A_164 = vector.load %arg3[%get3A_162, %get3A_163] : memref<16x64000xf32, #tpu.memory_space<vmem>>, vector<16x640xf32>
    %reduce_sum3A_165 = arith.constant dense<0.000000e+00> : vector<16xf32>
    %reduce_sum3A_166 = vector.multi_reduction <add>, %get3A_164, %reduce_sum3A_165 [1] : vector<16x640xf32> to vector<16xf32>
    %broadcast_in_dim3A_167 = vector.shape_cast %reduce_sum3A_166 : vector<16xf32> to vector<16x1xf32>
    %eq3A_168 = arith.cmpi eq, %get3A_159, %get3A_161 : i32
    %eq3A_169 = vector.broadcast %get3A_159 : i32 to vector<1x100xi32>
    %eq3A_170 = arith.cmpi eq, %iota3A, %eq3A_169 : vector<1x100xi32>
    %convert_element_type3A_171 = arith.extui %eq3A_170 : vector<1x100xi1> to vector<1x100xi32>
    %convert_element_type3A_172 = arith.sitofp %convert_element_type3A_171 : vector<1x100xi32> to vector<1x100xf32>
    %broadcast_in_dim3A_173 = arith.constant 0.000000e+00 : f32
    %broadcast_in_dim3A_174 = vector.broadcast %broadcast_in_dim3A_173 : f32 to vector<1x100xf32>
    %select_n3A_175 = arith.select %eq3A_168, %convert_element_type3A_172, %broadcast_in_dim3A_174 : vector<1x100xf32>
    %mul3A_176 = vector.broadcast %broadcast_in_dim3A_167 : vector<16x1xf32> to vector<16x100xf32>
    %mul3A_177 = vector.broadcast %select_n3A_175 : vector<1x100xf32> to vector<16x100xf32>
    %mul3A_178 = arith.mulf %mul3A_176, %mul3A_177 : vector<16x100xf32>
    %add3A_179 = arith.addf %add3A_153, %mul3A_178 : vector<16x100xf32>
    %mul3A_180 = arith.constant 100 : i32
    %mul3A_181 = arith.muli %arg0, %mul3A_180 : i32
    %add3A_182 = arith.constant 7 : i32
    %add3A_183 = arith.addi %mul3A_181, %add3A_182 : i32
    %get3A_184 = arith.index_cast %add3A_183 : i32 to index
    %get3A_185 = memref.load %arg1[%get3A_184] : memref<2500xi32, #tpu.memory_space<smem>>
    %get3A_186 = arith.index_cast %add3A_183 : i32 to index
    %get3A_187 = memref.load %arg2[%get3A_186] : memref<2500xi32, #tpu.memory_space<smem>>
    %get3A_188 = arith.constant 0 : index
    %get3A_189 = arith.constant 4480 : index
    %get3A_190 = vector.load %arg3[%get3A_188, %get3A_189] : memref<16x64000xf32, #tpu.memory_space<vmem>>, vector<16x640xf32>
    %reduce_sum3A_191 = arith.constant dense<0.000000e+00> : vector<16xf32>
    %reduce_sum3A_192 = vector.multi_reduction <add>, %get3A_190, %reduce_sum3A_191 [1] : vector<16x640xf32> to vector<16xf32>
    %broadcast_in_dim3A_193 = vector.shape_cast %reduce_sum3A_192 : vector<16xf32> to vector<16x1xf32>
    %eq3A_194 = arith.cmpi eq, %get3A_185, %get3A_187 : i32
    %eq3A_195 = vector.broadcast %get3A_185 : i32 to vector<1x100xi32>
    %eq3A_196 = arith.cmpi eq, %iota3A, %eq3A_195 : vector<1x100xi32>
    %convert_element_type3A_197 = arith.extui %eq3A_196 : vector<1x100xi1> to vector<1x100xi32>
    %convert_element_type3A_198 = arith.sitofp %convert_element_type3A_197 : vector<1x100xi32> to vector<1x100xf32>
    %broadcast_in_dim3A_199 = arith.constant 0.000000e+00 : f32
    %broadcast_in_dim3A_200 = vector.broadcast %broadcast_in_dim3A_199 : f32 to vector<1x100xf32>
    %select_n3A_201 = arith.select %eq3A_194, %convert_element_type3A_198, %broadcast_in_dim3A_200 : vector<1x100xf32>
    %mul3A_202 = vector.broadcast %broadcast_in_dim3A_193 : vector<16x1xf32> to vector<16x100xf32>
    %mul3A_203 = vector.broadcast %select_n3A_201 : vector<1x100xf32> to vector<16x100xf32>
    %mul3A_204 = arith.mulf %mul3A_202, %mul3A_203 : vector<16x100xf32>
    %add3A_205 = arith.addf %add3A_179, %mul3A_204 : vector<16x100xf32>
    %mul3A_206 = arith.constant 100 : i32
    %mul3A_207 = arith.muli %arg0, %mul3A_206 : i32
    %add3A_208 = arith.constant 8 : i32
    %add3A_209 = arith.addi %mul3A_207, %add3A_208 : i32
    %get3A_210 = arith.index_cast %add3A_209 : i32 to index
    %get3A_211 = memref.load %arg1[%get3A_210] : memref<2500xi32, #tpu.memory_space<smem>>
    %get3A_212 = arith.index_cast %add3A_209 : i32 to index
    %get3A_213 = memref.load %arg2[%get3A_212] : memref<2500xi32, #tpu.memory_space<smem>>
    %get3A_214 = arith.constant 0 : index
    %get3A_215 = arith.constant 5120 : index
    %get3A_216 = vector.load %arg3[%get3A_214, %get3A_215] : memref<16x64000xf32, #tpu.memory_space<vmem>>, vector<16x640xf32>
    %reduce_sum3A_217 = arith.constant dense<0.000000e+00> : vector<16xf32>
    %reduce_sum3A_218 = vector.multi_reduction <add>, %get3A_216, %reduce_sum3A_217 [1] : vector<16x640xf32> to vector<16xf32>
    %broadcast_in_dim3A_219 = vector.shape_cast %reduce_sum3A_218 : vector<16xf32> to vector<16x1xf32>
    %eq3A_220 = arith.cmpi eq, %get3A_211, %get3A_213 : i32
    %eq3A_221 = vector.broadcast %get3A_211 : i32 to vector<1x100xi32>
    %eq3A_222 = arith.cmpi eq, %iota3A, %eq3A_221 : vector<1x100xi32>
    %convert_element_type3A_223 = arith.extui %eq3A_222 : vector<1x100xi1> to vector<1x100xi32>
    %convert_element_type3A_224 = arith.sitofp %convert_element_type3A_223 : vector<1x100xi32> to vector<1x100xf32>
    %broadcast_in_dim3A_225 = arith.constant 0.000000e+00 : f32
    %broadcast_in_dim3A_226 = vector.broadcast %broadcast_in_dim3A_225 : f32 to vector<1x100xf32>
    %select_n3A_227 = arith.select %eq3A_220, %convert_element_type3A_224, %broadcast_in_dim3A_226 : vector<1x100xf32>
    %mul3A_228 = vector.broadcast %broadcast_in_dim3A_219 : vector<16x1xf32> to vector<16x100xf32>
    %mul3A_229 = vector.broadcast %select_n3A_227 : vector<1x100xf32> to vector<16x100xf32>
    %mul3A_230 = arith.mulf %mul3A_228, %mul3A_229 : vector<16x100xf32>
    %add3A_231 = arith.addf %add3A_205, %mul3A_230 : vector<16x100xf32>
    %mul3A_232 = arith.constant 100 : i32
    %mul3A_233 = arith.muli %arg0, %mul3A_232 : i32
    %add3A_234 = arith.constant 9 : i32
    %add3A_235 = arith.addi %mul3A_233, %add3A_234 : i32
    %get3A_236 = arith.index_cast %add3A_235 : i32 to index
    %get3A_237 = memref.load %arg1[%get3A_236] : memref<2500xi32, #tpu.memory_space<smem>>
    %get3A_238 = arith.index_cast %add3A_235 : i32 to index
    %get3A_239 = memref.load %arg2[%get3A_238] : memref<2500xi32, #tpu.memory_space<smem>>
    %get3A_240 = arith.constant 0 : index
    %get3A_241 = arith.constant 5760 : index
    %get3A_242 = vector.load %arg3[%get3A_240, %get3A_241] : memref<16x64000xf32, #tpu.memory_space<vmem>>, vector<16x640xf32>
    %reduce_sum3A_243 = arith.constant dense<0.000000e+00> : vector<16xf32>
    %reduce_sum3A_244 = vector.multi_reduction <add>, %get3A_242, %reduce_sum3A_243 [1] : vector<16x640xf32> to vector<16xf32>
    %broadcast_in_dim3A_245 = vector.shape_cast %reduce_sum3A_244 : vector<16xf32> to vector<16x1xf32>
    %eq3A_246 = arith.cmpi eq, %get3A_237, %get3A_239 : i32
    %eq3A_247 = vector.broadcast %get3A_237 : i32 to vector<1x100xi32>
    %eq3A_248 = arith.cmpi eq, %iota3A, %eq3A_247 : vector<1x100xi32>
    %convert_element_type3A_249 = arith.extui %eq3A_248 : vector<1x100xi1> to vector<1x100xi32>
    %convert_element_type3A_250 = arith.sitofp %convert_element_type3A_249 : vector<1x100xi32> to vector<1x100xf32>
    %broadcast_in_dim3A_251 = arith.constant 0.000000e+00 : f32
    %broadcast_in_dim3A_252 = vector.broadcast %broadcast_in_dim3A_251 : f32 to vector<1x100xf32>
    %select_n3A_253 = arith.select %eq3A_246, %convert_element_type3A_250, %broadcast_in_dim3A_252 : vector<1x100xf32>
    %mul3A_254 = vector.broadcast %broadcast_in_dim3A_245 : vector<16x1xf32> to vector<16x100xf32>
    %mul3A_255 = vector.broadcast %select_n3A_253 : vector<1x100xf32> to vector<16x100xf32>
    %mul3A_256 = arith.mulf %mul3A_254, %mul3A_255 : vector<16x100xf32>
    %add3A_257 = arith.addf %add3A_231, %mul3A_256 : vector<16x100xf32>
    %mul3A_258 = arith.constant 100 : i32
    %mul3A_259 = arith.muli %arg0, %mul3A_258 : i32
    %add3A_260 = arith.constant 10 : i32
    %add3A_261 = arith.addi %mul3A_259, %add3A_260 : i32
    %get3A_262 = arith.index_cast %add3A_261 : i32 to index
    %get3A_263 = memref.load %arg1[%get3A_262] : memref<2500xi32, #tpu.memory_space<smem>>
    %get3A_264 = arith.index_cast %add3A_261 : i32 to index
    %get3A_265 = memref.load %arg2[%get3A_264] : memref<2500xi32, #tpu.memory_space<smem>>
    %get3A_266 = arith.constant 0 : index
    %get3A_267 = arith.constant 6400 : index
    %get3A_268 = vector.load %arg3[%get3A_266, %get3A_267] : memref<16x64000xf32, #tpu.memory_space<vmem>>, vector<16x640xf32>
    %reduce_sum3A_269 = arith.constant dense<0.000000e+00> : vector<16xf32>
    %reduce_sum3A_270 = vector.multi_reduction <add>, %get3A_268, %reduce_sum3A_269 [1] : vector<16x640xf32> to vector<16xf32>
    %broadcast_in_dim3A_271 = vector.shape_cast %reduce_sum3A_270 : vector<16xf32> to vector<16x1xf32>
    %eq3A_272 = arith.cmpi eq, %get3A_263, %get3A_265 : i32
    %eq3A_273 = vector.broadcast %get3A_263 : i32 to vector<1x100xi32>
    %eq3A_274 = arith.cmpi eq, %iota3A, %eq3A_273 : vector<1x100xi32>
    %convert_element_type3A_275 = arith.extui %eq3A_274 : vector<1x100xi1> to vector<1x100xi32>
    %convert_element_type3A_276 = arith.sitofp %convert_element_type3A_275 : vector<1x100xi32> to vector<1x100xf32>
    %broadcast_in_dim3A_277 = arith.constant 0.000000e+00 : f32
    %broadcast_in_dim3A_278 = vector.broadcast %broadcast_in_dim3A_277 : f32 to vector<1x100xf32>
    %select_n3A_279 = arith.select %eq3A_272, %convert_element_type3A_276, %broadcast_in_dim3A_278 : vector<1x100xf32>
    %mul3A_280 = vector.broadcast %broadcast_in_dim3A_271 : vector<16x1xf32> to vector<16x100xf32>
    %mul3A_281 = vector.broadcast %select_n3A_279 : vector<1x100xf32> to vector<16x100xf32>
    %mul3A_282 = arith.mulf %mul3A_280, %mul3A_281 : vector<16x100xf32>
    %add3A_283 = arith.addf %add3A_257, %mul3A_282 : vector<16x100xf32>
    %mul3A_284 = arith.constant 100 : i32
    %mul3A_285 = arith.muli %arg0, %mul3A_284 : i32
    %add3A_286 = arith.constant 11 : i32
    %add3A_287 = arith.addi %mul3A_285, %add3A_286 : i32
    %get3A_288 = arith.index_cast %add3A_287 : i32 to index
    %get3A_289 = memref.load %arg1[%get3A_288] : memref<2500xi32, #tpu.memory_space<smem>>
    %get3A_290 = arith.index_cast %add3A_287 : i32 to index
    %get3A_291 = memref.load %arg2[%get3A_290] : memref<2500xi32, #tpu.memory_space<smem>>
    %get3A_292 = arith.constant 0 : index
    %get3A_293 = arith.constant 7040 : index
    %get3A_294 = vector.load %arg3[%get3A_292, %get3A_293] : memref<16x64000xf32, #tpu.memory_space<vmem>>, vector<16x640xf32>
    %reduce_sum3A_295 = arith.constant dense<0.000000e+00> : vector<16xf32>
    %reduce_sum3A_296 = vector.multi_reduction <add>, %get3A_294, %reduce_sum3A_295 [1] : vector<16x640xf32> to vector<16xf32>
    %broadcast_in_dim3A_297 = vector.shape_cast %reduce_sum3A_296 : vector<16xf32> to vector<16x1xf32>
    %eq3A_298 = arith.cmpi eq, %get3A_289, %get3A_291 : i32
    %eq3A_299 = vector.broadcast %get3A_289 : i32 to vector<1x100xi32>
    %eq3A_300 = arith.cmpi eq, %iota3A, %eq3A_299 : vector<1x100xi32>
    %convert_element_type3A_301 = arith.extui %eq3A_300 : vector<1x100xi1> to vector<1x100xi32>
    %convert_element_type3A_302 = arith.sitofp %convert_element_type3A_301 : vector<1x100xi32> to vector<1x100xf32>
    %broadcast_in_dim3A_303 = arith.constant 0.000000e+00 : f32
    %broadcast_in_dim3A_304 = vector.broadcast %broadcast_in_dim3A_303 : f32 to vector<1x100xf32>
    %select_n3A_305 = arith.select %eq3A_298, %convert_element_type3A_302, %broadcast_in_dim3A_304 : vector<1x100xf32>
    %mul3A_306 = vector.broadcast %broadcast_in_dim3A_297 : vector<16x1xf32> to vector<16x100xf32>
    %mul3A_307 = vector.broadcast %select_n3A_305 : vector<1x100xf32> to vector<16x100xf32>
    %mul3A_308 = arith.mulf %mul3A_306, %mul3A_307 : vector<16x100xf32>
    %add3A_309 = arith.addf %add3A_283, %mul3A_308 : vector<16x100xf32>
    %mul3A_310 = arith.constant 100 : i32
    %mul3A_311 = arith.muli %arg0, %mul3A_310 : i32
    %add3A_312 = arith.constant 12 : i32
    %add3A_313 = arith.addi %mul3A_311, %add3A_312 : i32
    %get3A_314 = arith.index_cast %add3A_313 : i32 to index
    %get3A_315 = memref.load %arg1[%get3A_314] : memref<2500xi32, #tpu.memory_space<smem>>
    %get3A_316 = arith.index_cast %add3A_313 : i32 to index
    %get3A_317 = memref.load %arg2[%get3A_316] : memref<2500xi32, #tpu.memory_space<smem>>
    %get3A_318 = arith.constant 0 : index
    %get3A_319 = arith.constant 7680 : index
    %get3A_320 = vector.load %arg3[%get3A_318, %get3A_319] : memref<16x64000xf32, #tpu.memory_space<vmem>>, vector<16x640xf32>
    %reduce_sum3A_321 = arith.constant dense<0.000000e+00> : vector<16xf32>
    %reduce_sum3A_322 = vector.multi_reduction <add>, %get3A_320, %reduce_sum3A_321 [1] : vector<16x640xf32> to vector<16xf32>
    %broadcast_in_dim3A_323 = vector.shape_cast %reduce_sum3A_322 : vector<16xf32> to vector<16x1xf32>
    %eq3A_324 = arith.cmpi eq, %get3A_315, %get3A_317 : i32
    %eq3A_325 = vector.broadcast %get3A_315 : i32 to vector<1x100xi32>
    %eq3A_326 = arith.cmpi eq, %iota3A, %eq3A_325 : vector<1x100xi32>
    %convert_element_type3A_327 = arith.extui %eq3A_326 : vector<1x100xi1> to vector<1x100xi32>
    %convert_element_type3A_328 = arith.sitofp %convert_element_type3A_327 : vector<1x100xi32> to vector<1x100xf32>
    %broadcast_in_dim3A_329 = arith.constant 0.000000e+00 : f32
    %broadcast_in_dim3A_330 = vector.broadcast %broadcast_in_dim3A_329 : f32 to vector<1x100xf32>
    %select_n3A_331 = arith.select %eq3A_324, %convert_element_type3A_328, %broadcast_in_dim3A_330 : vector<1x100xf32>
    %mul3A_332 = vector.broadcast %broadcast_in_dim3A_323 : vector<16x1xf32> to vector<16x100xf32>
    %mul3A_333 = vector.broadcast %select_n3A_331 : vector<1x100xf32> to vector<16x100xf32>
    %mul3A_334 = arith.mulf %mul3A_332, %mul3A_333 : vector<16x100xf32>
    %add3A_335 = arith.addf %add3A_309, %mul3A_334 : vector<16x100xf32>
    %mul3A_336 = arith.constant 100 : i32
    %mul3A_337 = arith.muli %arg0, %mul3A_336 : i32
    %add3A_338 = arith.constant 13 : i32
    %add3A_339 = arith.addi %mul3A_337, %add3A_338 : i32
    %get3A_340 = arith.index_cast %add3A_339 : i32 to index
    %get3A_341 = memref.load %arg1[%get3A_340] : memref<2500xi32, #tpu.memory_space<smem>>
    %get3A_342 = arith.index_cast %add3A_339 : i32 to index
    %get3A_343 = memref.load %arg2[%get3A_342] : memref<2500xi32, #tpu.memory_space<smem>>
    %get3A_344 = arith.constant 0 : index
    %get3A_345 = arith.constant 8320 : index
    %get3A_346 = vector.load %arg3[%get3A_344, %get3A_345] : memref<16x64000xf32, #tpu.memory_space<vmem>>, vector<16x640xf32>
    %reduce_sum3A_347 = arith.constant dense<0.000000e+00> : vector<16xf32>
    %reduce_sum3A_348 = vector.multi_reduction <add>, %get3A_346, %reduce_sum3A_347 [1] : vector<16x640xf32> to vector<16xf32>
    %broadcast_in_dim3A_349 = vector.shape_cast %reduce_sum3A_348 : vector<16xf32> to vector<16x1xf32>
    %eq3A_350 = arith.cmpi eq, %get3A_341, %get3A_343 : i32
    %eq3A_351 = vector.broadcast %get3A_341 : i32 to vector<1x100xi32>
    %eq3A_352 = arith.cmpi eq, %iota3A, %eq3A_351 : vector<1x100xi32>
    %convert_element_type3A_353 = arith.extui %eq3A_352 : vector<1x100xi1> to vector<1x100xi32>
    %convert_element_type3A_354 = arith.sitofp %convert_element_type3A_353 : vector<1x100xi32> to vector<1x100xf32>
    %broadcast_in_dim3A_355 = arith.constant 0.000000e+00 : f32
    %broadcast_in_dim3A_356 = vector.broadcast %broadcast_in_dim3A_355 : f32 to vector<1x100xf32>
    %select_n3A_357 = arith.select %eq3A_350, %convert_element_type3A_354, %broadcast_in_dim3A_356 : vector<1x100xf32>
    %mul3A_358 = vector.broadcast %broadcast_in_dim3A_349 : vector<16x1xf32> to vector<16x100xf32>
    %mul3A_359 = vector.broadcast %select_n3A_357 : vector<1x100xf32> to vector<16x100xf32>
    %mul3A_360 = arith.mulf %mul3A_358, %mul3A_359 : vector<16x100xf32>
    %add3A_361 = arith.addf %add3A_335, %mul3A_360 : vector<16x100xf32>
    %mul3A_362 = arith.constant 100 : i32
    %mul3A_363 = arith.muli %arg0, %mul3A_362 : i32
    %add3A_364 = arith.constant 14 : i32
    %add3A_365 = arith.addi %mul3A_363, %add3A_364 : i32
    %get3A_366 = arith.index_cast %add3A_365 : i32 to index
    %get3A_367 = memref.load %arg1[%get3A_366] : memref<2500xi32, #tpu.memory_space<smem>>
    %get3A_368 = arith.index_cast %add3A_365 : i32 to index
    %get3A_369 = memref.load %arg2[%get3A_368] : memref<2500xi32, #tpu.memory_space<smem>>
    %get3A_370 = arith.constant 0 : index
    %get3A_371 = arith.constant 8960 : index
    %get3A_372 = vector.load %arg3[%get3A_370, %get3A_371] : memref<16x64000xf32, #tpu.memory_space<vmem>>, vector<16x640xf32>
    %reduce_sum3A_373 = arith.constant dense<0.000000e+00> : vector<16xf32>
    %reduce_sum3A_374 = vector.multi_reduction <add>, %get3A_372, %reduce_sum3A_373 [1] : vector<16x640xf32> to vector<16xf32>
    %broadcast_in_dim3A_375 = vector.shape_cast %reduce_sum3A_374 : vector<16xf32> to vector<16x1xf32>
    %eq3A_376 = arith.cmpi eq, %get3A_367, %get3A_369 : i32
    %eq3A_377 = vector.broadcast %get3A_367 : i32 to vector<1x100xi32>
    %eq3A_378 = arith.cmpi eq, %iota3A, %eq3A_377 : vector<1x100xi32>
    %convert_element_type3A_379 = arith.extui %eq3A_378 : vector<1x100xi1> to vector<1x100xi32>
    %convert_element_type3A_380 = arith.sitofp %convert_element_type3A_379 : vector<1x100xi32> to vector<1x100xf32>
    %broadcast_in_dim3A_381 = arith.constant 0.000000e+00 : f32
    %broadcast_in_dim3A_382 = vector.broadcast %broadcast_in_dim3A_381 : f32 to vector<1x100xf32>
    %select_n3A_383 = arith.select %eq3A_376, %convert_element_type3A_380, %broadcast_in_dim3A_382 : vector<1x100xf32>
    %mul3A_384 = vector.broadcast %broadcast_in_dim3A_375 : vector<16x1xf32> to vector<16x100xf32>
    %mul3A_385 = vector.broadcast %select_n3A_383 : vector<1x100xf32> to vector<16x100xf32>
    %mul3A_386 = arith.mulf %mul3A_384, %mul3A_385 : vector<16x100xf32>
    %add3A_387 = arith.addf %add3A_361, %mul3A_386 : vector<16x100xf32>
    %mul3A_388 = arith.constant 100 : i32
    %mul3A_389 = arith.muli %arg0, %mul3A_388 : i32
    %add3A_390 = arith.constant 15 : i32
    %add3A_391 = arith.addi %mul3A_389, %add3A_390 : i32
    %get3A_392 = arith.index_cast %add3A_391 : i32 to index
    %get3A_393 = memref.load %arg1[%get3A_392] : memref<2500xi32, #tpu.memory_space<smem>>
    %get3A_394 = arith.index_cast %add3A_391 : i32 to index
    %get3A_395 = memref.load %arg2[%get3A_394] : memref<2500xi32, #tpu.memory_space<smem>>
    %get3A_396 = arith.constant 0 : index
    %get3A_397 = arith.constant 9600 : index
    %get3A_398 = vector.load %arg3[%get3A_396, %get3A_397] : memref<16x64000xf32, #tpu.memory_space<vmem>>, vector<16x640xf32>
    %reduce_sum3A_399 = arith.constant dense<0.000000e+00> : vector<16xf32>
    %reduce_sum3A_400 = vector.multi_reduction <add>, %get3A_398, %reduce_sum3A_399 [1] : vector<16x640xf32> to vector<16xf32>
    %broadcast_in_dim3A_401 = vector.shape_cast %reduce_sum3A_400 : vector<16xf32> to vector<16x1xf32>
    %eq3A_402 = arith.cmpi eq, %get3A_393, %get3A_395 : i32
    %eq3A_403 = vector.broadcast %get3A_393 : i32 to vector<1x100xi32>
    %eq3A_404 = arith.cmpi eq, %iota3A, %eq3A_403 : vector<1x100xi32>
    %convert_element_type3A_405 = arith.extui %eq3A_404 : vector<1x100xi1> to vector<1x100xi32>
    %convert_element_type3A_406 = arith.sitofp %convert_element_type3A_405 : vector<1x100xi32> to vector<1x100xf32>
    %broadcast_in_dim3A_407 = arith.constant 0.000000e+00 : f32
    %broadcast_in_dim3A_408 = vector.broadcast %broadcast_in_dim3A_407 : f32 to vector<1x100xf32>
    %select_n3A_409 = arith.select %eq3A_402, %convert_element_type3A_406, %broadcast_in_dim3A_408 : vector<1x100xf32>
    %mul3A_410 = vector.broadcast %broadcast_in_dim3A_401 : vector<16x1xf32> to vector<16x100xf32>
    %mul3A_411 = vector.broadcast %select_n3A_409 : vector<1x100xf32> to vector<16x100xf32>
    %mul3A_412 = arith.mulf %mul3A_410, %mul3A_411 : vector<16x100xf32>
    %add3A_413 = arith.addf %add3A_387, %mul3A_412 : vector<16x100xf32>
    %mul3A_414 = arith.constant 100 : i32
    %mul3A_415 = arith.muli %arg0, %mul3A_414 : i32
    %add3A_416 = arith.constant 16 : i32
    %add3A_417 = arith.addi %mul3A_415, %add3A_416 : i32
    %get3A_418 = arith.index_cast %add3A_417 : i32 to index
    %get3A_419 = memref.load %arg1[%get3A_418] : memref<2500xi32, #tpu.memory_space<smem>>
    %get3A_420 = arith.index_cast %add3A_417 : i32 to index
    %get3A_421 = memref.load %arg2[%get3A_420] : memref<2500xi32, #tpu.memory_space<smem>>
    %get3A_422 = arith.constant 0 : index
    %get3A_423 = arith.constant 10240 : index
    %get3A_424 = vector.load %arg3[%get3A_422, %get3A_423] : memref<16x64000xf32, #tpu.memory_space<vmem>>, vector<16x640xf32>
    %reduce_sum3A_425 = arith.constant dense<0.000000e+00> : vector<16xf32>
    %reduce_sum3A_426 = vector.multi_reduction <add>, %get3A_424, %reduce_sum3A_425 [1] : vector<16x640xf32> to vector<16xf32>
    %broadcast_in_dim3A_427 = vector.shape_cast %reduce_sum3A_426 : vector<16xf32> to vector<16x1xf32>
    %eq3A_428 = arith.cmpi eq, %get3A_419, %get3A_421 : i32
    %eq3A_429 = vector.broadcast %get3A_419 : i32 to vector<1x100xi32>
    %eq3A_430 = arith.cmpi eq, %iota3A, %eq3A_429 : vector<1x100xi32>
    %convert_element_type3A_431 = arith.extui %eq3A_430 : vector<1x100xi1> to vector<1x100xi32>
    %convert_element_type3A_432 = arith.sitofp %convert_element_type3A_431 : vector<1x100xi32> to vector<1x100xf32>
    %broadcast_in_dim3A_433 = arith.constant 0.000000e+00 : f32
    %broadcast_in_dim3A_434 = vector.broadcast %broadcast_in_dim3A_433 : f32 to vector<1x100xf32>
    %select_n3A_435 = arith.select %eq3A_428, %convert_element_type3A_432, %broadcast_in_dim3A_434 : vector<1x100xf32>
    %mul3A_436 = vector.broadcast %broadcast_in_dim3A_427 : vector<16x1xf32> to vector<16x100xf32>
    %mul3A_437 = vector.broadcast %select_n3A_435 : vector<1x100xf32> to vector<16x100xf32>
    %mul3A_438 = arith.mulf %mul3A_436, %mul3A_437 : vector<16x100xf32>
    %add3A_439 = arith.addf %add3A_413, %mul3A_438 : vector<16x100xf32>
    %mul3A_440 = arith.constant 100 : i32
    %mul3A_441 = arith.muli %arg0, %mul3A_440 : i32
    %add3A_442 = arith.constant 17 : i32
    %add3A_443 = arith.addi %mul3A_441, %add3A_442 : i32
    %get3A_444 = arith.index_cast %add3A_443 : i32 to index
    %get3A_445 = memref.load %arg1[%get3A_444] : memref<2500xi32, #tpu.memory_space<smem>>
    %get3A_446 = arith.index_cast %add3A_443 : i32 to index
    %get3A_447 = memref.load %arg2[%get3A_446] : memref<2500xi32, #tpu.memory_space<smem>>
    %get3A_448 = arith.constant 0 : index
    %get3A_449 = arith.constant 10880 : index
    %get3A_450 = vector.load %arg3[%get3A_448, %get3A_449] : memref<16x64000xf32, #tpu.memory_space<vmem>>, vector<16x640xf32>
    %reduce_sum3A_451 = arith.constant dense<0.000000e+00> : vector<16xf32>
    %reduce_sum3A_452 = vector.multi_reduction <add>, %get3A_450, %reduce_sum3A_451 [1] : vector<16x640xf32> to vector<16xf32>
    %broadcast_in_dim3A_453 = vector.shape_cast %reduce_sum3A_452 : vector<16xf32> to vector<16x1xf32>
    %eq3A_454 = arith.cmpi eq, %get3A_445, %get3A_447 : i32
    %eq3A_455 = vector.broadcast %get3A_445 : i32 to vector<1x100xi32>
    %eq3A_456 = arith.cmpi eq, %iota3A, %eq3A_455 : vector<1x100xi32>
    %convert_element_type3A_457 = arith.extui %eq3A_456 : vector<1x100xi1> to vector<1x100xi32>
    %convert_element_type3A_458 = arith.sitofp %convert_element_type3A_457 : vector<1x100xi32> to vector<1x100xf32>
    %broadcast_in_dim3A_459 = arith.constant 0.000000e+00 : f32
    %broadcast_in_dim3A_460 = vector.broadcast %broadcast_in_dim3A_459 : f32 to vector<1x100xf32>
    %select_n3A_461 = arith.select %eq3A_454, %convert_element_type3A_458, %broadcast_in_dim3A_460 : vector<1x100xf32>
    %mul3A_462 = vector.broadcast %broadcast_in_dim3A_453 : vector<16x1xf32> to vector<16x100xf32>
    %mul3A_463 = vector.broadcast %select_n3A_461 : vector<1x100xf32> to vector<16x100xf32>
    %mul3A_464 = arith.mulf %mul3A_462, %mul3A_463 : vector<16x100xf32>
    %add3A_465 = arith.addf %add3A_439, %mul3A_464 : vector<16x100xf32>
    %mul3A_466 = arith.constant 100 : i32
    %mul3A_467 = arith.muli %arg0, %mul3A_466 : i32
    %add3A_468 = arith.constant 18 : i32
    %add3A_469 = arith.addi %mul3A_467, %add3A_468 : i32
    %get3A_470 = arith.index_cast %add3A_469 : i32 to index
    %get3A_471 = memref.load %arg1[%get3A_470] : memref<2500xi32, #tpu.memory_space<smem>>
    %get3A_472 = arith.index_cast %add3A_469 : i32 to index
    %get3A_473 = memref.load %arg2[%get3A_472] : memref<2500xi32, #tpu.memory_space<smem>>
    %get3A_474 = arith.constant 0 : index
    %get3A_475 = arith.constant 11520 : index
    %get3A_476 = vector.load %arg3[%get3A_474, %get3A_475] : memref<16x64000xf32, #tpu.memory_space<vmem>>, vector<16x640xf32>
    %reduce_sum3A_477 = arith.constant dense<0.000000e+00> : vector<16xf32>
    %reduce_sum3A_478 = vector.multi_reduction <add>, %get3A_476, %reduce_sum3A_477 [1] : vector<16x640xf32> to vector<16xf32>
    %broadcast_in_dim3A_479 = vector.shape_cast %reduce_sum3A_478 : vector<16xf32> to vector<16x1xf32>
    %eq3A_480 = arith.cmpi eq, %get3A_471, %get3A_473 : i32
    %eq3A_481 = vector.broadcast %get3A_471 : i32 to vector<1x100xi32>
    %eq3A_482 = arith.cmpi eq, %iota3A, %eq3A_481 : vector<1x100xi32>
    %convert_element_type3A_483 = arith.extui %eq3A_482 : vector<1x100xi1> to vector<1x100xi32>
    %convert_element_type3A_484 = arith.sitofp %convert_element_type3A_483 : vector<1x100xi32> to vector<1x100xf32>
    %broadcast_in_dim3A_485 = arith.constant 0.000000e+00 : f32
    %broadcast_in_dim3A_486 = vector.broadcast %broadcast_in_dim3A_485 : f32 to vector<1x100xf32>
    %select_n3A_487 = arith.select %eq3A_480, %convert_element_type3A_484, %broadcast_in_dim3A_486 : vector<1x100xf32>
    %mul3A_488 = vector.broadcast %broadcast_in_dim3A_479 : vector<16x1xf32> to vector<16x100xf32>
    %mul3A_489 = vector.broadcast %select_n3A_487 : vector<1x100xf32> to vector<16x100xf32>
    %mul3A_490 = arith.mulf %mul3A_488, %mul3A_489 : vector<16x100xf32>
    %add3A_491 = arith.addf %add3A_465, %mul3A_490 : vector<16x100xf32>
    %mul3A_492 = arith.constant 100 : i32
    %mul3A_493 = arith.muli %arg0, %mul3A_492 : i32
    %add3A_494 = arith.constant 19 : i32
    %add3A_495 = arith.addi %mul3A_493, %add3A_494 : i32
    %get3A_496 = arith.index_cast %add3A_495 : i32 to index
    %get3A_497 = memref.load %arg1[%get3A_496] : memref<2500xi32, #tpu.memory_space<smem>>
    %get3A_498 = arith.index_cast %add3A_495 : i32 to index
    %get3A_499 = memref.load %arg2[%get3A_498] : memref<2500xi32, #tpu.memory_space<smem>>
    %get3A_500 = arith.constant 0 : index
    %get3A_501 = arith.constant 12160 : index
    %get3A_502 = vector.load %arg3[%get3A_500, %get3A_501] : memref<16x64000xf32, #tpu.memory_space<vmem>>, vector<16x640xf32>
    %reduce_sum3A_503 = arith.constant dense<0.000000e+00> : vector<16xf32>
    %reduce_sum3A_504 = vector.multi_reduction <add>, %get3A_502, %reduce_sum3A_503 [1] : vector<16x640xf32> to vector<16xf32>
    %broadcast_in_dim3A_505 = vector.shape_cast %reduce_sum3A_504 : vector<16xf32> to vector<16x1xf32>
    %eq3A_506 = arith.cmpi eq, %get3A_497, %get3A_499 : i32
    %eq3A_507 = vector.broadcast %get3A_497 : i32 to vector<1x100xi32>
    %eq3A_508 = arith.cmpi eq, %iota3A, %eq3A_507 : vector<1x100xi32>
    %convert_element_type3A_509 = arith.extui %eq3A_508 : vector<1x100xi1> to vector<1x100xi32>
    %convert_element_type3A_510 = arith.sitofp %convert_element_type3A_509 : vector<1x100xi32> to vector<1x100xf32>
    %broadcast_in_dim3A_511 = arith.constant 0.000000e+00 : f32
    %broadcast_in_dim3A_512 = vector.broadcast %broadcast_in_dim3A_511 : f32 to vector<1x100xf32>
    %select_n3A_513 = arith.select %eq3A_506, %convert_element_type3A_510, %broadcast_in_dim3A_512 : vector<1x100xf32>
    %mul3A_514 = vector.broadcast %broadcast_in_dim3A_505 : vector<16x1xf32> to vector<16x100xf32>
    %mul3A_515 = vector.broadcast %select_n3A_513 : vector<1x100xf32> to vector<16x100xf32>
    %mul3A_516 = arith.mulf %mul3A_514, %mul3A_515 : vector<16x100xf32>
    %add3A_517 = arith.addf %add3A_491, %mul3A_516 : vector<16x100xf32>
    %mul3A_518 = arith.constant 100 : i32
    %mul3A_519 = arith.muli %arg0, %mul3A_518 : i32
    %add3A_520 = arith.constant 20 : i32
    %add3A_521 = arith.addi %mul3A_519, %add3A_520 : i32
    %get3A_522 = arith.index_cast %add3A_521 : i32 to index
    %get3A_523 = memref.load %arg1[%get3A_522] : memref<2500xi32, #tpu.memory_space<smem>>
    %get3A_524 = arith.index_cast %add3A_521 : i32 to index
    %get3A_525 = memref.load %arg2[%get3A_524] : memref<2500xi32, #tpu.memory_space<smem>>
    %get3A_526 = arith.constant 0 : index
    %get3A_527 = arith.constant 12800 : index
    %get3A_528 = vector.load %arg3[%get3A_526, %get3A_527] : memref<16x64000xf32, #tpu.memory_space<vmem>>, vector<16x640xf32>
    %reduce_sum3A_529 = arith.constant dense<0.000000e+00> : vector<16xf32>
    %reduce_sum3A_530 = vector.multi_reduction <add>, %get3A_528, %reduce_sum3A_529 [1] : vector<16x640xf32> to vector<16xf32>
    %broadcast_in_dim3A_531 = vector.shape_cast %reduce_sum3A_530 : vector<16xf32> to vector<16x1xf32>
    %eq3A_532 = arith.cmpi eq, %get3A_523, %get3A_525 : i32
    %eq3A_533 = vector.broadcast %get3A_523 : i32 to vector<1x100xi32>
    %eq3A_534 = arith.cmpi eq, %iota3A, %eq3A_533 : vector<1x100xi32>
    %convert_element_type3A_535 = arith.extui %eq3A_534 : vector<1x100xi1> to vector<1x100xi32>
    %convert_element_type3A_536 = arith.sitofp %convert_element_type3A_535 : vector<1x100xi32> to vector<1x100xf32>
    %broadcast_in_dim3A_537 = arith.constant 0.000000e+00 : f32
    %broadcast_in_dim3A_538 = vector.broadcast %broadcast_in_dim3A_537 : f32 to vector<1x100xf32>
    %select_n3A_539 = arith.select %eq3A_532, %convert_element_type3A_536, %broadcast_in_dim3A_538 : vector<1x100xf32>
    %mul3A_540 = vector.broadcast %broadcast_in_dim3A_531 : vector<16x1xf32> to vector<16x100xf32>
    %mul3A_541 = vector.broadcast %select_n3A_539 : vector<1x100xf32> to vector<16x100xf32>
    %mul3A_542 = arith.mulf %mul3A_540, %mul3A_541 : vector<16x100xf32>
    %add3A_543 = arith.addf %add3A_517, %mul3A_542 : vector<16x100xf32>
    %mul3A_544 = arith.constant 100 : i32
    %mul3A_545 = arith.muli %arg0, %mul3A_544 : i32
    %add3A_546 = arith.constant 21 : i32
    %add3A_547 = arith.addi %mul3A_545, %add3A_546 : i32
    %get3A_548 = arith.index_cast %add3A_547 : i32 to index
    %get3A_549 = memref.load %arg1[%get3A_548] : memref<2500xi32, #tpu.memory_space<smem>>
    %get3A_550 = arith.index_cast %add3A_547 : i32 to index
    %get3A_551 = memref.load %arg2[%get3A_550] : memref<2500xi32, #tpu.memory_space<smem>>
    %get3A_552 = arith.constant 0 : index
    %get3A_553 = arith.constant 13440 : index
    %get3A_554 = vector.load %arg3[%get3A_552, %get3A_553] : memref<16x64000xf32, #tpu.memory_space<vmem>>, vector<16x640xf32>
    %reduce_sum3A_555 = arith.constant dense<0.000000e+00> : vector<16xf32>
    %reduce_sum3A_556 = vector.multi_reduction <add>, %get3A_554, %reduce_sum3A_555 [1] : vector<16x640xf32> to vector<16xf32>
    %broadcast_in_dim3A_557 = vector.shape_cast %reduce_sum3A_556 : vector<16xf32> to vector<16x1xf32>
    %eq3A_558 = arith.cmpi eq, %get3A_549, %get3A_551 : i32
    %eq3A_559 = vector.broadcast %get3A_549 : i32 to vector<1x100xi32>
    %eq3A_560 = arith.cmpi eq, %iota3A, %eq3A_559 : vector<1x100xi32>
    %convert_element_type3A_561 = arith.extui %eq3A_560 : vector<1x100xi1> to vector<1x100xi32>
    %convert_element_type3A_562 = arith.sitofp %convert_element_type3A_561 : vector<1x100xi32> to vector<1x100xf32>
    %broadcast_in_dim3A_563 = arith.constant 0.000000e+00 : f32
    %broadcast_in_dim3A_564 = vector.broadcast %broadcast_in_dim3A_563 : f32 to vector<1x100xf32>
    %select_n3A_565 = arith.select %eq3A_558, %convert_element_type3A_562, %broadcast_in_dim3A_564 : vector<1x100xf32>
    %mul3A_566 = vector.broadcast %broadcast_in_dim3A_557 : vector<16x1xf32> to vector<16x100xf32>
    %mul3A_567 = vector.broadcast %select_n3A_565 : vector<1x100xf32> to vector<16x100xf32>
    %mul3A_568 = arith.mulf %mul3A_566, %mul3A_567 : vector<16x100xf32>
    %add3A_569 = arith.addf %add3A_543, %mul3A_568 : vector<16x100xf32>
    %mul3A_570 = arith.constant 100 : i32
    %mul3A_571 = arith.muli %arg0, %mul3A_570 : i32
    %add3A_572 = arith.constant 22 : i32
    %add3A_573 = arith.addi %mul3A_571, %add3A_572 : i32
    %get3A_574 = arith.index_cast %add3A_573 : i32 to index
    %get3A_575 = memref.load %arg1[%get3A_574] : memref<2500xi32, #tpu.memory_space<smem>>
    %get3A_576 = arith.index_cast %add3A_573 : i32 to index
    %get3A_577 = memref.load %arg2[%get3A_576] : memref<2500xi32, #tpu.memory_space<smem>>
    %get3A_578 = arith.constant 0 : index
    %get3A_579 = arith.constant 14080 : index
    %get3A_580 = vector.load %arg3[%get3A_578, %get3A_579] : memref<16x64000xf32, #tpu.memory_space<vmem>>, vector<16x640xf32>
    %reduce_sum3A_581 = arith.constant dense<0.000000e+00> : vector<16xf32>
    %reduce_sum3A_582 = vector.multi_reduction <add>, %get3A_580, %reduce_sum3A_581 [1] : vector<16x640xf32> to vector<16xf32>
    %broadcast_in_dim3A_583 = vector.shape_cast %reduce_sum3A_582 : vector<16xf32> to vector<16x1xf32>
    %eq3A_584 = arith.cmpi eq, %get3A_575, %get3A_577 : i32
    %eq3A_585 = vector.broadcast %get3A_575 : i32 to vector<1x100xi32>
    %eq3A_586 = arith.cmpi eq, %iota3A, %eq3A_585 : vector<1x100xi32>
    %convert_element_type3A_587 = arith.extui %eq3A_586 : vector<1x100xi1> to vector<1x100xi32>
    %convert_element_type3A_588 = arith.sitofp %convert_element_type3A_587 : vector<1x100xi32> to vector<1x100xf32>
    %broadcast_in_dim3A_589 = arith.constant 0.000000e+00 : f32
    %broadcast_in_dim3A_590 = vector.broadcast %broadcast_in_dim3A_589 : f32 to vector<1x100xf32>
    %select_n3A_591 = arith.select %eq3A_584, %convert_element_type3A_588, %broadcast_in_dim3A_590 : vector<1x100xf32>
    %mul3A_592 = vector.broadcast %broadcast_in_dim3A_583 : vector<16x1xf32> to vector<16x100xf32>
    %mul3A_593 = vector.broadcast %select_n3A_591 : vector<1x100xf32> to vector<16x100xf32>
    %mul3A_594 = arith.mulf %mul3A_592, %mul3A_593 : vector<16x100xf32>
    %add3A_595 = arith.addf %add3A_569, %mul3A_594 : vector<16x100xf32>
    %mul3A_596 = arith.constant 100 : i32
    %mul3A_597 = arith.muli %arg0, %mul3A_596 : i32
    %add3A_598 = arith.constant 23 : i32
    %add3A_599 = arith.addi %mul3A_597, %add3A_598 : i32
    %get3A_600 = arith.index_cast %add3A_599 : i32 to index
    %get3A_601 = memref.load %arg1[%get3A_600] : memref<2500xi32, #tpu.memory_space<smem>>
    %get3A_602 = arith.index_cast %add3A_599 : i32 to index
    %get3A_603 = memref.load %arg2[%get3A_602] : memref<2500xi32, #tpu.memory_space<smem>>
    %get3A_604 = arith.constant 0 : index
    %get3A_605 = arith.constant 14720 : index
    %get3A_606 = vector.load %arg3[%get3A_604, %get3A_605] : memref<16x64000xf32, #tpu.memory_space<vmem>>, vector<16x640xf32>
    %reduce_sum3A_607 = arith.constant dense<0.000000e+00> : vector<16xf32>
    %reduce_sum3A_608 = vector.multi_reduction <add>, %get3A_606, %reduce_sum3A_607 [1] : vector<16x640xf32> to vector<16xf32>
    %broadcast_in_dim3A_609 = vector.shape_cast %reduce_sum3A_608 : vector<16xf32> to vector<16x1xf32>
    %eq3A_610 = arith.cmpi eq, %get3A_601, %get3A_603 : i32
    %eq3A_611 = vector.broadcast %get3A_601 : i32 to vector<1x100xi32>
    %eq3A_612 = arith.cmpi eq, %iota3A, %eq3A_611 : vector<1x100xi32>
    %convert_element_type3A_613 = arith.extui %eq3A_612 : vector<1x100xi1> to vector<1x100xi32>
    %convert_element_type3A_614 = arith.sitofp %convert_element_type3A_613 : vector<1x100xi32> to vector<1x100xf32>
    %broadcast_in_dim3A_615 = arith.constant 0.000000e+00 : f32
    %broadcast_in_dim3A_616 = vector.broadcast %broadcast_in_dim3A_615 : f32 to vector<1x100xf32>
    %select_n3A_617 = arith.select %eq3A_610, %convert_element_type3A_614, %broadcast_in_dim3A_616 : vector<1x100xf32>
    %mul3A_618 = vector.broadcast %broadcast_in_dim3A_609 : vector<16x1xf32> to vector<16x100xf32>
    %mul3A_619 = vector.broadcast %select_n3A_617 : vector<1x100xf32> to vector<16x100xf32>
    %mul3A_620 = arith.mulf %mul3A_618, %mul3A_619 : vector<16x100xf32>
    %add3A_621 = arith.addf %add3A_595, %mul3A_620 : vector<16x100xf32>
    %mul3A_622 = arith.constant 100 : i32
    %mul3A_623 = arith.muli %arg0, %mul3A_622 : i32
    %add3A_624 = arith.constant 24 : i32
    %add3A_625 = arith.addi %mul3A_623, %add3A_624 : i32
    %get3A_626 = arith.index_cast %add3A_625 : i32 to index
    %get3A_627 = memref.load %arg1[%get3A_626] : memref<2500xi32, #tpu.memory_space<smem>>
    %get3A_628 = arith.index_cast %add3A_625 : i32 to index
    %get3A_629 = memref.load %arg2[%get3A_628] : memref<2500xi32, #tpu.memory_space<smem>>
    %get3A_630 = arith.constant 0 : index
    %get3A_631 = arith.constant 15360 : index
    %get3A_632 = vector.load %arg3[%get3A_630, %get3A_631] : memref<16x64000xf32, #tpu.memory_space<vmem>>, vector<16x640xf32>
    %reduce_sum3A_633 = arith.constant dense<0.000000e+00> : vector<16xf32>
    %reduce_sum3A_634 = vector.multi_reduction <add>, %get3A_632, %reduce_sum3A_633 [1] : vector<16x640xf32> to vector<16xf32>
    %broadcast_in_dim3A_635 = vector.shape_cast %reduce_sum3A_634 : vector<16xf32> to vector<16x1xf32>
    %eq3A_636 = arith.cmpi eq, %get3A_627, %get3A_629 : i32
    %eq3A_637 = vector.broadcast %get3A_627 : i32 to vector<1x100xi32>
    %eq3A_638 = arith.cmpi eq, %iota3A, %eq3A_637 : vector<1x100xi32>
    %convert_element_type3A_639 = arith.extui %eq3A_638 : vector<1x100xi1> to vector<1x100xi32>
    %convert_element_type3A_640 = arith.sitofp %convert_element_type3A_639 : vector<1x100xi32> to vector<1x100xf32>
    %broadcast_in_dim3A_641 = arith.constant 0.000000e+00 : f32
    %broadcast_in_dim3A_642 = vector.broadcast %broadcast_in_dim3A_641 : f32 to vector<1x100xf32>
    %select_n3A_643 = arith.select %eq3A_636, %convert_element_type3A_640, %broadcast_in_dim3A_642 : vector<1x100xf32>
    %mul3A_644 = vector.broadcast %broadcast_in_dim3A_635 : vector<16x1xf32> to vector<16x100xf32>
    %mul3A_645 = vector.broadcast %select_n3A_643 : vector<1x100xf32> to vector<16x100xf32>
    %mul3A_646 = arith.mulf %mul3A_644, %mul3A_645 : vector<16x100xf32>
    %add3A_647 = arith.addf %add3A_621, %mul3A_646 : vector<16x100xf32>
    %mul3A_648 = arith.constant 100 : i32
    %mul3A_649 = arith.muli %arg0, %mul3A_648 : i32
    %add3A_650 = arith.constant 25 : i32
    %add3A_651 = arith.addi %mul3A_649, %add3A_650 : i32
    %get3A_652 = arith.index_cast %add3A_651 : i32 to index
    %get3A_653 = memref.load %arg1[%get3A_652] : memref<2500xi32, #tpu.memory_space<smem>>
    %get3A_654 = arith.index_cast %add3A_651 : i32 to index
    %get3A_655 = memref.load %arg2[%get3A_654] : memref<2500xi32, #tpu.memory_space<smem>>
    %get3A_656 = arith.constant 0 : index
    %get3A_657 = arith.constant 16000 : index
    %get3A_658 = vector.load %arg3[%get3A_656, %get3A_657] : memref<16x64000xf32, #tpu.memory_space<vmem>>, vector<16x640xf32>
    %reduce_sum3A_659 = arith.constant dense<0.000000e+00> : vector<16xf32>
    %reduce_sum3A_660 = vector.multi_reduction <add>, %get3A_658, %reduce_sum3A_659 [1] : vector<16x640xf32> to vector<16xf32>
    %broadcast_in_dim3A_661 = vector.shape_cast %reduce_sum3A_660 : vector<16xf32> to vector<16x1xf32>
    %eq3A_662 = arith.cmpi eq, %get3A_653, %get3A_655 : i32
    %eq3A_663 = vector.broadcast %get3A_653 : i32 to vector<1x100xi32>
    %eq3A_664 = arith.cmpi eq, %iota3A, %eq3A_663 : vector<1x100xi32>
    %convert_element_type3A_665 = arith.extui %eq3A_664 : vector<1x100xi1> to vector<1x100xi32>
    %convert_element_type3A_666 = arith.sitofp %convert_element_type3A_665 : vector<1x100xi32> to vector<1x100xf32>
    %broadcast_in_dim3A_667 = arith.constant 0.000000e+00 : f32
    %broadcast_in_dim3A_668 = vector.broadcast %broadcast_in_dim3A_667 : f32 to vector<1x100xf32>
    %select_n3A_669 = arith.select %eq3A_662, %convert_element_type3A_666, %broadcast_in_dim3A_668 : vector<1x100xf32>
    %mul3A_670 = vector.broadcast %broadcast_in_dim3A_661 : vector<16x1xf32> to vector<16x100xf32>
    %mul3A_671 = vector.broadcast %select_n3A_669 : vector<1x100xf32> to vector<16x100xf32>
    %mul3A_672 = arith.mulf %mul3A_670, %mul3A_671 : vector<16x100xf32>
    %add3A_673 = arith.addf %add3A_647, %mul3A_672 : vector<16x100xf32>
    %mul3A_674 = arith.constant 100 : i32
    %mul3A_675 = arith.muli %arg0, %mul3A_674 : i32
    %add3A_676 = arith.constant 26 : i32
    %add3A_677 = arith.addi %mul3A_675, %add3A_676 : i32
    %get3A_678 = arith.index_cast %add3A_677 : i32 to index
    %get3A_679 = memref.load %arg1[%get3A_678] : memref<2500xi32, #tpu.memory_space<smem>>
    %get3A_680 = arith.index_cast %add3A_677 : i32 to index
    %get3A_681 = memref.load %arg2[%get3A_680] : memref<2500xi32, #tpu.memory_space<smem>>
    %get3A_682 = arith.constant 0 : index
    %get3A_683 = arith.constant 16640 : index
    %get3A_684 = vector.load %arg3[%get3A_682, %get3A_683] : memref<16x64000xf32, #tpu.memory_space<vmem>>, vector<16x640xf32>
    %reduce_sum3A_685 = arith.constant dense<0.000000e+00> : vector<16xf32>
    %reduce_sum3A_686 = vector.multi_reduction <add>, %get3A_684, %reduce_sum3A_685 [1] : vector<16x640xf32> to vector<16xf32>
    %broadcast_in_dim3A_687 = vector.shape_cast %reduce_sum3A_686 : vector<16xf32> to vector<16x1xf32>
    %eq3A_688 = arith.cmpi eq, %get3A_679, %get3A_681 : i32
    %eq3A_689 = vector.broadcast %get3A_679 : i32 to vector<1x100xi32>
    %eq3A_690 = arith.cmpi eq, %iota3A, %eq3A_689 : vector<1x100xi32>
    %convert_element_type3A_691 = arith.extui %eq3A_690 : vector<1x100xi1> to vector<1x100xi32>
    %convert_element_type3A_692 = arith.sitofp %convert_element_type3A_691 : vector<1x100xi32> to vector<1x100xf32>
    %broadcast_in_dim3A_693 = arith.constant 0.000000e+00 : f32
    %broadcast_in_dim3A_694 = vector.broadcast %broadcast_in_dim3A_693 : f32 to vector<1x100xf32>
    %select_n3A_695 = arith.select %eq3A_688, %convert_element_type3A_692, %broadcast_in_dim3A_694 : vector<1x100xf32>
    %mul3A_696 = vector.broadcast %broadcast_in_dim3A_687 : vector<16x1xf32> to vector<16x100xf32>
    %mul3A_697 = vector.broadcast %select_n3A_695 : vector<1x100xf32> to vector<16x100xf32>
    %mul3A_698 = arith.mulf %mul3A_696, %mul3A_697 : vector<16x100xf32>
    %add3A_699 = arith.addf %add3A_673, %mul3A_698 : vector<16x100xf32>
    %mul3A_700 = arith.constant 100 : i32
    %mul3A_701 = arith.muli %arg0, %mul3A_700 : i32
    %add3A_702 = arith.constant 27 : i32
    %add3A_703 = arith.addi %mul3A_701, %add3A_702 : i32
    %get3A_704 = arith.index_cast %add3A_703 : i32 to index
    %get3A_705 = memref.load %arg1[%get3A_704] : memref<2500xi32, #tpu.memory_space<smem>>
    %get3A_706 = arith.index_cast %add3A_703 : i32 to index
    %get3A_707 = memref.load %arg2[%get3A_706] : memref<2500xi32, #tpu.memory_space<smem>>
    %get3A_708 = arith.constant 0 : index
    %get3A_709 = arith.constant 17280 : index
    %get3A_710 = vector.load %arg3[%get3A_708, %get3A_709] : memref<16x64000xf32, #tpu.memory_space<vmem>>, vector<16x640xf32>
    %reduce_sum3A_711 = arith.constant dense<0.000000e+00> : vector<16xf32>
    %reduce_sum3A_712 = vector.multi_reduction <add>, %get3A_710, %reduce_sum3A_711 [1] : vector<16x640xf32> to vector<16xf32>
    %broadcast_in_dim3A_713 = vector.shape_cast %reduce_sum3A_712 : vector<16xf32> to vector<16x1xf32>
    %eq3A_714 = arith.cmpi eq, %get3A_705, %get3A_707 : i32
    %eq3A_715 = vector.broadcast %get3A_705 : i32 to vector<1x100xi32>
    %eq3A_716 = arith.cmpi eq, %iota3A, %eq3A_715 : vector<1x100xi32>
    %convert_element_type3A_717 = arith.extui %eq3A_716 : vector<1x100xi1> to vector<1x100xi32>
    %convert_element_type3A_718 = arith.sitofp %convert_element_type3A_717 : vector<1x100xi32> to vector<1x100xf32>
    %broadcast_in_dim3A_719 = arith.constant 0.000000e+00 : f32
    %broadcast_in_dim3A_720 = vector.broadcast %broadcast_in_dim3A_719 : f32 to vector<1x100xf32>
    %select_n3A_721 = arith.select %eq3A_714, %convert_element_type3A_718, %broadcast_in_dim3A_720 : vector<1x100xf32>
    %mul3A_722 = vector.broadcast %broadcast_in_dim3A_713 : vector<16x1xf32> to vector<16x100xf32>
    %mul3A_723 = vector.broadcast %select_n3A_721 : vector<1x100xf32> to vector<16x100xf32>
    %mul3A_724 = arith.mulf %mul3A_722, %mul3A_723 : vector<16x100xf32>
    %add3A_725 = arith.addf %add3A_699, %mul3A_724 : vector<16x100xf32>
    %mul3A_726 = arith.constant 100 : i32
    %mul3A_727 = arith.muli %arg0, %mul3A_726 : i32
    %add3A_728 = arith.constant 28 : i32
    %add3A_729 = arith.addi %mul3A_727, %add3A_728 : i32
    %get3A_730 = arith.index_cast %add3A_729 : i32 to index
    %get3A_731 = memref.load %arg1[%get3A_730] : memref<2500xi32, #tpu.memory_space<smem>>
    %get3A_732 = arith.index_cast %add3A_729 : i32 to index
    %get3A_733 = memref.load %arg2[%get3A_732] : memref<2500xi32, #tpu.memory_space<smem>>
    %get3A_734 = arith.constant 0 : index
    %get3A_735 = arith.constant 17920 : index
    %get3A_736 = vector.load %arg3[%get3A_734, %get3A_735] : memref<16x64000xf32, #tpu.memory_space<vmem>>, vector<16x640xf32>
    %reduce_sum3A_737 = arith.constant dense<0.000000e+00> : vector<16xf32>
    %reduce_sum3A_738 = vector.multi_reduction <add>, %get3A_736, %reduce_sum3A_737 [1] : vector<16x640xf32> to vector<16xf32>
    %broadcast_in_dim3A_739 = vector.shape_cast %reduce_sum3A_738 : vector<16xf32> to vector<16x1xf32>
    %eq3A_740 = arith.cmpi eq, %get3A_731, %get3A_733 : i32
    %eq3A_741 = vector.broadcast %get3A_731 : i32 to vector<1x100xi32>
    %eq3A_742 = arith.cmpi eq, %iota3A, %eq3A_741 : vector<1x100xi32>
    %convert_element_type3A_743 = arith.extui %eq3A_742 : vector<1x100xi1> to vector<1x100xi32>
    %convert_element_type3A_744 = arith.sitofp %convert_element_type3A_743 : vector<1x100xi32> to vector<1x100xf32>
    %broadcast_in_dim3A_745 = arith.constant 0.000000e+00 : f32
    %broadcast_in_dim3A_746 = vector.broadcast %broadcast_in_dim3A_745 : f32 to vector<1x100xf32>
    %select_n3A_747 = arith.select %eq3A_740, %convert_element_type3A_744, %broadcast_in_dim3A_746 : vector<1x100xf32>
    %mul3A_748 = vector.broadcast %broadcast_in_dim3A_739 : vector<16x1xf32> to vector<16x100xf32>
    %mul3A_749 = vector.broadcast %select_n3A_747 : vector<1x100xf32> to vector<16x100xf32>
    %mul3A_750 = arith.mulf %mul3A_748, %mul3A_749 : vector<16x100xf32>
    %add3A_751 = arith.addf %add3A_725, %mul3A_750 : vector<16x100xf32>
    %mul3A_752 = arith.constant 100 : i32
    %mul3A_753 = arith.muli %arg0, %mul3A_752 : i32
    %add3A_754 = arith.constant 29 : i32
    %add3A_755 = arith.addi %mul3A_753, %add3A_754 : i32
    %get3A_756 = arith.index_cast %add3A_755 : i32 to index
    %get3A_757 = memref.load %arg1[%get3A_756] : memref<2500xi32, #tpu.memory_space<smem>>
    %get3A_758 = arith.index_cast %add3A_755 : i32 to index
    %get3A_759 = memref.load %arg2[%get3A_758] : memref<2500xi32, #tpu.memory_space<smem>>
    %get3A_760 = arith.constant 0 : index
    %get3A_761 = arith.constant 18560 : index
    %get3A_762 = vector.load %arg3[%get3A_760, %get3A_761] : memref<16x64000xf32, #tpu.memory_space<vmem>>, vector<16x640xf32>
    %reduce_sum3A_763 = arith.constant dense<0.000000e+00> : vector<16xf32>
    %reduce_sum3A_764 = vector.multi_reduction <add>, %get3A_762, %reduce_sum3A_763 [1] : vector<16x640xf32> to vector<16xf32>
    %broadcast_in_dim3A_765 = vector.shape_cast %reduce_sum3A_764 : vector<16xf32> to vector<16x1xf32>
    %eq3A_766 = arith.cmpi eq, %get3A_757, %get3A_759 : i32
    %eq3A_767 = vector.broadcast %get3A_757 : i32 to vector<1x100xi32>
    %eq3A_768 = arith.cmpi eq, %iota3A, %eq3A_767 : vector<1x100xi32>
    %convert_element_type3A_769 = arith.extui %eq3A_768 : vector<1x100xi1> to vector<1x100xi32>
    %convert_element_type3A_770 = arith.sitofp %convert_element_type3A_769 : vector<1x100xi32> to vector<1x100xf32>
    %broadcast_in_dim3A_771 = arith.constant 0.000000e+00 : f32
    %broadcast_in_dim3A_772 = vector.broadcast %broadcast_in_dim3A_771 : f32 to vector<1x100xf32>
    %select_n3A_773 = arith.select %eq3A_766, %convert_element_type3A_770, %broadcast_in_dim3A_772 : vector<1x100xf32>
    %mul3A_774 = vector.broadcast %broadcast_in_dim3A_765 : vector<16x1xf32> to vector<16x100xf32>
    %mul3A_775 = vector.broadcast %select_n3A_773 : vector<1x100xf32> to vector<16x100xf32>
    %mul3A_776 = arith.mulf %mul3A_774, %mul3A_775 : vector<16x100xf32>
    %add3A_777 = arith.addf %add3A_751, %mul3A_776 : vector<16x100xf32>
    %mul3A_778 = arith.constant 100 : i32
    %mul3A_779 = arith.muli %arg0, %mul3A_778 : i32
    %add3A_780 = arith.constant 30 : i32
    %add3A_781 = arith.addi %mul3A_779, %add3A_780 : i32
    %get3A_782 = arith.index_cast %add3A_781 : i32 to index
    %get3A_783 = memref.load %arg1[%get3A_782] : memref<2500xi32, #tpu.memory_space<smem>>
    %get3A_784 = arith.index_cast %add3A_781 : i32 to index
    %get3A_785 = memref.load %arg2[%get3A_784] : memref<2500xi32, #tpu.memory_space<smem>>
    %get3A_786 = arith.constant 0 : index
    %get3A_787 = arith.constant 19200 : index
    %get3A_788 = vector.load %arg3[%get3A_786, %get3A_787] : memref<16x64000xf32, #tpu.memory_space<vmem>>, vector<16x640xf32>
    %reduce_sum3A_789 = arith.constant dense<0.000000e+00> : vector<16xf32>
    %reduce_sum3A_790 = vector.multi_reduction <add>, %get3A_788, %reduce_sum3A_789 [1] : vector<16x640xf32> to vector<16xf32>
    %broadcast_in_dim3A_791 = vector.shape_cast %reduce_sum3A_790 : vector<16xf32> to vector<16x1xf32>
    %eq3A_792 = arith.cmpi eq, %get3A_783, %get3A_785 : i32
    %eq3A_793 = vector.broadcast %get3A_783 : i32 to vector<1x100xi32>
    %eq3A_794 = arith.cmpi eq, %iota3A, %eq3A_793 : vector<1x100xi32>
    %convert_element_type3A_795 = arith.extui %eq3A_794 : vector<1x100xi1> to vector<1x100xi32>
    %convert_element_type3A_796 = arith.sitofp %convert_element_type3A_795 : vector<1x100xi32> to vector<1x100xf32>
    %broadcast_in_dim3A_797 = arith.constant 0.000000e+00 : f32
    %broadcast_in_dim3A_798 = vector.broadcast %broadcast_in_dim3A_797 : f32 to vector<1x100xf32>
    %select_n3A_799 = arith.select %eq3A_792, %convert_element_type3A_796, %broadcast_in_dim3A_798 : vector<1x100xf32>
    %mul3A_800 = vector.broadcast %broadcast_in_dim3A_791 : vector<16x1xf32> to vector<16x100xf32>
    %mul3A_801 = vector.broadcast %select_n3A_799 : vector<1x100xf32> to vector<16x100xf32>
    %mul3A_802 = arith.mulf %mul3A_800, %mul3A_801 : vector<16x100xf32>
    %add3A_803 = arith.addf %add3A_777, %mul3A_802 : vector<16x100xf32>
    %mul3A_804 = arith.constant 100 : i32
    %mul3A_805 = arith.muli %arg0, %mul3A_804 : i32
    %add3A_806 = arith.constant 31 : i32
    %add3A_807 = arith.addi %mul3A_805, %add3A_806 : i32
    %get3A_808 = arith.index_cast %add3A_807 : i32 to index
    %get3A_809 = memref.load %arg1[%get3A_808] : memref<2500xi32, #tpu.memory_space<smem>>
    %get3A_810 = arith.index_cast %add3A_807 : i32 to index
    %get3A_811 = memref.load %arg2[%get3A_810] : memref<2500xi32, #tpu.memory_space<smem>>
    %get3A_812 = arith.constant 0 : index
    %get3A_813 = arith.constant 19840 : index
    %get3A_814 = vector.load %arg3[%get3A_812, %get3A_813] : memref<16x64000xf32, #tpu.memory_space<vmem>>, vector<16x640xf32>
    %reduce_sum3A_815 = arith.constant dense<0.000000e+00> : vector<16xf32>
    %reduce_sum3A_816 = vector.multi_reduction <add>, %get3A_814, %reduce_sum3A_815 [1] : vector<16x640xf32> to vector<16xf32>
    %broadcast_in_dim3A_817 = vector.shape_cast %reduce_sum3A_816 : vector<16xf32> to vector<16x1xf32>
    %eq3A_818 = arith.cmpi eq, %get3A_809, %get3A_811 : i32
    %eq3A_819 = vector.broadcast %get3A_809 : i32 to vector<1x100xi32>
    %eq3A_820 = arith.cmpi eq, %iota3A, %eq3A_819 : vector<1x100xi32>
    %convert_element_type3A_821 = arith.extui %eq3A_820 : vector<1x100xi1> to vector<1x100xi32>
    %convert_element_type3A_822 = arith.sitofp %convert_element_type3A_821 : vector<1x100xi32> to vector<1x100xf32>
    %broadcast_in_dim3A_823 = arith.constant 0.000000e+00 : f32
    %broadcast_in_dim3A_824 = vector.broadcast %broadcast_in_dim3A_823 : f32 to vector<1x100xf32>
    %select_n3A_825 = arith.select %eq3A_818, %convert_element_type3A_822, %broadcast_in_dim3A_824 : vector<1x100xf32>
    %mul3A_826 = vector.broadcast %broadcast_in_dim3A_817 : vector<16x1xf32> to vector<16x100xf32>
    %mul3A_827 = vector.broadcast %select_n3A_825 : vector<1x100xf32> to vector<16x100xf32>
    %mul3A_828 = arith.mulf %mul3A_826, %mul3A_827 : vector<16x100xf32>
    %add3A_829 = arith.addf %add3A_803, %mul3A_828 : vector<16x100xf32>
    %mul3A_830 = arith.constant 100 : i32
    %mul3A_831 = arith.muli %arg0, %mul3A_830 : i32
    %add3A_832 = arith.constant 32 : i32
    %add3A_833 = arith.addi %mul3A_831, %add3A_832 : i32
    %get3A_834 = arith.index_cast %add3A_833 : i32 to index
    %get3A_835 = memref.load %arg1[%get3A_834] : memref<2500xi32, #tpu.memory_space<smem>>
    %get3A_836 = arith.index_cast %add3A_833 : i32 to index
    %get3A_837 = memref.load %arg2[%get3A_836] : memref<2500xi32, #tpu.memory_space<smem>>
    %get3A_838 = arith.constant 0 : index
    %get3A_839 = arith.constant 20480 : index
    %get3A_840 = vector.load %arg3[%get3A_838, %get3A_839] : memref<16x64000xf32, #tpu.memory_space<vmem>>, vector<16x640xf32>
    %reduce_sum3A_841 = arith.constant dense<0.000000e+00> : vector<16xf32>
    %reduce_sum3A_842 = vector.multi_reduction <add>, %get3A_840, %reduce_sum3A_841 [1] : vector<16x640xf32> to vector<16xf32>
    %broadcast_in_dim3A_843 = vector.shape_cast %reduce_sum3A_842 : vector<16xf32> to vector<16x1xf32>
    %eq3A_844 = arith.cmpi eq, %get3A_835, %get3A_837 : i32
    %eq3A_845 = vector.broadcast %get3A_835 : i32 to vector<1x100xi32>
    %eq3A_846 = arith.cmpi eq, %iota3A, %eq3A_845 : vector<1x100xi32>
    %convert_element_type3A_847 = arith.extui %eq3A_846 : vector<1x100xi1> to vector<1x100xi32>
    %convert_element_type3A_848 = arith.sitofp %convert_element_type3A_847 : vector<1x100xi32> to vector<1x100xf32>
    %broadcast_in_dim3A_849 = arith.constant 0.000000e+00 : f32
    %broadcast_in_dim3A_850 = vector.broadcast %broadcast_in_dim3A_849 : f32 to vector<1x100xf32>
    %select_n3A_851 = arith.select %eq3A_844, %convert_element_type3A_848, %broadcast_in_dim3A_850 : vector<1x100xf32>
    %mul3A_852 = vector.broadcast %broadcast_in_dim3A_843 : vector<16x1xf32> to vector<16x100xf32>
    %mul3A_853 = vector.broadcast %select_n3A_851 : vector<1x100xf32> to vector<16x100xf32>
    %mul3A_854 = arith.mulf %mul3A_852, %mul3A_853 : vector<16x100xf32>
    %add3A_855 = arith.addf %add3A_829, %mul3A_854 : vector<16x100xf32>
    %mul3A_856 = arith.constant 100 : i32
    %mul3A_857 = arith.muli %arg0, %mul3A_856 : i32
    %add3A_858 = arith.constant 33 : i32
    %add3A_859 = arith.addi %mul3A_857, %add3A_858 : i32
    %get3A_860 = arith.index_cast %add3A_859 : i32 to index
    %get3A_861 = memref.load %arg1[%get3A_860] : memref<2500xi32, #tpu.memory_space<smem>>
    %get3A_862 = arith.index_cast %add3A_859 : i32 to index
    %get3A_863 = memref.load %arg2[%get3A_862] : memref<2500xi32, #tpu.memory_space<smem>>
    %get3A_864 = arith.constant 0 : index
    %get3A_865 = arith.constant 21120 : index
    %get3A_866 = vector.load %arg3[%get3A_864, %get3A_865] : memref<16x64000xf32, #tpu.memory_space<vmem>>, vector<16x640xf32>
    %reduce_sum3A_867 = arith.constant dense<0.000000e+00> : vector<16xf32>
    %reduce_sum3A_868 = vector.multi_reduction <add>, %get3A_866, %reduce_sum3A_867 [1] : vector<16x640xf32> to vector<16xf32>
    %broadcast_in_dim3A_869 = vector.shape_cast %reduce_sum3A_868 : vector<16xf32> to vector<16x1xf32>
    %eq3A_870 = arith.cmpi eq, %get3A_861, %get3A_863 : i32
    %eq3A_871 = vector.broadcast %get3A_861 : i32 to vector<1x100xi32>
    %eq3A_872 = arith.cmpi eq, %iota3A, %eq3A_871 : vector<1x100xi32>
    %convert_element_type3A_873 = arith.extui %eq3A_872 : vector<1x100xi1> to vector<1x100xi32>
    %convert_element_type3A_874 = arith.sitofp %convert_element_type3A_873 : vector<1x100xi32> to vector<1x100xf32>
    %broadcast_in_dim3A_875 = arith.constant 0.000000e+00 : f32
    %broadcast_in_dim3A_876 = vector.broadcast %broadcast_in_dim3A_875 : f32 to vector<1x100xf32>
    %select_n3A_877 = arith.select %eq3A_870, %convert_element_type3A_874, %broadcast_in_dim3A_876 : vector<1x100xf32>
    %mul3A_878 = vector.broadcast %broadcast_in_dim3A_869 : vector<16x1xf32> to vector<16x100xf32>
    %mul3A_879 = vector.broadcast %select_n3A_877 : vector<1x100xf32> to vector<16x100xf32>
    %mul3A_880 = arith.mulf %mul3A_878, %mul3A_879 : vector<16x100xf32>
    %add3A_881 = arith.addf %add3A_855, %mul3A_880 : vector<16x100xf32>
    %mul3A_882 = arith.constant 100 : i32
    %mul3A_883 = arith.muli %arg0, %mul3A_882 : i32
    %add3A_884 = arith.constant 34 : i32
    %add3A_885 = arith.addi %mul3A_883, %add3A_884 : i32
    %get3A_886 = arith.index_cast %add3A_885 : i32 to index
    %get3A_887 = memref.load %arg1[%get3A_886] : memref<2500xi32, #tpu.memory_space<smem>>
    %get3A_888 = arith.index_cast %add3A_885 : i32 to index
    %get3A_889 = memref.load %arg2[%get3A_888] : memref<2500xi32, #tpu.memory_space<smem>>
    %get3A_890 = arith.constant 0 : index
    %get3A_891 = arith.constant 21760 : index
    %get3A_892 = vector.load %arg3[%get3A_890, %get3A_891] : memref<16x64000xf32, #tpu.memory_space<vmem>>, vector<16x640xf32>
    %reduce_sum3A_893 = arith.constant dense<0.000000e+00> : vector<16xf32>
    %reduce_sum3A_894 = vector.multi_reduction <add>, %get3A_892, %reduce_sum3A_893 [1] : vector<16x640xf32> to vector<16xf32>
    %broadcast_in_dim3A_895 = vector.shape_cast %reduce_sum3A_894 : vector<16xf32> to vector<16x1xf32>
    %eq3A_896 = arith.cmpi eq, %get3A_887, %get3A_889 : i32
    %eq3A_897 = vector.broadcast %get3A_887 : i32 to vector<1x100xi32>
    %eq3A_898 = arith.cmpi eq, %iota3A, %eq3A_897 : vector<1x100xi32>
    %convert_element_type3A_899 = arith.extui %eq3A_898 : vector<1x100xi1> to vector<1x100xi32>
    %convert_element_type3A_900 = arith.sitofp %convert_element_type3A_899 : vector<1x100xi32> to vector<1x100xf32>
    %broadcast_in_dim3A_901 = arith.constant 0.000000e+00 : f32
    %broadcast_in_dim3A_902 = vector.broadcast %broadcast_in_dim3A_901 : f32 to vector<1x100xf32>
    %select_n3A_903 = arith.select %eq3A_896, %convert_element_type3A_900, %broadcast_in_dim3A_902 : vector<1x100xf32>
    %mul3A_904 = vector.broadcast %broadcast_in_dim3A_895 : vector<16x1xf32> to vector<16x100xf32>
    %mul3A_905 = vector.broadcast %select_n3A_903 : vector<1x100xf32> to vector<16x100xf32>
    %mul3A_906 = arith.mulf %mul3A_904, %mul3A_905 : vector<16x100xf32>
    %add3A_907 = arith.addf %add3A_881, %mul3A_906 : vector<16x100xf32>
    %mul3A_908 = arith.constant 100 : i32
    %mul3A_909 = arith.muli %arg0, %mul3A_908 : i32
    %add3A_910 = arith.constant 35 : i32
    %add3A_911 = arith.addi %mul3A_909, %add3A_910 : i32
    %get3A_912 = arith.index_cast %add3A_911 : i32 to index
    %get3A_913 = memref.load %arg1[%get3A_912] : memref<2500xi32, #tpu.memory_space<smem>>
    %get3A_914 = arith.index_cast %add3A_911 : i32 to index
    %get3A_915 = memref.load %arg2[%get3A_914] : memref<2500xi32, #tpu.memory_space<smem>>
    %get3A_916 = arith.constant 0 : index
    %get3A_917 = arith.constant 22400 : index
    %get3A_918 = vector.load %arg3[%get3A_916, %get3A_917] : memref<16x64000xf32, #tpu.memory_space<vmem>>, vector<16x640xf32>
    %reduce_sum3A_919 = arith.constant dense<0.000000e+00> : vector<16xf32>
    %reduce_sum3A_920 = vector.multi_reduction <add>, %get3A_918, %reduce_sum3A_919 [1] : vector<16x640xf32> to vector<16xf32>
    %broadcast_in_dim3A_921 = vector.shape_cast %reduce_sum3A_920 : vector<16xf32> to vector<16x1xf32>
    %eq3A_922 = arith.cmpi eq, %get3A_913, %get3A_915 : i32
    %eq3A_923 = vector.broadcast %get3A_913 : i32 to vector<1x100xi32>
    %eq3A_924 = arith.cmpi eq, %iota3A, %eq3A_923 : vector<1x100xi32>
    %convert_element_type3A_925 = arith.extui %eq3A_924 : vector<1x100xi1> to vector<1x100xi32>
    %convert_element_type3A_926 = arith.sitofp %convert_element_type3A_925 : vector<1x100xi32> to vector<1x100xf32>
    %broadcast_in_dim3A_927 = arith.constant 0.000000e+00 : f32
    %broadcast_in_dim3A_928 = vector.broadcast %broadcast_in_dim3A_927 : f32 to vector<1x100xf32>
    %select_n3A_929 = arith.select %eq3A_922, %convert_element_type3A_926, %broadcast_in_dim3A_928 : vector<1x100xf32>
    %mul3A_930 = vector.broadcast %broadcast_in_dim3A_921 : vector<16x1xf32> to vector<16x100xf32>
    %mul3A_931 = vector.broadcast %select_n3A_929 : vector<1x100xf32> to vector<16x100xf32>
    %mul3A_932 = arith.mulf %mul3A_930, %mul3A_931 : vector<16x100xf32>
    %add3A_933 = arith.addf %add3A_907, %mul3A_932 : vector<16x100xf32>
    %mul3A_934 = arith.constant 100 : i32
    %mul3A_935 = arith.muli %arg0, %mul3A_934 : i32
    %add3A_936 = arith.constant 36 : i32
    %add3A_937 = arith.addi %mul3A_935, %add3A_936 : i32
    %get3A_938 = arith.index_cast %add3A_937 : i32 to index
    %get3A_939 = memref.load %arg1[%get3A_938] : memref<2500xi32, #tpu.memory_space<smem>>
    %get3A_940 = arith.index_cast %add3A_937 : i32 to index
    %get3A_941 = memref.load %arg2[%get3A_940] : memref<2500xi32, #tpu.memory_space<smem>>
    %get3A_942 = arith.constant 0 : index
    %get3A_943 = arith.constant 23040 : index
    %get3A_944 = vector.load %arg3[%get3A_942, %get3A_943] : memref<16x64000xf32, #tpu.memory_space<vmem>>, vector<16x640xf32>
    %reduce_sum3A_945 = arith.constant dense<0.000000e+00> : vector<16xf32>
    %reduce_sum3A_946 = vector.multi_reduction <add>, %get3A_944, %reduce_sum3A_945 [1] : vector<16x640xf32> to vector<16xf32>
    %broadcast_in_dim3A_947 = vector.shape_cast %reduce_sum3A_946 : vector<16xf32> to vector<16x1xf32>
    %eq3A_948 = arith.cmpi eq, %get3A_939, %get3A_941 : i32
    %eq3A_949 = vector.broadcast %get3A_939 : i32 to vector<1x100xi32>
    %eq3A_950 = arith.cmpi eq, %iota3A, %eq3A_949 : vector<1x100xi32>
    %convert_element_type3A_951 = arith.extui %eq3A_950 : vector<1x100xi1> to vector<1x100xi32>
    %convert_element_type3A_952 = arith.sitofp %convert_element_type3A_951 : vector<1x100xi32> to vector<1x100xf32>
    %broadcast_in_dim3A_953 = arith.constant 0.000000e+00 : f32
    %broadcast_in_dim3A_954 = vector.broadcast %broadcast_in_dim3A_953 : f32 to vector<1x100xf32>
    %select_n3A_955 = arith.select %eq3A_948, %convert_element_type3A_952, %broadcast_in_dim3A_954 : vector<1x100xf32>
    %mul3A_956 = vector.broadcast %broadcast_in_dim3A_947 : vector<16x1xf32> to vector<16x100xf32>
    %mul3A_957 = vector.broadcast %select_n3A_955 : vector<1x100xf32> to vector<16x100xf32>
    %mul3A_958 = arith.mulf %mul3A_956, %mul3A_957 : vector<16x100xf32>
    %add3A_959 = arith.addf %add3A_933, %mul3A_958 : vector<16x100xf32>
    %mul3A_960 = arith.constant 100 : i32
    %mul3A_961 = arith.muli %arg0, %mul3A_960 : i32
    %add3A_962 = arith.constant 37 : i32
    %add3A_963 = arith.addi %mul3A_961, %add3A_962 : i32
    %get3A_964 = arith.index_cast %add3A_963 : i32 to index
    %get3A_965 = memref.load %arg1[%get3A_964] : memref<2500xi32, #tpu.memory_space<smem>>
    %get3A_966 = arith.index_cast %add3A_963 : i32 to index
    %get3A_967 = memref.load %arg2[%get3A_966] : memref<2500xi32, #tpu.memory_space<smem>>
    %get3A_968 = arith.constant 0 : index
    %get3A_969 = arith.constant 23680 : index
    %get3A_970 = vector.load %arg3[%get3A_968, %get3A_969] : memref<16x64000xf32, #tpu.memory_space<vmem>>, vector<16x640xf32>
    %reduce_sum3A_971 = arith.constant dense<0.000000e+00> : vector<16xf32>
    %reduce_sum3A_972 = vector.multi_reduction <add>, %get3A_970, %reduce_sum3A_971 [1] : vector<16x640xf32> to vector<16xf32>
    %broadcast_in_dim3A_973 = vector.shape_cast %reduce_sum3A_972 : vector<16xf32> to vector<16x1xf32>
    %eq3A_974 = arith.cmpi eq, %get3A_965, %get3A_967 : i32
    %eq3A_975 = vector.broadcast %get3A_965 : i32 to vector<1x100xi32>
    %eq3A_976 = arith.cmpi eq, %iota3A, %eq3A_975 : vector<1x100xi32>
    %convert_element_type3A_977 = arith.extui %eq3A_976 : vector<1x100xi1> to vector<1x100xi32>
    %convert_element_type3A_978 = arith.sitofp %convert_element_type3A_977 : vector<1x100xi32> to vector<1x100xf32>
    %broadcast_in_dim3A_979 = arith.constant 0.000000e+00 : f32
    %broadcast_in_dim3A_980 = vector.broadcast %broadcast_in_dim3A_979 : f32 to vector<1x100xf32>
    %select_n3A_981 = arith.select %eq3A_974, %convert_element_type3A_978, %broadcast_in_dim3A_980 : vector<1x100xf32>
    %mul3A_982 = vector.broadcast %broadcast_in_dim3A_973 : vector<16x1xf32> to vector<16x100xf32>
    %mul3A_983 = vector.broadcast %select_n3A_981 : vector<1x100xf32> to vector<16x100xf32>
    %mul3A_984 = arith.mulf %mul3A_982, %mul3A_983 : vector<16x100xf32>
    %add3A_985 = arith.addf %add3A_959, %mul3A_984 : vector<16x100xf32>
    %mul3A_986 = arith.constant 100 : i32
    %mul3A_987 = arith.muli %arg0, %mul3A_986 : i32
    %add3A_988 = arith.constant 38 : i32
    %add3A_989 = arith.addi %mul3A_987, %add3A_988 : i32
    %get3A_990 = arith.index_cast %add3A_989 : i32 to index
    %get3A_991 = memref.load %arg1[%get3A_990] : memref<2500xi32, #tpu.memory_space<smem>>
    %get3A_992 = arith.index_cast %add3A_989 : i32 to index
    %get3A_993 = memref.load %arg2[%get3A_992] : memref<2500xi32, #tpu.memory_space<smem>>
    %get3A_994 = arith.constant 0 : index
    %get3A_995 = arith.constant 24320 : index
    %get3A_996 = vector.load %arg3[%get3A_994, %get3A_995] : memref<16x64000xf32, #tpu.memory_space<vmem>>, vector<16x640xf32>
    %reduce_sum3A_997 = arith.constant dense<0.000000e+00> : vector<16xf32>
    %reduce_sum3A_998 = vector.multi_reduction <add>, %get3A_996, %reduce_sum3A_997 [1] : vector<16x640xf32> to vector<16xf32>
    %broadcast_in_dim3A_999 = vector.shape_cast %reduce_sum3A_998 : vector<16xf32> to vector<16x1xf32>
    %eq3A_1000 = arith.cmpi eq, %get3A_991, %get3A_993 : i32
    %eq3A_1001 = vector.broadcast %get3A_991 : i32 to vector<1x100xi32>
    %eq3A_1002 = arith.cmpi eq, %iota3A, %eq3A_1001 : vector<1x100xi32>
    %convert_element_type3A_1003 = arith.extui %eq3A_1002 : vector<1x100xi1> to vector<1x100xi32>
    %convert_element_type3A_1004 = arith.sitofp %convert_element_type3A_1003 : vector<1x100xi32> to vector<1x100xf32>
    %broadcast_in_dim3A_1005 = arith.constant 0.000000e+00 : f32
    %broadcast_in_dim3A_1006 = vector.broadcast %broadcast_in_dim3A_1005 : f32 to vector<1x100xf32>
    %select_n3A_1007 = arith.select %eq3A_1000, %convert_element_type3A_1004, %broadcast_in_dim3A_1006 : vector<1x100xf32>
    %mul3A_1008 = vector.broadcast %broadcast_in_dim3A_999 : vector<16x1xf32> to vector<16x100xf32>
    %mul3A_1009 = vector.broadcast %select_n3A_1007 : vector<1x100xf32> to vector<16x100xf32>
    %mul3A_1010 = arith.mulf %mul3A_1008, %mul3A_1009 : vector<16x100xf32>
    %add3A_1011 = arith.addf %add3A_985, %mul3A_1010 : vector<16x100xf32>
    %mul3A_1012 = arith.constant 100 : i32
    %mul3A_1013 = arith.muli %arg0, %mul3A_1012 : i32
    %add3A_1014 = arith.constant 39 : i32
    %add3A_1015 = arith.addi %mul3A_1013, %add3A_1014 : i32
    %get3A_1016 = arith.index_cast %add3A_1015 : i32 to index
    %get3A_1017 = memref.load %arg1[%get3A_1016] : memref<2500xi32, #tpu.memory_space<smem>>
    %get3A_1018 = arith.index_cast %add3A_1015 : i32 to index
    %get3A_1019 = memref.load %arg2[%get3A_1018] : memref<2500xi32, #tpu.memory_space<smem>>
    %get3A_1020 = arith.constant 0 : index
    %get3A_1021 = arith.constant 24960 : index
    %get3A_1022 = vector.load %arg3[%get3A_1020, %get3A_1021] : memref<16x64000xf32, #tpu.memory_space<vmem>>, vector<16x640xf32>
    %reduce_sum3A_1023 = arith.constant dense<0.000000e+00> : vector<16xf32>
    %reduce_sum3A_1024 = vector.multi_reduction <add>, %get3A_1022, %reduce_sum3A_1023 [1] : vector<16x640xf32> to vector<16xf32>
    %broadcast_in_dim3A_1025 = vector.shape_cast %reduce_sum3A_1024 : vector<16xf32> to vector<16x1xf32>
    %eq3A_1026 = arith.cmpi eq, %get3A_1017, %get3A_1019 : i32
    %eq3A_1027 = vector.broadcast %get3A_1017 : i32 to vector<1x100xi32>
    %eq3A_1028 = arith.cmpi eq, %iota3A, %eq3A_1027 : vector<1x100xi32>
    %convert_element_type3A_1029 = arith.extui %eq3A_1028 : vector<1x100xi1> to vector<1x100xi32>
    %convert_element_type3A_1030 = arith.sitofp %convert_element_type3A_1029 : vector<1x100xi32> to vector<1x100xf32>
    %broadcast_in_dim3A_1031 = arith.constant 0.000000e+00 : f32
    %broadcast_in_dim3A_1032 = vector.broadcast %broadcast_in_dim3A_1031 : f32 to vector<1x100xf32>
    %select_n3A_1033 = arith.select %eq3A_1026, %convert_element_type3A_1030, %broadcast_in_dim3A_1032 : vector<1x100xf32>
    %mul3A_1034 = vector.broadcast %broadcast_in_dim3A_1025 : vector<16x1xf32> to vector<16x100xf32>
    %mul3A_1035 = vector.broadcast %select_n3A_1033 : vector<1x100xf32> to vector<16x100xf32>
    %mul3A_1036 = arith.mulf %mul3A_1034, %mul3A_1035 : vector<16x100xf32>
    %add3A_1037 = arith.addf %add3A_1011, %mul3A_1036 : vector<16x100xf32>
    %mul3A_1038 = arith.constant 100 : i32
    %mul3A_1039 = arith.muli %arg0, %mul3A_1038 : i32
    %add3A_1040 = arith.constant 40 : i32
    %add3A_1041 = arith.addi %mul3A_1039, %add3A_1040 : i32
    %get3A_1042 = arith.index_cast %add3A_1041 : i32 to index
    %get3A_1043 = memref.load %arg1[%get3A_1042] : memref<2500xi32, #tpu.memory_space<smem>>
    %get3A_1044 = arith.index_cast %add3A_1041 : i32 to index
    %get3A_1045 = memref.load %arg2[%get3A_1044] : memref<2500xi32, #tpu.memory_space<smem>>
    %get3A_1046 = arith.constant 0 : index
    %get3A_1047 = arith.constant 25600 : index
    %get3A_1048 = vector.load %arg3[%get3A_1046, %get3A_1047] : memref<16x64000xf32, #tpu.memory_space<vmem>>, vector<16x640xf32>
    %reduce_sum3A_1049 = arith.constant dense<0.000000e+00> : vector<16xf32>
    %reduce_sum3A_1050 = vector.multi_reduction <add>, %get3A_1048, %reduce_sum3A_1049 [1] : vector<16x640xf32> to vector<16xf32>
    %broadcast_in_dim3A_1051 = vector.shape_cast %reduce_sum3A_1050 : vector<16xf32> to vector<16x1xf32>
    %eq3A_1052 = arith.cmpi eq, %get3A_1043, %get3A_1045 : i32
    %eq3A_1053 = vector.broadcast %get3A_1043 : i32 to vector<1x100xi32>
    %eq3A_1054 = arith.cmpi eq, %iota3A, %eq3A_1053 : vector<1x100xi32>
    %convert_element_type3A_1055 = arith.extui %eq3A_1054 : vector<1x100xi1> to vector<1x100xi32>
    %convert_element_type3A_1056 = arith.sitofp %convert_element_type3A_1055 : vector<1x100xi32> to vector<1x100xf32>
    %broadcast_in_dim3A_1057 = arith.constant 0.000000e+00 : f32
    %broadcast_in_dim3A_1058 = vector.broadcast %broadcast_in_dim3A_1057 : f32 to vector<1x100xf32>
    %select_n3A_1059 = arith.select %eq3A_1052, %convert_element_type3A_1056, %broadcast_in_dim3A_1058 : vector<1x100xf32>
    %mul3A_1060 = vector.broadcast %broadcast_in_dim3A_1051 : vector<16x1xf32> to vector<16x100xf32>
    %mul3A_1061 = vector.broadcast %select_n3A_1059 : vector<1x100xf32> to vector<16x100xf32>
    %mul3A_1062 = arith.mulf %mul3A_1060, %mul3A_1061 : vector<16x100xf32>
    %add3A_1063 = arith.addf %add3A_1037, %mul3A_1062 : vector<16x100xf32>
    %mul3A_1064 = arith.constant 100 : i32
    %mul3A_1065 = arith.muli %arg0, %mul3A_1064 : i32
    %add3A_1066 = arith.constant 41 : i32
    %add3A_1067 = arith.addi %mul3A_1065, %add3A_1066 : i32
    %get3A_1068 = arith.index_cast %add3A_1067 : i32 to index
    %get3A_1069 = memref.load %arg1[%get3A_1068] : memref<2500xi32, #tpu.memory_space<smem>>
    %get3A_1070 = arith.index_cast %add3A_1067 : i32 to index
    %get3A_1071 = memref.load %arg2[%get3A_1070] : memref<2500xi32, #tpu.memory_space<smem>>
    %get3A_1072 = arith.constant 0 : index
    %get3A_1073 = arith.constant 26240 : index
    %get3A_1074 = vector.load %arg3[%get3A_1072, %get3A_1073] : memref<16x64000xf32, #tpu.memory_space<vmem>>, vector<16x640xf32>
    %reduce_sum3A_1075 = arith.constant dense<0.000000e+00> : vector<16xf32>
    %reduce_sum3A_1076 = vector.multi_reduction <add>, %get3A_1074, %reduce_sum3A_1075 [1] : vector<16x640xf32> to vector<16xf32>
    %broadcast_in_dim3A_1077 = vector.shape_cast %reduce_sum3A_1076 : vector<16xf32> to vector<16x1xf32>
    %eq3A_1078 = arith.cmpi eq, %get3A_1069, %get3A_1071 : i32
    %eq3A_1079 = vector.broadcast %get3A_1069 : i32 to vector<1x100xi32>
    %eq3A_1080 = arith.cmpi eq, %iota3A, %eq3A_1079 : vector<1x100xi32>
    %convert_element_type3A_1081 = arith.extui %eq3A_1080 : vector<1x100xi1> to vector<1x100xi32>
    %convert_element_type3A_1082 = arith.sitofp %convert_element_type3A_1081 : vector<1x100xi32> to vector<1x100xf32>
    %broadcast_in_dim3A_1083 = arith.constant 0.000000e+00 : f32
    %broadcast_in_dim3A_1084 = vector.broadcast %broadcast_in_dim3A_1083 : f32 to vector<1x100xf32>
    %select_n3A_1085 = arith.select %eq3A_1078, %convert_element_type3A_1082, %broadcast_in_dim3A_1084 : vector<1x100xf32>
    %mul3A_1086 = vector.broadcast %broadcast_in_dim3A_1077 : vector<16x1xf32> to vector<16x100xf32>
    %mul3A_1087 = vector.broadcast %select_n3A_1085 : vector<1x100xf32> to vector<16x100xf32>
    %mul3A_1088 = arith.mulf %mul3A_1086, %mul3A_1087 : vector<16x100xf32>
    %add3A_1089 = arith.addf %add3A_1063, %mul3A_1088 : vector<16x100xf32>
    %mul3A_1090 = arith.constant 100 : i32
    %mul3A_1091 = arith.muli %arg0, %mul3A_1090 : i32
    %add3A_1092 = arith.constant 42 : i32
    %add3A_1093 = arith.addi %mul3A_1091, %add3A_1092 : i32
    %get3A_1094 = arith.index_cast %add3A_1093 : i32 to index
    %get3A_1095 = memref.load %arg1[%get3A_1094] : memref<2500xi32, #tpu.memory_space<smem>>
    %get3A_1096 = arith.index_cast %add3A_1093 : i32 to index
    %get3A_1097 = memref.load %arg2[%get3A_1096] : memref<2500xi32, #tpu.memory_space<smem>>
    %get3A_1098 = arith.constant 0 : index
    %get3A_1099 = arith.constant 26880 : index
    %get3A_1100 = vector.load %arg3[%get3A_1098, %get3A_1099] : memref<16x64000xf32, #tpu.memory_space<vmem>>, vector<16x640xf32>
    %reduce_sum3A_1101 = arith.constant dense<0.000000e+00> : vector<16xf32>
    %reduce_sum3A_1102 = vector.multi_reduction <add>, %get3A_1100, %reduce_sum3A_1101 [1] : vector<16x640xf32> to vector<16xf32>
    %broadcast_in_dim3A_1103 = vector.shape_cast %reduce_sum3A_1102 : vector<16xf32> to vector<16x1xf32>
    %eq3A_1104 = arith.cmpi eq, %get3A_1095, %get3A_1097 : i32
    %eq3A_1105 = vector.broadcast %get3A_1095 : i32 to vector<1x100xi32>
    %eq3A_1106 = arith.cmpi eq, %iota3A, %eq3A_1105 : vector<1x100xi32>
    %convert_element_type3A_1107 = arith.extui %eq3A_1106 : vector<1x100xi1> to vector<1x100xi32>
    %convert_element_type3A_1108 = arith.sitofp %convert_element_type3A_1107 : vector<1x100xi32> to vector<1x100xf32>
    %broadcast_in_dim3A_1109 = arith.constant 0.000000e+00 : f32
    %broadcast_in_dim3A_1110 = vector.broadcast %broadcast_in_dim3A_1109 : f32 to vector<1x100xf32>
    %select_n3A_1111 = arith.select %eq3A_1104, %convert_element_type3A_1108, %broadcast_in_dim3A_1110 : vector<1x100xf32>
    %mul3A_1112 = vector.broadcast %broadcast_in_dim3A_1103 : vector<16x1xf32> to vector<16x100xf32>
    %mul3A_1113 = vector.broadcast %select_n3A_1111 : vector<1x100xf32> to vector<16x100xf32>
    %mul3A_1114 = arith.mulf %mul3A_1112, %mul3A_1113 : vector<16x100xf32>
    %add3A_1115 = arith.addf %add3A_1089, %mul3A_1114 : vector<16x100xf32>
    %mul3A_1116 = arith.constant 100 : i32
    %mul3A_1117 = arith.muli %arg0, %mul3A_1116 : i32
    %add3A_1118 = arith.constant 43 : i32
    %add3A_1119 = arith.addi %mul3A_1117, %add3A_1118 : i32
    %get3A_1120 = arith.index_cast %add3A_1119 : i32 to index
    %get3A_1121 = memref.load %arg1[%get3A_1120] : memref<2500xi32, #tpu.memory_space<smem>>
    %get3A_1122 = arith.index_cast %add3A_1119 : i32 to index
    %get3A_1123 = memref.load %arg2[%get3A_1122] : memref<2500xi32, #tpu.memory_space<smem>>
    %get3A_1124 = arith.constant 0 : index
    %get3A_1125 = arith.constant 27520 : index
    %get3A_1126 = vector.load %arg3[%get3A_1124, %get3A_1125] : memref<16x64000xf32, #tpu.memory_space<vmem>>, vector<16x640xf32>
    %reduce_sum3A_1127 = arith.constant dense<0.000000e+00> : vector<16xf32>
    %reduce_sum3A_1128 = vector.multi_reduction <add>, %get3A_1126, %reduce_sum3A_1127 [1] : vector<16x640xf32> to vector<16xf32>
    %broadcast_in_dim3A_1129 = vector.shape_cast %reduce_sum3A_1128 : vector<16xf32> to vector<16x1xf32>
    %eq3A_1130 = arith.cmpi eq, %get3A_1121, %get3A_1123 : i32
    %eq3A_1131 = vector.broadcast %get3A_1121 : i32 to vector<1x100xi32>
    %eq3A_1132 = arith.cmpi eq, %iota3A, %eq3A_1131 : vector<1x100xi32>
    %convert_element_type3A_1133 = arith.extui %eq3A_1132 : vector<1x100xi1> to vector<1x100xi32>
    %convert_element_type3A_1134 = arith.sitofp %convert_element_type3A_1133 : vector<1x100xi32> to vector<1x100xf32>
    %broadcast_in_dim3A_1135 = arith.constant 0.000000e+00 : f32
    %broadcast_in_dim3A_1136 = vector.broadcast %broadcast_in_dim3A_1135 : f32 to vector<1x100xf32>
    %select_n3A_1137 = arith.select %eq3A_1130, %convert_element_type3A_1134, %broadcast_in_dim3A_1136 : vector<1x100xf32>
    %mul3A_1138 = vector.broadcast %broadcast_in_dim3A_1129 : vector<16x1xf32> to vector<16x100xf32>
    %mul3A_1139 = vector.broadcast %select_n3A_1137 : vector<1x100xf32> to vector<16x100xf32>
    %mul3A_1140 = arith.mulf %mul3A_1138, %mul3A_1139 : vector<16x100xf32>
    %add3A_1141 = arith.addf %add3A_1115, %mul3A_1140 : vector<16x100xf32>
    %mul3A_1142 = arith.constant 100 : i32
    %mul3A_1143 = arith.muli %arg0, %mul3A_1142 : i32
    %add3A_1144 = arith.constant 44 : i32
    %add3A_1145 = arith.addi %mul3A_1143, %add3A_1144 : i32
    %get3A_1146 = arith.index_cast %add3A_1145 : i32 to index
    %get3A_1147 = memref.load %arg1[%get3A_1146] : memref<2500xi32, #tpu.memory_space<smem>>
    %get3A_1148 = arith.index_cast %add3A_1145 : i32 to index
    %get3A_1149 = memref.load %arg2[%get3A_1148] : memref<2500xi32, #tpu.memory_space<smem>>
    %get3A_1150 = arith.constant 0 : index
    %get3A_1151 = arith.constant 28160 : index
    %get3A_1152 = vector.load %arg3[%get3A_1150, %get3A_1151] : memref<16x64000xf32, #tpu.memory_space<vmem>>, vector<16x640xf32>
    %reduce_sum3A_1153 = arith.constant dense<0.000000e+00> : vector<16xf32>
    %reduce_sum3A_1154 = vector.multi_reduction <add>, %get3A_1152, %reduce_sum3A_1153 [1] : vector<16x640xf32> to vector<16xf32>
    %broadcast_in_dim3A_1155 = vector.shape_cast %reduce_sum3A_1154 : vector<16xf32> to vector<16x1xf32>
    %eq3A_1156 = arith.cmpi eq, %get3A_1147, %get3A_1149 : i32
    %eq3A_1157 = vector.broadcast %get3A_1147 : i32 to vector<1x100xi32>
    %eq3A_1158 = arith.cmpi eq, %iota3A, %eq3A_1157 : vector<1x100xi32>
    %convert_element_type3A_1159 = arith.extui %eq3A_1158 : vector<1x100xi1> to vector<1x100xi32>
    %convert_element_type3A_1160 = arith.sitofp %convert_element_type3A_1159 : vector<1x100xi32> to vector<1x100xf32>
    %broadcast_in_dim3A_1161 = arith.constant 0.000000e+00 : f32
    %broadcast_in_dim3A_1162 = vector.broadcast %broadcast_in_dim3A_1161 : f32 to vector<1x100xf32>
    %select_n3A_1163 = arith.select %eq3A_1156, %convert_element_type3A_1160, %broadcast_in_dim3A_1162 : vector<1x100xf32>
    %mul3A_1164 = vector.broadcast %broadcast_in_dim3A_1155 : vector<16x1xf32> to vector<16x100xf32>
    %mul3A_1165 = vector.broadcast %select_n3A_1163 : vector<1x100xf32> to vector<16x100xf32>
    %mul3A_1166 = arith.mulf %mul3A_1164, %mul3A_1165 : vector<16x100xf32>
    %add3A_1167 = arith.addf %add3A_1141, %mul3A_1166 : vector<16x100xf32>
    %mul3A_1168 = arith.constant 100 : i32
    %mul3A_1169 = arith.muli %arg0, %mul3A_1168 : i32
    %add3A_1170 = arith.constant 45 : i32
    %add3A_1171 = arith.addi %mul3A_1169, %add3A_1170 : i32
    %get3A_1172 = arith.index_cast %add3A_1171 : i32 to index
    %get3A_1173 = memref.load %arg1[%get3A_1172] : memref<2500xi32, #tpu.memory_space<smem>>
    %get3A_1174 = arith.index_cast %add3A_1171 : i32 to index
    %get3A_1175 = memref.load %arg2[%get3A_1174] : memref<2500xi32, #tpu.memory_space<smem>>
    %get3A_1176 = arith.constant 0 : index
    %get3A_1177 = arith.constant 28800 : index
    %get3A_1178 = vector.load %arg3[%get3A_1176, %get3A_1177] : memref<16x64000xf32, #tpu.memory_space<vmem>>, vector<16x640xf32>
    %reduce_sum3A_1179 = arith.constant dense<0.000000e+00> : vector<16xf32>
    %reduce_sum3A_1180 = vector.multi_reduction <add>, %get3A_1178, %reduce_sum3A_1179 [1] : vector<16x640xf32> to vector<16xf32>
    %broadcast_in_dim3A_1181 = vector.shape_cast %reduce_sum3A_1180 : vector<16xf32> to vector<16x1xf32>
    %eq3A_1182 = arith.cmpi eq, %get3A_1173, %get3A_1175 : i32
    %eq3A_1183 = vector.broadcast %get3A_1173 : i32 to vector<1x100xi32>
    %eq3A_1184 = arith.cmpi eq, %iota3A, %eq3A_1183 : vector<1x100xi32>
    %convert_element_type3A_1185 = arith.extui %eq3A_1184 : vector<1x100xi1> to vector<1x100xi32>
    %convert_element_type3A_1186 = arith.sitofp %convert_element_type3A_1185 : vector<1x100xi32> to vector<1x100xf32>
    %broadcast_in_dim3A_1187 = arith.constant 0.000000e+00 : f32
    %broadcast_in_dim3A_1188 = vector.broadcast %broadcast_in_dim3A_1187 : f32 to vector<1x100xf32>
    %select_n3A_1189 = arith.select %eq3A_1182, %convert_element_type3A_1186, %broadcast_in_dim3A_1188 : vector<1x100xf32>
    %mul3A_1190 = vector.broadcast %broadcast_in_dim3A_1181 : vector<16x1xf32> to vector<16x100xf32>
    %mul3A_1191 = vector.broadcast %select_n3A_1189 : vector<1x100xf32> to vector<16x100xf32>
    %mul3A_1192 = arith.mulf %mul3A_1190, %mul3A_1191 : vector<16x100xf32>
    %add3A_1193 = arith.addf %add3A_1167, %mul3A_1192 : vector<16x100xf32>
    %mul3A_1194 = arith.constant 100 : i32
    %mul3A_1195 = arith.muli %arg0, %mul3A_1194 : i32
    %add3A_1196 = arith.constant 46 : i32
    %add3A_1197 = arith.addi %mul3A_1195, %add3A_1196 : i32
    %get3A_1198 = arith.index_cast %add3A_1197 : i32 to index
    %get3A_1199 = memref.load %arg1[%get3A_1198] : memref<2500xi32, #tpu.memory_space<smem>>
    %get3A_1200 = arith.index_cast %add3A_1197 : i32 to index
    %get3A_1201 = memref.load %arg2[%get3A_1200] : memref<2500xi32, #tpu.memory_space<smem>>
    %get3A_1202 = arith.constant 0 : index
    %get3A_1203 = arith.constant 29440 : index
    %get3A_1204 = vector.load %arg3[%get3A_1202, %get3A_1203] : memref<16x64000xf32, #tpu.memory_space<vmem>>, vector<16x640xf32>
    %reduce_sum3A_1205 = arith.constant dense<0.000000e+00> : vector<16xf32>
    %reduce_sum3A_1206 = vector.multi_reduction <add>, %get3A_1204, %reduce_sum3A_1205 [1] : vector<16x640xf32> to vector<16xf32>
    %broadcast_in_dim3A_1207 = vector.shape_cast %reduce_sum3A_1206 : vector<16xf32> to vector<16x1xf32>
    %eq3A_1208 = arith.cmpi eq, %get3A_1199, %get3A_1201 : i32
    %eq3A_1209 = vector.broadcast %get3A_1199 : i32 to vector<1x100xi32>
    %eq3A_1210 = arith.cmpi eq, %iota3A, %eq3A_1209 : vector<1x100xi32>
    %convert_element_type3A_1211 = arith.extui %eq3A_1210 : vector<1x100xi1> to vector<1x100xi32>
    %convert_element_type3A_1212 = arith.sitofp %convert_element_type3A_1211 : vector<1x100xi32> to vector<1x100xf32>
    %broadcast_in_dim3A_1213 = arith.constant 0.000000e+00 : f32
    %broadcast_in_dim3A_1214 = vector.broadcast %broadcast_in_dim3A_1213 : f32 to vector<1x100xf32>
    %select_n3A_1215 = arith.select %eq3A_1208, %convert_element_type3A_1212, %broadcast_in_dim3A_1214 : vector<1x100xf32>
    %mul3A_1216 = vector.broadcast %broadcast_in_dim3A_1207 : vector<16x1xf32> to vector<16x100xf32>
    %mul3A_1217 = vector.broadcast %select_n3A_1215 : vector<1x100xf32> to vector<16x100xf32>
    %mul3A_1218 = arith.mulf %mul3A_1216, %mul3A_1217 : vector<16x100xf32>
    %add3A_1219 = arith.addf %add3A_1193, %mul3A_1218 : vector<16x100xf32>
    %mul3A_1220 = arith.constant 100 : i32
    %mul3A_1221 = arith.muli %arg0, %mul3A_1220 : i32
    %add3A_1222 = arith.constant 47 : i32
    %add3A_1223 = arith.addi %mul3A_1221, %add3A_1222 : i32
    %get3A_1224 = arith.index_cast %add3A_1223 : i32 to index
    %get3A_1225 = memref.load %arg1[%get3A_1224] : memref<2500xi32, #tpu.memory_space<smem>>
    %get3A_1226 = arith.index_cast %add3A_1223 : i32 to index
    %get3A_1227 = memref.load %arg2[%get3A_1226] : memref<2500xi32, #tpu.memory_space<smem>>
    %get3A_1228 = arith.constant 0 : index
    %get3A_1229 = arith.constant 30080 : index
    %get3A_1230 = vector.load %arg3[%get3A_1228, %get3A_1229] : memref<16x64000xf32, #tpu.memory_space<vmem>>, vector<16x640xf32>
    %reduce_sum3A_1231 = arith.constant dense<0.000000e+00> : vector<16xf32>
    %reduce_sum3A_1232 = vector.multi_reduction <add>, %get3A_1230, %reduce_sum3A_1231 [1] : vector<16x640xf32> to vector<16xf32>
    %broadcast_in_dim3A_1233 = vector.shape_cast %reduce_sum3A_1232 : vector<16xf32> to vector<16x1xf32>
    %eq3A_1234 = arith.cmpi eq, %get3A_1225, %get3A_1227 : i32
    %eq3A_1235 = vector.broadcast %get3A_1225 : i32 to vector<1x100xi32>
    %eq3A_1236 = arith.cmpi eq, %iota3A, %eq3A_1235 : vector<1x100xi32>
    %convert_element_type3A_1237 = arith.extui %eq3A_1236 : vector<1x100xi1> to vector<1x100xi32>
    %convert_element_type3A_1238 = arith.sitofp %convert_element_type3A_1237 : vector<1x100xi32> to vector<1x100xf32>
    %broadcast_in_dim3A_1239 = arith.constant 0.000000e+00 : f32
    %broadcast_in_dim3A_1240 = vector.broadcast %broadcast_in_dim3A_1239 : f32 to vector<1x100xf32>
    %select_n3A_1241 = arith.select %eq3A_1234, %convert_element_type3A_1238, %broadcast_in_dim3A_1240 : vector<1x100xf32>
    %mul3A_1242 = vector.broadcast %broadcast_in_dim3A_1233 : vector<16x1xf32> to vector<16x100xf32>
    %mul3A_1243 = vector.broadcast %select_n3A_1241 : vector<1x100xf32> to vector<16x100xf32>
    %mul3A_1244 = arith.mulf %mul3A_1242, %mul3A_1243 : vector<16x100xf32>
    %add3A_1245 = arith.addf %add3A_1219, %mul3A_1244 : vector<16x100xf32>
    %mul3A_1246 = arith.constant 100 : i32
    %mul3A_1247 = arith.muli %arg0, %mul3A_1246 : i32
    %add3A_1248 = arith.constant 48 : i32
    %add3A_1249 = arith.addi %mul3A_1247, %add3A_1248 : i32
    %get3A_1250 = arith.index_cast %add3A_1249 : i32 to index
    %get3A_1251 = memref.load %arg1[%get3A_1250] : memref<2500xi32, #tpu.memory_space<smem>>
    %get3A_1252 = arith.index_cast %add3A_1249 : i32 to index
    %get3A_1253 = memref.load %arg2[%get3A_1252] : memref<2500xi32, #tpu.memory_space<smem>>
    %get3A_1254 = arith.constant 0 : index
    %get3A_1255 = arith.constant 30720 : index
    %get3A_1256 = vector.load %arg3[%get3A_1254, %get3A_1255] : memref<16x64000xf32, #tpu.memory_space<vmem>>, vector<16x640xf32>
    %reduce_sum3A_1257 = arith.constant dense<0.000000e+00> : vector<16xf32>
    %reduce_sum3A_1258 = vector.multi_reduction <add>, %get3A_1256, %reduce_sum3A_1257 [1] : vector<16x640xf32> to vector<16xf32>
    %broadcast_in_dim3A_1259 = vector.shape_cast %reduce_sum3A_1258 : vector<16xf32> to vector<16x1xf32>
    %eq3A_1260 = arith.cmpi eq, %get3A_1251, %get3A_1253 : i32
    %eq3A_1261 = vector.broadcast %get3A_1251 : i32 to vector<1x100xi32>
    %eq3A_1262 = arith.cmpi eq, %iota3A, %eq3A_1261 : vector<1x100xi32>
    %convert_element_type3A_1263 = arith.extui %eq3A_1262 : vector<1x100xi1> to vector<1x100xi32>
    %convert_element_type3A_1264 = arith.sitofp %convert_element_type3A_1263 : vector<1x100xi32> to vector<1x100xf32>
    %broadcast_in_dim3A_1265 = arith.constant 0.000000e+00 : f32
    %broadcast_in_dim3A_1266 = vector.broadcast %broadcast_in_dim3A_1265 : f32 to vector<1x100xf32>
    %select_n3A_1267 = arith.select %eq3A_1260, %convert_element_type3A_1264, %broadcast_in_dim3A_1266 : vector<1x100xf32>
    %mul3A_1268 = vector.broadcast %broadcast_in_dim3A_1259 : vector<16x1xf32> to vector<16x100xf32>
    %mul3A_1269 = vector.broadcast %select_n3A_1267 : vector<1x100xf32> to vector<16x100xf32>
    %mul3A_1270 = arith.mulf %mul3A_1268, %mul3A_1269 : vector<16x100xf32>
    %add3A_1271 = arith.addf %add3A_1245, %mul3A_1270 : vector<16x100xf32>
    %mul3A_1272 = arith.constant 100 : i32
    %mul3A_1273 = arith.muli %arg0, %mul3A_1272 : i32
    %add3A_1274 = arith.constant 49 : i32
    %add3A_1275 = arith.addi %mul3A_1273, %add3A_1274 : i32
    %get3A_1276 = arith.index_cast %add3A_1275 : i32 to index
    %get3A_1277 = memref.load %arg1[%get3A_1276] : memref<2500xi32, #tpu.memory_space<smem>>
    %get3A_1278 = arith.index_cast %add3A_1275 : i32 to index
    %get3A_1279 = memref.load %arg2[%get3A_1278] : memref<2500xi32, #tpu.memory_space<smem>>
    %get3A_1280 = arith.constant 0 : index
    %get3A_1281 = arith.constant 31360 : index
    %get3A_1282 = vector.load %arg3[%get3A_1280, %get3A_1281] : memref<16x64000xf32, #tpu.memory_space<vmem>>, vector<16x640xf32>
    %reduce_sum3A_1283 = arith.constant dense<0.000000e+00> : vector<16xf32>
    %reduce_sum3A_1284 = vector.multi_reduction <add>, %get3A_1282, %reduce_sum3A_1283 [1] : vector<16x640xf32> to vector<16xf32>
    %broadcast_in_dim3A_1285 = vector.shape_cast %reduce_sum3A_1284 : vector<16xf32> to vector<16x1xf32>
    %eq3A_1286 = arith.cmpi eq, %get3A_1277, %get3A_1279 : i32
    %eq3A_1287 = vector.broadcast %get3A_1277 : i32 to vector<1x100xi32>
    %eq3A_1288 = arith.cmpi eq, %iota3A, %eq3A_1287 : vector<1x100xi32>
    %convert_element_type3A_1289 = arith.extui %eq3A_1288 : vector<1x100xi1> to vector<1x100xi32>
    %convert_element_type3A_1290 = arith.sitofp %convert_element_type3A_1289 : vector<1x100xi32> to vector<1x100xf32>
    %broadcast_in_dim3A_1291 = arith.constant 0.000000e+00 : f32
    %broadcast_in_dim3A_1292 = vector.broadcast %broadcast_in_dim3A_1291 : f32 to vector<1x100xf32>
    %select_n3A_1293 = arith.select %eq3A_1286, %convert_element_type3A_1290, %broadcast_in_dim3A_1292 : vector<1x100xf32>
    %mul3A_1294 = vector.broadcast %broadcast_in_dim3A_1285 : vector<16x1xf32> to vector<16x100xf32>
    %mul3A_1295 = vector.broadcast %select_n3A_1293 : vector<1x100xf32> to vector<16x100xf32>
    %mul3A_1296 = arith.mulf %mul3A_1294, %mul3A_1295 : vector<16x100xf32>
    %add3A_1297 = arith.addf %add3A_1271, %mul3A_1296 : vector<16x100xf32>
    %mul3A_1298 = arith.constant 100 : i32
    %mul3A_1299 = arith.muli %arg0, %mul3A_1298 : i32
    %add3A_1300 = arith.constant 50 : i32
    %add3A_1301 = arith.addi %mul3A_1299, %add3A_1300 : i32
    %get3A_1302 = arith.index_cast %add3A_1301 : i32 to index
    %get3A_1303 = memref.load %arg1[%get3A_1302] : memref<2500xi32, #tpu.memory_space<smem>>
    %get3A_1304 = arith.index_cast %add3A_1301 : i32 to index
    %get3A_1305 = memref.load %arg2[%get3A_1304] : memref<2500xi32, #tpu.memory_space<smem>>
    %get3A_1306 = arith.constant 0 : index
    %get3A_1307 = arith.constant 32000 : index
    %get3A_1308 = vector.load %arg3[%get3A_1306, %get3A_1307] : memref<16x64000xf32, #tpu.memory_space<vmem>>, vector<16x640xf32>
    %reduce_sum3A_1309 = arith.constant dense<0.000000e+00> : vector<16xf32>
    %reduce_sum3A_1310 = vector.multi_reduction <add>, %get3A_1308, %reduce_sum3A_1309 [1] : vector<16x640xf32> to vector<16xf32>
    %broadcast_in_dim3A_1311 = vector.shape_cast %reduce_sum3A_1310 : vector<16xf32> to vector<16x1xf32>
    %eq3A_1312 = arith.cmpi eq, %get3A_1303, %get3A_1305 : i32
    %eq3A_1313 = vector.broadcast %get3A_1303 : i32 to vector<1x100xi32>
    %eq3A_1314 = arith.cmpi eq, %iota3A, %eq3A_1313 : vector<1x100xi32>
    %convert_element_type3A_1315 = arith.extui %eq3A_1314 : vector<1x100xi1> to vector<1x100xi32>
    %convert_element_type3A_1316 = arith.sitofp %convert_element_type3A_1315 : vector<1x100xi32> to vector<1x100xf32>
    %broadcast_in_dim3A_1317 = arith.constant 0.000000e+00 : f32
    %broadcast_in_dim3A_1318 = vector.broadcast %broadcast_in_dim3A_1317 : f32 to vector<1x100xf32>
    %select_n3A_1319 = arith.select %eq3A_1312, %convert_element_type3A_1316, %broadcast_in_dim3A_1318 : vector<1x100xf32>
    %mul3A_1320 = vector.broadcast %broadcast_in_dim3A_1311 : vector<16x1xf32> to vector<16x100xf32>
    %mul3A_1321 = vector.broadcast %select_n3A_1319 : vector<1x100xf32> to vector<16x100xf32>
    %mul3A_1322 = arith.mulf %mul3A_1320, %mul3A_1321 : vector<16x100xf32>
    %add3A_1323 = arith.addf %add3A_1297, %mul3A_1322 : vector<16x100xf32>
    %mul3A_1324 = arith.constant 100 : i32
    %mul3A_1325 = arith.muli %arg0, %mul3A_1324 : i32
    %add3A_1326 = arith.constant 51 : i32
    %add3A_1327 = arith.addi %mul3A_1325, %add3A_1326 : i32
    %get3A_1328 = arith.index_cast %add3A_1327 : i32 to index
    %get3A_1329 = memref.load %arg1[%get3A_1328] : memref<2500xi32, #tpu.memory_space<smem>>
    %get3A_1330 = arith.index_cast %add3A_1327 : i32 to index
    %get3A_1331 = memref.load %arg2[%get3A_1330] : memref<2500xi32, #tpu.memory_space<smem>>
    %get3A_1332 = arith.constant 0 : index
    %get3A_1333 = arith.constant 32640 : index
    %get3A_1334 = vector.load %arg3[%get3A_1332, %get3A_1333] : memref<16x64000xf32, #tpu.memory_space<vmem>>, vector<16x640xf32>
    %reduce_sum3A_1335 = arith.constant dense<0.000000e+00> : vector<16xf32>
    %reduce_sum3A_1336 = vector.multi_reduction <add>, %get3A_1334, %reduce_sum3A_1335 [1] : vector<16x640xf32> to vector<16xf32>
    %broadcast_in_dim3A_1337 = vector.shape_cast %reduce_sum3A_1336 : vector<16xf32> to vector<16x1xf32>
    %eq3A_1338 = arith.cmpi eq, %get3A_1329, %get3A_1331 : i32
    %eq3A_1339 = vector.broadcast %get3A_1329 : i32 to vector<1x100xi32>
    %eq3A_1340 = arith.cmpi eq, %iota3A, %eq3A_1339 : vector<1x100xi32>
    %convert_element_type3A_1341 = arith.extui %eq3A_1340 : vector<1x100xi1> to vector<1x100xi32>
    %convert_element_type3A_1342 = arith.sitofp %convert_element_type3A_1341 : vector<1x100xi32> to vector<1x100xf32>
    %broadcast_in_dim3A_1343 = arith.constant 0.000000e+00 : f32
    %broadcast_in_dim3A_1344 = vector.broadcast %broadcast_in_dim3A_1343 : f32 to vector<1x100xf32>
    %select_n3A_1345 = arith.select %eq3A_1338, %convert_element_type3A_1342, %broadcast_in_dim3A_1344 : vector<1x100xf32>
    %mul3A_1346 = vector.broadcast %broadcast_in_dim3A_1337 : vector<16x1xf32> to vector<16x100xf32>
    %mul3A_1347 = vector.broadcast %select_n3A_1345 : vector<1x100xf32> to vector<16x100xf32>
    %mul3A_1348 = arith.mulf %mul3A_1346, %mul3A_1347 : vector<16x100xf32>
    %add3A_1349 = arith.addf %add3A_1323, %mul3A_1348 : vector<16x100xf32>
    %mul3A_1350 = arith.constant 100 : i32
    %mul3A_1351 = arith.muli %arg0, %mul3A_1350 : i32
    %add3A_1352 = arith.constant 52 : i32
    %add3A_1353 = arith.addi %mul3A_1351, %add3A_1352 : i32
    %get3A_1354 = arith.index_cast %add3A_1353 : i32 to index
    %get3A_1355 = memref.load %arg1[%get3A_1354] : memref<2500xi32, #tpu.memory_space<smem>>
    %get3A_1356 = arith.index_cast %add3A_1353 : i32 to index
    %get3A_1357 = memref.load %arg2[%get3A_1356] : memref<2500xi32, #tpu.memory_space<smem>>
    %get3A_1358 = arith.constant 0 : index
    %get3A_1359 = arith.constant 33280 : index
    %get3A_1360 = vector.load %arg3[%get3A_1358, %get3A_1359] : memref<16x64000xf32, #tpu.memory_space<vmem>>, vector<16x640xf32>
    %reduce_sum3A_1361 = arith.constant dense<0.000000e+00> : vector<16xf32>
    %reduce_sum3A_1362 = vector.multi_reduction <add>, %get3A_1360, %reduce_sum3A_1361 [1] : vector<16x640xf32> to vector<16xf32>
    %broadcast_in_dim3A_1363 = vector.shape_cast %reduce_sum3A_1362 : vector<16xf32> to vector<16x1xf32>
    %eq3A_1364 = arith.cmpi eq, %get3A_1355, %get3A_1357 : i32
    %eq3A_1365 = vector.broadcast %get3A_1355 : i32 to vector<1x100xi32>
    %eq3A_1366 = arith.cmpi eq, %iota3A, %eq3A_1365 : vector<1x100xi32>
    %convert_element_type3A_1367 = arith.extui %eq3A_1366 : vector<1x100xi1> to vector<1x100xi32>
    %convert_element_type3A_1368 = arith.sitofp %convert_element_type3A_1367 : vector<1x100xi32> to vector<1x100xf32>
    %broadcast_in_dim3A_1369 = arith.constant 0.000000e+00 : f32
    %broadcast_in_dim3A_1370 = vector.broadcast %broadcast_in_dim3A_1369 : f32 to vector<1x100xf32>
    %select_n3A_1371 = arith.select %eq3A_1364, %convert_element_type3A_1368, %broadcast_in_dim3A_1370 : vector<1x100xf32>
    %mul3A_1372 = vector.broadcast %broadcast_in_dim3A_1363 : vector<16x1xf32> to vector<16x100xf32>
    %mul3A_1373 = vector.broadcast %select_n3A_1371 : vector<1x100xf32> to vector<16x100xf32>
    %mul3A_1374 = arith.mulf %mul3A_1372, %mul3A_1373 : vector<16x100xf32>
    %add3A_1375 = arith.addf %add3A_1349, %mul3A_1374 : vector<16x100xf32>
    %mul3A_1376 = arith.constant 100 : i32
    %mul3A_1377 = arith.muli %arg0, %mul3A_1376 : i32
    %add3A_1378 = arith.constant 53 : i32
    %add3A_1379 = arith.addi %mul3A_1377, %add3A_1378 : i32
    %get3A_1380 = arith.index_cast %add3A_1379 : i32 to index
    %get3A_1381 = memref.load %arg1[%get3A_1380] : memref<2500xi32, #tpu.memory_space<smem>>
    %get3A_1382 = arith.index_cast %add3A_1379 : i32 to index
    %get3A_1383 = memref.load %arg2[%get3A_1382] : memref<2500xi32, #tpu.memory_space<smem>>
    %get3A_1384 = arith.constant 0 : index
    %get3A_1385 = arith.constant 33920 : index
    %get3A_1386 = vector.load %arg3[%get3A_1384, %get3A_1385] : memref<16x64000xf32, #tpu.memory_space<vmem>>, vector<16x640xf32>
    %reduce_sum3A_1387 = arith.constant dense<0.000000e+00> : vector<16xf32>
    %reduce_sum3A_1388 = vector.multi_reduction <add>, %get3A_1386, %reduce_sum3A_1387 [1] : vector<16x640xf32> to vector<16xf32>
    %broadcast_in_dim3A_1389 = vector.shape_cast %reduce_sum3A_1388 : vector<16xf32> to vector<16x1xf32>
    %eq3A_1390 = arith.cmpi eq, %get3A_1381, %get3A_1383 : i32
    %eq3A_1391 = vector.broadcast %get3A_1381 : i32 to vector<1x100xi32>
    %eq3A_1392 = arith.cmpi eq, %iota3A, %eq3A_1391 : vector<1x100xi32>
    %convert_element_type3A_1393 = arith.extui %eq3A_1392 : vector<1x100xi1> to vector<1x100xi32>
    %convert_element_type3A_1394 = arith.sitofp %convert_element_type3A_1393 : vector<1x100xi32> to vector<1x100xf32>
    %broadcast_in_dim3A_1395 = arith.constant 0.000000e+00 : f32
    %broadcast_in_dim3A_1396 = vector.broadcast %broadcast_in_dim3A_1395 : f32 to vector<1x100xf32>
    %select_n3A_1397 = arith.select %eq3A_1390, %convert_element_type3A_1394, %broadcast_in_dim3A_1396 : vector<1x100xf32>
    %mul3A_1398 = vector.broadcast %broadcast_in_dim3A_1389 : vector<16x1xf32> to vector<16x100xf32>
    %mul3A_1399 = vector.broadcast %select_n3A_1397 : vector<1x100xf32> to vector<16x100xf32>
    %mul3A_1400 = arith.mulf %mul3A_1398, %mul3A_1399 : vector<16x100xf32>
    %add3A_1401 = arith.addf %add3A_1375, %mul3A_1400 : vector<16x100xf32>
    %mul3A_1402 = arith.constant 100 : i32
    %mul3A_1403 = arith.muli %arg0, %mul3A_1402 : i32
    %add3A_1404 = arith.constant 54 : i32
    %add3A_1405 = arith.addi %mul3A_1403, %add3A_1404 : i32
    %get3A_1406 = arith.index_cast %add3A_1405 : i32 to index
    %get3A_1407 = memref.load %arg1[%get3A_1406] : memref<2500xi32, #tpu.memory_space<smem>>
    %get3A_1408 = arith.index_cast %add3A_1405 : i32 to index
    %get3A_1409 = memref.load %arg2[%get3A_1408] : memref<2500xi32, #tpu.memory_space<smem>>
    %get3A_1410 = arith.constant 0 : index
    %get3A_1411 = arith.constant 34560 : index
    %get3A_1412 = vector.load %arg3[%get3A_1410, %get3A_1411] : memref<16x64000xf32, #tpu.memory_space<vmem>>, vector<16x640xf32>
    %reduce_sum3A_1413 = arith.constant dense<0.000000e+00> : vector<16xf32>
    %reduce_sum3A_1414 = vector.multi_reduction <add>, %get3A_1412, %reduce_sum3A_1413 [1] : vector<16x640xf32> to vector<16xf32>
    %broadcast_in_dim3A_1415 = vector.shape_cast %reduce_sum3A_1414 : vector<16xf32> to vector<16x1xf32>
    %eq3A_1416 = arith.cmpi eq, %get3A_1407, %get3A_1409 : i32
    %eq3A_1417 = vector.broadcast %get3A_1407 : i32 to vector<1x100xi32>
    %eq3A_1418 = arith.cmpi eq, %iota3A, %eq3A_1417 : vector<1x100xi32>
    %convert_element_type3A_1419 = arith.extui %eq3A_1418 : vector<1x100xi1> to vector<1x100xi32>
    %convert_element_type3A_1420 = arith.sitofp %convert_element_type3A_1419 : vector<1x100xi32> to vector<1x100xf32>
    %broadcast_in_dim3A_1421 = arith.constant 0.000000e+00 : f32
    %broadcast_in_dim3A_1422 = vector.broadcast %broadcast_in_dim3A_1421 : f32 to vector<1x100xf32>
    %select_n3A_1423 = arith.select %eq3A_1416, %convert_element_type3A_1420, %broadcast_in_dim3A_1422 : vector<1x100xf32>
    %mul3A_1424 = vector.broadcast %broadcast_in_dim3A_1415 : vector<16x1xf32> to vector<16x100xf32>
    %mul3A_1425 = vector.broadcast %select_n3A_1423 : vector<1x100xf32> to vector<16x100xf32>
    %mul3A_1426 = arith.mulf %mul3A_1424, %mul3A_1425 : vector<16x100xf32>
    %add3A_1427 = arith.addf %add3A_1401, %mul3A_1426 : vector<16x100xf32>
    %mul3A_1428 = arith.constant 100 : i32
    %mul3A_1429 = arith.muli %arg0, %mul3A_1428 : i32
    %add3A_1430 = arith.constant 55 : i32
    %add3A_1431 = arith.addi %mul3A_1429, %add3A_1430 : i32
    %get3A_1432 = arith.index_cast %add3A_1431 : i32 to index
    %get3A_1433 = memref.load %arg1[%get3A_1432] : memref<2500xi32, #tpu.memory_space<smem>>
    %get3A_1434 = arith.index_cast %add3A_1431 : i32 to index
    %get3A_1435 = memref.load %arg2[%get3A_1434] : memref<2500xi32, #tpu.memory_space<smem>>
    %get3A_1436 = arith.constant 0 : index
    %get3A_1437 = arith.constant 35200 : index
    %get3A_1438 = vector.load %arg3[%get3A_1436, %get3A_1437] : memref<16x64000xf32, #tpu.memory_space<vmem>>, vector<16x640xf32>
    %reduce_sum3A_1439 = arith.constant dense<0.000000e+00> : vector<16xf32>
    %reduce_sum3A_1440 = vector.multi_reduction <add>, %get3A_1438, %reduce_sum3A_1439 [1] : vector<16x640xf32> to vector<16xf32>
    %broadcast_in_dim3A_1441 = vector.shape_cast %reduce_sum3A_1440 : vector<16xf32> to vector<16x1xf32>
    %eq3A_1442 = arith.cmpi eq, %get3A_1433, %get3A_1435 : i32
    %eq3A_1443 = vector.broadcast %get3A_1433 : i32 to vector<1x100xi32>
    %eq3A_1444 = arith.cmpi eq, %iota3A, %eq3A_1443 : vector<1x100xi32>
    %convert_element_type3A_1445 = arith.extui %eq3A_1444 : vector<1x100xi1> to vector<1x100xi32>
    %convert_element_type3A_1446 = arith.sitofp %convert_element_type3A_1445 : vector<1x100xi32> to vector<1x100xf32>
    %broadcast_in_dim3A_1447 = arith.constant 0.000000e+00 : f32
    %broadcast_in_dim3A_1448 = vector.broadcast %broadcast_in_dim3A_1447 : f32 to vector<1x100xf32>
    %select_n3A_1449 = arith.select %eq3A_1442, %convert_element_type3A_1446, %broadcast_in_dim3A_1448 : vector<1x100xf32>
    %mul3A_1450 = vector.broadcast %broadcast_in_dim3A_1441 : vector<16x1xf32> to vector<16x100xf32>
    %mul3A_1451 = vector.broadcast %select_n3A_1449 : vector<1x100xf32> to vector<16x100xf32>
    %mul3A_1452 = arith.mulf %mul3A_1450, %mul3A_1451 : vector<16x100xf32>
    %add3A_1453 = arith.addf %add3A_1427, %mul3A_1452 : vector<16x100xf32>
    %mul3A_1454 = arith.constant 100 : i32
    %mul3A_1455 = arith.muli %arg0, %mul3A_1454 : i32
    %add3A_1456 = arith.constant 56 : i32
    %add3A_1457 = arith.addi %mul3A_1455, %add3A_1456 : i32
    %get3A_1458 = arith.index_cast %add3A_1457 : i32 to index
    %get3A_1459 = memref.load %arg1[%get3A_1458] : memref<2500xi32, #tpu.memory_space<smem>>
    %get3A_1460 = arith.index_cast %add3A_1457 : i32 to index
    %get3A_1461 = memref.load %arg2[%get3A_1460] : memref<2500xi32, #tpu.memory_space<smem>>
    %get3A_1462 = arith.constant 0 : index
    %get3A_1463 = arith.constant 35840 : index
    %get3A_1464 = vector.load %arg3[%get3A_1462, %get3A_1463] : memref<16x64000xf32, #tpu.memory_space<vmem>>, vector<16x640xf32>
    %reduce_sum3A_1465 = arith.constant dense<0.000000e+00> : vector<16xf32>
    %reduce_sum3A_1466 = vector.multi_reduction <add>, %get3A_1464, %reduce_sum3A_1465 [1] : vector<16x640xf32> to vector<16xf32>
    %broadcast_in_dim3A_1467 = vector.shape_cast %reduce_sum3A_1466 : vector<16xf32> to vector<16x1xf32>
    %eq3A_1468 = arith.cmpi eq, %get3A_1459, %get3A_1461 : i32
    %eq3A_1469 = vector.broadcast %get3A_1459 : i32 to vector<1x100xi32>
    %eq3A_1470 = arith.cmpi eq, %iota3A, %eq3A_1469 : vector<1x100xi32>
    %convert_element_type3A_1471 = arith.extui %eq3A_1470 : vector<1x100xi1> to vector<1x100xi32>
    %convert_element_type3A_1472 = arith.sitofp %convert_element_type3A_1471 : vector<1x100xi32> to vector<1x100xf32>
    %broadcast_in_dim3A_1473 = arith.constant 0.000000e+00 : f32
    %broadcast_in_dim3A_1474 = vector.broadcast %broadcast_in_dim3A_1473 : f32 to vector<1x100xf32>
    %select_n3A_1475 = arith.select %eq3A_1468, %convert_element_type3A_1472, %broadcast_in_dim3A_1474 : vector<1x100xf32>
    %mul3A_1476 = vector.broadcast %broadcast_in_dim3A_1467 : vector<16x1xf32> to vector<16x100xf32>
    %mul3A_1477 = vector.broadcast %select_n3A_1475 : vector<1x100xf32> to vector<16x100xf32>
    %mul3A_1478 = arith.mulf %mul3A_1476, %mul3A_1477 : vector<16x100xf32>
    %add3A_1479 = arith.addf %add3A_1453, %mul3A_1478 : vector<16x100xf32>
    %mul3A_1480 = arith.constant 100 : i32
    %mul3A_1481 = arith.muli %arg0, %mul3A_1480 : i32
    %add3A_1482 = arith.constant 57 : i32
    %add3A_1483 = arith.addi %mul3A_1481, %add3A_1482 : i32
    %get3A_1484 = arith.index_cast %add3A_1483 : i32 to index
    %get3A_1485 = memref.load %arg1[%get3A_1484] : memref<2500xi32, #tpu.memory_space<smem>>
    %get3A_1486 = arith.index_cast %add3A_1483 : i32 to index
    %get3A_1487 = memref.load %arg2[%get3A_1486] : memref<2500xi32, #tpu.memory_space<smem>>
    %get3A_1488 = arith.constant 0 : index
    %get3A_1489 = arith.constant 36480 : index
    %get3A_1490 = vector.load %arg3[%get3A_1488, %get3A_1489] : memref<16x64000xf32, #tpu.memory_space<vmem>>, vector<16x640xf32>
    %reduce_sum3A_1491 = arith.constant dense<0.000000e+00> : vector<16xf32>
    %reduce_sum3A_1492 = vector.multi_reduction <add>, %get3A_1490, %reduce_sum3A_1491 [1] : vector<16x640xf32> to vector<16xf32>
    %broadcast_in_dim3A_1493 = vector.shape_cast %reduce_sum3A_1492 : vector<16xf32> to vector<16x1xf32>
    %eq3A_1494 = arith.cmpi eq, %get3A_1485, %get3A_1487 : i32
    %eq3A_1495 = vector.broadcast %get3A_1485 : i32 to vector<1x100xi32>
    %eq3A_1496 = arith.cmpi eq, %iota3A, %eq3A_1495 : vector<1x100xi32>
    %convert_element_type3A_1497 = arith.extui %eq3A_1496 : vector<1x100xi1> to vector<1x100xi32>
    %convert_element_type3A_1498 = arith.sitofp %convert_element_type3A_1497 : vector<1x100xi32> to vector<1x100xf32>
    %broadcast_in_dim3A_1499 = arith.constant 0.000000e+00 : f32
    %broadcast_in_dim3A_1500 = vector.broadcast %broadcast_in_dim3A_1499 : f32 to vector<1x100xf32>
    %select_n3A_1501 = arith.select %eq3A_1494, %convert_element_type3A_1498, %broadcast_in_dim3A_1500 : vector<1x100xf32>
    %mul3A_1502 = vector.broadcast %broadcast_in_dim3A_1493 : vector<16x1xf32> to vector<16x100xf32>
    %mul3A_1503 = vector.broadcast %select_n3A_1501 : vector<1x100xf32> to vector<16x100xf32>
    %mul3A_1504 = arith.mulf %mul3A_1502, %mul3A_1503 : vector<16x100xf32>
    %add3A_1505 = arith.addf %add3A_1479, %mul3A_1504 : vector<16x100xf32>
    %mul3A_1506 = arith.constant 100 : i32
    %mul3A_1507 = arith.muli %arg0, %mul3A_1506 : i32
    %add3A_1508 = arith.constant 58 : i32
    %add3A_1509 = arith.addi %mul3A_1507, %add3A_1508 : i32
    %get3A_1510 = arith.index_cast %add3A_1509 : i32 to index
    %get3A_1511 = memref.load %arg1[%get3A_1510] : memref<2500xi32, #tpu.memory_space<smem>>
    %get3A_1512 = arith.index_cast %add3A_1509 : i32 to index
    %get3A_1513 = memref.load %arg2[%get3A_1512] : memref<2500xi32, #tpu.memory_space<smem>>
    %get3A_1514 = arith.constant 0 : index
    %get3A_1515 = arith.constant 37120 : index
    %get3A_1516 = vector.load %arg3[%get3A_1514, %get3A_1515] : memref<16x64000xf32, #tpu.memory_space<vmem>>, vector<16x640xf32>
    %reduce_sum3A_1517 = arith.constant dense<0.000000e+00> : vector<16xf32>
    %reduce_sum3A_1518 = vector.multi_reduction <add>, %get3A_1516, %reduce_sum3A_1517 [1] : vector<16x640xf32> to vector<16xf32>
    %broadcast_in_dim3A_1519 = vector.shape_cast %reduce_sum3A_1518 : vector<16xf32> to vector<16x1xf32>
    %eq3A_1520 = arith.cmpi eq, %get3A_1511, %get3A_1513 : i32
    %eq3A_1521 = vector.broadcast %get3A_1511 : i32 to vector<1x100xi32>
    %eq3A_1522 = arith.cmpi eq, %iota3A, %eq3A_1521 : vector<1x100xi32>
    %convert_element_type3A_1523 = arith.extui %eq3A_1522 : vector<1x100xi1> to vector<1x100xi32>
    %convert_element_type3A_1524 = arith.sitofp %convert_element_type3A_1523 : vector<1x100xi32> to vector<1x100xf32>
    %broadcast_in_dim3A_1525 = arith.constant 0.000000e+00 : f32
    %broadcast_in_dim3A_1526 = vector.broadcast %broadcast_in_dim3A_1525 : f32 to vector<1x100xf32>
    %select_n3A_1527 = arith.select %eq3A_1520, %convert_element_type3A_1524, %broadcast_in_dim3A_1526 : vector<1x100xf32>
    %mul3A_1528 = vector.broadcast %broadcast_in_dim3A_1519 : vector<16x1xf32> to vector<16x100xf32>
    %mul3A_1529 = vector.broadcast %select_n3A_1527 : vector<1x100xf32> to vector<16x100xf32>
    %mul3A_1530 = arith.mulf %mul3A_1528, %mul3A_1529 : vector<16x100xf32>
    %add3A_1531 = arith.addf %add3A_1505, %mul3A_1530 : vector<16x100xf32>
    %mul3A_1532 = arith.constant 100 : i32
    %mul3A_1533 = arith.muli %arg0, %mul3A_1532 : i32
    %add3A_1534 = arith.constant 59 : i32
    %add3A_1535 = arith.addi %mul3A_1533, %add3A_1534 : i32
    %get3A_1536 = arith.index_cast %add3A_1535 : i32 to index
    %get3A_1537 = memref.load %arg1[%get3A_1536] : memref<2500xi32, #tpu.memory_space<smem>>
    %get3A_1538 = arith.index_cast %add3A_1535 : i32 to index
    %get3A_1539 = memref.load %arg2[%get3A_1538] : memref<2500xi32, #tpu.memory_space<smem>>
    %get3A_1540 = arith.constant 0 : index
    %get3A_1541 = arith.constant 37760 : index
    %get3A_1542 = vector.load %arg3[%get3A_1540, %get3A_1541] : memref<16x64000xf32, #tpu.memory_space<vmem>>, vector<16x640xf32>
    %reduce_sum3A_1543 = arith.constant dense<0.000000e+00> : vector<16xf32>
    %reduce_sum3A_1544 = vector.multi_reduction <add>, %get3A_1542, %reduce_sum3A_1543 [1] : vector<16x640xf32> to vector<16xf32>
    %broadcast_in_dim3A_1545 = vector.shape_cast %reduce_sum3A_1544 : vector<16xf32> to vector<16x1xf32>
    %eq3A_1546 = arith.cmpi eq, %get3A_1537, %get3A_1539 : i32
    %eq3A_1547 = vector.broadcast %get3A_1537 : i32 to vector<1x100xi32>
    %eq3A_1548 = arith.cmpi eq, %iota3A, %eq3A_1547 : vector<1x100xi32>
    %convert_element_type3A_1549 = arith.extui %eq3A_1548 : vector<1x100xi1> to vector<1x100xi32>
    %convert_element_type3A_1550 = arith.sitofp %convert_element_type3A_1549 : vector<1x100xi32> to vector<1x100xf32>
    %broadcast_in_dim3A_1551 = arith.constant 0.000000e+00 : f32
    %broadcast_in_dim3A_1552 = vector.broadcast %broadcast_in_dim3A_1551 : f32 to vector<1x100xf32>
    %select_n3A_1553 = arith.select %eq3A_1546, %convert_element_type3A_1550, %broadcast_in_dim3A_1552 : vector<1x100xf32>
    %mul3A_1554 = vector.broadcast %broadcast_in_dim3A_1545 : vector<16x1xf32> to vector<16x100xf32>
    %mul3A_1555 = vector.broadcast %select_n3A_1553 : vector<1x100xf32> to vector<16x100xf32>
    %mul3A_1556 = arith.mulf %mul3A_1554, %mul3A_1555 : vector<16x100xf32>
    %add3A_1557 = arith.addf %add3A_1531, %mul3A_1556 : vector<16x100xf32>
    %mul3A_1558 = arith.constant 100 : i32
    %mul3A_1559 = arith.muli %arg0, %mul3A_1558 : i32
    %add3A_1560 = arith.constant 60 : i32
    %add3A_1561 = arith.addi %mul3A_1559, %add3A_1560 : i32
    %get3A_1562 = arith.index_cast %add3A_1561 : i32 to index
    %get3A_1563 = memref.load %arg1[%get3A_1562] : memref<2500xi32, #tpu.memory_space<smem>>
    %get3A_1564 = arith.index_cast %add3A_1561 : i32 to index
    %get3A_1565 = memref.load %arg2[%get3A_1564] : memref<2500xi32, #tpu.memory_space<smem>>
    %get3A_1566 = arith.constant 0 : index
    %get3A_1567 = arith.constant 38400 : index
    %get3A_1568 = vector.load %arg3[%get3A_1566, %get3A_1567] : memref<16x64000xf32, #tpu.memory_space<vmem>>, vector<16x640xf32>
    %reduce_sum3A_1569 = arith.constant dense<0.000000e+00> : vector<16xf32>
    %reduce_sum3A_1570 = vector.multi_reduction <add>, %get3A_1568, %reduce_sum3A_1569 [1] : vector<16x640xf32> to vector<16xf32>
    %broadcast_in_dim3A_1571 = vector.shape_cast %reduce_sum3A_1570 : vector<16xf32> to vector<16x1xf32>
    %eq3A_1572 = arith.cmpi eq, %get3A_1563, %get3A_1565 : i32
    %eq3A_1573 = vector.broadcast %get3A_1563 : i32 to vector<1x100xi32>
    %eq3A_1574 = arith.cmpi eq, %iota3A, %eq3A_1573 : vector<1x100xi32>
    %convert_element_type3A_1575 = arith.extui %eq3A_1574 : vector<1x100xi1> to vector<1x100xi32>
    %convert_element_type3A_1576 = arith.sitofp %convert_element_type3A_1575 : vector<1x100xi32> to vector<1x100xf32>
    %broadcast_in_dim3A_1577 = arith.constant 0.000000e+00 : f32
    %broadcast_in_dim3A_1578 = vector.broadcast %broadcast_in_dim3A_1577 : f32 to vector<1x100xf32>
    %select_n3A_1579 = arith.select %eq3A_1572, %convert_element_type3A_1576, %broadcast_in_dim3A_1578 : vector<1x100xf32>
    %mul3A_1580 = vector.broadcast %broadcast_in_dim3A_1571 : vector<16x1xf32> to vector<16x100xf32>
    %mul3A_1581 = vector.broadcast %select_n3A_1579 : vector<1x100xf32> to vector<16x100xf32>
    %mul3A_1582 = arith.mulf %mul3A_1580, %mul3A_1581 : vector<16x100xf32>
    %add3A_1583 = arith.addf %add3A_1557, %mul3A_1582 : vector<16x100xf32>
    %mul3A_1584 = arith.constant 100 : i32
    %mul3A_1585 = arith.muli %arg0, %mul3A_1584 : i32
    %add3A_1586 = arith.constant 61 : i32
    %add3A_1587 = arith.addi %mul3A_1585, %add3A_1586 : i32
    %get3A_1588 = arith.index_cast %add3A_1587 : i32 to index
    %get3A_1589 = memref.load %arg1[%get3A_1588] : memref<2500xi32, #tpu.memory_space<smem>>
    %get3A_1590 = arith.index_cast %add3A_1587 : i32 to index
    %get3A_1591 = memref.load %arg2[%get3A_1590] : memref<2500xi32, #tpu.memory_space<smem>>
    %get3A_1592 = arith.constant 0 : index
    %get3A_1593 = arith.constant 39040 : index
    %get3A_1594 = vector.load %arg3[%get3A_1592, %get3A_1593] : memref<16x64000xf32, #tpu.memory_space<vmem>>, vector<16x640xf32>
    %reduce_sum3A_1595 = arith.constant dense<0.000000e+00> : vector<16xf32>
    %reduce_sum3A_1596 = vector.multi_reduction <add>, %get3A_1594, %reduce_sum3A_1595 [1] : vector<16x640xf32> to vector<16xf32>
    %broadcast_in_dim3A_1597 = vector.shape_cast %reduce_sum3A_1596 : vector<16xf32> to vector<16x1xf32>
    %eq3A_1598 = arith.cmpi eq, %get3A_1589, %get3A_1591 : i32
    %eq3A_1599 = vector.broadcast %get3A_1589 : i32 to vector<1x100xi32>
    %eq3A_1600 = arith.cmpi eq, %iota3A, %eq3A_1599 : vector<1x100xi32>
    %convert_element_type3A_1601 = arith.extui %eq3A_1600 : vector<1x100xi1> to vector<1x100xi32>
    %convert_element_type3A_1602 = arith.sitofp %convert_element_type3A_1601 : vector<1x100xi32> to vector<1x100xf32>
    %broadcast_in_dim3A_1603 = arith.constant 0.000000e+00 : f32
    %broadcast_in_dim3A_1604 = vector.broadcast %broadcast_in_dim3A_1603 : f32 to vector<1x100xf32>
    %select_n3A_1605 = arith.select %eq3A_1598, %convert_element_type3A_1602, %broadcast_in_dim3A_1604 : vector<1x100xf32>
    %mul3A_1606 = vector.broadcast %broadcast_in_dim3A_1597 : vector<16x1xf32> to vector<16x100xf32>
    %mul3A_1607 = vector.broadcast %select_n3A_1605 : vector<1x100xf32> to vector<16x100xf32>
    %mul3A_1608 = arith.mulf %mul3A_1606, %mul3A_1607 : vector<16x100xf32>
    %add3A_1609 = arith.addf %add3A_1583, %mul3A_1608 : vector<16x100xf32>
    %mul3A_1610 = arith.constant 100 : i32
    %mul3A_1611 = arith.muli %arg0, %mul3A_1610 : i32
    %add3A_1612 = arith.constant 62 : i32
    %add3A_1613 = arith.addi %mul3A_1611, %add3A_1612 : i32
    %get3A_1614 = arith.index_cast %add3A_1613 : i32 to index
    %get3A_1615 = memref.load %arg1[%get3A_1614] : memref<2500xi32, #tpu.memory_space<smem>>
    %get3A_1616 = arith.index_cast %add3A_1613 : i32 to index
    %get3A_1617 = memref.load %arg2[%get3A_1616] : memref<2500xi32, #tpu.memory_space<smem>>
    %get3A_1618 = arith.constant 0 : index
    %get3A_1619 = arith.constant 39680 : index
    %get3A_1620 = vector.load %arg3[%get3A_1618, %get3A_1619] : memref<16x64000xf32, #tpu.memory_space<vmem>>, vector<16x640xf32>
    %reduce_sum3A_1621 = arith.constant dense<0.000000e+00> : vector<16xf32>
    %reduce_sum3A_1622 = vector.multi_reduction <add>, %get3A_1620, %reduce_sum3A_1621 [1] : vector<16x640xf32> to vector<16xf32>
    %broadcast_in_dim3A_1623 = vector.shape_cast %reduce_sum3A_1622 : vector<16xf32> to vector<16x1xf32>
    %eq3A_1624 = arith.cmpi eq, %get3A_1615, %get3A_1617 : i32
    %eq3A_1625 = vector.broadcast %get3A_1615 : i32 to vector<1x100xi32>
    %eq3A_1626 = arith.cmpi eq, %iota3A, %eq3A_1625 : vector<1x100xi32>
    %convert_element_type3A_1627 = arith.extui %eq3A_1626 : vector<1x100xi1> to vector<1x100xi32>
    %convert_element_type3A_1628 = arith.sitofp %convert_element_type3A_1627 : vector<1x100xi32> to vector<1x100xf32>
    %broadcast_in_dim3A_1629 = arith.constant 0.000000e+00 : f32
    %broadcast_in_dim3A_1630 = vector.broadcast %broadcast_in_dim3A_1629 : f32 to vector<1x100xf32>
    %select_n3A_1631 = arith.select %eq3A_1624, %convert_element_type3A_1628, %broadcast_in_dim3A_1630 : vector<1x100xf32>
    %mul3A_1632 = vector.broadcast %broadcast_in_dim3A_1623 : vector<16x1xf32> to vector<16x100xf32>
    %mul3A_1633 = vector.broadcast %select_n3A_1631 : vector<1x100xf32> to vector<16x100xf32>
    %mul3A_1634 = arith.mulf %mul3A_1632, %mul3A_1633 : vector<16x100xf32>
    %add3A_1635 = arith.addf %add3A_1609, %mul3A_1634 : vector<16x100xf32>
    %mul3A_1636 = arith.constant 100 : i32
    %mul3A_1637 = arith.muli %arg0, %mul3A_1636 : i32
    %add3A_1638 = arith.constant 63 : i32
    %add3A_1639 = arith.addi %mul3A_1637, %add3A_1638 : i32
    %get3A_1640 = arith.index_cast %add3A_1639 : i32 to index
    %get3A_1641 = memref.load %arg1[%get3A_1640] : memref<2500xi32, #tpu.memory_space<smem>>
    %get3A_1642 = arith.index_cast %add3A_1639 : i32 to index
    %get3A_1643 = memref.load %arg2[%get3A_1642] : memref<2500xi32, #tpu.memory_space<smem>>
    %get3A_1644 = arith.constant 0 : index
    %get3A_1645 = arith.constant 40320 : index
    %get3A_1646 = vector.load %arg3[%get3A_1644, %get3A_1645] : memref<16x64000xf32, #tpu.memory_space<vmem>>, vector<16x640xf32>
    %reduce_sum3A_1647 = arith.constant dense<0.000000e+00> : vector<16xf32>
    %reduce_sum3A_1648 = vector.multi_reduction <add>, %get3A_1646, %reduce_sum3A_1647 [1] : vector<16x640xf32> to vector<16xf32>
    %broadcast_in_dim3A_1649 = vector.shape_cast %reduce_sum3A_1648 : vector<16xf32> to vector<16x1xf32>
    %eq3A_1650 = arith.cmpi eq, %get3A_1641, %get3A_1643 : i32
    %eq3A_1651 = vector.broadcast %get3A_1641 : i32 to vector<1x100xi32>
    %eq3A_1652 = arith.cmpi eq, %iota3A, %eq3A_1651 : vector<1x100xi32>
    %convert_element_type3A_1653 = arith.extui %eq3A_1652 : vector<1x100xi1> to vector<1x100xi32>
    %convert_element_type3A_1654 = arith.sitofp %convert_element_type3A_1653 : vector<1x100xi32> to vector<1x100xf32>
    %broadcast_in_dim3A_1655 = arith.constant 0.000000e+00 : f32
    %broadcast_in_dim3A_1656 = vector.broadcast %broadcast_in_dim3A_1655 : f32 to vector<1x100xf32>
    %select_n3A_1657 = arith.select %eq3A_1650, %convert_element_type3A_1654, %broadcast_in_dim3A_1656 : vector<1x100xf32>
    %mul3A_1658 = vector.broadcast %broadcast_in_dim3A_1649 : vector<16x1xf32> to vector<16x100xf32>
    %mul3A_1659 = vector.broadcast %select_n3A_1657 : vector<1x100xf32> to vector<16x100xf32>
    %mul3A_1660 = arith.mulf %mul3A_1658, %mul3A_1659 : vector<16x100xf32>
    %add3A_1661 = arith.addf %add3A_1635, %mul3A_1660 : vector<16x100xf32>
    %mul3A_1662 = arith.constant 100 : i32
    %mul3A_1663 = arith.muli %arg0, %mul3A_1662 : i32
    %add3A_1664 = arith.constant 64 : i32
    %add3A_1665 = arith.addi %mul3A_1663, %add3A_1664 : i32
    %get3A_1666 = arith.index_cast %add3A_1665 : i32 to index
    %get3A_1667 = memref.load %arg1[%get3A_1666] : memref<2500xi32, #tpu.memory_space<smem>>
    %get3A_1668 = arith.index_cast %add3A_1665 : i32 to index
    %get3A_1669 = memref.load %arg2[%get3A_1668] : memref<2500xi32, #tpu.memory_space<smem>>
    %get3A_1670 = arith.constant 0 : index
    %get3A_1671 = arith.constant 40960 : index
    %get3A_1672 = vector.load %arg3[%get3A_1670, %get3A_1671] : memref<16x64000xf32, #tpu.memory_space<vmem>>, vector<16x640xf32>
    %reduce_sum3A_1673 = arith.constant dense<0.000000e+00> : vector<16xf32>
    %reduce_sum3A_1674 = vector.multi_reduction <add>, %get3A_1672, %reduce_sum3A_1673 [1] : vector<16x640xf32> to vector<16xf32>
    %broadcast_in_dim3A_1675 = vector.shape_cast %reduce_sum3A_1674 : vector<16xf32> to vector<16x1xf32>
    %eq3A_1676 = arith.cmpi eq, %get3A_1667, %get3A_1669 : i32
    %eq3A_1677 = vector.broadcast %get3A_1667 : i32 to vector<1x100xi32>
    %eq3A_1678 = arith.cmpi eq, %iota3A, %eq3A_1677 : vector<1x100xi32>
    %convert_element_type3A_1679 = arith.extui %eq3A_1678 : vector<1x100xi1> to vector<1x100xi32>
    %convert_element_type3A_1680 = arith.sitofp %convert_element_type3A_1679 : vector<1x100xi32> to vector<1x100xf32>
    %broadcast_in_dim3A_1681 = arith.constant 0.000000e+00 : f32
    %broadcast_in_dim3A_1682 = vector.broadcast %broadcast_in_dim3A_1681 : f32 to vector<1x100xf32>
    %select_n3A_1683 = arith.select %eq3A_1676, %convert_element_type3A_1680, %broadcast_in_dim3A_1682 : vector<1x100xf32>
    %mul3A_1684 = vector.broadcast %broadcast_in_dim3A_1675 : vector<16x1xf32> to vector<16x100xf32>
    %mul3A_1685 = vector.broadcast %select_n3A_1683 : vector<1x100xf32> to vector<16x100xf32>
    %mul3A_1686 = arith.mulf %mul3A_1684, %mul3A_1685 : vector<16x100xf32>
    %add3A_1687 = arith.addf %add3A_1661, %mul3A_1686 : vector<16x100xf32>
    %mul3A_1688 = arith.constant 100 : i32
    %mul3A_1689 = arith.muli %arg0, %mul3A_1688 : i32
    %add3A_1690 = arith.constant 65 : i32
    %add3A_1691 = arith.addi %mul3A_1689, %add3A_1690 : i32
    %get3A_1692 = arith.index_cast %add3A_1691 : i32 to index
    %get3A_1693 = memref.load %arg1[%get3A_1692] : memref<2500xi32, #tpu.memory_space<smem>>
    %get3A_1694 = arith.index_cast %add3A_1691 : i32 to index
    %get3A_1695 = memref.load %arg2[%get3A_1694] : memref<2500xi32, #tpu.memory_space<smem>>
    %get3A_1696 = arith.constant 0 : index
    %get3A_1697 = arith.constant 41600 : index
    %get3A_1698 = vector.load %arg3[%get3A_1696, %get3A_1697] : memref<16x64000xf32, #tpu.memory_space<vmem>>, vector<16x640xf32>
    %reduce_sum3A_1699 = arith.constant dense<0.000000e+00> : vector<16xf32>
    %reduce_sum3A_1700 = vector.multi_reduction <add>, %get3A_1698, %reduce_sum3A_1699 [1] : vector<16x640xf32> to vector<16xf32>
    %broadcast_in_dim3A_1701 = vector.shape_cast %reduce_sum3A_1700 : vector<16xf32> to vector<16x1xf32>
    %eq3A_1702 = arith.cmpi eq, %get3A_1693, %get3A_1695 : i32
    %eq3A_1703 = vector.broadcast %get3A_1693 : i32 to vector<1x100xi32>
    %eq3A_1704 = arith.cmpi eq, %iota3A, %eq3A_1703 : vector<1x100xi32>
    %convert_element_type3A_1705 = arith.extui %eq3A_1704 : vector<1x100xi1> to vector<1x100xi32>
    %convert_element_type3A_1706 = arith.sitofp %convert_element_type3A_1705 : vector<1x100xi32> to vector<1x100xf32>
    %broadcast_in_dim3A_1707 = arith.constant 0.000000e+00 : f32
    %broadcast_in_dim3A_1708 = vector.broadcast %broadcast_in_dim3A_1707 : f32 to vector<1x100xf32>
    %select_n3A_1709 = arith.select %eq3A_1702, %convert_element_type3A_1706, %broadcast_in_dim3A_1708 : vector<1x100xf32>
    %mul3A_1710 = vector.broadcast %broadcast_in_dim3A_1701 : vector<16x1xf32> to vector<16x100xf32>
    %mul3A_1711 = vector.broadcast %select_n3A_1709 : vector<1x100xf32> to vector<16x100xf32>
    %mul3A_1712 = arith.mulf %mul3A_1710, %mul3A_1711 : vector<16x100xf32>
    %add3A_1713 = arith.addf %add3A_1687, %mul3A_1712 : vector<16x100xf32>
    %mul3A_1714 = arith.constant 100 : i32
    %mul3A_1715 = arith.muli %arg0, %mul3A_1714 : i32
    %add3A_1716 = arith.constant 66 : i32
    %add3A_1717 = arith.addi %mul3A_1715, %add3A_1716 : i32
    %get3A_1718 = arith.index_cast %add3A_1717 : i32 to index
    %get3A_1719 = memref.load %arg1[%get3A_1718] : memref<2500xi32, #tpu.memory_space<smem>>
    %get3A_1720 = arith.index_cast %add3A_1717 : i32 to index
    %get3A_1721 = memref.load %arg2[%get3A_1720] : memref<2500xi32, #tpu.memory_space<smem>>
    %get3A_1722 = arith.constant 0 : index
    %get3A_1723 = arith.constant 42240 : index
    %get3A_1724 = vector.load %arg3[%get3A_1722, %get3A_1723] : memref<16x64000xf32, #tpu.memory_space<vmem>>, vector<16x640xf32>
    %reduce_sum3A_1725 = arith.constant dense<0.000000e+00> : vector<16xf32>
    %reduce_sum3A_1726 = vector.multi_reduction <add>, %get3A_1724, %reduce_sum3A_1725 [1] : vector<16x640xf32> to vector<16xf32>
    %broadcast_in_dim3A_1727 = vector.shape_cast %reduce_sum3A_1726 : vector<16xf32> to vector<16x1xf32>
    %eq3A_1728 = arith.cmpi eq, %get3A_1719, %get3A_1721 : i32
    %eq3A_1729 = vector.broadcast %get3A_1719 : i32 to vector<1x100xi32>
    %eq3A_1730 = arith.cmpi eq, %iota3A, %eq3A_1729 : vector<1x100xi32>
    %convert_element_type3A_1731 = arith.extui %eq3A_1730 : vector<1x100xi1> to vector<1x100xi32>
    %convert_element_type3A_1732 = arith.sitofp %convert_element_type3A_1731 : vector<1x100xi32> to vector<1x100xf32>
    %broadcast_in_dim3A_1733 = arith.constant 0.000000e+00 : f32
    %broadcast_in_dim3A_1734 = vector.broadcast %broadcast_in_dim3A_1733 : f32 to vector<1x100xf32>
    %select_n3A_1735 = arith.select %eq3A_1728, %convert_element_type3A_1732, %broadcast_in_dim3A_1734 : vector<1x100xf32>
    %mul3A_1736 = vector.broadcast %broadcast_in_dim3A_1727 : vector<16x1xf32> to vector<16x100xf32>
    %mul3A_1737 = vector.broadcast %select_n3A_1735 : vector<1x100xf32> to vector<16x100xf32>
    %mul3A_1738 = arith.mulf %mul3A_1736, %mul3A_1737 : vector<16x100xf32>
    %add3A_1739 = arith.addf %add3A_1713, %mul3A_1738 : vector<16x100xf32>
    %mul3A_1740 = arith.constant 100 : i32
    %mul3A_1741 = arith.muli %arg0, %mul3A_1740 : i32
    %add3A_1742 = arith.constant 67 : i32
    %add3A_1743 = arith.addi %mul3A_1741, %add3A_1742 : i32
    %get3A_1744 = arith.index_cast %add3A_1743 : i32 to index
    %get3A_1745 = memref.load %arg1[%get3A_1744] : memref<2500xi32, #tpu.memory_space<smem>>
    %get3A_1746 = arith.index_cast %add3A_1743 : i32 to index
    %get3A_1747 = memref.load %arg2[%get3A_1746] : memref<2500xi32, #tpu.memory_space<smem>>
    %get3A_1748 = arith.constant 0 : index
    %get3A_1749 = arith.constant 42880 : index
    %get3A_1750 = vector.load %arg3[%get3A_1748, %get3A_1749] : memref<16x64000xf32, #tpu.memory_space<vmem>>, vector<16x640xf32>
    %reduce_sum3A_1751 = arith.constant dense<0.000000e+00> : vector<16xf32>
    %reduce_sum3A_1752 = vector.multi_reduction <add>, %get3A_1750, %reduce_sum3A_1751 [1] : vector<16x640xf32> to vector<16xf32>
    %broadcast_in_dim3A_1753 = vector.shape_cast %reduce_sum3A_1752 : vector<16xf32> to vector<16x1xf32>
    %eq3A_1754 = arith.cmpi eq, %get3A_1745, %get3A_1747 : i32
    %eq3A_1755 = vector.broadcast %get3A_1745 : i32 to vector<1x100xi32>
    %eq3A_1756 = arith.cmpi eq, %iota3A, %eq3A_1755 : vector<1x100xi32>
    %convert_element_type3A_1757 = arith.extui %eq3A_1756 : vector<1x100xi1> to vector<1x100xi32>
    %convert_element_type3A_1758 = arith.sitofp %convert_element_type3A_1757 : vector<1x100xi32> to vector<1x100xf32>
    %broadcast_in_dim3A_1759 = arith.constant 0.000000e+00 : f32
    %broadcast_in_dim3A_1760 = vector.broadcast %broadcast_in_dim3A_1759 : f32 to vector<1x100xf32>
    %select_n3A_1761 = arith.select %eq3A_1754, %convert_element_type3A_1758, %broadcast_in_dim3A_1760 : vector<1x100xf32>
    %mul3A_1762 = vector.broadcast %broadcast_in_dim3A_1753 : vector<16x1xf32> to vector<16x100xf32>
    %mul3A_1763 = vector.broadcast %select_n3A_1761 : vector<1x100xf32> to vector<16x100xf32>
    %mul3A_1764 = arith.mulf %mul3A_1762, %mul3A_1763 : vector<16x100xf32>
    %add3A_1765 = arith.addf %add3A_1739, %mul3A_1764 : vector<16x100xf32>
    %mul3A_1766 = arith.constant 100 : i32
    %mul3A_1767 = arith.muli %arg0, %mul3A_1766 : i32
    %add3A_1768 = arith.constant 68 : i32
    %add3A_1769 = arith.addi %mul3A_1767, %add3A_1768 : i32
    %get3A_1770 = arith.index_cast %add3A_1769 : i32 to index
    %get3A_1771 = memref.load %arg1[%get3A_1770] : memref<2500xi32, #tpu.memory_space<smem>>
    %get3A_1772 = arith.index_cast %add3A_1769 : i32 to index
    %get3A_1773 = memref.load %arg2[%get3A_1772] : memref<2500xi32, #tpu.memory_space<smem>>
    %get3A_1774 = arith.constant 0 : index
    %get3A_1775 = arith.constant 43520 : index
    %get3A_1776 = vector.load %arg3[%get3A_1774, %get3A_1775] : memref<16x64000xf32, #tpu.memory_space<vmem>>, vector<16x640xf32>
    %reduce_sum3A_1777 = arith.constant dense<0.000000e+00> : vector<16xf32>
    %reduce_sum3A_1778 = vector.multi_reduction <add>, %get3A_1776, %reduce_sum3A_1777 [1] : vector<16x640xf32> to vector<16xf32>
    %broadcast_in_dim3A_1779 = vector.shape_cast %reduce_sum3A_1778 : vector<16xf32> to vector<16x1xf32>
    %eq3A_1780 = arith.cmpi eq, %get3A_1771, %get3A_1773 : i32
    %eq3A_1781 = vector.broadcast %get3A_1771 : i32 to vector<1x100xi32>
    %eq3A_1782 = arith.cmpi eq, %iota3A, %eq3A_1781 : vector<1x100xi32>
    %convert_element_type3A_1783 = arith.extui %eq3A_1782 : vector<1x100xi1> to vector<1x100xi32>
    %convert_element_type3A_1784 = arith.sitofp %convert_element_type3A_1783 : vector<1x100xi32> to vector<1x100xf32>
    %broadcast_in_dim3A_1785 = arith.constant 0.000000e+00 : f32
    %broadcast_in_dim3A_1786 = vector.broadcast %broadcast_in_dim3A_1785 : f32 to vector<1x100xf32>
    %select_n3A_1787 = arith.select %eq3A_1780, %convert_element_type3A_1784, %broadcast_in_dim3A_1786 : vector<1x100xf32>
    %mul3A_1788 = vector.broadcast %broadcast_in_dim3A_1779 : vector<16x1xf32> to vector<16x100xf32>
    %mul3A_1789 = vector.broadcast %select_n3A_1787 : vector<1x100xf32> to vector<16x100xf32>
    %mul3A_1790 = arith.mulf %mul3A_1788, %mul3A_1789 : vector<16x100xf32>
    %add3A_1791 = arith.addf %add3A_1765, %mul3A_1790 : vector<16x100xf32>
    %mul3A_1792 = arith.constant 100 : i32
    %mul3A_1793 = arith.muli %arg0, %mul3A_1792 : i32
    %add3A_1794 = arith.constant 69 : i32
    %add3A_1795 = arith.addi %mul3A_1793, %add3A_1794 : i32
    %get3A_1796 = arith.index_cast %add3A_1795 : i32 to index
    %get3A_1797 = memref.load %arg1[%get3A_1796] : memref<2500xi32, #tpu.memory_space<smem>>
    %get3A_1798 = arith.index_cast %add3A_1795 : i32 to index
    %get3A_1799 = memref.load %arg2[%get3A_1798] : memref<2500xi32, #tpu.memory_space<smem>>
    %get3A_1800 = arith.constant 0 : index
    %get3A_1801 = arith.constant 44160 : index
    %get3A_1802 = vector.load %arg3[%get3A_1800, %get3A_1801] : memref<16x64000xf32, #tpu.memory_space<vmem>>, vector<16x640xf32>
    %reduce_sum3A_1803 = arith.constant dense<0.000000e+00> : vector<16xf32>
    %reduce_sum3A_1804 = vector.multi_reduction <add>, %get3A_1802, %reduce_sum3A_1803 [1] : vector<16x640xf32> to vector<16xf32>
    %broadcast_in_dim3A_1805 = vector.shape_cast %reduce_sum3A_1804 : vector<16xf32> to vector<16x1xf32>
    %eq3A_1806 = arith.cmpi eq, %get3A_1797, %get3A_1799 : i32
    %eq3A_1807 = vector.broadcast %get3A_1797 : i32 to vector<1x100xi32>
    %eq3A_1808 = arith.cmpi eq, %iota3A, %eq3A_1807 : vector<1x100xi32>
    %convert_element_type3A_1809 = arith.extui %eq3A_1808 : vector<1x100xi1> to vector<1x100xi32>
    %convert_element_type3A_1810 = arith.sitofp %convert_element_type3A_1809 : vector<1x100xi32> to vector<1x100xf32>
    %broadcast_in_dim3A_1811 = arith.constant 0.000000e+00 : f32
    %broadcast_in_dim3A_1812 = vector.broadcast %broadcast_in_dim3A_1811 : f32 to vector<1x100xf32>
    %select_n3A_1813 = arith.select %eq3A_1806, %convert_element_type3A_1810, %broadcast_in_dim3A_1812 : vector<1x100xf32>
    %mul3A_1814 = vector.broadcast %broadcast_in_dim3A_1805 : vector<16x1xf32> to vector<16x100xf32>
    %mul3A_1815 = vector.broadcast %select_n3A_1813 : vector<1x100xf32> to vector<16x100xf32>
    %mul3A_1816 = arith.mulf %mul3A_1814, %mul3A_1815 : vector<16x100xf32>
    %add3A_1817 = arith.addf %add3A_1791, %mul3A_1816 : vector<16x100xf32>
    %mul3A_1818 = arith.constant 100 : i32
    %mul3A_1819 = arith.muli %arg0, %mul3A_1818 : i32
    %add3A_1820 = arith.constant 70 : i32
    %add3A_1821 = arith.addi %mul3A_1819, %add3A_1820 : i32
    %get3A_1822 = arith.index_cast %add3A_1821 : i32 to index
    %get3A_1823 = memref.load %arg1[%get3A_1822] : memref<2500xi32, #tpu.memory_space<smem>>
    %get3A_1824 = arith.index_cast %add3A_1821 : i32 to index
    %get3A_1825 = memref.load %arg2[%get3A_1824] : memref<2500xi32, #tpu.memory_space<smem>>
    %get3A_1826 = arith.constant 0 : index
    %get3A_1827 = arith.constant 44800 : index
    %get3A_1828 = vector.load %arg3[%get3A_1826, %get3A_1827] : memref<16x64000xf32, #tpu.memory_space<vmem>>, vector<16x640xf32>
    %reduce_sum3A_1829 = arith.constant dense<0.000000e+00> : vector<16xf32>
    %reduce_sum3A_1830 = vector.multi_reduction <add>, %get3A_1828, %reduce_sum3A_1829 [1] : vector<16x640xf32> to vector<16xf32>
    %broadcast_in_dim3A_1831 = vector.shape_cast %reduce_sum3A_1830 : vector<16xf32> to vector<16x1xf32>
    %eq3A_1832 = arith.cmpi eq, %get3A_1823, %get3A_1825 : i32
    %eq3A_1833 = vector.broadcast %get3A_1823 : i32 to vector<1x100xi32>
    %eq3A_1834 = arith.cmpi eq, %iota3A, %eq3A_1833 : vector<1x100xi32>
    %convert_element_type3A_1835 = arith.extui %eq3A_1834 : vector<1x100xi1> to vector<1x100xi32>
    %convert_element_type3A_1836 = arith.sitofp %convert_element_type3A_1835 : vector<1x100xi32> to vector<1x100xf32>
    %broadcast_in_dim3A_1837 = arith.constant 0.000000e+00 : f32
    %broadcast_in_dim3A_1838 = vector.broadcast %broadcast_in_dim3A_1837 : f32 to vector<1x100xf32>
    %select_n3A_1839 = arith.select %eq3A_1832, %convert_element_type3A_1836, %broadcast_in_dim3A_1838 : vector<1x100xf32>
    %mul3A_1840 = vector.broadcast %broadcast_in_dim3A_1831 : vector<16x1xf32> to vector<16x100xf32>
    %mul3A_1841 = vector.broadcast %select_n3A_1839 : vector<1x100xf32> to vector<16x100xf32>
    %mul3A_1842 = arith.mulf %mul3A_1840, %mul3A_1841 : vector<16x100xf32>
    %add3A_1843 = arith.addf %add3A_1817, %mul3A_1842 : vector<16x100xf32>
    %mul3A_1844 = arith.constant 100 : i32
    %mul3A_1845 = arith.muli %arg0, %mul3A_1844 : i32
    %add3A_1846 = arith.constant 71 : i32
    %add3A_1847 = arith.addi %mul3A_1845, %add3A_1846 : i32
    %get3A_1848 = arith.index_cast %add3A_1847 : i32 to index
    %get3A_1849 = memref.load %arg1[%get3A_1848] : memref<2500xi32, #tpu.memory_space<smem>>
    %get3A_1850 = arith.index_cast %add3A_1847 : i32 to index
    %get3A_1851 = memref.load %arg2[%get3A_1850] : memref<2500xi32, #tpu.memory_space<smem>>
    %get3A_1852 = arith.constant 0 : index
    %get3A_1853 = arith.constant 45440 : index
    %get3A_1854 = vector.load %arg3[%get3A_1852, %get3A_1853] : memref<16x64000xf32, #tpu.memory_space<vmem>>, vector<16x640xf32>
    %reduce_sum3A_1855 = arith.constant dense<0.000000e+00> : vector<16xf32>
    %reduce_sum3A_1856 = vector.multi_reduction <add>, %get3A_1854, %reduce_sum3A_1855 [1] : vector<16x640xf32> to vector<16xf32>
    %broadcast_in_dim3A_1857 = vector.shape_cast %reduce_sum3A_1856 : vector<16xf32> to vector<16x1xf32>
    %eq3A_1858 = arith.cmpi eq, %get3A_1849, %get3A_1851 : i32
    %eq3A_1859 = vector.broadcast %get3A_1849 : i32 to vector<1x100xi32>
    %eq3A_1860 = arith.cmpi eq, %iota3A, %eq3A_1859 : vector<1x100xi32>
    %convert_element_type3A_1861 = arith.extui %eq3A_1860 : vector<1x100xi1> to vector<1x100xi32>
    %convert_element_type3A_1862 = arith.sitofp %convert_element_type3A_1861 : vector<1x100xi32> to vector<1x100xf32>
    %broadcast_in_dim3A_1863 = arith.constant 0.000000e+00 : f32
    %broadcast_in_dim3A_1864 = vector.broadcast %broadcast_in_dim3A_1863 : f32 to vector<1x100xf32>
    %select_n3A_1865 = arith.select %eq3A_1858, %convert_element_type3A_1862, %broadcast_in_dim3A_1864 : vector<1x100xf32>
    %mul3A_1866 = vector.broadcast %broadcast_in_dim3A_1857 : vector<16x1xf32> to vector<16x100xf32>
    %mul3A_1867 = vector.broadcast %select_n3A_1865 : vector<1x100xf32> to vector<16x100xf32>
    %mul3A_1868 = arith.mulf %mul3A_1866, %mul3A_1867 : vector<16x100xf32>
    %add3A_1869 = arith.addf %add3A_1843, %mul3A_1868 : vector<16x100xf32>
    %mul3A_1870 = arith.constant 100 : i32
    %mul3A_1871 = arith.muli %arg0, %mul3A_1870 : i32
    %add3A_1872 = arith.constant 72 : i32
    %add3A_1873 = arith.addi %mul3A_1871, %add3A_1872 : i32
    %get3A_1874 = arith.index_cast %add3A_1873 : i32 to index
    %get3A_1875 = memref.load %arg1[%get3A_1874] : memref<2500xi32, #tpu.memory_space<smem>>
    %get3A_1876 = arith.index_cast %add3A_1873 : i32 to index
    %get3A_1877 = memref.load %arg2[%get3A_1876] : memref<2500xi32, #tpu.memory_space<smem>>
    %get3A_1878 = arith.constant 0 : index
    %get3A_1879 = arith.constant 46080 : index
    %get3A_1880 = vector.load %arg3[%get3A_1878, %get3A_1879] : memref<16x64000xf32, #tpu.memory_space<vmem>>, vector<16x640xf32>
    %reduce_sum3A_1881 = arith.constant dense<0.000000e+00> : vector<16xf32>
    %reduce_sum3A_1882 = vector.multi_reduction <add>, %get3A_1880, %reduce_sum3A_1881 [1] : vector<16x640xf32> to vector<16xf32>
    %broadcast_in_dim3A_1883 = vector.shape_cast %reduce_sum3A_1882 : vector<16xf32> to vector<16x1xf32>
    %eq3A_1884 = arith.cmpi eq, %get3A_1875, %get3A_1877 : i32
    %eq3A_1885 = vector.broadcast %get3A_1875 : i32 to vector<1x100xi32>
    %eq3A_1886 = arith.cmpi eq, %iota3A, %eq3A_1885 : vector<1x100xi32>
    %convert_element_type3A_1887 = arith.extui %eq3A_1886 : vector<1x100xi1> to vector<1x100xi32>
    %convert_element_type3A_1888 = arith.sitofp %convert_element_type3A_1887 : vector<1x100xi32> to vector<1x100xf32>
    %broadcast_in_dim3A_1889 = arith.constant 0.000000e+00 : f32
    %broadcast_in_dim3A_1890 = vector.broadcast %broadcast_in_dim3A_1889 : f32 to vector<1x100xf32>
    %select_n3A_1891 = arith.select %eq3A_1884, %convert_element_type3A_1888, %broadcast_in_dim3A_1890 : vector<1x100xf32>
    %mul3A_1892 = vector.broadcast %broadcast_in_dim3A_1883 : vector<16x1xf32> to vector<16x100xf32>
    %mul3A_1893 = vector.broadcast %select_n3A_1891 : vector<1x100xf32> to vector<16x100xf32>
    %mul3A_1894 = arith.mulf %mul3A_1892, %mul3A_1893 : vector<16x100xf32>
    %add3A_1895 = arith.addf %add3A_1869, %mul3A_1894 : vector<16x100xf32>
    %mul3A_1896 = arith.constant 100 : i32
    %mul3A_1897 = arith.muli %arg0, %mul3A_1896 : i32
    %add3A_1898 = arith.constant 73 : i32
    %add3A_1899 = arith.addi %mul3A_1897, %add3A_1898 : i32
    %get3A_1900 = arith.index_cast %add3A_1899 : i32 to index
    %get3A_1901 = memref.load %arg1[%get3A_1900] : memref<2500xi32, #tpu.memory_space<smem>>
    %get3A_1902 = arith.index_cast %add3A_1899 : i32 to index
    %get3A_1903 = memref.load %arg2[%get3A_1902] : memref<2500xi32, #tpu.memory_space<smem>>
    %get3A_1904 = arith.constant 0 : index
    %get3A_1905 = arith.constant 46720 : index
    %get3A_1906 = vector.load %arg3[%get3A_1904, %get3A_1905] : memref<16x64000xf32, #tpu.memory_space<vmem>>, vector<16x640xf32>
    %reduce_sum3A_1907 = arith.constant dense<0.000000e+00> : vector<16xf32>
    %reduce_sum3A_1908 = vector.multi_reduction <add>, %get3A_1906, %reduce_sum3A_1907 [1] : vector<16x640xf32> to vector<16xf32>
    %broadcast_in_dim3A_1909 = vector.shape_cast %reduce_sum3A_1908 : vector<16xf32> to vector<16x1xf32>
    %eq3A_1910 = arith.cmpi eq, %get3A_1901, %get3A_1903 : i32
    %eq3A_1911 = vector.broadcast %get3A_1901 : i32 to vector<1x100xi32>
    %eq3A_1912 = arith.cmpi eq, %iota3A, %eq3A_1911 : vector<1x100xi32>
    %convert_element_type3A_1913 = arith.extui %eq3A_1912 : vector<1x100xi1> to vector<1x100xi32>
    %convert_element_type3A_1914 = arith.sitofp %convert_element_type3A_1913 : vector<1x100xi32> to vector<1x100xf32>
    %broadcast_in_dim3A_1915 = arith.constant 0.000000e+00 : f32
    %broadcast_in_dim3A_1916 = vector.broadcast %broadcast_in_dim3A_1915 : f32 to vector<1x100xf32>
    %select_n3A_1917 = arith.select %eq3A_1910, %convert_element_type3A_1914, %broadcast_in_dim3A_1916 : vector<1x100xf32>
    %mul3A_1918 = vector.broadcast %broadcast_in_dim3A_1909 : vector<16x1xf32> to vector<16x100xf32>
    %mul3A_1919 = vector.broadcast %select_n3A_1917 : vector<1x100xf32> to vector<16x100xf32>
    %mul3A_1920 = arith.mulf %mul3A_1918, %mul3A_1919 : vector<16x100xf32>
    %add3A_1921 = arith.addf %add3A_1895, %mul3A_1920 : vector<16x100xf32>
    %mul3A_1922 = arith.constant 100 : i32
    %mul3A_1923 = arith.muli %arg0, %mul3A_1922 : i32
    %add3A_1924 = arith.constant 74 : i32
    %add3A_1925 = arith.addi %mul3A_1923, %add3A_1924 : i32
    %get3A_1926 = arith.index_cast %add3A_1925 : i32 to index
    %get3A_1927 = memref.load %arg1[%get3A_1926] : memref<2500xi32, #tpu.memory_space<smem>>
    %get3A_1928 = arith.index_cast %add3A_1925 : i32 to index
    %get3A_1929 = memref.load %arg2[%get3A_1928] : memref<2500xi32, #tpu.memory_space<smem>>
    %get3A_1930 = arith.constant 0 : index
    %get3A_1931 = arith.constant 47360 : index
    %get3A_1932 = vector.load %arg3[%get3A_1930, %get3A_1931] : memref<16x64000xf32, #tpu.memory_space<vmem>>, vector<16x640xf32>
    %reduce_sum3A_1933 = arith.constant dense<0.000000e+00> : vector<16xf32>
    %reduce_sum3A_1934 = vector.multi_reduction <add>, %get3A_1932, %reduce_sum3A_1933 [1] : vector<16x640xf32> to vector<16xf32>
    %broadcast_in_dim3A_1935 = vector.shape_cast %reduce_sum3A_1934 : vector<16xf32> to vector<16x1xf32>
    %eq3A_1936 = arith.cmpi eq, %get3A_1927, %get3A_1929 : i32
    %eq3A_1937 = vector.broadcast %get3A_1927 : i32 to vector<1x100xi32>
    %eq3A_1938 = arith.cmpi eq, %iota3A, %eq3A_1937 : vector<1x100xi32>
    %convert_element_type3A_1939 = arith.extui %eq3A_1938 : vector<1x100xi1> to vector<1x100xi32>
    %convert_element_type3A_1940 = arith.sitofp %convert_element_type3A_1939 : vector<1x100xi32> to vector<1x100xf32>
    %broadcast_in_dim3A_1941 = arith.constant 0.000000e+00 : f32
    %broadcast_in_dim3A_1942 = vector.broadcast %broadcast_in_dim3A_1941 : f32 to vector<1x100xf32>
    %select_n3A_1943 = arith.select %eq3A_1936, %convert_element_type3A_1940, %broadcast_in_dim3A_1942 : vector<1x100xf32>
    %mul3A_1944 = vector.broadcast %broadcast_in_dim3A_1935 : vector<16x1xf32> to vector<16x100xf32>
    %mul3A_1945 = vector.broadcast %select_n3A_1943 : vector<1x100xf32> to vector<16x100xf32>
    %mul3A_1946 = arith.mulf %mul3A_1944, %mul3A_1945 : vector<16x100xf32>
    %add3A_1947 = arith.addf %add3A_1921, %mul3A_1946 : vector<16x100xf32>
    %mul3A_1948 = arith.constant 100 : i32
    %mul3A_1949 = arith.muli %arg0, %mul3A_1948 : i32
    %add3A_1950 = arith.constant 75 : i32
    %add3A_1951 = arith.addi %mul3A_1949, %add3A_1950 : i32
    %get3A_1952 = arith.index_cast %add3A_1951 : i32 to index
    %get3A_1953 = memref.load %arg1[%get3A_1952] : memref<2500xi32, #tpu.memory_space<smem>>
    %get3A_1954 = arith.index_cast %add3A_1951 : i32 to index
    %get3A_1955 = memref.load %arg2[%get3A_1954] : memref<2500xi32, #tpu.memory_space<smem>>
    %get3A_1956 = arith.constant 0 : index
    %get3A_1957 = arith.constant 48000 : index
    %get3A_1958 = vector.load %arg3[%get3A_1956, %get3A_1957] : memref<16x64000xf32, #tpu.memory_space<vmem>>, vector<16x640xf32>
    %reduce_sum3A_1959 = arith.constant dense<0.000000e+00> : vector<16xf32>
    %reduce_sum3A_1960 = vector.multi_reduction <add>, %get3A_1958, %reduce_sum3A_1959 [1] : vector<16x640xf32> to vector<16xf32>
    %broadcast_in_dim3A_1961 = vector.shape_cast %reduce_sum3A_1960 : vector<16xf32> to vector<16x1xf32>
    %eq3A_1962 = arith.cmpi eq, %get3A_1953, %get3A_1955 : i32
    %eq3A_1963 = vector.broadcast %get3A_1953 : i32 to vector<1x100xi32>
    %eq3A_1964 = arith.cmpi eq, %iota3A, %eq3A_1963 : vector<1x100xi32>
    %convert_element_type3A_1965 = arith.extui %eq3A_1964 : vector<1x100xi1> to vector<1x100xi32>
    %convert_element_type3A_1966 = arith.sitofp %convert_element_type3A_1965 : vector<1x100xi32> to vector<1x100xf32>
    %broadcast_in_dim3A_1967 = arith.constant 0.000000e+00 : f32
    %broadcast_in_dim3A_1968 = vector.broadcast %broadcast_in_dim3A_1967 : f32 to vector<1x100xf32>
    %select_n3A_1969 = arith.select %eq3A_1962, %convert_element_type3A_1966, %broadcast_in_dim3A_1968 : vector<1x100xf32>
    %mul3A_1970 = vector.broadcast %broadcast_in_dim3A_1961 : vector<16x1xf32> to vector<16x100xf32>
    %mul3A_1971 = vector.broadcast %select_n3A_1969 : vector<1x100xf32> to vector<16x100xf32>
    %mul3A_1972 = arith.mulf %mul3A_1970, %mul3A_1971 : vector<16x100xf32>
    %add3A_1973 = arith.addf %add3A_1947, %mul3A_1972 : vector<16x100xf32>
    %mul3A_1974 = arith.constant 100 : i32
    %mul3A_1975 = arith.muli %arg0, %mul3A_1974 : i32
    %add3A_1976 = arith.constant 76 : i32
    %add3A_1977 = arith.addi %mul3A_1975, %add3A_1976 : i32
    %get3A_1978 = arith.index_cast %add3A_1977 : i32 to index
    %get3A_1979 = memref.load %arg1[%get3A_1978] : memref<2500xi32, #tpu.memory_space<smem>>
    %get3A_1980 = arith.index_cast %add3A_1977 : i32 to index
    %get3A_1981 = memref.load %arg2[%get3A_1980] : memref<2500xi32, #tpu.memory_space<smem>>
    %get3A_1982 = arith.constant 0 : index
    %get3A_1983 = arith.constant 48640 : index
    %get3A_1984 = vector.load %arg3[%get3A_1982, %get3A_1983] : memref<16x64000xf32, #tpu.memory_space<vmem>>, vector<16x640xf32>
    %reduce_sum3A_1985 = arith.constant dense<0.000000e+00> : vector<16xf32>
    %reduce_sum3A_1986 = vector.multi_reduction <add>, %get3A_1984, %reduce_sum3A_1985 [1] : vector<16x640xf32> to vector<16xf32>
    %broadcast_in_dim3A_1987 = vector.shape_cast %reduce_sum3A_1986 : vector<16xf32> to vector<16x1xf32>
    %eq3A_1988 = arith.cmpi eq, %get3A_1979, %get3A_1981 : i32
    %eq3A_1989 = vector.broadcast %get3A_1979 : i32 to vector<1x100xi32>
    %eq3A_1990 = arith.cmpi eq, %iota3A, %eq3A_1989 : vector<1x100xi32>
    %convert_element_type3A_1991 = arith.extui %eq3A_1990 : vector<1x100xi1> to vector<1x100xi32>
    %convert_element_type3A_1992 = arith.sitofp %convert_element_type3A_1991 : vector<1x100xi32> to vector<1x100xf32>
    %broadcast_in_dim3A_1993 = arith.constant 0.000000e+00 : f32
    %broadcast_in_dim3A_1994 = vector.broadcast %broadcast_in_dim3A_1993 : f32 to vector<1x100xf32>
    %select_n3A_1995 = arith.select %eq3A_1988, %convert_element_type3A_1992, %broadcast_in_dim3A_1994 : vector<1x100xf32>
    %mul3A_1996 = vector.broadcast %broadcast_in_dim3A_1987 : vector<16x1xf32> to vector<16x100xf32>
    %mul3A_1997 = vector.broadcast %select_n3A_1995 : vector<1x100xf32> to vector<16x100xf32>
    %mul3A_1998 = arith.mulf %mul3A_1996, %mul3A_1997 : vector<16x100xf32>
    %add3A_1999 = arith.addf %add3A_1973, %mul3A_1998 : vector<16x100xf32>
    %mul3A_2000 = arith.constant 100 : i32
    %mul3A_2001 = arith.muli %arg0, %mul3A_2000 : i32
    %add3A_2002 = arith.constant 77 : i32
    %add3A_2003 = arith.addi %mul3A_2001, %add3A_2002 : i32
    %get3A_2004 = arith.index_cast %add3A_2003 : i32 to index
    %get3A_2005 = memref.load %arg1[%get3A_2004] : memref<2500xi32, #tpu.memory_space<smem>>
    %get3A_2006 = arith.index_cast %add3A_2003 : i32 to index
    %get3A_2007 = memref.load %arg2[%get3A_2006] : memref<2500xi32, #tpu.memory_space<smem>>
    %get3A_2008 = arith.constant 0 : index
    %get3A_2009 = arith.constant 49280 : index
    %get3A_2010 = vector.load %arg3[%get3A_2008, %get3A_2009] : memref<16x64000xf32, #tpu.memory_space<vmem>>, vector<16x640xf32>
    %reduce_sum3A_2011 = arith.constant dense<0.000000e+00> : vector<16xf32>
    %reduce_sum3A_2012 = vector.multi_reduction <add>, %get3A_2010, %reduce_sum3A_2011 [1] : vector<16x640xf32> to vector<16xf32>
    %broadcast_in_dim3A_2013 = vector.shape_cast %reduce_sum3A_2012 : vector<16xf32> to vector<16x1xf32>
    %eq3A_2014 = arith.cmpi eq, %get3A_2005, %get3A_2007 : i32
    %eq3A_2015 = vector.broadcast %get3A_2005 : i32 to vector<1x100xi32>
    %eq3A_2016 = arith.cmpi eq, %iota3A, %eq3A_2015 : vector<1x100xi32>
    %convert_element_type3A_2017 = arith.extui %eq3A_2016 : vector<1x100xi1> to vector<1x100xi32>
    %convert_element_type3A_2018 = arith.sitofp %convert_element_type3A_2017 : vector<1x100xi32> to vector<1x100xf32>
    %broadcast_in_dim3A_2019 = arith.constant 0.000000e+00 : f32
    %broadcast_in_dim3A_2020 = vector.broadcast %broadcast_in_dim3A_2019 : f32 to vector<1x100xf32>
    %select_n3A_2021 = arith.select %eq3A_2014, %convert_element_type3A_2018, %broadcast_in_dim3A_2020 : vector<1x100xf32>
    %mul3A_2022 = vector.broadcast %broadcast_in_dim3A_2013 : vector<16x1xf32> to vector<16x100xf32>
    %mul3A_2023 = vector.broadcast %select_n3A_2021 : vector<1x100xf32> to vector<16x100xf32>
    %mul3A_2024 = arith.mulf %mul3A_2022, %mul3A_2023 : vector<16x100xf32>
    %add3A_2025 = arith.addf %add3A_1999, %mul3A_2024 : vector<16x100xf32>
    %mul3A_2026 = arith.constant 100 : i32
    %mul3A_2027 = arith.muli %arg0, %mul3A_2026 : i32
    %add3A_2028 = arith.constant 78 : i32
    %add3A_2029 = arith.addi %mul3A_2027, %add3A_2028 : i32
    %get3A_2030 = arith.index_cast %add3A_2029 : i32 to index
    %get3A_2031 = memref.load %arg1[%get3A_2030] : memref<2500xi32, #tpu.memory_space<smem>>
    %get3A_2032 = arith.index_cast %add3A_2029 : i32 to index
    %get3A_2033 = memref.load %arg2[%get3A_2032] : memref<2500xi32, #tpu.memory_space<smem>>
    %get3A_2034 = arith.constant 0 : index
    %get3A_2035 = arith.constant 49920 : index
    %get3A_2036 = vector.load %arg3[%get3A_2034, %get3A_2035] : memref<16x64000xf32, #tpu.memory_space<vmem>>, vector<16x640xf32>
    %reduce_sum3A_2037 = arith.constant dense<0.000000e+00> : vector<16xf32>
    %reduce_sum3A_2038 = vector.multi_reduction <add>, %get3A_2036, %reduce_sum3A_2037 [1] : vector<16x640xf32> to vector<16xf32>
    %broadcast_in_dim3A_2039 = vector.shape_cast %reduce_sum3A_2038 : vector<16xf32> to vector<16x1xf32>
    %eq3A_2040 = arith.cmpi eq, %get3A_2031, %get3A_2033 : i32
    %eq3A_2041 = vector.broadcast %get3A_2031 : i32 to vector<1x100xi32>
    %eq3A_2042 = arith.cmpi eq, %iota3A, %eq3A_2041 : vector<1x100xi32>
    %convert_element_type3A_2043 = arith.extui %eq3A_2042 : vector<1x100xi1> to vector<1x100xi32>
    %convert_element_type3A_2044 = arith.sitofp %convert_element_type3A_2043 : vector<1x100xi32> to vector<1x100xf32>
    %broadcast_in_dim3A_2045 = arith.constant 0.000000e+00 : f32
    %broadcast_in_dim3A_2046 = vector.broadcast %broadcast_in_dim3A_2045 : f32 to vector<1x100xf32>
    %select_n3A_2047 = arith.select %eq3A_2040, %convert_element_type3A_2044, %broadcast_in_dim3A_2046 : vector<1x100xf32>
    %mul3A_2048 = vector.broadcast %broadcast_in_dim3A_2039 : vector<16x1xf32> to vector<16x100xf32>
    %mul3A_2049 = vector.broadcast %select_n3A_2047 : vector<1x100xf32> to vector<16x100xf32>
    %mul3A_2050 = arith.mulf %mul3A_2048, %mul3A_2049 : vector<16x100xf32>
    %add3A_2051 = arith.addf %add3A_2025, %mul3A_2050 : vector<16x100xf32>
    %mul3A_2052 = arith.constant 100 : i32
    %mul3A_2053 = arith.muli %arg0, %mul3A_2052 : i32
    %add3A_2054 = arith.constant 79 : i32
    %add3A_2055 = arith.addi %mul3A_2053, %add3A_2054 : i32
    %get3A_2056 = arith.index_cast %add3A_2055 : i32 to index
    %get3A_2057 = memref.load %arg1[%get3A_2056] : memref<2500xi32, #tpu.memory_space<smem>>
    %get3A_2058 = arith.index_cast %add3A_2055 : i32 to index
    %get3A_2059 = memref.load %arg2[%get3A_2058] : memref<2500xi32, #tpu.memory_space<smem>>
    %get3A_2060 = arith.constant 0 : index
    %get3A_2061 = arith.constant 50560 : index
    %get3A_2062 = vector.load %arg3[%get3A_2060, %get3A_2061] : memref<16x64000xf32, #tpu.memory_space<vmem>>, vector<16x640xf32>
    %reduce_sum3A_2063 = arith.constant dense<0.000000e+00> : vector<16xf32>
    %reduce_sum3A_2064 = vector.multi_reduction <add>, %get3A_2062, %reduce_sum3A_2063 [1] : vector<16x640xf32> to vector<16xf32>
    %broadcast_in_dim3A_2065 = vector.shape_cast %reduce_sum3A_2064 : vector<16xf32> to vector<16x1xf32>
    %eq3A_2066 = arith.cmpi eq, %get3A_2057, %get3A_2059 : i32
    %eq3A_2067 = vector.broadcast %get3A_2057 : i32 to vector<1x100xi32>
    %eq3A_2068 = arith.cmpi eq, %iota3A, %eq3A_2067 : vector<1x100xi32>
    %convert_element_type3A_2069 = arith.extui %eq3A_2068 : vector<1x100xi1> to vector<1x100xi32>
    %convert_element_type3A_2070 = arith.sitofp %convert_element_type3A_2069 : vector<1x100xi32> to vector<1x100xf32>
    %broadcast_in_dim3A_2071 = arith.constant 0.000000e+00 : f32
    %broadcast_in_dim3A_2072 = vector.broadcast %broadcast_in_dim3A_2071 : f32 to vector<1x100xf32>
    %select_n3A_2073 = arith.select %eq3A_2066, %convert_element_type3A_2070, %broadcast_in_dim3A_2072 : vector<1x100xf32>
    %mul3A_2074 = vector.broadcast %broadcast_in_dim3A_2065 : vector<16x1xf32> to vector<16x100xf32>
    %mul3A_2075 = vector.broadcast %select_n3A_2073 : vector<1x100xf32> to vector<16x100xf32>
    %mul3A_2076 = arith.mulf %mul3A_2074, %mul3A_2075 : vector<16x100xf32>
    %add3A_2077 = arith.addf %add3A_2051, %mul3A_2076 : vector<16x100xf32>
    %mul3A_2078 = arith.constant 100 : i32
    %mul3A_2079 = arith.muli %arg0, %mul3A_2078 : i32
    %add3A_2080 = arith.constant 80 : i32
    %add3A_2081 = arith.addi %mul3A_2079, %add3A_2080 : i32
    %get3A_2082 = arith.index_cast %add3A_2081 : i32 to index
    %get3A_2083 = memref.load %arg1[%get3A_2082] : memref<2500xi32, #tpu.memory_space<smem>>
    %get3A_2084 = arith.index_cast %add3A_2081 : i32 to index
    %get3A_2085 = memref.load %arg2[%get3A_2084] : memref<2500xi32, #tpu.memory_space<smem>>
    %get3A_2086 = arith.constant 0 : index
    %get3A_2087 = arith.constant 51200 : index
    %get3A_2088 = vector.load %arg3[%get3A_2086, %get3A_2087] : memref<16x64000xf32, #tpu.memory_space<vmem>>, vector<16x640xf32>
    %reduce_sum3A_2089 = arith.constant dense<0.000000e+00> : vector<16xf32>
    %reduce_sum3A_2090 = vector.multi_reduction <add>, %get3A_2088, %reduce_sum3A_2089 [1] : vector<16x640xf32> to vector<16xf32>
    %broadcast_in_dim3A_2091 = vector.shape_cast %reduce_sum3A_2090 : vector<16xf32> to vector<16x1xf32>
    %eq3A_2092 = arith.cmpi eq, %get3A_2083, %get3A_2085 : i32
    %eq3A_2093 = vector.broadcast %get3A_2083 : i32 to vector<1x100xi32>
    %eq3A_2094 = arith.cmpi eq, %iota3A, %eq3A_2093 : vector<1x100xi32>
    %convert_element_type3A_2095 = arith.extui %eq3A_2094 : vector<1x100xi1> to vector<1x100xi32>
    %convert_element_type3A_2096 = arith.sitofp %convert_element_type3A_2095 : vector<1x100xi32> to vector<1x100xf32>
    %broadcast_in_dim3A_2097 = arith.constant 0.000000e+00 : f32
    %broadcast_in_dim3A_2098 = vector.broadcast %broadcast_in_dim3A_2097 : f32 to vector<1x100xf32>
    %select_n3A_2099 = arith.select %eq3A_2092, %convert_element_type3A_2096, %broadcast_in_dim3A_2098 : vector<1x100xf32>
    %mul3A_2100 = vector.broadcast %broadcast_in_dim3A_2091 : vector<16x1xf32> to vector<16x100xf32>
    %mul3A_2101 = vector.broadcast %select_n3A_2099 : vector<1x100xf32> to vector<16x100xf32>
    %mul3A_2102 = arith.mulf %mul3A_2100, %mul3A_2101 : vector<16x100xf32>
    %add3A_2103 = arith.addf %add3A_2077, %mul3A_2102 : vector<16x100xf32>
    %mul3A_2104 = arith.constant 100 : i32
    %mul3A_2105 = arith.muli %arg0, %mul3A_2104 : i32
    %add3A_2106 = arith.constant 81 : i32
    %add3A_2107 = arith.addi %mul3A_2105, %add3A_2106 : i32
    %get3A_2108 = arith.index_cast %add3A_2107 : i32 to index
    %get3A_2109 = memref.load %arg1[%get3A_2108] : memref<2500xi32, #tpu.memory_space<smem>>
    %get3A_2110 = arith.index_cast %add3A_2107 : i32 to index
    %get3A_2111 = memref.load %arg2[%get3A_2110] : memref<2500xi32, #tpu.memory_space<smem>>
    %get3A_2112 = arith.constant 0 : index
    %get3A_2113 = arith.constant 51840 : index
    %get3A_2114 = vector.load %arg3[%get3A_2112, %get3A_2113] : memref<16x64000xf32, #tpu.memory_space<vmem>>, vector<16x640xf32>
    %reduce_sum3A_2115 = arith.constant dense<0.000000e+00> : vector<16xf32>
    %reduce_sum3A_2116 = vector.multi_reduction <add>, %get3A_2114, %reduce_sum3A_2115 [1] : vector<16x640xf32> to vector<16xf32>
    %broadcast_in_dim3A_2117 = vector.shape_cast %reduce_sum3A_2116 : vector<16xf32> to vector<16x1xf32>
    %eq3A_2118 = arith.cmpi eq, %get3A_2109, %get3A_2111 : i32
    %eq3A_2119 = vector.broadcast %get3A_2109 : i32 to vector<1x100xi32>
    %eq3A_2120 = arith.cmpi eq, %iota3A, %eq3A_2119 : vector<1x100xi32>
    %convert_element_type3A_2121 = arith.extui %eq3A_2120 : vector<1x100xi1> to vector<1x100xi32>
    %convert_element_type3A_2122 = arith.sitofp %convert_element_type3A_2121 : vector<1x100xi32> to vector<1x100xf32>
    %broadcast_in_dim3A_2123 = arith.constant 0.000000e+00 : f32
    %broadcast_in_dim3A_2124 = vector.broadcast %broadcast_in_dim3A_2123 : f32 to vector<1x100xf32>
    %select_n3A_2125 = arith.select %eq3A_2118, %convert_element_type3A_2122, %broadcast_in_dim3A_2124 : vector<1x100xf32>
    %mul3A_2126 = vector.broadcast %broadcast_in_dim3A_2117 : vector<16x1xf32> to vector<16x100xf32>
    %mul3A_2127 = vector.broadcast %select_n3A_2125 : vector<1x100xf32> to vector<16x100xf32>
    %mul3A_2128 = arith.mulf %mul3A_2126, %mul3A_2127 : vector<16x100xf32>
    %add3A_2129 = arith.addf %add3A_2103, %mul3A_2128 : vector<16x100xf32>
    %mul3A_2130 = arith.constant 100 : i32
    %mul3A_2131 = arith.muli %arg0, %mul3A_2130 : i32
    %add3A_2132 = arith.constant 82 : i32
    %add3A_2133 = arith.addi %mul3A_2131, %add3A_2132 : i32
    %get3A_2134 = arith.index_cast %add3A_2133 : i32 to index
    %get3A_2135 = memref.load %arg1[%get3A_2134] : memref<2500xi32, #tpu.memory_space<smem>>
    %get3A_2136 = arith.index_cast %add3A_2133 : i32 to index
    %get3A_2137 = memref.load %arg2[%get3A_2136] : memref<2500xi32, #tpu.memory_space<smem>>
    %get3A_2138 = arith.constant 0 : index
    %get3A_2139 = arith.constant 52480 : index
    %get3A_2140 = vector.load %arg3[%get3A_2138, %get3A_2139] : memref<16x64000xf32, #tpu.memory_space<vmem>>, vector<16x640xf32>
    %reduce_sum3A_2141 = arith.constant dense<0.000000e+00> : vector<16xf32>
    %reduce_sum3A_2142 = vector.multi_reduction <add>, %get3A_2140, %reduce_sum3A_2141 [1] : vector<16x640xf32> to vector<16xf32>
    %broadcast_in_dim3A_2143 = vector.shape_cast %reduce_sum3A_2142 : vector<16xf32> to vector<16x1xf32>
    %eq3A_2144 = arith.cmpi eq, %get3A_2135, %get3A_2137 : i32
    %eq3A_2145 = vector.broadcast %get3A_2135 : i32 to vector<1x100xi32>
    %eq3A_2146 = arith.cmpi eq, %iota3A, %eq3A_2145 : vector<1x100xi32>
    %convert_element_type3A_2147 = arith.extui %eq3A_2146 : vector<1x100xi1> to vector<1x100xi32>
    %convert_element_type3A_2148 = arith.sitofp %convert_element_type3A_2147 : vector<1x100xi32> to vector<1x100xf32>
    %broadcast_in_dim3A_2149 = arith.constant 0.000000e+00 : f32
    %broadcast_in_dim3A_2150 = vector.broadcast %broadcast_in_dim3A_2149 : f32 to vector<1x100xf32>
    %select_n3A_2151 = arith.select %eq3A_2144, %convert_element_type3A_2148, %broadcast_in_dim3A_2150 : vector<1x100xf32>
    %mul3A_2152 = vector.broadcast %broadcast_in_dim3A_2143 : vector<16x1xf32> to vector<16x100xf32>
    %mul3A_2153 = vector.broadcast %select_n3A_2151 : vector<1x100xf32> to vector<16x100xf32>
    %mul3A_2154 = arith.mulf %mul3A_2152, %mul3A_2153 : vector<16x100xf32>
    %add3A_2155 = arith.addf %add3A_2129, %mul3A_2154 : vector<16x100xf32>
    %mul3A_2156 = arith.constant 100 : i32
    %mul3A_2157 = arith.muli %arg0, %mul3A_2156 : i32
    %add3A_2158 = arith.constant 83 : i32
    %add3A_2159 = arith.addi %mul3A_2157, %add3A_2158 : i32
    %get3A_2160 = arith.index_cast %add3A_2159 : i32 to index
    %get3A_2161 = memref.load %arg1[%get3A_2160] : memref<2500xi32, #tpu.memory_space<smem>>
    %get3A_2162 = arith.index_cast %add3A_2159 : i32 to index
    %get3A_2163 = memref.load %arg2[%get3A_2162] : memref<2500xi32, #tpu.memory_space<smem>>
    %get3A_2164 = arith.constant 0 : index
    %get3A_2165 = arith.constant 53120 : index
    %get3A_2166 = vector.load %arg3[%get3A_2164, %get3A_2165] : memref<16x64000xf32, #tpu.memory_space<vmem>>, vector<16x640xf32>
    %reduce_sum3A_2167 = arith.constant dense<0.000000e+00> : vector<16xf32>
    %reduce_sum3A_2168 = vector.multi_reduction <add>, %get3A_2166, %reduce_sum3A_2167 [1] : vector<16x640xf32> to vector<16xf32>
    %broadcast_in_dim3A_2169 = vector.shape_cast %reduce_sum3A_2168 : vector<16xf32> to vector<16x1xf32>
    %eq3A_2170 = arith.cmpi eq, %get3A_2161, %get3A_2163 : i32
    %eq3A_2171 = vector.broadcast %get3A_2161 : i32 to vector<1x100xi32>
    %eq3A_2172 = arith.cmpi eq, %iota3A, %eq3A_2171 : vector<1x100xi32>
    %convert_element_type3A_2173 = arith.extui %eq3A_2172 : vector<1x100xi1> to vector<1x100xi32>
    %convert_element_type3A_2174 = arith.sitofp %convert_element_type3A_2173 : vector<1x100xi32> to vector<1x100xf32>
    %broadcast_in_dim3A_2175 = arith.constant 0.000000e+00 : f32
    %broadcast_in_dim3A_2176 = vector.broadcast %broadcast_in_dim3A_2175 : f32 to vector<1x100xf32>
    %select_n3A_2177 = arith.select %eq3A_2170, %convert_element_type3A_2174, %broadcast_in_dim3A_2176 : vector<1x100xf32>
    %mul3A_2178 = vector.broadcast %broadcast_in_dim3A_2169 : vector<16x1xf32> to vector<16x100xf32>
    %mul3A_2179 = vector.broadcast %select_n3A_2177 : vector<1x100xf32> to vector<16x100xf32>
    %mul3A_2180 = arith.mulf %mul3A_2178, %mul3A_2179 : vector<16x100xf32>
    %add3A_2181 = arith.addf %add3A_2155, %mul3A_2180 : vector<16x100xf32>
    %mul3A_2182 = arith.constant 100 : i32
    %mul3A_2183 = arith.muli %arg0, %mul3A_2182 : i32
    %add3A_2184 = arith.constant 84 : i32
    %add3A_2185 = arith.addi %mul3A_2183, %add3A_2184 : i32
    %get3A_2186 = arith.index_cast %add3A_2185 : i32 to index
    %get3A_2187 = memref.load %arg1[%get3A_2186] : memref<2500xi32, #tpu.memory_space<smem>>
    %get3A_2188 = arith.index_cast %add3A_2185 : i32 to index
    %get3A_2189 = memref.load %arg2[%get3A_2188] : memref<2500xi32, #tpu.memory_space<smem>>
    %get3A_2190 = arith.constant 0 : index
    %get3A_2191 = arith.constant 53760 : index
    %get3A_2192 = vector.load %arg3[%get3A_2190, %get3A_2191] : memref<16x64000xf32, #tpu.memory_space<vmem>>, vector<16x640xf32>
    %reduce_sum3A_2193 = arith.constant dense<0.000000e+00> : vector<16xf32>
    %reduce_sum3A_2194 = vector.multi_reduction <add>, %get3A_2192, %reduce_sum3A_2193 [1] : vector<16x640xf32> to vector<16xf32>
    %broadcast_in_dim3A_2195 = vector.shape_cast %reduce_sum3A_2194 : vector<16xf32> to vector<16x1xf32>
    %eq3A_2196 = arith.cmpi eq, %get3A_2187, %get3A_2189 : i32
    %eq3A_2197 = vector.broadcast %get3A_2187 : i32 to vector<1x100xi32>
    %eq3A_2198 = arith.cmpi eq, %iota3A, %eq3A_2197 : vector<1x100xi32>
    %convert_element_type3A_2199 = arith.extui %eq3A_2198 : vector<1x100xi1> to vector<1x100xi32>
    %convert_element_type3A_2200 = arith.sitofp %convert_element_type3A_2199 : vector<1x100xi32> to vector<1x100xf32>
    %broadcast_in_dim3A_2201 = arith.constant 0.000000e+00 : f32
    %broadcast_in_dim3A_2202 = vector.broadcast %broadcast_in_dim3A_2201 : f32 to vector<1x100xf32>
    %select_n3A_2203 = arith.select %eq3A_2196, %convert_element_type3A_2200, %broadcast_in_dim3A_2202 : vector<1x100xf32>
    %mul3A_2204 = vector.broadcast %broadcast_in_dim3A_2195 : vector<16x1xf32> to vector<16x100xf32>
    %mul3A_2205 = vector.broadcast %select_n3A_2203 : vector<1x100xf32> to vector<16x100xf32>
    %mul3A_2206 = arith.mulf %mul3A_2204, %mul3A_2205 : vector<16x100xf32>
    %add3A_2207 = arith.addf %add3A_2181, %mul3A_2206 : vector<16x100xf32>
    %mul3A_2208 = arith.constant 100 : i32
    %mul3A_2209 = arith.muli %arg0, %mul3A_2208 : i32
    %add3A_2210 = arith.constant 85 : i32
    %add3A_2211 = arith.addi %mul3A_2209, %add3A_2210 : i32
    %get3A_2212 = arith.index_cast %add3A_2211 : i32 to index
    %get3A_2213 = memref.load %arg1[%get3A_2212] : memref<2500xi32, #tpu.memory_space<smem>>
    %get3A_2214 = arith.index_cast %add3A_2211 : i32 to index
    %get3A_2215 = memref.load %arg2[%get3A_2214] : memref<2500xi32, #tpu.memory_space<smem>>
    %get3A_2216 = arith.constant 0 : index
    %get3A_2217 = arith.constant 54400 : index
    %get3A_2218 = vector.load %arg3[%get3A_2216, %get3A_2217] : memref<16x64000xf32, #tpu.memory_space<vmem>>, vector<16x640xf32>
    %reduce_sum3A_2219 = arith.constant dense<0.000000e+00> : vector<16xf32>
    %reduce_sum3A_2220 = vector.multi_reduction <add>, %get3A_2218, %reduce_sum3A_2219 [1] : vector<16x640xf32> to vector<16xf32>
    %broadcast_in_dim3A_2221 = vector.shape_cast %reduce_sum3A_2220 : vector<16xf32> to vector<16x1xf32>
    %eq3A_2222 = arith.cmpi eq, %get3A_2213, %get3A_2215 : i32
    %eq3A_2223 = vector.broadcast %get3A_2213 : i32 to vector<1x100xi32>
    %eq3A_2224 = arith.cmpi eq, %iota3A, %eq3A_2223 : vector<1x100xi32>
    %convert_element_type3A_2225 = arith.extui %eq3A_2224 : vector<1x100xi1> to vector<1x100xi32>
    %convert_element_type3A_2226 = arith.sitofp %convert_element_type3A_2225 : vector<1x100xi32> to vector<1x100xf32>
    %broadcast_in_dim3A_2227 = arith.constant 0.000000e+00 : f32
    %broadcast_in_dim3A_2228 = vector.broadcast %broadcast_in_dim3A_2227 : f32 to vector<1x100xf32>
    %select_n3A_2229 = arith.select %eq3A_2222, %convert_element_type3A_2226, %broadcast_in_dim3A_2228 : vector<1x100xf32>
    %mul3A_2230 = vector.broadcast %broadcast_in_dim3A_2221 : vector<16x1xf32> to vector<16x100xf32>
    %mul3A_2231 = vector.broadcast %select_n3A_2229 : vector<1x100xf32> to vector<16x100xf32>
    %mul3A_2232 = arith.mulf %mul3A_2230, %mul3A_2231 : vector<16x100xf32>
    %add3A_2233 = arith.addf %add3A_2207, %mul3A_2232 : vector<16x100xf32>
    %mul3A_2234 = arith.constant 100 : i32
    %mul3A_2235 = arith.muli %arg0, %mul3A_2234 : i32
    %add3A_2236 = arith.constant 86 : i32
    %add3A_2237 = arith.addi %mul3A_2235, %add3A_2236 : i32
    %get3A_2238 = arith.index_cast %add3A_2237 : i32 to index
    %get3A_2239 = memref.load %arg1[%get3A_2238] : memref<2500xi32, #tpu.memory_space<smem>>
    %get3A_2240 = arith.index_cast %add3A_2237 : i32 to index
    %get3A_2241 = memref.load %arg2[%get3A_2240] : memref<2500xi32, #tpu.memory_space<smem>>
    %get3A_2242 = arith.constant 0 : index
    %get3A_2243 = arith.constant 55040 : index
    %get3A_2244 = vector.load %arg3[%get3A_2242, %get3A_2243] : memref<16x64000xf32, #tpu.memory_space<vmem>>, vector<16x640xf32>
    %reduce_sum3A_2245 = arith.constant dense<0.000000e+00> : vector<16xf32>
    %reduce_sum3A_2246 = vector.multi_reduction <add>, %get3A_2244, %reduce_sum3A_2245 [1] : vector<16x640xf32> to vector<16xf32>
    %broadcast_in_dim3A_2247 = vector.shape_cast %reduce_sum3A_2246 : vector<16xf32> to vector<16x1xf32>
    %eq3A_2248 = arith.cmpi eq, %get3A_2239, %get3A_2241 : i32
    %eq3A_2249 = vector.broadcast %get3A_2239 : i32 to vector<1x100xi32>
    %eq3A_2250 = arith.cmpi eq, %iota3A, %eq3A_2249 : vector<1x100xi32>
    %convert_element_type3A_2251 = arith.extui %eq3A_2250 : vector<1x100xi1> to vector<1x100xi32>
    %convert_element_type3A_2252 = arith.sitofp %convert_element_type3A_2251 : vector<1x100xi32> to vector<1x100xf32>
    %broadcast_in_dim3A_2253 = arith.constant 0.000000e+00 : f32
    %broadcast_in_dim3A_2254 = vector.broadcast %broadcast_in_dim3A_2253 : f32 to vector<1x100xf32>
    %select_n3A_2255 = arith.select %eq3A_2248, %convert_element_type3A_2252, %broadcast_in_dim3A_2254 : vector<1x100xf32>
    %mul3A_2256 = vector.broadcast %broadcast_in_dim3A_2247 : vector<16x1xf32> to vector<16x100xf32>
    %mul3A_2257 = vector.broadcast %select_n3A_2255 : vector<1x100xf32> to vector<16x100xf32>
    %mul3A_2258 = arith.mulf %mul3A_2256, %mul3A_2257 : vector<16x100xf32>
    %add3A_2259 = arith.addf %add3A_2233, %mul3A_2258 : vector<16x100xf32>
    %mul3A_2260 = arith.constant 100 : i32
    %mul3A_2261 = arith.muli %arg0, %mul3A_2260 : i32
    %add3A_2262 = arith.constant 87 : i32
    %add3A_2263 = arith.addi %mul3A_2261, %add3A_2262 : i32
    %get3A_2264 = arith.index_cast %add3A_2263 : i32 to index
    %get3A_2265 = memref.load %arg1[%get3A_2264] : memref<2500xi32, #tpu.memory_space<smem>>
    %get3A_2266 = arith.index_cast %add3A_2263 : i32 to index
    %get3A_2267 = memref.load %arg2[%get3A_2266] : memref<2500xi32, #tpu.memory_space<smem>>
    %get3A_2268 = arith.constant 0 : index
    %get3A_2269 = arith.constant 55680 : index
    %get3A_2270 = vector.load %arg3[%get3A_2268, %get3A_2269] : memref<16x64000xf32, #tpu.memory_space<vmem>>, vector<16x640xf32>
    %reduce_sum3A_2271 = arith.constant dense<0.000000e+00> : vector<16xf32>
    %reduce_sum3A_2272 = vector.multi_reduction <add>, %get3A_2270, %reduce_sum3A_2271 [1] : vector<16x640xf32> to vector<16xf32>
    %broadcast_in_dim3A_2273 = vector.shape_cast %reduce_sum3A_2272 : vector<16xf32> to vector<16x1xf32>
    %eq3A_2274 = arith.cmpi eq, %get3A_2265, %get3A_2267 : i32
    %eq3A_2275 = vector.broadcast %get3A_2265 : i32 to vector<1x100xi32>
    %eq3A_2276 = arith.cmpi eq, %iota3A, %eq3A_2275 : vector<1x100xi32>
    %convert_element_type3A_2277 = arith.extui %eq3A_2276 : vector<1x100xi1> to vector<1x100xi32>
    %convert_element_type3A_2278 = arith.sitofp %convert_element_type3A_2277 : vector<1x100xi32> to vector<1x100xf32>
    %broadcast_in_dim3A_2279 = arith.constant 0.000000e+00 : f32
    %broadcast_in_dim3A_2280 = vector.broadcast %broadcast_in_dim3A_2279 : f32 to vector<1x100xf32>
    %select_n3A_2281 = arith.select %eq3A_2274, %convert_element_type3A_2278, %broadcast_in_dim3A_2280 : vector<1x100xf32>
    %mul3A_2282 = vector.broadcast %broadcast_in_dim3A_2273 : vector<16x1xf32> to vector<16x100xf32>
    %mul3A_2283 = vector.broadcast %select_n3A_2281 : vector<1x100xf32> to vector<16x100xf32>
    %mul3A_2284 = arith.mulf %mul3A_2282, %mul3A_2283 : vector<16x100xf32>
    %add3A_2285 = arith.addf %add3A_2259, %mul3A_2284 : vector<16x100xf32>
    %mul3A_2286 = arith.constant 100 : i32
    %mul3A_2287 = arith.muli %arg0, %mul3A_2286 : i32
    %add3A_2288 = arith.constant 88 : i32
    %add3A_2289 = arith.addi %mul3A_2287, %add3A_2288 : i32
    %get3A_2290 = arith.index_cast %add3A_2289 : i32 to index
    %get3A_2291 = memref.load %arg1[%get3A_2290] : memref<2500xi32, #tpu.memory_space<smem>>
    %get3A_2292 = arith.index_cast %add3A_2289 : i32 to index
    %get3A_2293 = memref.load %arg2[%get3A_2292] : memref<2500xi32, #tpu.memory_space<smem>>
    %get3A_2294 = arith.constant 0 : index
    %get3A_2295 = arith.constant 56320 : index
    %get3A_2296 = vector.load %arg3[%get3A_2294, %get3A_2295] : memref<16x64000xf32, #tpu.memory_space<vmem>>, vector<16x640xf32>
    %reduce_sum3A_2297 = arith.constant dense<0.000000e+00> : vector<16xf32>
    %reduce_sum3A_2298 = vector.multi_reduction <add>, %get3A_2296, %reduce_sum3A_2297 [1] : vector<16x640xf32> to vector<16xf32>
    %broadcast_in_dim3A_2299 = vector.shape_cast %reduce_sum3A_2298 : vector<16xf32> to vector<16x1xf32>
    %eq3A_2300 = arith.cmpi eq, %get3A_2291, %get3A_2293 : i32
    %eq3A_2301 = vector.broadcast %get3A_2291 : i32 to vector<1x100xi32>
    %eq3A_2302 = arith.cmpi eq, %iota3A, %eq3A_2301 : vector<1x100xi32>
    %convert_element_type3A_2303 = arith.extui %eq3A_2302 : vector<1x100xi1> to vector<1x100xi32>
    %convert_element_type3A_2304 = arith.sitofp %convert_element_type3A_2303 : vector<1x100xi32> to vector<1x100xf32>
    %broadcast_in_dim3A_2305 = arith.constant 0.000000e+00 : f32
    %broadcast_in_dim3A_2306 = vector.broadcast %broadcast_in_dim3A_2305 : f32 to vector<1x100xf32>
    %select_n3A_2307 = arith.select %eq3A_2300, %convert_element_type3A_2304, %broadcast_in_dim3A_2306 : vector<1x100xf32>
    %mul3A_2308 = vector.broadcast %broadcast_in_dim3A_2299 : vector<16x1xf32> to vector<16x100xf32>
    %mul3A_2309 = vector.broadcast %select_n3A_2307 : vector<1x100xf32> to vector<16x100xf32>
    %mul3A_2310 = arith.mulf %mul3A_2308, %mul3A_2309 : vector<16x100xf32>
    %add3A_2311 = arith.addf %add3A_2285, %mul3A_2310 : vector<16x100xf32>
    %mul3A_2312 = arith.constant 100 : i32
    %mul3A_2313 = arith.muli %arg0, %mul3A_2312 : i32
    %add3A_2314 = arith.constant 89 : i32
    %add3A_2315 = arith.addi %mul3A_2313, %add3A_2314 : i32
    %get3A_2316 = arith.index_cast %add3A_2315 : i32 to index
    %get3A_2317 = memref.load %arg1[%get3A_2316] : memref<2500xi32, #tpu.memory_space<smem>>
    %get3A_2318 = arith.index_cast %add3A_2315 : i32 to index
    %get3A_2319 = memref.load %arg2[%get3A_2318] : memref<2500xi32, #tpu.memory_space<smem>>
    %get3A_2320 = arith.constant 0 : index
    %get3A_2321 = arith.constant 56960 : index
    %get3A_2322 = vector.load %arg3[%get3A_2320, %get3A_2321] : memref<16x64000xf32, #tpu.memory_space<vmem>>, vector<16x640xf32>
    %reduce_sum3A_2323 = arith.constant dense<0.000000e+00> : vector<16xf32>
    %reduce_sum3A_2324 = vector.multi_reduction <add>, %get3A_2322, %reduce_sum3A_2323 [1] : vector<16x640xf32> to vector<16xf32>
    %broadcast_in_dim3A_2325 = vector.shape_cast %reduce_sum3A_2324 : vector<16xf32> to vector<16x1xf32>
    %eq3A_2326 = arith.cmpi eq, %get3A_2317, %get3A_2319 : i32
    %eq3A_2327 = vector.broadcast %get3A_2317 : i32 to vector<1x100xi32>
    %eq3A_2328 = arith.cmpi eq, %iota3A, %eq3A_2327 : vector<1x100xi32>
    %convert_element_type3A_2329 = arith.extui %eq3A_2328 : vector<1x100xi1> to vector<1x100xi32>
    %convert_element_type3A_2330 = arith.sitofp %convert_element_type3A_2329 : vector<1x100xi32> to vector<1x100xf32>
    %broadcast_in_dim3A_2331 = arith.constant 0.000000e+00 : f32
    %broadcast_in_dim3A_2332 = vector.broadcast %broadcast_in_dim3A_2331 : f32 to vector<1x100xf32>
    %select_n3A_2333 = arith.select %eq3A_2326, %convert_element_type3A_2330, %broadcast_in_dim3A_2332 : vector<1x100xf32>
    %mul3A_2334 = vector.broadcast %broadcast_in_dim3A_2325 : vector<16x1xf32> to vector<16x100xf32>
    %mul3A_2335 = vector.broadcast %select_n3A_2333 : vector<1x100xf32> to vector<16x100xf32>
    %mul3A_2336 = arith.mulf %mul3A_2334, %mul3A_2335 : vector<16x100xf32>
    %add3A_2337 = arith.addf %add3A_2311, %mul3A_2336 : vector<16x100xf32>
    %mul3A_2338 = arith.constant 100 : i32
    %mul3A_2339 = arith.muli %arg0, %mul3A_2338 : i32
    %add3A_2340 = arith.constant 90 : i32
    %add3A_2341 = arith.addi %mul3A_2339, %add3A_2340 : i32
    %get3A_2342 = arith.index_cast %add3A_2341 : i32 to index
    %get3A_2343 = memref.load %arg1[%get3A_2342] : memref<2500xi32, #tpu.memory_space<smem>>
    %get3A_2344 = arith.index_cast %add3A_2341 : i32 to index
    %get3A_2345 = memref.load %arg2[%get3A_2344] : memref<2500xi32, #tpu.memory_space<smem>>
    %get3A_2346 = arith.constant 0 : index
    %get3A_2347 = arith.constant 57600 : index
    %get3A_2348 = vector.load %arg3[%get3A_2346, %get3A_2347] : memref<16x64000xf32, #tpu.memory_space<vmem>>, vector<16x640xf32>
    %reduce_sum3A_2349 = arith.constant dense<0.000000e+00> : vector<16xf32>
    %reduce_sum3A_2350 = vector.multi_reduction <add>, %get3A_2348, %reduce_sum3A_2349 [1] : vector<16x640xf32> to vector<16xf32>
    %broadcast_in_dim3A_2351 = vector.shape_cast %reduce_sum3A_2350 : vector<16xf32> to vector<16x1xf32>
    %eq3A_2352 = arith.cmpi eq, %get3A_2343, %get3A_2345 : i32
    %eq3A_2353 = vector.broadcast %get3A_2343 : i32 to vector<1x100xi32>
    %eq3A_2354 = arith.cmpi eq, %iota3A, %eq3A_2353 : vector<1x100xi32>
    %convert_element_type3A_2355 = arith.extui %eq3A_2354 : vector<1x100xi1> to vector<1x100xi32>
    %convert_element_type3A_2356 = arith.sitofp %convert_element_type3A_2355 : vector<1x100xi32> to vector<1x100xf32>
    %broadcast_in_dim3A_2357 = arith.constant 0.000000e+00 : f32
    %broadcast_in_dim3A_2358 = vector.broadcast %broadcast_in_dim3A_2357 : f32 to vector<1x100xf32>
    %select_n3A_2359 = arith.select %eq3A_2352, %convert_element_type3A_2356, %broadcast_in_dim3A_2358 : vector<1x100xf32>
    %mul3A_2360 = vector.broadcast %broadcast_in_dim3A_2351 : vector<16x1xf32> to vector<16x100xf32>
    %mul3A_2361 = vector.broadcast %select_n3A_2359 : vector<1x100xf32> to vector<16x100xf32>
    %mul3A_2362 = arith.mulf %mul3A_2360, %mul3A_2361 : vector<16x100xf32>
    %add3A_2363 = arith.addf %add3A_2337, %mul3A_2362 : vector<16x100xf32>
    %mul3A_2364 = arith.constant 100 : i32
    %mul3A_2365 = arith.muli %arg0, %mul3A_2364 : i32
    %add3A_2366 = arith.constant 91 : i32
    %add3A_2367 = arith.addi %mul3A_2365, %add3A_2366 : i32
    %get3A_2368 = arith.index_cast %add3A_2367 : i32 to index
    %get3A_2369 = memref.load %arg1[%get3A_2368] : memref<2500xi32, #tpu.memory_space<smem>>
    %get3A_2370 = arith.index_cast %add3A_2367 : i32 to index
    %get3A_2371 = memref.load %arg2[%get3A_2370] : memref<2500xi32, #tpu.memory_space<smem>>
    %get3A_2372 = arith.constant 0 : index
    %get3A_2373 = arith.constant 58240 : index
    %get3A_2374 = vector.load %arg3[%get3A_2372, %get3A_2373] : memref<16x64000xf32, #tpu.memory_space<vmem>>, vector<16x640xf32>
    %reduce_sum3A_2375 = arith.constant dense<0.000000e+00> : vector<16xf32>
    %reduce_sum3A_2376 = vector.multi_reduction <add>, %get3A_2374, %reduce_sum3A_2375 [1] : vector<16x640xf32> to vector<16xf32>
    %broadcast_in_dim3A_2377 = vector.shape_cast %reduce_sum3A_2376 : vector<16xf32> to vector<16x1xf32>
    %eq3A_2378 = arith.cmpi eq, %get3A_2369, %get3A_2371 : i32
    %eq3A_2379 = vector.broadcast %get3A_2369 : i32 to vector<1x100xi32>
    %eq3A_2380 = arith.cmpi eq, %iota3A, %eq3A_2379 : vector<1x100xi32>
    %convert_element_type3A_2381 = arith.extui %eq3A_2380 : vector<1x100xi1> to vector<1x100xi32>
    %convert_element_type3A_2382 = arith.sitofp %convert_element_type3A_2381 : vector<1x100xi32> to vector<1x100xf32>
    %broadcast_in_dim3A_2383 = arith.constant 0.000000e+00 : f32
    %broadcast_in_dim3A_2384 = vector.broadcast %broadcast_in_dim3A_2383 : f32 to vector<1x100xf32>
    %select_n3A_2385 = arith.select %eq3A_2378, %convert_element_type3A_2382, %broadcast_in_dim3A_2384 : vector<1x100xf32>
    %mul3A_2386 = vector.broadcast %broadcast_in_dim3A_2377 : vector<16x1xf32> to vector<16x100xf32>
    %mul3A_2387 = vector.broadcast %select_n3A_2385 : vector<1x100xf32> to vector<16x100xf32>
    %mul3A_2388 = arith.mulf %mul3A_2386, %mul3A_2387 : vector<16x100xf32>
    %add3A_2389 = arith.addf %add3A_2363, %mul3A_2388 : vector<16x100xf32>
    %mul3A_2390 = arith.constant 100 : i32
    %mul3A_2391 = arith.muli %arg0, %mul3A_2390 : i32
    %add3A_2392 = arith.constant 92 : i32
    %add3A_2393 = arith.addi %mul3A_2391, %add3A_2392 : i32
    %get3A_2394 = arith.index_cast %add3A_2393 : i32 to index
    %get3A_2395 = memref.load %arg1[%get3A_2394] : memref<2500xi32, #tpu.memory_space<smem>>
    %get3A_2396 = arith.index_cast %add3A_2393 : i32 to index
    %get3A_2397 = memref.load %arg2[%get3A_2396] : memref<2500xi32, #tpu.memory_space<smem>>
    %get3A_2398 = arith.constant 0 : index
    %get3A_2399 = arith.constant 58880 : index
    %get3A_2400 = vector.load %arg3[%get3A_2398, %get3A_2399] : memref<16x64000xf32, #tpu.memory_space<vmem>>, vector<16x640xf32>
    %reduce_sum3A_2401 = arith.constant dense<0.000000e+00> : vector<16xf32>
    %reduce_sum3A_2402 = vector.multi_reduction <add>, %get3A_2400, %reduce_sum3A_2401 [1] : vector<16x640xf32> to vector<16xf32>
    %broadcast_in_dim3A_2403 = vector.shape_cast %reduce_sum3A_2402 : vector<16xf32> to vector<16x1xf32>
    %eq3A_2404 = arith.cmpi eq, %get3A_2395, %get3A_2397 : i32
    %eq3A_2405 = vector.broadcast %get3A_2395 : i32 to vector<1x100xi32>
    %eq3A_2406 = arith.cmpi eq, %iota3A, %eq3A_2405 : vector<1x100xi32>
    %convert_element_type3A_2407 = arith.extui %eq3A_2406 : vector<1x100xi1> to vector<1x100xi32>
    %convert_element_type3A_2408 = arith.sitofp %convert_element_type3A_2407 : vector<1x100xi32> to vector<1x100xf32>
    %broadcast_in_dim3A_2409 = arith.constant 0.000000e+00 : f32
    %broadcast_in_dim3A_2410 = vector.broadcast %broadcast_in_dim3A_2409 : f32 to vector<1x100xf32>
    %select_n3A_2411 = arith.select %eq3A_2404, %convert_element_type3A_2408, %broadcast_in_dim3A_2410 : vector<1x100xf32>
    %mul3A_2412 = vector.broadcast %broadcast_in_dim3A_2403 : vector<16x1xf32> to vector<16x100xf32>
    %mul3A_2413 = vector.broadcast %select_n3A_2411 : vector<1x100xf32> to vector<16x100xf32>
    %mul3A_2414 = arith.mulf %mul3A_2412, %mul3A_2413 : vector<16x100xf32>
    %add3A_2415 = arith.addf %add3A_2389, %mul3A_2414 : vector<16x100xf32>
    %mul3A_2416 = arith.constant 100 : i32
    %mul3A_2417 = arith.muli %arg0, %mul3A_2416 : i32
    %add3A_2418 = arith.constant 93 : i32
    %add3A_2419 = arith.addi %mul3A_2417, %add3A_2418 : i32
    %get3A_2420 = arith.index_cast %add3A_2419 : i32 to index
    %get3A_2421 = memref.load %arg1[%get3A_2420] : memref<2500xi32, #tpu.memory_space<smem>>
    %get3A_2422 = arith.index_cast %add3A_2419 : i32 to index
    %get3A_2423 = memref.load %arg2[%get3A_2422] : memref<2500xi32, #tpu.memory_space<smem>>
    %get3A_2424 = arith.constant 0 : index
    %get3A_2425 = arith.constant 59520 : index
    %get3A_2426 = vector.load %arg3[%get3A_2424, %get3A_2425] : memref<16x64000xf32, #tpu.memory_space<vmem>>, vector<16x640xf32>
    %reduce_sum3A_2427 = arith.constant dense<0.000000e+00> : vector<16xf32>
    %reduce_sum3A_2428 = vector.multi_reduction <add>, %get3A_2426, %reduce_sum3A_2427 [1] : vector<16x640xf32> to vector<16xf32>
    %broadcast_in_dim3A_2429 = vector.shape_cast %reduce_sum3A_2428 : vector<16xf32> to vector<16x1xf32>
    %eq3A_2430 = arith.cmpi eq, %get3A_2421, %get3A_2423 : i32
    %eq3A_2431 = vector.broadcast %get3A_2421 : i32 to vector<1x100xi32>
    %eq3A_2432 = arith.cmpi eq, %iota3A, %eq3A_2431 : vector<1x100xi32>
    %convert_element_type3A_2433 = arith.extui %eq3A_2432 : vector<1x100xi1> to vector<1x100xi32>
    %convert_element_type3A_2434 = arith.sitofp %convert_element_type3A_2433 : vector<1x100xi32> to vector<1x100xf32>
    %broadcast_in_dim3A_2435 = arith.constant 0.000000e+00 : f32
    %broadcast_in_dim3A_2436 = vector.broadcast %broadcast_in_dim3A_2435 : f32 to vector<1x100xf32>
    %select_n3A_2437 = arith.select %eq3A_2430, %convert_element_type3A_2434, %broadcast_in_dim3A_2436 : vector<1x100xf32>
    %mul3A_2438 = vector.broadcast %broadcast_in_dim3A_2429 : vector<16x1xf32> to vector<16x100xf32>
    %mul3A_2439 = vector.broadcast %select_n3A_2437 : vector<1x100xf32> to vector<16x100xf32>
    %mul3A_2440 = arith.mulf %mul3A_2438, %mul3A_2439 : vector<16x100xf32>
    %add3A_2441 = arith.addf %add3A_2415, %mul3A_2440 : vector<16x100xf32>
    %mul3A_2442 = arith.constant 100 : i32
    %mul3A_2443 = arith.muli %arg0, %mul3A_2442 : i32
    %add3A_2444 = arith.constant 94 : i32
    %add3A_2445 = arith.addi %mul3A_2443, %add3A_2444 : i32
    %get3A_2446 = arith.index_cast %add3A_2445 : i32 to index
    %get3A_2447 = memref.load %arg1[%get3A_2446] : memref<2500xi32, #tpu.memory_space<smem>>
    %get3A_2448 = arith.index_cast %add3A_2445 : i32 to index
    %get3A_2449 = memref.load %arg2[%get3A_2448] : memref<2500xi32, #tpu.memory_space<smem>>
    %get3A_2450 = arith.constant 0 : index
    %get3A_2451 = arith.constant 60160 : index
    %get3A_2452 = vector.load %arg3[%get3A_2450, %get3A_2451] : memref<16x64000xf32, #tpu.memory_space<vmem>>, vector<16x640xf32>
    %reduce_sum3A_2453 = arith.constant dense<0.000000e+00> : vector<16xf32>
    %reduce_sum3A_2454 = vector.multi_reduction <add>, %get3A_2452, %reduce_sum3A_2453 [1] : vector<16x640xf32> to vector<16xf32>
    %broadcast_in_dim3A_2455 = vector.shape_cast %reduce_sum3A_2454 : vector<16xf32> to vector<16x1xf32>
    %eq3A_2456 = arith.cmpi eq, %get3A_2447, %get3A_2449 : i32
    %eq3A_2457 = vector.broadcast %get3A_2447 : i32 to vector<1x100xi32>
    %eq3A_2458 = arith.cmpi eq, %iota3A, %eq3A_2457 : vector<1x100xi32>
    %convert_element_type3A_2459 = arith.extui %eq3A_2458 : vector<1x100xi1> to vector<1x100xi32>
    %convert_element_type3A_2460 = arith.sitofp %convert_element_type3A_2459 : vector<1x100xi32> to vector<1x100xf32>
    %broadcast_in_dim3A_2461 = arith.constant 0.000000e+00 : f32
    %broadcast_in_dim3A_2462 = vector.broadcast %broadcast_in_dim3A_2461 : f32 to vector<1x100xf32>
    %select_n3A_2463 = arith.select %eq3A_2456, %convert_element_type3A_2460, %broadcast_in_dim3A_2462 : vector<1x100xf32>
    %mul3A_2464 = vector.broadcast %broadcast_in_dim3A_2455 : vector<16x1xf32> to vector<16x100xf32>
    %mul3A_2465 = vector.broadcast %select_n3A_2463 : vector<1x100xf32> to vector<16x100xf32>
    %mul3A_2466 = arith.mulf %mul3A_2464, %mul3A_2465 : vector<16x100xf32>
    %add3A_2467 = arith.addf %add3A_2441, %mul3A_2466 : vector<16x100xf32>
    %mul3A_2468 = arith.constant 100 : i32
    %mul3A_2469 = arith.muli %arg0, %mul3A_2468 : i32
    %add3A_2470 = arith.constant 95 : i32
    %add3A_2471 = arith.addi %mul3A_2469, %add3A_2470 : i32
    %get3A_2472 = arith.index_cast %add3A_2471 : i32 to index
    %get3A_2473 = memref.load %arg1[%get3A_2472] : memref<2500xi32, #tpu.memory_space<smem>>
    %get3A_2474 = arith.index_cast %add3A_2471 : i32 to index
    %get3A_2475 = memref.load %arg2[%get3A_2474] : memref<2500xi32, #tpu.memory_space<smem>>
    %get3A_2476 = arith.constant 0 : index
    %get3A_2477 = arith.constant 60800 : index
    %get3A_2478 = vector.load %arg3[%get3A_2476, %get3A_2477] : memref<16x64000xf32, #tpu.memory_space<vmem>>, vector<16x640xf32>
    %reduce_sum3A_2479 = arith.constant dense<0.000000e+00> : vector<16xf32>
    %reduce_sum3A_2480 = vector.multi_reduction <add>, %get3A_2478, %reduce_sum3A_2479 [1] : vector<16x640xf32> to vector<16xf32>
    %broadcast_in_dim3A_2481 = vector.shape_cast %reduce_sum3A_2480 : vector<16xf32> to vector<16x1xf32>
    %eq3A_2482 = arith.cmpi eq, %get3A_2473, %get3A_2475 : i32
    %eq3A_2483 = vector.broadcast %get3A_2473 : i32 to vector<1x100xi32>
    %eq3A_2484 = arith.cmpi eq, %iota3A, %eq3A_2483 : vector<1x100xi32>
    %convert_element_type3A_2485 = arith.extui %eq3A_2484 : vector<1x100xi1> to vector<1x100xi32>
    %convert_element_type3A_2486 = arith.sitofp %convert_element_type3A_2485 : vector<1x100xi32> to vector<1x100xf32>
    %broadcast_in_dim3A_2487 = arith.constant 0.000000e+00 : f32
    %broadcast_in_dim3A_2488 = vector.broadcast %broadcast_in_dim3A_2487 : f32 to vector<1x100xf32>
    %select_n3A_2489 = arith.select %eq3A_2482, %convert_element_type3A_2486, %broadcast_in_dim3A_2488 : vector<1x100xf32>
    %mul3A_2490 = vector.broadcast %broadcast_in_dim3A_2481 : vector<16x1xf32> to vector<16x100xf32>
    %mul3A_2491 = vector.broadcast %select_n3A_2489 : vector<1x100xf32> to vector<16x100xf32>
    %mul3A_2492 = arith.mulf %mul3A_2490, %mul3A_2491 : vector<16x100xf32>
    %add3A_2493 = arith.addf %add3A_2467, %mul3A_2492 : vector<16x100xf32>
    %mul3A_2494 = arith.constant 100 : i32
    %mul3A_2495 = arith.muli %arg0, %mul3A_2494 : i32
    %add3A_2496 = arith.constant 96 : i32
    %add3A_2497 = arith.addi %mul3A_2495, %add3A_2496 : i32
    %get3A_2498 = arith.index_cast %add3A_2497 : i32 to index
    %get3A_2499 = memref.load %arg1[%get3A_2498] : memref<2500xi32, #tpu.memory_space<smem>>
    %get3A_2500 = arith.index_cast %add3A_2497 : i32 to index
    %get3A_2501 = memref.load %arg2[%get3A_2500] : memref<2500xi32, #tpu.memory_space<smem>>
    %get3A_2502 = arith.constant 0 : index
    %get3A_2503 = arith.constant 61440 : index
    %get3A_2504 = vector.load %arg3[%get3A_2502, %get3A_2503] : memref<16x64000xf32, #tpu.memory_space<vmem>>, vector<16x640xf32>
    %reduce_sum3A_2505 = arith.constant dense<0.000000e+00> : vector<16xf32>
    %reduce_sum3A_2506 = vector.multi_reduction <add>, %get3A_2504, %reduce_sum3A_2505 [1] : vector<16x640xf32> to vector<16xf32>
    %broadcast_in_dim3A_2507 = vector.shape_cast %reduce_sum3A_2506 : vector<16xf32> to vector<16x1xf32>
    %eq3A_2508 = arith.cmpi eq, %get3A_2499, %get3A_2501 : i32
    %eq3A_2509 = vector.broadcast %get3A_2499 : i32 to vector<1x100xi32>
    %eq3A_2510 = arith.cmpi eq, %iota3A, %eq3A_2509 : vector<1x100xi32>
    %convert_element_type3A_2511 = arith.extui %eq3A_2510 : vector<1x100xi1> to vector<1x100xi32>
    %convert_element_type3A_2512 = arith.sitofp %convert_element_type3A_2511 : vector<1x100xi32> to vector<1x100xf32>
    %broadcast_in_dim3A_2513 = arith.constant 0.000000e+00 : f32
    %broadcast_in_dim3A_2514 = vector.broadcast %broadcast_in_dim3A_2513 : f32 to vector<1x100xf32>
    %select_n3A_2515 = arith.select %eq3A_2508, %convert_element_type3A_2512, %broadcast_in_dim3A_2514 : vector<1x100xf32>
    %mul3A_2516 = vector.broadcast %broadcast_in_dim3A_2507 : vector<16x1xf32> to vector<16x100xf32>
    %mul3A_2517 = vector.broadcast %select_n3A_2515 : vector<1x100xf32> to vector<16x100xf32>
    %mul3A_2518 = arith.mulf %mul3A_2516, %mul3A_2517 : vector<16x100xf32>
    %add3A_2519 = arith.addf %add3A_2493, %mul3A_2518 : vector<16x100xf32>
    %mul3A_2520 = arith.constant 100 : i32
    %mul3A_2521 = arith.muli %arg0, %mul3A_2520 : i32
    %add3A_2522 = arith.constant 97 : i32
    %add3A_2523 = arith.addi %mul3A_2521, %add3A_2522 : i32
    %get3A_2524 = arith.index_cast %add3A_2523 : i32 to index
    %get3A_2525 = memref.load %arg1[%get3A_2524] : memref<2500xi32, #tpu.memory_space<smem>>
    %get3A_2526 = arith.index_cast %add3A_2523 : i32 to index
    %get3A_2527 = memref.load %arg2[%get3A_2526] : memref<2500xi32, #tpu.memory_space<smem>>
    %get3A_2528 = arith.constant 0 : index
    %get3A_2529 = arith.constant 62080 : index
    %get3A_2530 = vector.load %arg3[%get3A_2528, %get3A_2529] : memref<16x64000xf32, #tpu.memory_space<vmem>>, vector<16x640xf32>
    %reduce_sum3A_2531 = arith.constant dense<0.000000e+00> : vector<16xf32>
    %reduce_sum3A_2532 = vector.multi_reduction <add>, %get3A_2530, %reduce_sum3A_2531 [1] : vector<16x640xf32> to vector<16xf32>
    %broadcast_in_dim3A_2533 = vector.shape_cast %reduce_sum3A_2532 : vector<16xf32> to vector<16x1xf32>
    %eq3A_2534 = arith.cmpi eq, %get3A_2525, %get3A_2527 : i32
    %eq3A_2535 = vector.broadcast %get3A_2525 : i32 to vector<1x100xi32>
    %eq3A_2536 = arith.cmpi eq, %iota3A, %eq3A_2535 : vector<1x100xi32>
    %convert_element_type3A_2537 = arith.extui %eq3A_2536 : vector<1x100xi1> to vector<1x100xi32>
    %convert_element_type3A_2538 = arith.sitofp %convert_element_type3A_2537 : vector<1x100xi32> to vector<1x100xf32>
    %broadcast_in_dim3A_2539 = arith.constant 0.000000e+00 : f32
    %broadcast_in_dim3A_2540 = vector.broadcast %broadcast_in_dim3A_2539 : f32 to vector<1x100xf32>
    %select_n3A_2541 = arith.select %eq3A_2534, %convert_element_type3A_2538, %broadcast_in_dim3A_2540 : vector<1x100xf32>
    %mul3A_2542 = vector.broadcast %broadcast_in_dim3A_2533 : vector<16x1xf32> to vector<16x100xf32>
    %mul3A_2543 = vector.broadcast %select_n3A_2541 : vector<1x100xf32> to vector<16x100xf32>
    %mul3A_2544 = arith.mulf %mul3A_2542, %mul3A_2543 : vector<16x100xf32>
    %add3A_2545 = arith.addf %add3A_2519, %mul3A_2544 : vector<16x100xf32>
    %mul3A_2546 = arith.constant 100 : i32
    %mul3A_2547 = arith.muli %arg0, %mul3A_2546 : i32
    %add3A_2548 = arith.constant 98 : i32
    %add3A_2549 = arith.addi %mul3A_2547, %add3A_2548 : i32
    %get3A_2550 = arith.index_cast %add3A_2549 : i32 to index
    %get3A_2551 = memref.load %arg1[%get3A_2550] : memref<2500xi32, #tpu.memory_space<smem>>
    %get3A_2552 = arith.index_cast %add3A_2549 : i32 to index
    %get3A_2553 = memref.load %arg2[%get3A_2552] : memref<2500xi32, #tpu.memory_space<smem>>
    %get3A_2554 = arith.constant 0 : index
    %get3A_2555 = arith.constant 62720 : index
    %get3A_2556 = vector.load %arg3[%get3A_2554, %get3A_2555] : memref<16x64000xf32, #tpu.memory_space<vmem>>, vector<16x640xf32>
    %reduce_sum3A_2557 = arith.constant dense<0.000000e+00> : vector<16xf32>
    %reduce_sum3A_2558 = vector.multi_reduction <add>, %get3A_2556, %reduce_sum3A_2557 [1] : vector<16x640xf32> to vector<16xf32>
    %broadcast_in_dim3A_2559 = vector.shape_cast %reduce_sum3A_2558 : vector<16xf32> to vector<16x1xf32>
    %eq3A_2560 = arith.cmpi eq, %get3A_2551, %get3A_2553 : i32
    %eq3A_2561 = vector.broadcast %get3A_2551 : i32 to vector<1x100xi32>
    %eq3A_2562 = arith.cmpi eq, %iota3A, %eq3A_2561 : vector<1x100xi32>
    %convert_element_type3A_2563 = arith.extui %eq3A_2562 : vector<1x100xi1> to vector<1x100xi32>
    %convert_element_type3A_2564 = arith.sitofp %convert_element_type3A_2563 : vector<1x100xi32> to vector<1x100xf32>
    %broadcast_in_dim3A_2565 = arith.constant 0.000000e+00 : f32
    %broadcast_in_dim3A_2566 = vector.broadcast %broadcast_in_dim3A_2565 : f32 to vector<1x100xf32>
    %select_n3A_2567 = arith.select %eq3A_2560, %convert_element_type3A_2564, %broadcast_in_dim3A_2566 : vector<1x100xf32>
    %mul3A_2568 = vector.broadcast %broadcast_in_dim3A_2559 : vector<16x1xf32> to vector<16x100xf32>
    %mul3A_2569 = vector.broadcast %select_n3A_2567 : vector<1x100xf32> to vector<16x100xf32>
    %mul3A_2570 = arith.mulf %mul3A_2568, %mul3A_2569 : vector<16x100xf32>
    %add3A_2571 = arith.addf %add3A_2545, %mul3A_2570 : vector<16x100xf32>
    %mul3A_2572 = arith.constant 100 : i32
    %mul3A_2573 = arith.muli %arg0, %mul3A_2572 : i32
    %add3A_2574 = arith.constant 99 : i32
    %add3A_2575 = arith.addi %mul3A_2573, %add3A_2574 : i32
    %get3A_2576 = arith.index_cast %add3A_2575 : i32 to index
    %get3A_2577 = memref.load %arg1[%get3A_2576] : memref<2500xi32, #tpu.memory_space<smem>>
    %get3A_2578 = arith.index_cast %add3A_2575 : i32 to index
    %get3A_2579 = memref.load %arg2[%get3A_2578] : memref<2500xi32, #tpu.memory_space<smem>>
    %get3A_2580 = arith.constant 0 : index
    %get3A_2581 = arith.constant 63360 : index
    %get3A_2582 = vector.load %arg3[%get3A_2580, %get3A_2581] : memref<16x64000xf32, #tpu.memory_space<vmem>>, vector<16x640xf32>
    %reduce_sum3A_2583 = arith.constant dense<0.000000e+00> : vector<16xf32>
    %reduce_sum3A_2584 = vector.multi_reduction <add>, %get3A_2582, %reduce_sum3A_2583 [1] : vector<16x640xf32> to vector<16xf32>
    %broadcast_in_dim3A_2585 = vector.shape_cast %reduce_sum3A_2584 : vector<16xf32> to vector<16x1xf32>
    %eq3A_2586 = arith.cmpi eq, %get3A_2577, %get3A_2579 : i32
    %eq3A_2587 = vector.broadcast %get3A_2577 : i32 to vector<1x100xi32>
    %eq3A_2588 = arith.cmpi eq, %iota3A, %eq3A_2587 : vector<1x100xi32>
    %convert_element_type3A_2589 = arith.extui %eq3A_2588 : vector<1x100xi1> to vector<1x100xi32>
    %convert_element_type3A_2590 = arith.sitofp %convert_element_type3A_2589 : vector<1x100xi32> to vector<1x100xf32>
    %broadcast_in_dim3A_2591 = arith.constant 0.000000e+00 : f32
    %broadcast_in_dim3A_2592 = vector.broadcast %broadcast_in_dim3A_2591 : f32 to vector<1x100xf32>
    %select_n3A_2593 = arith.select %eq3A_2586, %convert_element_type3A_2590, %broadcast_in_dim3A_2592 : vector<1x100xf32>
    %mul3A_2594 = vector.broadcast %broadcast_in_dim3A_2585 : vector<16x1xf32> to vector<16x100xf32>
    %mul3A_2595 = vector.broadcast %select_n3A_2593 : vector<1x100xf32> to vector<16x100xf32>
    %mul3A_2596 = arith.mulf %mul3A_2594, %mul3A_2595 : vector<16x100xf32>
    %add3A_2597 = arith.addf %add3A_2571, %mul3A_2596 : vector<16x100xf32>
    %get3A_2598 = arith.constant 0 : index
    %get3A_2599 = arith.constant 0 : index
    %get3A_2600 = vector.load %arg4[%get3A_2598, %get3A_2599] : memref<16x100xf32, #tpu.memory_space<vmem>>, vector<16x100xf32>
    %add3A_2601 = arith.addf %get3A_2600, %add3A_2597 : vector<16x100xf32>
    %swap3A = arith.constant 0 : index
    %swap3A_2602 = arith.constant 0 : index
    %swap3A_2603 = vector.load %arg4[%swap3A, %swap3A_2602] : memref<16x100xf32, #tpu.memory_space<vmem>>, vector<16x100xf32>
    tpu.vector_store %arg4[%swap3A, %swap3A_2602], %add3A_2601 {strides = array<i32>} : memref<16x100xf32, #tpu.memory_space<vmem>>, vector<16x100xf32>,
    return
  }
  func.func @transform_0(%arg0: i32, %arg1: memref<2500xi32, #tpu.memory_space<smem>>, %arg2: memref<2500xi32, #tpu.memory_space<smem>>) -> (i32, i32) {
    %c0_i32 = arith.constant 0 : i32
    %c0_i32_0 = arith.constant 0 : i32
    return %c0_i32, %arg0 : i32, i32
  }
  func.func @transform_1(%arg0: i32, %arg1: memref<2500xi32, #tpu.memory_space<smem>>, %arg2: memref<2500xi32, #tpu.memory_space<smem>>) -> (i32, i32) {
    %c0_i32 = arith.constant 0 : i32
    %c0_i32_0 = arith.constant 0 : i32
    %c0_i32_1 = arith.constant 0 : i32
    return %c0_i32, %c0_i32_0 : i32, i32
  }
}

module attributes {stable_mosaic.version = 14 : i64} {
  func.func @body(%arg0: i32, %arg1: memref<100xi32, #tpu.memory_space<smem>>, %arg2: memref<100xi32, #tpu.memory_space<smem>>, %arg3: memref<16x640xf32, #tpu.memory_space<vmem>>, %arg4: memref<16x640xf32, #tpu.memory_space<vmem>>, %arg5: memref<16x640xf32, #tpu.memory_space<vmem>>, %arg6: memref<16x640xf32, #tpu.memory_space<vmem>>, %arg7: memref<1x5x128xi32, #tpu.memory_space<vmem>>, %arg8: memref<1x5x128xi32, #tpu.memory_space<vmem>>, %arg9: memref<1x5x128xi32, #tpu.memory_space<vmem>>, %arg10: memref<1x5x128xi32, #tpu.memory_space<vmem>>, %arg11: memref<16x100xf32, #tpu.memory_space<vmem>>, %arg12: memref<100x640xbf16, #tpu.memory_space<vmem>>) attributes {dimension_semantics = [#tpu.dimension_semantics<arbitrary>], iteration_bounds = array<i64: 25>, scalar_prefetch = 2 : i64, scratch_operands = 1 : i64, tpu.core_type = #tpu.core_type<tc>, window_params = [{transform_indices = @transform_0, window_bounds = array<i64: 16, 640>}, {transform_indices = @transform_1, window_bounds = array<i64: 16, 640>}, {transform_indices = @transform_2, window_bounds = array<i64: 16, 640>}, {transform_indices = @transform_3, window_bounds = array<i64: 16, 640>}, {transform_indices = @transform_4, window_bounds = array<i64: 1, 5, 128>}, {transform_indices = @transform_5, window_bounds = array<i64: 1, 5, 128>}, {transform_indices = @transform_6, window_bounds = array<i64: 1, 5, 128>}, {transform_indices = @transform_7, window_bounds = array<i64: 1, 5, 128>}, {pipeline_mode = #tpu.pipeline_mode<synchronous>, transform_indices = @transform_8, window_bounds = array<i64: 16, 100>}]} {
    %eq3A = arith.constant 0 : i32
    %eq3A_0 = arith.cmpi eq, %arg0, %eq3A : i32
    %convert_element_type3A = arith.extui %eq3A_0 : i1 to i32
    %cond3A = arith.constant 0 : i32
    %cond3A_1 = arith.cmpi ne, %convert_element_type3A, %cond3A : i32
    scf.if %cond3A_1 {
      %broadcast_in_dim3A_418 = arith.constant 0.000000e+00 : f32
      %broadcast_in_dim3A_419 = vector.broadcast %broadcast_in_dim3A_418 : f32 to vector<16x100xf32>
      %swap3A_420 = arith.constant 0 : index
      %swap3A_421 = arith.constant 0 : index
      %swap3A_422 = vector.load %arg11[%swap3A_420, %swap3A_421] : memref<16x100xf32, #tpu.memory_space<vmem>>, vector<16x100xf32>
      tpu.vector_store %arg11[%swap3A_420, %swap3A_421], %broadcast_in_dim3A_419 {strides = array<i32>} : memref<16x100xf32, #tpu.memory_space<vmem>>, vector<16x100xf32>,
    } else {
    }
    %iota3A = tpu.iota {dimensions = array<i32: 0>} : vector<100x1xi32>
    %broadcast_in_dim3A = arith.constant 0.000000e+00 : f32
    %broadcast_in_dim3A_2 = vector.broadcast %broadcast_in_dim3A : f32 to vector<16x100xf32>
    %mul3A = arith.constant 4 : i32
    %mul3A_3 = arith.muli %mul3A, %arg0 : i32
    %add3A = arith.constant 0 : i32
    %add3A_4 = arith.addi %mul3A_3, %add3A : i32
    %get3A = arith.index_cast %add3A_4 : i32 to index
    %get3A_5 = memref.load %arg2[%get3A] : memref<100xi32, #tpu.memory_space<smem>>
    %ne3A = arith.constant 0 : i32
    %ne3A_6 = arith.cmpi ne, %get3A_5, %ne3A : i32
    %get3A_7 = arith.constant 0 : index
    %get3A_8 = arith.constant 0 : index
    %get3A_9 = arith.constant 0 : index
    %get3A_10 = vector.load %arg7[%get3A_7, %get3A_8, %get3A_9] : memref<1x5x128xi32, #tpu.memory_space<vmem>>, vector<1x1x128xi32>
    %get3A_11 = vector.shape_cast %get3A_10 : vector<1x1x128xi32> to vector<1x128xi32>
    %eq3A_12 = vector.broadcast %iota3A : vector<100x1xi32> to vector<100x128xi32>
    %eq3A_13 = vector.broadcast %get3A_11 : vector<1x128xi32> to vector<100x128xi32>
    %eq3A_14 = arith.cmpi eq, %eq3A_12, %eq3A_13 : vector<100x128xi32>
    %and3A = vector.broadcast %ne3A_6 : i1 to vector<100x128xi1>
    %and3A_15 = arith.andi %eq3A_14, %and3A : vector<100x128xi1>
    %convert_element_type3A_16 = arith.extui %and3A_15 : vector<100x128xi1> to vector<100x128xi32>
    %convert_element_type3A_17 = arith.sitofp %convert_element_type3A_16 : vector<100x128xi32> to vector<100x128xf32>
    %convert_element_type3A_18 = arith.truncf %convert_element_type3A_17 : vector<100x128xf32> to vector<100x128xbf16>
    %swap3A = arith.constant 0 : index
    %swap3A_19 = arith.constant 0 : index
    %swap3A_20 = vector.load %arg12[%swap3A, %swap3A_19] : memref<100x640xbf16, #tpu.memory_space<vmem>>, vector<100x128xbf16>
    tpu.vector_store %arg12[%swap3A, %swap3A_19], %convert_element_type3A_18 {strides = array<i32>} : memref<100x640xbf16, #tpu.memory_space<vmem>>, vector<100x128xbf16>,
    %get3A_21 = arith.constant 0 : index
    %get3A_22 = arith.constant 1 : index
    %get3A_23 = arith.constant 0 : index
    %get3A_24 = vector.load %arg7[%get3A_21, %get3A_22, %get3A_23] : memref<1x5x128xi32, #tpu.memory_space<vmem>>, vector<1x1x128xi32>
    %get3A_25 = vector.shape_cast %get3A_24 : vector<1x1x128xi32> to vector<1x128xi32>
    %eq3A_26 = vector.broadcast %iota3A : vector<100x1xi32> to vector<100x128xi32>
    %eq3A_27 = vector.broadcast %get3A_25 : vector<1x128xi32> to vector<100x128xi32>
    %eq3A_28 = arith.cmpi eq, %eq3A_26, %eq3A_27 : vector<100x128xi32>
    %and3A_29 = vector.broadcast %ne3A_6 : i1 to vector<100x128xi1>
    %and3A_30 = arith.andi %eq3A_28, %and3A_29 : vector<100x128xi1>
    %convert_element_type3A_31 = arith.extui %and3A_30 : vector<100x128xi1> to vector<100x128xi32>
    %convert_element_type3A_32 = arith.sitofp %convert_element_type3A_31 : vector<100x128xi32> to vector<100x128xf32>
    %convert_element_type3A_33 = arith.truncf %convert_element_type3A_32 : vector<100x128xf32> to vector<100x128xbf16>
    %swap3A_34 = arith.constant 0 : index
    %swap3A_35 = arith.constant 128 : index
    %swap3A_36 = vector.load %arg12[%swap3A_34, %swap3A_35] : memref<100x640xbf16, #tpu.memory_space<vmem>>, vector<100x128xbf16>
    tpu.vector_store %arg12[%swap3A_34, %swap3A_35], %convert_element_type3A_33 {strides = array<i32>} : memref<100x640xbf16, #tpu.memory_space<vmem>>, vector<100x128xbf16>,
    %get3A_37 = arith.constant 0 : index
    %get3A_38 = arith.constant 2 : index
    %get3A_39 = arith.constant 0 : index
    %get3A_40 = vector.load %arg7[%get3A_37, %get3A_38, %get3A_39] : memref<1x5x128xi32, #tpu.memory_space<vmem>>, vector<1x1x128xi32>
    %get3A_41 = vector.shape_cast %get3A_40 : vector<1x1x128xi32> to vector<1x128xi32>
    %eq3A_42 = vector.broadcast %iota3A : vector<100x1xi32> to vector<100x128xi32>
    %eq3A_43 = vector.broadcast %get3A_41 : vector<1x128xi32> to vector<100x128xi32>
    %eq3A_44 = arith.cmpi eq, %eq3A_42, %eq3A_43 : vector<100x128xi32>
    %and3A_45 = vector.broadcast %ne3A_6 : i1 to vector<100x128xi1>
    %and3A_46 = arith.andi %eq3A_44, %and3A_45 : vector<100x128xi1>
    %convert_element_type3A_47 = arith.extui %and3A_46 : vector<100x128xi1> to vector<100x128xi32>
    %convert_element_type3A_48 = arith.sitofp %convert_element_type3A_47 : vector<100x128xi32> to vector<100x128xf32>
    %convert_element_type3A_49 = arith.truncf %convert_element_type3A_48 : vector<100x128xf32> to vector<100x128xbf16>
    %swap3A_50 = arith.constant 0 : index
    %swap3A_51 = arith.constant 256 : index
    %swap3A_52 = vector.load %arg12[%swap3A_50, %swap3A_51] : memref<100x640xbf16, #tpu.memory_space<vmem>>, vector<100x128xbf16>
    tpu.vector_store %arg12[%swap3A_50, %swap3A_51], %convert_element_type3A_49 {strides = array<i32>} : memref<100x640xbf16, #tpu.memory_space<vmem>>, vector<100x128xbf16>,
    %get3A_53 = arith.constant 0 : index
    %get3A_54 = arith.constant 3 : index
    %get3A_55 = arith.constant 0 : index
    %get3A_56 = vector.load %arg7[%get3A_53, %get3A_54, %get3A_55] : memref<1x5x128xi32, #tpu.memory_space<vmem>>, vector<1x1x128xi32>
    %get3A_57 = vector.shape_cast %get3A_56 : vector<1x1x128xi32> to vector<1x128xi32>
    %eq3A_58 = vector.broadcast %iota3A : vector<100x1xi32> to vector<100x128xi32>
    %eq3A_59 = vector.broadcast %get3A_57 : vector<1x128xi32> to vector<100x128xi32>
    %eq3A_60 = arith.cmpi eq, %eq3A_58, %eq3A_59 : vector<100x128xi32>
    %and3A_61 = vector.broadcast %ne3A_6 : i1 to vector<100x128xi1>
    %and3A_62 = arith.andi %eq3A_60, %and3A_61 : vector<100x128xi1>
    %convert_element_type3A_63 = arith.extui %and3A_62 : vector<100x128xi1> to vector<100x128xi32>
    %convert_element_type3A_64 = arith.sitofp %convert_element_type3A_63 : vector<100x128xi32> to vector<100x128xf32>
    %convert_element_type3A_65 = arith.truncf %convert_element_type3A_64 : vector<100x128xf32> to vector<100x128xbf16>
    %swap3A_66 = arith.constant 0 : index
    %swap3A_67 = arith.constant 384 : index
    %swap3A_68 = vector.load %arg12[%swap3A_66, %swap3A_67] : memref<100x640xbf16, #tpu.memory_space<vmem>>, vector<100x128xbf16>
    tpu.vector_store %arg12[%swap3A_66, %swap3A_67], %convert_element_type3A_65 {strides = array<i32>} : memref<100x640xbf16, #tpu.memory_space<vmem>>, vector<100x128xbf16>,
    %get3A_69 = arith.constant 0 : index
    %get3A_70 = arith.constant 4 : index
    %get3A_71 = arith.constant 0 : index
    %get3A_72 = vector.load %arg7[%get3A_69, %get3A_70, %get3A_71] : memref<1x5x128xi32, #tpu.memory_space<vmem>>, vector<1x1x128xi32>
    %get3A_73 = vector.shape_cast %get3A_72 : vector<1x1x128xi32> to vector<1x128xi32>
    %eq3A_74 = vector.broadcast %iota3A : vector<100x1xi32> to vector<100x128xi32>
    %eq3A_75 = vector.broadcast %get3A_73 : vector<1x128xi32> to vector<100x128xi32>
    %eq3A_76 = arith.cmpi eq, %eq3A_74, %eq3A_75 : vector<100x128xi32>
    %and3A_77 = vector.broadcast %ne3A_6 : i1 to vector<100x128xi1>
    %and3A_78 = arith.andi %eq3A_76, %and3A_77 : vector<100x128xi1>
    %convert_element_type3A_79 = arith.extui %and3A_78 : vector<100x128xi1> to vector<100x128xi32>
    %convert_element_type3A_80 = arith.sitofp %convert_element_type3A_79 : vector<100x128xi32> to vector<100x128xf32>
    %convert_element_type3A_81 = arith.truncf %convert_element_type3A_80 : vector<100x128xf32> to vector<100x128xbf16>
    %swap3A_82 = arith.constant 0 : index
    %swap3A_83 = arith.constant 512 : index
    %swap3A_84 = vector.load %arg12[%swap3A_82, %swap3A_83] : memref<100x640xbf16, #tpu.memory_space<vmem>>, vector<100x128xbf16>
    tpu.vector_store %arg12[%swap3A_82, %swap3A_83], %convert_element_type3A_81 {strides = array<i32>} : memref<100x640xbf16, #tpu.memory_space<vmem>>, vector<100x128xbf16>,
    %get3A_85 = arith.constant 0 : index
    %get3A_86 = arith.constant 0 : index
    %get3A_87 = vector.load %arg3[%get3A_85, %get3A_86] : memref<16x640xf32, #tpu.memory_space<vmem>>, vector<16x640xf32>
    %convert_element_type3A_88 = arith.truncf %get3A_87 : vector<16x640xf32> to vector<16x640xbf16>
    %convert_element_type3A_89 = arith.extf %convert_element_type3A_88 : vector<16x640xbf16> to vector<16x640xf32>
    %sub3A = arith.subf %get3A_87, %convert_element_type3A_89 : vector<16x640xf32>
    %convert_element_type3A_90 = arith.truncf %sub3A : vector<16x640xf32> to vector<16x640xbf16>
    %get3A_91 = arith.constant 0 : index
    %get3A_92 = arith.constant 0 : index
    %get3A_93 = vector.load %arg12[%get3A_91, %get3A_92] : memref<100x640xbf16, #tpu.memory_space<vmem>>, vector<100x640xbf16>
    %dot_general3A = arith.constant dense<0.000000e+00> : vector<16x100xf32>
    %dot_general3A_94 = tpu.matmul %convert_element_type3A_88, %get3A_93, %dot_general3A {dimension_numbers = #tpu.dot_dimension_numbers<[1], [1], [0], [0], [0, 0, 1, 0], [], []>, transpose_lhs_hint = false} : vector<16x640xbf16>, vector<100x640xbf16>, vector<16x100xf32> -> vector<16x100xf32>
    %add3A_95 = arith.addf %broadcast_in_dim3A_2, %dot_general3A_94 : vector<16x100xf32>
    %dot_general3A_96 = arith.constant dense<0.000000e+00> : vector<16x100xf32>
    %dot_general3A_97 = tpu.matmul %convert_element_type3A_90, %get3A_93, %dot_general3A_96 {dimension_numbers = #tpu.dot_dimension_numbers<[1], [1], [0], [0], [0, 0, 1, 0], [], []>, transpose_lhs_hint = false} : vector<16x640xbf16>, vector<100x640xbf16>, vector<16x100xf32> -> vector<16x100xf32>
    %add3A_98 = arith.addf %add3A_95, %dot_general3A_97 : vector<16x100xf32>
    %mul3A_99 = arith.constant 4 : i32
    %mul3A_100 = arith.muli %mul3A_99, %arg0 : i32
    %add3A_101 = arith.constant 1 : i32
    %add3A_102 = arith.addi %mul3A_100, %add3A_101 : i32
    %get3A_103 = arith.index_cast %add3A_102 : i32 to index
    %get3A_104 = memref.load %arg2[%get3A_103] : memref<100xi32, #tpu.memory_space<smem>>
    %ne3A_105 = arith.constant 0 : i32
    %ne3A_106 = arith.cmpi ne, %get3A_104, %ne3A_105 : i32
    %get3A_107 = arith.constant 0 : index
    %get3A_108 = arith.constant 0 : index
    %get3A_109 = arith.constant 0 : index
    %get3A_110 = vector.load %arg8[%get3A_107, %get3A_108, %get3A_109] : memref<1x5x128xi32, #tpu.memory_space<vmem>>, vector<1x1x128xi32>
    %get3A_111 = vector.shape_cast %get3A_110 : vector<1x1x128xi32> to vector<1x128xi32>
    %eq3A_112 = vector.broadcast %iota3A : vector<100x1xi32> to vector<100x128xi32>
    %eq3A_113 = vector.broadcast %get3A_111 : vector<1x128xi32> to vector<100x128xi32>
    %eq3A_114 = arith.cmpi eq, %eq3A_112, %eq3A_113 : vector<100x128xi32>
    %and3A_115 = vector.broadcast %ne3A_106 : i1 to vector<100x128xi1>
    %and3A_116 = arith.andi %eq3A_114, %and3A_115 : vector<100x128xi1>
    %convert_element_type3A_117 = arith.extui %and3A_116 : vector<100x128xi1> to vector<100x128xi32>
    %convert_element_type3A_118 = arith.sitofp %convert_element_type3A_117 : vector<100x128xi32> to vector<100x128xf32>
    %convert_element_type3A_119 = arith.truncf %convert_element_type3A_118 : vector<100x128xf32> to vector<100x128xbf16>
    %swap3A_120 = arith.constant 0 : index
    %swap3A_121 = arith.constant 0 : index
    %swap3A_122 = vector.load %arg12[%swap3A_120, %swap3A_121] : memref<100x640xbf16, #tpu.memory_space<vmem>>, vector<100x128xbf16>
    tpu.vector_store %arg12[%swap3A_120, %swap3A_121], %convert_element_type3A_119 {strides = array<i32>} : memref<100x640xbf16, #tpu.memory_space<vmem>>, vector<100x128xbf16>,
    %get3A_123 = arith.constant 0 : index
    %get3A_124 = arith.constant 1 : index
    %get3A_125 = arith.constant 0 : index
    %get3A_126 = vector.load %arg8[%get3A_123, %get3A_124, %get3A_125] : memref<1x5x128xi32, #tpu.memory_space<vmem>>, vector<1x1x128xi32>
    %get3A_127 = vector.shape_cast %get3A_126 : vector<1x1x128xi32> to vector<1x128xi32>
    %eq3A_128 = vector.broadcast %iota3A : vector<100x1xi32> to vector<100x128xi32>
    %eq3A_129 = vector.broadcast %get3A_127 : vector<1x128xi32> to vector<100x128xi32>
    %eq3A_130 = arith.cmpi eq, %eq3A_128, %eq3A_129 : vector<100x128xi32>
    %and3A_131 = vector.broadcast %ne3A_106 : i1 to vector<100x128xi1>
    %and3A_132 = arith.andi %eq3A_130, %and3A_131 : vector<100x128xi1>
    %convert_element_type3A_133 = arith.extui %and3A_132 : vector<100x128xi1> to vector<100x128xi32>
    %convert_element_type3A_134 = arith.sitofp %convert_element_type3A_133 : vector<100x128xi32> to vector<100x128xf32>
    %convert_element_type3A_135 = arith.truncf %convert_element_type3A_134 : vector<100x128xf32> to vector<100x128xbf16>
    %swap3A_136 = arith.constant 0 : index
    %swap3A_137 = arith.constant 128 : index
    %swap3A_138 = vector.load %arg12[%swap3A_136, %swap3A_137] : memref<100x640xbf16, #tpu.memory_space<vmem>>, vector<100x128xbf16>
    tpu.vector_store %arg12[%swap3A_136, %swap3A_137], %convert_element_type3A_135 {strides = array<i32>} : memref<100x640xbf16, #tpu.memory_space<vmem>>, vector<100x128xbf16>,
    %get3A_139 = arith.constant 0 : index
    %get3A_140 = arith.constant 2 : index
    %get3A_141 = arith.constant 0 : index
    %get3A_142 = vector.load %arg8[%get3A_139, %get3A_140, %get3A_141] : memref<1x5x128xi32, #tpu.memory_space<vmem>>, vector<1x1x128xi32>
    %get3A_143 = vector.shape_cast %get3A_142 : vector<1x1x128xi32> to vector<1x128xi32>
    %eq3A_144 = vector.broadcast %iota3A : vector<100x1xi32> to vector<100x128xi32>
    %eq3A_145 = vector.broadcast %get3A_143 : vector<1x128xi32> to vector<100x128xi32>
    %eq3A_146 = arith.cmpi eq, %eq3A_144, %eq3A_145 : vector<100x128xi32>
    %and3A_147 = vector.broadcast %ne3A_106 : i1 to vector<100x128xi1>
    %and3A_148 = arith.andi %eq3A_146, %and3A_147 : vector<100x128xi1>
    %convert_element_type3A_149 = arith.extui %and3A_148 : vector<100x128xi1> to vector<100x128xi32>
    %convert_element_type3A_150 = arith.sitofp %convert_element_type3A_149 : vector<100x128xi32> to vector<100x128xf32>
    %convert_element_type3A_151 = arith.truncf %convert_element_type3A_150 : vector<100x128xf32> to vector<100x128xbf16>
    %swap3A_152 = arith.constant 0 : index
    %swap3A_153 = arith.constant 256 : index
    %swap3A_154 = vector.load %arg12[%swap3A_152, %swap3A_153] : memref<100x640xbf16, #tpu.memory_space<vmem>>, vector<100x128xbf16>
    tpu.vector_store %arg12[%swap3A_152, %swap3A_153], %convert_element_type3A_151 {strides = array<i32>} : memref<100x640xbf16, #tpu.memory_space<vmem>>, vector<100x128xbf16>,
    %get3A_155 = arith.constant 0 : index
    %get3A_156 = arith.constant 3 : index
    %get3A_157 = arith.constant 0 : index
    %get3A_158 = vector.load %arg8[%get3A_155, %get3A_156, %get3A_157] : memref<1x5x128xi32, #tpu.memory_space<vmem>>, vector<1x1x128xi32>
    %get3A_159 = vector.shape_cast %get3A_158 : vector<1x1x128xi32> to vector<1x128xi32>
    %eq3A_160 = vector.broadcast %iota3A : vector<100x1xi32> to vector<100x128xi32>
    %eq3A_161 = vector.broadcast %get3A_159 : vector<1x128xi32> to vector<100x128xi32>
    %eq3A_162 = arith.cmpi eq, %eq3A_160, %eq3A_161 : vector<100x128xi32>
    %and3A_163 = vector.broadcast %ne3A_106 : i1 to vector<100x128xi1>
    %and3A_164 = arith.andi %eq3A_162, %and3A_163 : vector<100x128xi1>
    %convert_element_type3A_165 = arith.extui %and3A_164 : vector<100x128xi1> to vector<100x128xi32>
    %convert_element_type3A_166 = arith.sitofp %convert_element_type3A_165 : vector<100x128xi32> to vector<100x128xf32>
    %convert_element_type3A_167 = arith.truncf %convert_element_type3A_166 : vector<100x128xf32> to vector<100x128xbf16>
    %swap3A_168 = arith.constant 0 : index
    %swap3A_169 = arith.constant 384 : index
    %swap3A_170 = vector.load %arg12[%swap3A_168, %swap3A_169] : memref<100x640xbf16, #tpu.memory_space<vmem>>, vector<100x128xbf16>
    tpu.vector_store %arg12[%swap3A_168, %swap3A_169], %convert_element_type3A_167 {strides = array<i32>} : memref<100x640xbf16, #tpu.memory_space<vmem>>, vector<100x128xbf16>,
    %get3A_171 = arith.constant 0 : index
    %get3A_172 = arith.constant 4 : index
    %get3A_173 = arith.constant 0 : index
    %get3A_174 = vector.load %arg8[%get3A_171, %get3A_172, %get3A_173] : memref<1x5x128xi32, #tpu.memory_space<vmem>>, vector<1x1x128xi32>
    %get3A_175 = vector.shape_cast %get3A_174 : vector<1x1x128xi32> to vector<1x128xi32>
    %eq3A_176 = vector.broadcast %iota3A : vector<100x1xi32> to vector<100x128xi32>
    %eq3A_177 = vector.broadcast %get3A_175 : vector<1x128xi32> to vector<100x128xi32>
    %eq3A_178 = arith.cmpi eq, %eq3A_176, %eq3A_177 : vector<100x128xi32>
    %and3A_179 = vector.broadcast %ne3A_106 : i1 to vector<100x128xi1>
    %and3A_180 = arith.andi %eq3A_178, %and3A_179 : vector<100x128xi1>
    %convert_element_type3A_181 = arith.extui %and3A_180 : vector<100x128xi1> to vector<100x128xi32>
    %convert_element_type3A_182 = arith.sitofp %convert_element_type3A_181 : vector<100x128xi32> to vector<100x128xf32>
    %convert_element_type3A_183 = arith.truncf %convert_element_type3A_182 : vector<100x128xf32> to vector<100x128xbf16>
    %swap3A_184 = arith.constant 0 : index
    %swap3A_185 = arith.constant 512 : index
    %swap3A_186 = vector.load %arg12[%swap3A_184, %swap3A_185] : memref<100x640xbf16, #tpu.memory_space<vmem>>, vector<100x128xbf16>
    tpu.vector_store %arg12[%swap3A_184, %swap3A_185], %convert_element_type3A_183 {strides = array<i32>} : memref<100x640xbf16, #tpu.memory_space<vmem>>, vector<100x128xbf16>,
    %get3A_187 = arith.constant 0 : index
    %get3A_188 = arith.constant 0 : index
    %get3A_189 = vector.load %arg4[%get3A_187, %get3A_188] : memref<16x640xf32, #tpu.memory_space<vmem>>, vector<16x640xf32>
    %convert_element_type3A_190 = arith.truncf %get3A_189 : vector<16x640xf32> to vector<16x640xbf16>
    %convert_element_type3A_191 = arith.extf %convert_element_type3A_190 : vector<16x640xbf16> to vector<16x640xf32>
    %sub3A_192 = arith.subf %get3A_189, %convert_element_type3A_191 : vector<16x640xf32>
    %convert_element_type3A_193 = arith.truncf %sub3A_192 : vector<16x640xf32> to vector<16x640xbf16>
    %get3A_194 = arith.constant 0 : index
    %get3A_195 = arith.constant 0 : index
    %get3A_196 = vector.load %arg12[%get3A_194, %get3A_195] : memref<100x640xbf16, #tpu.memory_space<vmem>>, vector<100x640xbf16>
    %dot_general3A_197 = arith.constant dense<0.000000e+00> : vector<16x100xf32>
    %dot_general3A_198 = tpu.matmul %convert_element_type3A_190, %get3A_196, %dot_general3A_197 {dimension_numbers = #tpu.dot_dimension_numbers<[1], [1], [0], [0], [0, 0, 1, 0], [], []>, transpose_lhs_hint = false} : vector<16x640xbf16>, vector<100x640xbf16>, vector<16x100xf32> -> vector<16x100xf32>
    %add3A_199 = arith.addf %add3A_98, %dot_general3A_198 : vector<16x100xf32>
    %dot_general3A_200 = arith.constant dense<0.000000e+00> : vector<16x100xf32>
    %dot_general3A_201 = tpu.matmul %convert_element_type3A_193, %get3A_196, %dot_general3A_200 {dimension_numbers = #tpu.dot_dimension_numbers<[1], [1], [0], [0], [0, 0, 1, 0], [], []>, transpose_lhs_hint = false} : vector<16x640xbf16>, vector<100x640xbf16>, vector<16x100xf32> -> vector<16x100xf32>
    %add3A_202 = arith.addf %add3A_199, %dot_general3A_201 : vector<16x100xf32>
    %mul3A_203 = arith.constant 4 : i32
    %mul3A_204 = arith.muli %mul3A_203, %arg0 : i32
    %add3A_205 = arith.constant 2 : i32
    %add3A_206 = arith.addi %mul3A_204, %add3A_205 : i32
    %get3A_207 = arith.index_cast %add3A_206 : i32 to index
    %get3A_208 = memref.load %arg2[%get3A_207] : memref<100xi32, #tpu.memory_space<smem>>
    %ne3A_209 = arith.constant 0 : i32
    %ne3A_210 = arith.cmpi ne, %get3A_208, %ne3A_209 : i32
    %get3A_211 = arith.constant 0 : index
    %get3A_212 = arith.constant 0 : index
    %get3A_213 = arith.constant 0 : index
    %get3A_214 = vector.load %arg9[%get3A_211, %get3A_212, %get3A_213] : memref<1x5x128xi32, #tpu.memory_space<vmem>>, vector<1x1x128xi32>
    %get3A_215 = vector.shape_cast %get3A_214 : vector<1x1x128xi32> to vector<1x128xi32>
    %eq3A_216 = vector.broadcast %iota3A : vector<100x1xi32> to vector<100x128xi32>
    %eq3A_217 = vector.broadcast %get3A_215 : vector<1x128xi32> to vector<100x128xi32>
    %eq3A_218 = arith.cmpi eq, %eq3A_216, %eq3A_217 : vector<100x128xi32>
    %and3A_219 = vector.broadcast %ne3A_210 : i1 to vector<100x128xi1>
    %and3A_220 = arith.andi %eq3A_218, %and3A_219 : vector<100x128xi1>
    %convert_element_type3A_221 = arith.extui %and3A_220 : vector<100x128xi1> to vector<100x128xi32>
    %convert_element_type3A_222 = arith.sitofp %convert_element_type3A_221 : vector<100x128xi32> to vector<100x128xf32>
    %convert_element_type3A_223 = arith.truncf %convert_element_type3A_222 : vector<100x128xf32> to vector<100x128xbf16>
    %swap3A_224 = arith.constant 0 : index
    %swap3A_225 = arith.constant 0 : index
    %swap3A_226 = vector.load %arg12[%swap3A_224, %swap3A_225] : memref<100x640xbf16, #tpu.memory_space<vmem>>, vector<100x128xbf16>
    tpu.vector_store %arg12[%swap3A_224, %swap3A_225], %convert_element_type3A_223 {strides = array<i32>} : memref<100x640xbf16, #tpu.memory_space<vmem>>, vector<100x128xbf16>,
    %get3A_227 = arith.constant 0 : index
    %get3A_228 = arith.constant 1 : index
    %get3A_229 = arith.constant 0 : index
    %get3A_230 = vector.load %arg9[%get3A_227, %get3A_228, %get3A_229] : memref<1x5x128xi32, #tpu.memory_space<vmem>>, vector<1x1x128xi32>
    %get3A_231 = vector.shape_cast %get3A_230 : vector<1x1x128xi32> to vector<1x128xi32>
    %eq3A_232 = vector.broadcast %iota3A : vector<100x1xi32> to vector<100x128xi32>
    %eq3A_233 = vector.broadcast %get3A_231 : vector<1x128xi32> to vector<100x128xi32>
    %eq3A_234 = arith.cmpi eq, %eq3A_232, %eq3A_233 : vector<100x128xi32>
    %and3A_235 = vector.broadcast %ne3A_210 : i1 to vector<100x128xi1>
    %and3A_236 = arith.andi %eq3A_234, %and3A_235 : vector<100x128xi1>
    %convert_element_type3A_237 = arith.extui %and3A_236 : vector<100x128xi1> to vector<100x128xi32>
    %convert_element_type3A_238 = arith.sitofp %convert_element_type3A_237 : vector<100x128xi32> to vector<100x128xf32>
    %convert_element_type3A_239 = arith.truncf %convert_element_type3A_238 : vector<100x128xf32> to vector<100x128xbf16>
    %swap3A_240 = arith.constant 0 : index
    %swap3A_241 = arith.constant 128 : index
    %swap3A_242 = vector.load %arg12[%swap3A_240, %swap3A_241] : memref<100x640xbf16, #tpu.memory_space<vmem>>, vector<100x128xbf16>
    tpu.vector_store %arg12[%swap3A_240, %swap3A_241], %convert_element_type3A_239 {strides = array<i32>} : memref<100x640xbf16, #tpu.memory_space<vmem>>, vector<100x128xbf16>,
    %get3A_243 = arith.constant 0 : index
    %get3A_244 = arith.constant 2 : index
    %get3A_245 = arith.constant 0 : index
    %get3A_246 = vector.load %arg9[%get3A_243, %get3A_244, %get3A_245] : memref<1x5x128xi32, #tpu.memory_space<vmem>>, vector<1x1x128xi32>
    %get3A_247 = vector.shape_cast %get3A_246 : vector<1x1x128xi32> to vector<1x128xi32>
    %eq3A_248 = vector.broadcast %iota3A : vector<100x1xi32> to vector<100x128xi32>
    %eq3A_249 = vector.broadcast %get3A_247 : vector<1x128xi32> to vector<100x128xi32>
    %eq3A_250 = arith.cmpi eq, %eq3A_248, %eq3A_249 : vector<100x128xi32>
    %and3A_251 = vector.broadcast %ne3A_210 : i1 to vector<100x128xi1>
    %and3A_252 = arith.andi %eq3A_250, %and3A_251 : vector<100x128xi1>
    %convert_element_type3A_253 = arith.extui %and3A_252 : vector<100x128xi1> to vector<100x128xi32>
    %convert_element_type3A_254 = arith.sitofp %convert_element_type3A_253 : vector<100x128xi32> to vector<100x128xf32>
    %convert_element_type3A_255 = arith.truncf %convert_element_type3A_254 : vector<100x128xf32> to vector<100x128xbf16>
    %swap3A_256 = arith.constant 0 : index
    %swap3A_257 = arith.constant 256 : index
    %swap3A_258 = vector.load %arg12[%swap3A_256, %swap3A_257] : memref<100x640xbf16, #tpu.memory_space<vmem>>, vector<100x128xbf16>
    tpu.vector_store %arg12[%swap3A_256, %swap3A_257], %convert_element_type3A_255 {strides = array<i32>} : memref<100x640xbf16, #tpu.memory_space<vmem>>, vector<100x128xbf16>,
    %get3A_259 = arith.constant 0 : index
    %get3A_260 = arith.constant 3 : index
    %get3A_261 = arith.constant 0 : index
    %get3A_262 = vector.load %arg9[%get3A_259, %get3A_260, %get3A_261] : memref<1x5x128xi32, #tpu.memory_space<vmem>>, vector<1x1x128xi32>
    %get3A_263 = vector.shape_cast %get3A_262 : vector<1x1x128xi32> to vector<1x128xi32>
    %eq3A_264 = vector.broadcast %iota3A : vector<100x1xi32> to vector<100x128xi32>
    %eq3A_265 = vector.broadcast %get3A_263 : vector<1x128xi32> to vector<100x128xi32>
    %eq3A_266 = arith.cmpi eq, %eq3A_264, %eq3A_265 : vector<100x128xi32>
    %and3A_267 = vector.broadcast %ne3A_210 : i1 to vector<100x128xi1>
    %and3A_268 = arith.andi %eq3A_266, %and3A_267 : vector<100x128xi1>
    %convert_element_type3A_269 = arith.extui %and3A_268 : vector<100x128xi1> to vector<100x128xi32>
    %convert_element_type3A_270 = arith.sitofp %convert_element_type3A_269 : vector<100x128xi32> to vector<100x128xf32>
    %convert_element_type3A_271 = arith.truncf %convert_element_type3A_270 : vector<100x128xf32> to vector<100x128xbf16>
    %swap3A_272 = arith.constant 0 : index
    %swap3A_273 = arith.constant 384 : index
    %swap3A_274 = vector.load %arg12[%swap3A_272, %swap3A_273] : memref<100x640xbf16, #tpu.memory_space<vmem>>, vector<100x128xbf16>
    tpu.vector_store %arg12[%swap3A_272, %swap3A_273], %convert_element_type3A_271 {strides = array<i32>} : memref<100x640xbf16, #tpu.memory_space<vmem>>, vector<100x128xbf16>,
    %get3A_275 = arith.constant 0 : index
    %get3A_276 = arith.constant 4 : index
    %get3A_277 = arith.constant 0 : index
    %get3A_278 = vector.load %arg9[%get3A_275, %get3A_276, %get3A_277] : memref<1x5x128xi32, #tpu.memory_space<vmem>>, vector<1x1x128xi32>
    %get3A_279 = vector.shape_cast %get3A_278 : vector<1x1x128xi32> to vector<1x128xi32>
    %eq3A_280 = vector.broadcast %iota3A : vector<100x1xi32> to vector<100x128xi32>
    %eq3A_281 = vector.broadcast %get3A_279 : vector<1x128xi32> to vector<100x128xi32>
    %eq3A_282 = arith.cmpi eq, %eq3A_280, %eq3A_281 : vector<100x128xi32>
    %and3A_283 = vector.broadcast %ne3A_210 : i1 to vector<100x128xi1>
    %and3A_284 = arith.andi %eq3A_282, %and3A_283 : vector<100x128xi1>
    %convert_element_type3A_285 = arith.extui %and3A_284 : vector<100x128xi1> to vector<100x128xi32>
    %convert_element_type3A_286 = arith.sitofp %convert_element_type3A_285 : vector<100x128xi32> to vector<100x128xf32>
    %convert_element_type3A_287 = arith.truncf %convert_element_type3A_286 : vector<100x128xf32> to vector<100x128xbf16>
    %swap3A_288 = arith.constant 0 : index
    %swap3A_289 = arith.constant 512 : index
    %swap3A_290 = vector.load %arg12[%swap3A_288, %swap3A_289] : memref<100x640xbf16, #tpu.memory_space<vmem>>, vector<100x128xbf16>
    tpu.vector_store %arg12[%swap3A_288, %swap3A_289], %convert_element_type3A_287 {strides = array<i32>} : memref<100x640xbf16, #tpu.memory_space<vmem>>, vector<100x128xbf16>,
    %get3A_291 = arith.constant 0 : index
    %get3A_292 = arith.constant 0 : index
    %get3A_293 = vector.load %arg5[%get3A_291, %get3A_292] : memref<16x640xf32, #tpu.memory_space<vmem>>, vector<16x640xf32>
    %convert_element_type3A_294 = arith.truncf %get3A_293 : vector<16x640xf32> to vector<16x640xbf16>
    %convert_element_type3A_295 = arith.extf %convert_element_type3A_294 : vector<16x640xbf16> to vector<16x640xf32>
    %sub3A_296 = arith.subf %get3A_293, %convert_element_type3A_295 : vector<16x640xf32>
    %convert_element_type3A_297 = arith.truncf %sub3A_296 : vector<16x640xf32> to vector<16x640xbf16>
    %get3A_298 = arith.constant 0 : index
    %get3A_299 = arith.constant 0 : index
    %get3A_300 = vector.load %arg12[%get3A_298, %get3A_299] : memref<100x640xbf16, #tpu.memory_space<vmem>>, vector<100x640xbf16>
    %dot_general3A_301 = arith.constant dense<0.000000e+00> : vector<16x100xf32>
    %dot_general3A_302 = tpu.matmul %convert_element_type3A_294, %get3A_300, %dot_general3A_301 {dimension_numbers = #tpu.dot_dimension_numbers<[1], [1], [0], [0], [0, 0, 1, 0], [], []>, transpose_lhs_hint = false} : vector<16x640xbf16>, vector<100x640xbf16>, vector<16x100xf32> -> vector<16x100xf32>
    %add3A_303 = arith.addf %add3A_202, %dot_general3A_302 : vector<16x100xf32>
    %dot_general3A_304 = arith.constant dense<0.000000e+00> : vector<16x100xf32>
    %dot_general3A_305 = tpu.matmul %convert_element_type3A_297, %get3A_300, %dot_general3A_304 {dimension_numbers = #tpu.dot_dimension_numbers<[1], [1], [0], [0], [0, 0, 1, 0], [], []>, transpose_lhs_hint = false} : vector<16x640xbf16>, vector<100x640xbf16>, vector<16x100xf32> -> vector<16x100xf32>
    %add3A_306 = arith.addf %add3A_303, %dot_general3A_305 : vector<16x100xf32>
    %mul3A_307 = arith.constant 4 : i32
    %mul3A_308 = arith.muli %mul3A_307, %arg0 : i32
    %add3A_309 = arith.constant 3 : i32
    %add3A_310 = arith.addi %mul3A_308, %add3A_309 : i32
    %get3A_311 = arith.index_cast %add3A_310 : i32 to index
    %get3A_312 = memref.load %arg2[%get3A_311] : memref<100xi32, #tpu.memory_space<smem>>
    %ne3A_313 = arith.constant 0 : i32
    %ne3A_314 = arith.cmpi ne, %get3A_312, %ne3A_313 : i32
    %get3A_315 = arith.constant 0 : index
    %get3A_316 = arith.constant 0 : index
    %get3A_317 = arith.constant 0 : index
    %get3A_318 = vector.load %arg10[%get3A_315, %get3A_316, %get3A_317] : memref<1x5x128xi32, #tpu.memory_space<vmem>>, vector<1x1x128xi32>
    %get3A_319 = vector.shape_cast %get3A_318 : vector<1x1x128xi32> to vector<1x128xi32>
    %eq3A_320 = vector.broadcast %iota3A : vector<100x1xi32> to vector<100x128xi32>
    %eq3A_321 = vector.broadcast %get3A_319 : vector<1x128xi32> to vector<100x128xi32>
    %eq3A_322 = arith.cmpi eq, %eq3A_320, %eq3A_321 : vector<100x128xi32>
    %and3A_323 = vector.broadcast %ne3A_314 : i1 to vector<100x128xi1>
    %and3A_324 = arith.andi %eq3A_322, %and3A_323 : vector<100x128xi1>
    %convert_element_type3A_325 = arith.extui %and3A_324 : vector<100x128xi1> to vector<100x128xi32>
    %convert_element_type3A_326 = arith.sitofp %convert_element_type3A_325 : vector<100x128xi32> to vector<100x128xf32>
    %convert_element_type3A_327 = arith.truncf %convert_element_type3A_326 : vector<100x128xf32> to vector<100x128xbf16>
    %swap3A_328 = arith.constant 0 : index
    %swap3A_329 = arith.constant 0 : index
    %swap3A_330 = vector.load %arg12[%swap3A_328, %swap3A_329] : memref<100x640xbf16, #tpu.memory_space<vmem>>, vector<100x128xbf16>
    tpu.vector_store %arg12[%swap3A_328, %swap3A_329], %convert_element_type3A_327 {strides = array<i32>} : memref<100x640xbf16, #tpu.memory_space<vmem>>, vector<100x128xbf16>,
    %get3A_331 = arith.constant 0 : index
    %get3A_332 = arith.constant 1 : index
    %get3A_333 = arith.constant 0 : index
    %get3A_334 = vector.load %arg10[%get3A_331, %get3A_332, %get3A_333] : memref<1x5x128xi32, #tpu.memory_space<vmem>>, vector<1x1x128xi32>
    %get3A_335 = vector.shape_cast %get3A_334 : vector<1x1x128xi32> to vector<1x128xi32>
    %eq3A_336 = vector.broadcast %iota3A : vector<100x1xi32> to vector<100x128xi32>
    %eq3A_337 = vector.broadcast %get3A_335 : vector<1x128xi32> to vector<100x128xi32>
    %eq3A_338 = arith.cmpi eq, %eq3A_336, %eq3A_337 : vector<100x128xi32>
    %and3A_339 = vector.broadcast %ne3A_314 : i1 to vector<100x128xi1>
    %and3A_340 = arith.andi %eq3A_338, %and3A_339 : vector<100x128xi1>
    %convert_element_type3A_341 = arith.extui %and3A_340 : vector<100x128xi1> to vector<100x128xi32>
    %convert_element_type3A_342 = arith.sitofp %convert_element_type3A_341 : vector<100x128xi32> to vector<100x128xf32>
    %convert_element_type3A_343 = arith.truncf %convert_element_type3A_342 : vector<100x128xf32> to vector<100x128xbf16>
    %swap3A_344 = arith.constant 0 : index
    %swap3A_345 = arith.constant 128 : index
    %swap3A_346 = vector.load %arg12[%swap3A_344, %swap3A_345] : memref<100x640xbf16, #tpu.memory_space<vmem>>, vector<100x128xbf16>
    tpu.vector_store %arg12[%swap3A_344, %swap3A_345], %convert_element_type3A_343 {strides = array<i32>} : memref<100x640xbf16, #tpu.memory_space<vmem>>, vector<100x128xbf16>,
    %get3A_347 = arith.constant 0 : index
    %get3A_348 = arith.constant 2 : index
    %get3A_349 = arith.constant 0 : index
    %get3A_350 = vector.load %arg10[%get3A_347, %get3A_348, %get3A_349] : memref<1x5x128xi32, #tpu.memory_space<vmem>>, vector<1x1x128xi32>
    %get3A_351 = vector.shape_cast %get3A_350 : vector<1x1x128xi32> to vector<1x128xi32>
    %eq3A_352 = vector.broadcast %iota3A : vector<100x1xi32> to vector<100x128xi32>
    %eq3A_353 = vector.broadcast %get3A_351 : vector<1x128xi32> to vector<100x128xi32>
    %eq3A_354 = arith.cmpi eq, %eq3A_352, %eq3A_353 : vector<100x128xi32>
    %and3A_355 = vector.broadcast %ne3A_314 : i1 to vector<100x128xi1>
    %and3A_356 = arith.andi %eq3A_354, %and3A_355 : vector<100x128xi1>
    %convert_element_type3A_357 = arith.extui %and3A_356 : vector<100x128xi1> to vector<100x128xi32>
    %convert_element_type3A_358 = arith.sitofp %convert_element_type3A_357 : vector<100x128xi32> to vector<100x128xf32>
    %convert_element_type3A_359 = arith.truncf %convert_element_type3A_358 : vector<100x128xf32> to vector<100x128xbf16>
    %swap3A_360 = arith.constant 0 : index
    %swap3A_361 = arith.constant 256 : index
    %swap3A_362 = vector.load %arg12[%swap3A_360, %swap3A_361] : memref<100x640xbf16, #tpu.memory_space<vmem>>, vector<100x128xbf16>
    tpu.vector_store %arg12[%swap3A_360, %swap3A_361], %convert_element_type3A_359 {strides = array<i32>} : memref<100x640xbf16, #tpu.memory_space<vmem>>, vector<100x128xbf16>,
    %get3A_363 = arith.constant 0 : index
    %get3A_364 = arith.constant 3 : index
    %get3A_365 = arith.constant 0 : index
    %get3A_366 = vector.load %arg10[%get3A_363, %get3A_364, %get3A_365] : memref<1x5x128xi32, #tpu.memory_space<vmem>>, vector<1x1x128xi32>
    %get3A_367 = vector.shape_cast %get3A_366 : vector<1x1x128xi32> to vector<1x128xi32>
    %eq3A_368 = vector.broadcast %iota3A : vector<100x1xi32> to vector<100x128xi32>
    %eq3A_369 = vector.broadcast %get3A_367 : vector<1x128xi32> to vector<100x128xi32>
    %eq3A_370 = arith.cmpi eq, %eq3A_368, %eq3A_369 : vector<100x128xi32>
    %and3A_371 = vector.broadcast %ne3A_314 : i1 to vector<100x128xi1>
    %and3A_372 = arith.andi %eq3A_370, %and3A_371 : vector<100x128xi1>
    %convert_element_type3A_373 = arith.extui %and3A_372 : vector<100x128xi1> to vector<100x128xi32>
    %convert_element_type3A_374 = arith.sitofp %convert_element_type3A_373 : vector<100x128xi32> to vector<100x128xf32>
    %convert_element_type3A_375 = arith.truncf %convert_element_type3A_374 : vector<100x128xf32> to vector<100x128xbf16>
    %swap3A_376 = arith.constant 0 : index
    %swap3A_377 = arith.constant 384 : index
    %swap3A_378 = vector.load %arg12[%swap3A_376, %swap3A_377] : memref<100x640xbf16, #tpu.memory_space<vmem>>, vector<100x128xbf16>
    tpu.vector_store %arg12[%swap3A_376, %swap3A_377], %convert_element_type3A_375 {strides = array<i32>} : memref<100x640xbf16, #tpu.memory_space<vmem>>, vector<100x128xbf16>,
    %get3A_379 = arith.constant 0 : index
    %get3A_380 = arith.constant 4 : index
    %get3A_381 = arith.constant 0 : index
    %get3A_382 = vector.load %arg10[%get3A_379, %get3A_380, %get3A_381] : memref<1x5x128xi32, #tpu.memory_space<vmem>>, vector<1x1x128xi32>
    %get3A_383 = vector.shape_cast %get3A_382 : vector<1x1x128xi32> to vector<1x128xi32>
    %eq3A_384 = vector.broadcast %iota3A : vector<100x1xi32> to vector<100x128xi32>
    %eq3A_385 = vector.broadcast %get3A_383 : vector<1x128xi32> to vector<100x128xi32>
    %eq3A_386 = arith.cmpi eq, %eq3A_384, %eq3A_385 : vector<100x128xi32>
    %and3A_387 = vector.broadcast %ne3A_314 : i1 to vector<100x128xi1>
    %and3A_388 = arith.andi %eq3A_386, %and3A_387 : vector<100x128xi1>
    %convert_element_type3A_389 = arith.extui %and3A_388 : vector<100x128xi1> to vector<100x128xi32>
    %convert_element_type3A_390 = arith.sitofp %convert_element_type3A_389 : vector<100x128xi32> to vector<100x128xf32>
    %convert_element_type3A_391 = arith.truncf %convert_element_type3A_390 : vector<100x128xf32> to vector<100x128xbf16>
    %swap3A_392 = arith.constant 0 : index
    %swap3A_393 = arith.constant 512 : index
    %swap3A_394 = vector.load %arg12[%swap3A_392, %swap3A_393] : memref<100x640xbf16, #tpu.memory_space<vmem>>, vector<100x128xbf16>
    tpu.vector_store %arg12[%swap3A_392, %swap3A_393], %convert_element_type3A_391 {strides = array<i32>} : memref<100x640xbf16, #tpu.memory_space<vmem>>, vector<100x128xbf16>,
    %get3A_395 = arith.constant 0 : index
    %get3A_396 = arith.constant 0 : index
    %get3A_397 = vector.load %arg6[%get3A_395, %get3A_396] : memref<16x640xf32, #tpu.memory_space<vmem>>, vector<16x640xf32>
    %convert_element_type3A_398 = arith.truncf %get3A_397 : vector<16x640xf32> to vector<16x640xbf16>
    %convert_element_type3A_399 = arith.extf %convert_element_type3A_398 : vector<16x640xbf16> to vector<16x640xf32>
    %sub3A_400 = arith.subf %get3A_397, %convert_element_type3A_399 : vector<16x640xf32>
    %convert_element_type3A_401 = arith.truncf %sub3A_400 : vector<16x640xf32> to vector<16x640xbf16>
    %get3A_402 = arith.constant 0 : index
    %get3A_403 = arith.constant 0 : index
    %get3A_404 = vector.load %arg12[%get3A_402, %get3A_403] : memref<100x640xbf16, #tpu.memory_space<vmem>>, vector<100x640xbf16>
    %dot_general3A_405 = arith.constant dense<0.000000e+00> : vector<16x100xf32>
    %dot_general3A_406 = tpu.matmul %convert_element_type3A_398, %get3A_404, %dot_general3A_405 {dimension_numbers = #tpu.dot_dimension_numbers<[1], [1], [0], [0], [0, 0, 1, 0], [], []>, transpose_lhs_hint = false} : vector<16x640xbf16>, vector<100x640xbf16>, vector<16x100xf32> -> vector<16x100xf32>
    %add3A_407 = arith.addf %add3A_306, %dot_general3A_406 : vector<16x100xf32>
    %dot_general3A_408 = arith.constant dense<0.000000e+00> : vector<16x100xf32>
    %dot_general3A_409 = tpu.matmul %convert_element_type3A_401, %get3A_404, %dot_general3A_408 {dimension_numbers = #tpu.dot_dimension_numbers<[1], [1], [0], [0], [0, 0, 1, 0], [], []>, transpose_lhs_hint = false} : vector<16x640xbf16>, vector<100x640xbf16>, vector<16x100xf32> -> vector<16x100xf32>
    %add3A_410 = arith.addf %add3A_407, %dot_general3A_409 : vector<16x100xf32>
    %get3A_411 = arith.constant 0 : index
    %get3A_412 = arith.constant 0 : index
    %get3A_413 = vector.load %arg11[%get3A_411, %get3A_412] : memref<16x100xf32, #tpu.memory_space<vmem>>, vector<16x100xf32>
    %add3A_414 = arith.addf %get3A_413, %add3A_410 : vector<16x100xf32>
    %swap3A_415 = arith.constant 0 : index
    %swap3A_416 = arith.constant 0 : index
    %swap3A_417 = vector.load %arg11[%swap3A_415, %swap3A_416] : memref<16x100xf32, #tpu.memory_space<vmem>>, vector<16x100xf32>
    tpu.vector_store %arg11[%swap3A_415, %swap3A_416], %add3A_414 {strides = array<i32>} : memref<16x100xf32, #tpu.memory_space<vmem>>, vector<16x100xf32>,
    return
  }
  func.func @transform_0(%arg0: i32, %arg1: memref<100xi32, #tpu.memory_space<smem>>, %arg2: memref<100xi32, #tpu.memory_space<smem>>) -> (i32, i32) {
    %mul3A = arith.constant 4 : i32
    %mul3A_0 = arith.muli %mul3A, %arg0 : i32
    %add3A = arith.constant 0 : i32
    %add3A_1 = arith.addi %mul3A_0, %add3A : i32
    %get3A = arith.index_cast %add3A_1 : i32 to index
    %get3A_2 = memref.load %arg1[%get3A] : memref<100xi32, #tpu.memory_space<smem>>
    %c0_i32 = arith.constant 0 : i32
    %c0_i32_3 = arith.constant 0 : i32
    return %c0_i32, %get3A_2 : i32, i32
  }
  func.func @transform_1(%arg0: i32, %arg1: memref<100xi32, #tpu.memory_space<smem>>, %arg2: memref<100xi32, #tpu.memory_space<smem>>) -> (i32, i32) {
    %mul3A = arith.constant 4 : i32
    %mul3A_0 = arith.muli %mul3A, %arg0 : i32
    %add3A = arith.constant 1 : i32
    %add3A_1 = arith.addi %mul3A_0, %add3A : i32
    %get3A = arith.index_cast %add3A_1 : i32 to index
    %get3A_2 = memref.load %arg1[%get3A] : memref<100xi32, #tpu.memory_space<smem>>
    %c0_i32 = arith.constant 0 : i32
    %c0_i32_3 = arith.constant 0 : i32
    return %c0_i32, %get3A_2 : i32, i32
  }
  func.func @transform_2(%arg0: i32, %arg1: memref<100xi32, #tpu.memory_space<smem>>, %arg2: memref<100xi32, #tpu.memory_space<smem>>) -> (i32, i32) {
    %mul3A = arith.constant 4 : i32
    %mul3A_0 = arith.muli %mul3A, %arg0 : i32
    %add3A = arith.constant 2 : i32
    %add3A_1 = arith.addi %mul3A_0, %add3A : i32
    %get3A = arith.index_cast %add3A_1 : i32 to index
    %get3A_2 = memref.load %arg1[%get3A] : memref<100xi32, #tpu.memory_space<smem>>
    %c0_i32 = arith.constant 0 : i32
    %c0_i32_3 = arith.constant 0 : i32
    return %c0_i32, %get3A_2 : i32, i32
  }
  func.func @transform_3(%arg0: i32, %arg1: memref<100xi32, #tpu.memory_space<smem>>, %arg2: memref<100xi32, #tpu.memory_space<smem>>) -> (i32, i32) {
    %mul3A = arith.constant 4 : i32
    %mul3A_0 = arith.muli %mul3A, %arg0 : i32
    %add3A = arith.constant 3 : i32
    %add3A_1 = arith.addi %mul3A_0, %add3A : i32
    %get3A = arith.index_cast %add3A_1 : i32 to index
    %get3A_2 = memref.load %arg1[%get3A] : memref<100xi32, #tpu.memory_space<smem>>
    %c0_i32 = arith.constant 0 : i32
    %c0_i32_3 = arith.constant 0 : i32
    return %c0_i32, %get3A_2 : i32, i32
  }
  func.func @transform_4(%arg0: i32, %arg1: memref<100xi32, #tpu.memory_space<smem>>, %arg2: memref<100xi32, #tpu.memory_space<smem>>) -> (i32, i32, i32) {
    %mul3A = arith.constant 4 : i32
    %mul3A_0 = arith.muli %mul3A, %arg0 : i32
    %add3A = arith.constant 0 : i32
    %add3A_1 = arith.addi %mul3A_0, %add3A : i32
    %get3A = arith.index_cast %add3A_1 : i32 to index
    %get3A_2 = memref.load %arg1[%get3A] : memref<100xi32, #tpu.memory_space<smem>>
    %c0_i32 = arith.constant 0 : i32
    %c0_i32_3 = arith.constant 0 : i32
    %c0_i32_4 = arith.constant 0 : i32
    return %get3A_2, %c0_i32, %c0_i32_3 : i32, i32, i32
  }
  func.func @transform_5(%arg0: i32, %arg1: memref<100xi32, #tpu.memory_space<smem>>, %arg2: memref<100xi32, #tpu.memory_space<smem>>) -> (i32, i32, i32) {
    %mul3A = arith.constant 4 : i32
    %mul3A_0 = arith.muli %mul3A, %arg0 : i32
    %add3A = arith.constant 1 : i32
    %add3A_1 = arith.addi %mul3A_0, %add3A : i32
    %get3A = arith.index_cast %add3A_1 : i32 to index
    %get3A_2 = memref.load %arg1[%get3A] : memref<100xi32, #tpu.memory_space<smem>>
    %c0_i32 = arith.constant 0 : i32
    %c0_i32_3 = arith.constant 0 : i32
    %c0_i32_4 = arith.constant 0 : i32
    return %get3A_2, %c0_i32, %c0_i32_3 : i32, i32, i32
  }
  func.func @transform_6(%arg0: i32, %arg1: memref<100xi32, #tpu.memory_space<smem>>, %arg2: memref<100xi32, #tpu.memory_space<smem>>) -> (i32, i32, i32) {
    %mul3A = arith.constant 4 : i32
    %mul3A_0 = arith.muli %mul3A, %arg0 : i32
    %add3A = arith.constant 2 : i32
    %add3A_1 = arith.addi %mul3A_0, %add3A : i32
    %get3A = arith.index_cast %add3A_1 : i32 to index
    %get3A_2 = memref.load %arg1[%get3A] : memref<100xi32, #tpu.memory_space<smem>>
    %c0_i32 = arith.constant 0 : i32
    %c0_i32_3 = arith.constant 0 : i32
    %c0_i32_4 = arith.constant 0 : i32
    return %get3A_2, %c0_i32, %c0_i32_3 : i32, i32, i32
  }
  func.func @transform_7(%arg0: i32, %arg1: memref<100xi32, #tpu.memory_space<smem>>, %arg2: memref<100xi32, #tpu.memory_space<smem>>) -> (i32, i32, i32) {
    %mul3A = arith.constant 4 : i32
    %mul3A_0 = arith.muli %mul3A, %arg0 : i32
    %add3A = arith.constant 3 : i32
    %add3A_1 = arith.addi %mul3A_0, %add3A : i32
    %get3A = arith.index_cast %add3A_1 : i32 to index
    %get3A_2 = memref.load %arg1[%get3A] : memref<100xi32, #tpu.memory_space<smem>>
    %c0_i32 = arith.constant 0 : i32
    %c0_i32_3 = arith.constant 0 : i32
    %c0_i32_4 = arith.constant 0 : i32
    return %get3A_2, %c0_i32, %c0_i32_3 : i32, i32, i32
  }
  func.func @transform_8(%arg0: i32, %arg1: memref<100xi32, #tpu.memory_space<smem>>, %arg2: memref<100xi32, #tpu.memory_space<smem>>) -> (i32, i32) {
    %c0_i32 = arith.constant 0 : i32
    %c0_i32_0 = arith.constant 0 : i32
    %c0_i32_1 = arith.constant 0 : i32
    return %c0_i32, %c0_i32_0 : i32, i32
  }
}

module attributes {stable_mosaic.version = 14 : i64} {
  func.func @body(%arg0: memref<100x128xf32, #tpu.memory_space<vmem>>, %arg1: memref<2x100x128xf32, #tpu.memory_space<vmem>>, %arg2: memref<2x100x16xf32, #tpu.memory_space<vmem>>, %arg3: memref<16x100xf32, #tpu.memory_space<vmem>>, %arg4: memref<16x100xf32, #tpu.memory_space<vmem>>, %arg5: memref<272x128xf32, #tpu.memory_space<vmem>>, %arg6: memref<1x128xf32, #tpu.memory_space<vmem>>, %arg7: memref<100x128xf32, #tpu.memory_space<vmem>>) attributes {dimension_semantics = [], scalar_prefetch = 0 : i64, scratch_operands = 0 : i64, tpu.core_type = #tpu.core_type<tc>} {
    %get3A = arith.constant 0 : index
    %get3A_0 = arith.constant 0 : index
    %get3A_1 = arith.constant 0 : index
    %get3A_2 = vector.load %arg1[%get3A, %get3A_0, %get3A_1] : memref<2x100x128xf32, #tpu.memory_space<vmem>>, vector<1x100x128xf32>
    %get3A_3 = vector.shape_cast %get3A_2 : vector<1x100x128xf32> to vector<100x128xf32>
    %get3A_4 = arith.constant 1 : index
    %get3A_5 = arith.constant 0 : index
    %get3A_6 = arith.constant 0 : index
    %get3A_7 = vector.load %arg1[%get3A_4, %get3A_5, %get3A_6] : memref<2x100x128xf32, #tpu.memory_space<vmem>>, vector<1x100x128xf32>
    %get3A_8 = vector.shape_cast %get3A_7 : vector<1x100x128xf32> to vector<100x128xf32>
    %add3A = arith.addf %get3A_3, %get3A_8 : vector<100x128xf32>
    %get3A_9 = arith.constant 0 : index
    %get3A_10 = arith.constant 0 : index
    %get3A_11 = arith.constant 0 : index
    %get3A_12 = vector.load %arg2[%get3A_9, %get3A_10, %get3A_11] : memref<2x100x16xf32, #tpu.memory_space<vmem>>, vector<1x100x16xf32>
    %get3A_13 = vector.shape_cast %get3A_12 : vector<1x100x16xf32> to vector<100x16xf32>
    %get3A_14 = arith.constant 1 : index
    %get3A_15 = arith.constant 0 : index
    %get3A_16 = arith.constant 0 : index
    %get3A_17 = vector.load %arg2[%get3A_14, %get3A_15, %get3A_16] : memref<2x100x16xf32, #tpu.memory_space<vmem>>, vector<1x100x16xf32>
    %get3A_18 = vector.shape_cast %get3A_17 : vector<1x100x16xf32> to vector<100x16xf32>
    %add3A_19 = arith.addf %get3A_13, %get3A_18 : vector<100x16xf32>
    %reduce_max3A = arith.constant dense<0xFF800000> : vector<100xf32>
    %reduce_max3A_20 = vector.multi_reduction <maximumf>, %add3A_19, %reduce_max3A [1] : vector<100x16xf32> to vector<100xf32>
    %broadcast_in_dim3A = vector.shape_cast %reduce_max3A_20 : vector<100xf32> to vector<100x1xf32>
    %max3A = arith.constant 1.000000e+00 : f32
    %max3A_21 = vector.broadcast %max3A : f32 to vector<100x1xf32>
    %max3A_22 = arith.maximumf %broadcast_in_dim3A, %max3A_21 : vector<100x1xf32>
    %div3A = vector.broadcast %max3A_22 : vector<100x1xf32> to vector<100x128xf32>
    %div3A_23 = arith.divf %add3A, %div3A : vector<100x128xf32>
    %get3A_24 = arith.constant 0 : index
    %get3A_25 = arith.constant 0 : index
    %get3A_26 = vector.load %arg3[%get3A_24, %get3A_25] : memref<16x100xf32, #tpu.memory_space<vmem>>, vector<16x100xf32>
    %get3A_27 = arith.constant 0 : index
    %get3A_28 = arith.constant 0 : index
    %get3A_29 = vector.load %arg4[%get3A_27, %get3A_28] : memref<16x100xf32, #tpu.memory_space<vmem>>, vector<16x100xf32>
    %add3A_30 = arith.addf %get3A_26, %get3A_29 : vector<16x100xf32>
    %get3A_31 = arith.constant 0 : index
    %get3A_32 = arith.constant 0 : index
    %get3A_33 = vector.load %arg0[%get3A_31, %get3A_32] : memref<100x128xf32, #tpu.memory_space<vmem>>, vector<100x128xf32>
    %get3A_34 = arith.constant 0 : index
    %get3A_35 = arith.constant 0 : index
    %get3A_36 = vector.load %arg5[%get3A_34, %get3A_35] : memref<272x128xf32, #tpu.memory_space<vmem>>, vector<128x128xf32>
    %dot_general3A = arith.constant dense<0.000000e+00> : vector<100x128xf32>
    %dot_general3A_37 = tpu.matmul %get3A_33, %get3A_36, %dot_general3A {dimension_numbers = #tpu.dot_dimension_numbers<[1], [0], [0], [1], [0, 0, 1, 1], [], []>, transpose_lhs_hint = false} : vector<100x128xf32>, vector<128x128xf32>, vector<100x128xf32> -> vector<100x128xf32>
    %get3A_38 = arith.constant 128 : index
    %get3A_39 = arith.constant 0 : index
    %get3A_40 = vector.load %arg5[%get3A_38, %get3A_39] : memref<272x128xf32, #tpu.memory_space<vmem>>, vector<128x128xf32>
    %dot_general3A_41 = arith.constant dense<0.000000e+00> : vector<100x128xf32>
    %dot_general3A_42 = tpu.matmul %div3A_23, %get3A_40, %dot_general3A_41 {dimension_numbers = #tpu.dot_dimension_numbers<[1], [0], [0], [1], [0, 0, 1, 1], [], []>, transpose_lhs_hint = false} : vector<100x128xf32>, vector<128x128xf32>, vector<100x128xf32> -> vector<100x128xf32>
    %add3A_43 = arith.addf %dot_general3A_37, %dot_general3A_42 : vector<100x128xf32>
    %get3A_44 = arith.constant 256 : index
    %get3A_45 = arith.constant 0 : index
    %get3A_46 = vector.load %arg5[%get3A_44, %get3A_45] : memref<272x128xf32, #tpu.memory_space<vmem>>, vector<16x128xf32>
    %dot_general3A_47 = arith.constant dense<0.000000e+00> : vector<100x128xf32>
    %dot_general3A_48 = tpu.matmul %add3A_30, %get3A_46, %dot_general3A_47 {dimension_numbers = #tpu.dot_dimension_numbers<[0], [0], [1], [1], [0, 1, 1, 1], [], []>, transpose_lhs_hint = false} : vector<16x100xf32>, vector<16x128xf32>, vector<100x128xf32> -> vector<100x128xf32>
    %add3A_49 = arith.addf %add3A_43, %dot_general3A_48 : vector<100x128xf32>
    %get3A_50 = arith.constant 0 : index
    %get3A_51 = arith.constant 0 : index
    %get3A_52 = vector.load %arg6[%get3A_50, %get3A_51] : memref<1x128xf32, #tpu.memory_space<vmem>>, vector<1x128xf32>
    %add3A_53 = vector.broadcast %get3A_52 : vector<1x128xf32> to vector<100x128xf32>
    %add3A_54 = arith.addf %add3A_49, %add3A_53 : vector<100x128xf32>
    %swap3A = arith.constant 0 : index
    %swap3A_55 = arith.constant 0 : index
    %swap3A_56 = vector.load %arg7[%swap3A, %swap3A_55] : memref<100x128xf32, #tpu.memory_space<vmem>>, vector<100x128xf32>
    tpu.vector_store %arg7[%swap3A, %swap3A_55], %add3A_54 {strides = array<i32>} : memref<100x128xf32, #tpu.memory_space<vmem>>, vector<100x128xf32>,
    return
  }
}

</mosaic_0001>

<sc_bundles>
// kernel: kernel.6.cloned.1.call-start
scs
__scs_entry_jumppad:
0x0: {  	(pc) =	sbr.rel $0x88, $3  }
0x1: {  	(tag) =	ssettag $0x0;
	lr =	simm.s32 $0x1  }
0x2: {  	[smem:$0x3F9A] =	sst lr;
	_ =	strace $0xD0000000  }
0x3: {  	_ = 	snop  }
0x4: {  	_ = 	snop  }
0x5: {  	_ = 	snop  }
0x6: {  	_ = 	snop  }
0x7: {  	_ = 	snop  }
__scs_overlays_trampoline_lowered:
0x8: {  	[smem:$0x3FA9] =	sst s0  }
0x9: {  	[smem:$0x3FAA] =	sst s1  }
0xa: {  	[smem:$0x3FAB] =	sst s2  }
0xb: {  	[smem:$0x3FAC] =	sst s3  }
0xc: {  	[smem:$0x3FAD] =	sst s4  }
0xd: {  	[smem:$0x3FAE] =	sst s5  }
0xe: {  	[smem:$0x3FAF] =	sst s6  }
0xf: {  	[smem:$0x3FB0] =	sst s7  }
0x10: {  	[smem:$0x3FB1] =	sst s8  }
0x11: {  	[smem:$0x3FB2] =	sst s9;
	s0 =	simm.s32 @!p0 $0x0  }
0x12: {  	s1 =	sld [smem:$0x3F98];
	s0 =	simm.s32 @p0 $0x1  }
0x13: {  	[smem:$0x3FB3] =	sst s0;
	s0 =	simm.s32 @!p1 $0x0  }
0x14: {  	s2 =	sld [smem:$0x3F97];
	s0 =	simm.s32 @p1 $0x1  }
0x15: {  	[smem:$0x3FB4] =	sst s0;
	s0 =	simm.s32 @!p2 $0x0  }
0x16: {  	s3 =	sld [smem:$0x3FDB];
	s0 =	simm.s32 @p2 $0x1  }
0x17: {  	s4 =	simm.s32 $0x1BF5;
	[smem:$0x3FB6] =	sst s0  }
0x18: {  	s0 =	sld [smem:$0x3F99];
	_ =	swait.ge [sflag:s4], $0x0  }
0x19: {  	s7 =	sld [smem:$0x3F9A]  }
0x1a: {  	s8 =	sadd.s32 $0xFFFFE003, lr  }
0x1b: {  	s9 =	sadd.s32 $0xFFFFFEF7, lr;
	s5 =	simm.s32 $0xFFFFFFFF;
	p2 =	slt.u32 s8, $0xFFFFF086  }
0x1c: {  	p1 =	slt.u32 s9, $0xF7A;
	s5 =	simm.s32 @!p2 $0x0  }
0x1d: {  	s5 =	simm.s32 @p1 $0x1;
	p0 =	seq.s32 s7, s2  }
0x1e: {  	s7 =	smul.u32 @!p0 $0xF7A, s2;
	p2 =	seq.s32 @!p0 s5, $0x0  }
0x1f: {  	s9 =	smul.u32 $0xF7A, s1;
	s8 =	simm.s32 @!p0 $0x1BF5;
	p2 =	por !p2, p0  }
0x20: {  	[sflag:s8] =	ssyncset.s32 @!p0 $0xFFFFF086;
	s6 =	sadd.s32 @!p0 s3, s7;
	s7 =	simm.s32 @!p0 $0x108  }
0x21: {  	s3 =	sadd.s32 s3, s9;
	s6 =	sadd.s32 @!p0 $0x88, s6;
	s7 =	simm.s32 @p2 $0x1082  }
0x22: {  	[simem:s7], [sflag:s8] =	dma.local @!p0 [hbm:s6], $0xF7A  }
0x23: {  	s9 =	sor.u32 $0xD0000000, s2;
	s6 =	simm.s32 $0x108;
	_ =	swait.ge @!p0 [sflag:s8], $0x0  }
0x24: {  	s3 =	sadd.s32 $0x88, s3;
	s6 =	simm.s32 @!p1 $0x1082;
	[sflag:s4] =	ssyncset.s32 $0xFFFFF086  }
0x25: {  	[simem:s6], [sflag:s4] =	dma.local [hbm:s3], $0xF7A  }
0x26: {  	[smem:$0x3F9A] =	sst s1;
	(tag) =	ssettag s2;
	_ =	strace s9  }
0x27: {  	s1 =	sld [smem:$0x3FAA]  }
0x28: {  	s2 =	sld [smem:$0x3FAB]  }
0x29: {  	s4 =	sld [smem:$0x3FAD]  }
0x2a: {  	p0 =	seq.s32 s5, $0x0;
	s5 =	sld [smem:$0x3FAE]  }
0x2b: {  	s6 =	sld [smem:$0x3FAF]  }
0x2c: {  	s7 =	sld [smem:$0x3FB0]  }
0x2d: {  	s3 =	simm.s32 $0x108;
	s8 =	sld [smem:$0x3FB1]  }
0x2e: {  	s3 =	simm.s32 @!p0 $0x1082;
	s9 =	sld [smem:$0x3FB2]  }
0x2f: {  	lr =	sadd.s32 s0, s3;
	s0 =	sld [smem:$0x3FA9]  }
0x30: {  	s3 =	sld [smem:$0x3FAC]  }
0x31: {  	[smem:$0x3FB5] =	sst s10  }
0x32: {  	s10 =	sld [smem:$0x3FB3];
	_ =	sdelay $0x3  }
0x33: {  	p0 =	seq.s32 s10, $0x1;
	s10 =	sld [smem:$0x3FB5];
	_ =	sdelay $0x3  }
0x34: {  	[smem:$0x3FB5] =	sst s10  }
0x35: {  	s10 =	sld [smem:$0x3FB4];
	_ =	sdelay $0x3  }
0x36: {  	p1 =	seq.s32 s10, $0x1;
	s10 =	sld [smem:$0x3FB5];
	_ =	sdelay $0x3  }
0x37: {  	[smem:$0x3FB5] =	sst s10  }
0x38: {  	s10 =	sld [smem:$0x3FB6]  }
0x39: {  	_ = 	snop;
	(pc) =	sbr.ind lr, $3  }
0x3a: {  	_ = 	snop  }
0x3b: {  	_ = 	snop  }
0x3c: {  	p2 =	seq.s32 s10, $0x1;
	s10 =	sld [smem:$0x3FB5]  }
0x3d: {  	_ =	shalt  }
0x3e: {  	_ =	shalt  }
0x3f: {  	_ =	shalt  }
0x40: {  	_ =	shalt  }
0x41: {  	_ =	shalt  }
0x42: {  	_ =	shalt  }
0x43: {  	_ =	shalt  }
0x44: {  	_ =	shalt  }
0x45: {  	_ =	shalt  }
0x46: {  	_ =	shalt  }
0x47: {  	_ =	shalt  }
0x48: {  	_ =	shalt  }
0x49: {  	_ =	shalt  }
0x4a: {  	_ =	shalt  }
0x4b: {  	_ =	shalt  }
0x4c: {  	_ =	shalt  }
0x4d: {  	_ =	shalt  }
0x4e: {  	_ =	shalt  }
0x4f: {  	_ =	shalt  }
0x50: {  	_ =	shalt  }
0x51: {  	_ =	shalt  }
0x52: {  	_ =	shalt  }
0x53: {  	_ =	shalt  }
0x54: {  	_ =	shalt  }
0x55: {  	_ =	shalt  }
0x56: {  	_ =	shalt  }
0x57: {  	_ =	shalt  }
0x58: {  	_ =	shalt  }
0x59: {  	_ =	shalt  }
0x5a: {  	_ =	shalt  }
0x5b: {  	_ =	shalt  }
0x5c: {  	_ =	shalt  }
0x5d: {  	_ =	shalt  }
0x5e: {  	_ =	shalt  }
0x5f: {  	_ =	shalt  }
0x60: {  	_ =	shalt  }
0x61: {  	_ =	shalt  }
0x62: {  	_ =	shalt  }
0x63: {  	_ =	shalt  }
0x64: {  	_ =	shalt  }
0x65: {  	_ =	shalt  }
0x66: {  	_ =	shalt  }
0x67: {  	_ =	shalt  }
0x68: {  	_ =	shalt  }
0x69: {  	_ =	shalt  }
0x6a: {  	_ =	shalt  }
0x6b: {  	_ =	shalt  }
0x6c: {  	_ =	shalt  }
0x6d: {  	_ =	shalt  }
0x6e: {  	_ =	shalt  }
0x6f: {  	_ =	shalt  }
0x70: {  	_ =	shalt  }
0x71: {  	_ =	shalt  }
0x72: {  	_ =	shalt  }
0x73: {  	_ =	shalt  }
0x74: {  	_ =	shalt  }
0x75: {  	_ =	shalt  }
0x76: {  	_ =	shalt  }
0x77: {  	_ =	shalt  }
0x78: {  	_ =	shalt  }
0x79: {  	_ =	shalt  }
0x7a: {  	_ =	shalt  }
0x7b: {  	_ =	shalt  }
0x7c: {  	_ =	shalt  }
0x7d: {  	_ =	shalt  }
0x7e: {  	_ =	shalt  }
0x7f: {  	_ =	shalt  }
0x80: {  	_ =	shalt  }
0x81: {  	_ =	shalt  }
0x82: {  	_ =	shalt  }
0x83: {  	_ =	shalt  }
0x84: {  	_ =	shalt  }
0x85: {  	_ =	shalt  }
0x86: {  	_ =	shalt  }
0x87: {  	_ =	shalt  }
.Lfunc_end0:
.L_simem_size_0:
called_computation_lowered:
.L_overlay_start_0:
0x88: {  	s2 =	sld [smem:$0x3FD9]  }
0x89: {  	s3 =	sld [smem:$0x3FFE];
	_ =	sdelay $0x1  }
0x8a: {  	s1 =	srdreg.scid  }
0x8b: {  	s0 =	sand.u32 $0x1, s1  }
0x8c: {  	s17 =	sshll.u32 s0, $0xA;
	s2 =	sadd.s32 s3, s2  }
0x8d: {  	s2 =	sadd.s32 s2, s17  }
0x8e: {  	[smem:$0x3FC1] =	sst s2  }
0x8f: {  	_ = 	snop  }
0x90: {  	s2 =	sld [smem:$0x3FC8]  }
0x91: {  	s18 =	sld [smem:$0x3FC6]  }
0x92: {  	s4 =	sld [smem:$0x3FD0];
	(tm) =	ssettm $0x1  }
0x93: {  	s5 =	sld [smem:$0x3FFB];
	_ =	sdelay $0x3  }
0x94: {  	_ =	strace s5  }
0x95: {  	s5 =	sld [smem:$0x3FFC];
	_ =	sdelay $0x3  }
0x96: {  	_ =	strace s5  }
0x97: {  	s5 =	sld [smem:$0x3FFD];
	_ =	sdelay $0x3  }
0x98: {  	_ =	strace s5  }
0x99: {  	_ =	strace $0x8FFFFFFF  }
0x9a: {  	s19 =	sld [smem:$0x3FDB];
	_ =	sdelay $0x1  }
0x9b: {  	s6 =	simm.s32 $_scs_section_size  }
0x9c: {  	s7 =	simm.s32 $_size__tile_overlayer_lowered;
	s8 =	simm.s32 $_tile_overlayer_lowered  }
0x9d: {  	s22 =	simm.s32 $0x1BFF;
	s21 =	sshll.u32 s8, $0x1;
	s5 =	sadd.s32 s6, s19  }
0x9e: {  	s9 =	simm.s32 $0x0;
	s20 =	sshll.u32 s7, $0x1;
	s7 =	sadd.s32 s21, s5  }
0x9f: {  	[timem:s9], [sflag:s22] =	dma.local [hbm:s7], s20  }
0xa0: {  	_ =	swait.ge [sflag:s22], s20  }
0xa1: {  	s6 =	ssub.s32 $0x0, s20;
	[sflag:s22] =	ssyncset.done $0x0  }
0xa2: {  	[sflag:s22] =	ssyncadd.s32 s6;
	_ =	sdelay $0x1  }
0xa3: {  	s23 =	simm.s32 $0x1B8B  }
0xa4: {  	_ =	swait.ge [sflag:s23], $0x1  }
0xa5: {  	[sflag:s23] =	ssyncset.done $0x0  }
0xa6: {  	s25 =	simm.s32 $0x1B8E;
	s24 =	sld [smem:$0x3FFE];
	[sflag:s23] =	ssyncadd.s32 $0xFFFFFFFF  }
0xa7: {  	s26 =	simm.s32 $execute0_lowered;
	[smem:$0x3FD2] =	sst s25  }
0xa8: {  	s7 =	sshll.u32 s26, $0x1;
	_ =	strace $0x80000046;
	[dreg:$0x1] =	wrdreg $0xFFFFFFFF  }
0xa9: {  	s28 =	simm.s32 $_size_execute0_lowered;
	s5 =	sadd.s32 s5, s7;
	[dreg:$0x0] =	wrdreg $0x0  }
0xaa: {  	s7 =	sshll.u32 s28, $0x1;
	[dreg:$0x2] =	wrdreg s5  }
0xab: {  	[dreg:$0x3] =	wrdreg s7  }
0xac: {  	[dreg:$0x4] =	wrdreg $0xC0  }
0xad: {  	_ =	task [dreg:s9], $0x5FFFF  }
0xae: {  	[dreg:$0x1] =	wrdreg $0xFFFFFFFF  }
0xaf: {  	[dreg:$0x0] =	wrdreg $0x60  }
0xb0: {  	[dreg:$0x2] =	wrdreg s2  }
0xb1: {  	[dreg:$0x3] =	wrdreg s18  }
0xb2: {  	[dreg:$0x4] =	wrdreg s24  }
0xb3: {  	[dreg:$0x5] =	wrdreg s4  }
0xb4: {  	[dreg:$0x6] =	wrdreg $0xD6600  }
0xb5: {  	[dreg:$0x7] =	wrdreg $0xD9800  }
0xb6: {  	[dreg:$0x8] =	wrdreg $0x9  }
0xb7: {  	_ =	task.clear_ibuf [dreg:s9], $0x9FFFF;
	_ =	strace $0x90000046  }
0xb8: {  	s29 =	simm.s32 $0x9;
	_ =	strace $0x80000048  }
0xb9: {  	_ =	swait.ge [sflag:s29], $0x1  }
0xba: {  	[sflag:s29] =	ssyncadd.s32 $0xFFFFFFFF  }
0xbb: {  	_ =	strace $0x90000048  }
0xbc: {  	_ =	sfence  }
0xbd: {  	s30 =	sld [smem:$0x0];
	_ =	sdelay $0x2  }
0xbe: {  	s31 =	sshll.u32 s1, $0xD;
	s1 =	sshrl.u32 s1, $0x2  }
0xbf: {  	s3 =	sand.u32 $0x4000, s31;
	s1 =	sadd.s32 s1, s30  }
0xc0: {  	s0 =	sor.u32 s3, s0;
	s1 =	sshll.u32 s1, $0x11  }
0xc1: {  	s0 =	sor.u32 s1, s0  }
0xc2: {  	s0 =	sadd.s32 $0x8F2B, s0  }
0xc3: {  	[sflag:s0] =	ssyncadd.remote.s32 $0x1  }
0xc4: {  	_ =	sfence.sel $0xFFFF  }
0xc5: {  	[dreg:$0x0] =	wrdreg $0xFFFFFFFF;
	(pc) =	sbr.abs _section_cstart, $3  }
0xc6: {  	[dreg:$0x1] =	wrdreg $0xFFFFFFFF  }
0xc7: {  	_ =	task.clear_ibuf [dreg:s9], $0x2FFFF;
	_ =	strace $0x9FFFFFFF  }
0xc8: {  	(tm) =	ssettm $0x7FFFFFFF  }
0xc9: {  	_ =	shalt  }
tec
execute0_lowered:
.L_overlay_start_1:
0x0: {  	(tag) =	ssettag $0x1  }
0x1: {  	s6 =	rddreg [dreg:$0x0]  }
0x2: {  	s7 =	rddreg [dreg:$0x1]  }
0x3: {  	s4 =	rddreg [dreg:$0x2]  }
0x4: {  	s5 =	rddreg [dreg:$0x3]  }
0x5: {  	s1 =	rddreg [dreg:$0x4]  }
0x6: {  	s0 =	srdreg.scid;
	s2 =	rddreg [dreg:$0x5];
	s3 =	simm.s32 $0x0  }
0x7: {  	s10 =	stileid.u32;
	s17 =	simm.s32 $0xC9E0;
	s18 =	simm.s32 $0x2800  }
0x8: {  	s19 =	simm.s32 $0xCA30;
	s20 =	simm.s32 $0x5000;
	s21 =	simm.s32 $0xCA80  }
0x9: {  	s22 =	simm.s32 $0x7800;
	s23 =	simm.s32 $0xCAD0;
	s13 =	smul.u32 $0x3200, s10  }
0xa: {  	s24 =	simm.s32 $0xA000;
	s9 =	sand.u32 $0x1, s0;
	s29 =	smul.u32 $0x64, s10  }
0xb: {  	s25 =	simm.s32 $0x0;
	s0 =	rddreg [dreg:$0x6];
	s8 =	smul.u32 $0x640, s9  }
0xc: {  	[smem:$0x7FF] =	sst s3;
	s30 =	sshll.u32 s10, $0x1;
	s11 =	smul.u32 $0xC8, s9  }
0xd: {  	p0 =	sne.s32 s10, $0x0;
	s10 =	simm.s32 $0x1;
	s15 =	smul.u32 $0x1900, s9  }
0xe: {  	s12 =	ssub.s32 $0x2, s9;
	_ =	strace $0x80000047;
	s16 =	smul.u32 $0x32, s9  }
0xf: {  	s9 =	sor.u32 s9, s30;
	s14 =	sshrl.u32 s12, $0x1;
	s31 =	sadd.s32 s13, s6  }
.Ltmp0:
0x10: {  	s13 =	simm.s32 $0xC800;
	s4 =	sadd.s32 s8, s4;
	(pc) =	sbr.rel .LBB2_1-.Ltmp0, $4  }
0x11: {  	s28 =	ssub.s32 s12, s14;
	s5 =	sadd.s32 s5, s11;
	s12 =	sadd.s32 s29, s7  }
0x12: {  	s7 =	sadd.s32 s15, s31;
	s11 =	simm.s32 $0xCB20;
	s14 =	simm.s32 $0x50  }
0x13: {  	s15 =	simm.s32 $0xC990;
	s4 =	sadd.s32 $0xC00, s4;
	s6 =	smax.u32 s28, $0x1  }
0x14: {  	v0 =	vimm.f32 $1.000000000e+00;
	v1 =	vimm.f32 $0.0e+00;
	s8 =	sadd.s32 s16, s12;
	s12 =	simm.s32 $0x2;
	s16 =	simm.s32 $0xD160  }
.LBB2_13:
0x15: {  	[bflag:$0x0] =	sbarrier.arrive $0xFFFF;
	s26 =	sshrl.u32 @!p0 s1, $0x3;
	s28 =	simm.s32 @!p0 $0x1C01  }
0x16: {  	[hbm:s4], [sflag:s28] =	dma.local @!p0 [spmem:s26], $0x640  }
0x17: {  	s26 =	simm.s32 @!p0 $0x1  }
0x18: {  	s25 =	sadd.s32 $0x1, s25;
	_ =	swait.ge @!p0 [sflag:s26], $0x640  }
0x19: {  	p1 =	sne.s32 s25, s6;
	[sflag:s26] =	ssyncset.done @!p0 $0x0  }
.Ltmp1:
0x1a: {  	s29 =	sshrl.u32 @!p0 s2, $0x3;
	[sflag:s26] =	ssyncadd.s32 @!p0 $0xFFFFF9C0;
	(pc) =	sbr.rel @!p1 .LBB2_14-.Ltmp1, $4  }
0x1b: {  	[hbm:s5], [sflag:s28] =	dma.local @!p0 [spmem:s29], $0xC8  }
0x1c: {  	_ =	swait.ge @!p0 [sflag:s26], $0xC8  }
0x1d: {  	[sflag:s26] =	ssyncset.done @!p0 $0x0  }
0x1e: {  	[sflag:s26] =	ssyncadd.s32 @!p0 $0xFFFFFF38  }
.LBB2_1:
0x1f: {  	s26 =	simm.s32 $0x40;
	s28 =	simm.s32 $0x0  }
.LBB2_2:
0x20: {  	p1 =	sne.s32 s26, $0x13C0;
	[tilespmem:s28+$0xD160] =	vst v0;
	s28 =	smov.u32 s26;
	s26 =	sadd.s32 $0x40, s26  }
.Ltmp2:
0x21: {  	(pc) =	sbr.rel @p1 .LBB2_2-.Ltmp2, $2  }
0x22: {  	_ =	sdelay $0x2  }
0x23: {  	s28 =	sshra.s32 s28, $0x2  }
.Ltmp3:
0x24: {  	(pc) =	sbr.rel @p0 .LBB2_9-.Ltmp3, $2  }
0x25: {  	_ =	sdelay $0x2  }
0x26: {  	[tilespmem:s28+$0xD160] =	vst v0;
	s28 =	simm.s32 $0x0  }
0x27: {  	s26 =	sshra.s32 s28, $0x2;
	s28 =	sadd.s32 $0x200, s28  }
.LBB2_5:
0x28: {  	p1 =	sne.s32 s28, $0xC600;
	[tilespmem:s26+$0x70] =	vst v1  }
0x29: {  	[tilespmem:s26+$0x0] =	vst v1  }
0x2a: {  	[tilespmem:s26+$0x10] =	vst v1  }
.Ltmp4:
0x2b: {  	[tilespmem:s26+$0x20] =	vst v1;
	(pc) =	sbr.rel @p1 .LBB2_5-.Ltmp4, $4  }
0x2c: {  	[tilespmem:s26+$0x30] =	vst v1  }
0x2d: {  	[tilespmem:s26+$0x40] =	vst v1  }
0x2e: {  	[tilespmem:s26+$0x50] =	vst v1  }
0x2f: {  	[tilespmem:s26+$0x60] =	vst v1;
	s26 =	sshra.s32 s28, $0x2;
	s28 =	sadd.s32 $0x200, s28  }
0x30: {  	[tilespmem:s26+$0x70] =	vst v1  }
0x31: {  	[tilespmem:s26+$0x0] =	vst v1  }
0x32: {  	[tilespmem:s26+$0x10] =	vst v1  }
0x33: {  	[tilespmem:s26+$0x20] =	vst v1  }
0x34: {  	[tilespmem:s26+$0x30] =	vst v1  }
0x35: {  	[tilespmem:s26+$0x40] =	vst v1  }
0x36: {  	[tilespmem:s26+$0x50] =	vst v1  }
0x37: {  	[tilespmem:s26+$0x60] =	vst v1;
	s26 =	simm.s32 $0x40;
	s28 =	simm.s32 $0x0  }
.LBB2_7:
0x38: {  	p1 =	sne.s32 s26, $0x18C0;
	[tilespmem:s28+$0xCB20] =	vst v1;
	s28 =	smov.u32 s26;
	s26 =	sadd.s32 $0x40, s26  }
.Ltmp5:
0x39: {  	(pc) =	sbr.rel @p1 .LBB2_7-.Ltmp5, $2  }
0x3a: {  	_ =	sdelay $0x2  }
0x3b: {  	s28 =	sshra.s32 s28, $0x2  }
0x3c: {  	[tilespmem:s28+$0xCB20] =	vst v1  }
0x3d: {  	[spmem:s1] =	stream.linear.scatter [tilespmem:s3], [sflag:$0x1], $0x3200, $0x38;
	[tilespmem:$0xD9E8] =	vst v63  }
0x3e: {  	_ =	swait.ge [sflag:s10], $0x3200  }
0x3f: {  	[sflag:s10] =	ssyncset.done $0x0  }
0x40: {  	[sflag:s10] =	ssyncadd.s32 $0xFFFFCE00  }
0x41: {  	[spmem:s2] =	stream.linear.scatter [tilespmem:s11], [sflag:$0x1], $0x640, $0x38;
	[tilespmem:$0xD9E8] =	vst v63  }
0x42: {  	_ =	swait.ge [sflag:s10], $0x640  }
0x43: {  	[sflag:s10] =	ssyncset.done $0x0  }
0x44: {  	[sflag:s10] =	ssyncadd.s32 $0xFFFFF9C0  }
.LBB2_9:
.Ltmp6:
0x45: {  	(pc) =	sbr.rel .LBB2_10-.Ltmp6, $3  }
0x46: {  	_ =	sdelay $0x1  }
0x47: {  	[bflag:$0x0] =	sbarrier.arrive $0xFFFF  }
0x48: {  	s26 =	simm.s32 $0x0;
	s28 =	smov.u32 s8;
	s29 =	smov.u32 s7  }
.LBB2_12:
0x49: {  	s26 =	sadd.s32 $0x20, s26  }
0x4a: {  	p1 =	sne.s32 s26, $0x80  }
.Ltmp7:
0x4b: {  	_ = 	snop;
	(pc) =	sbr.rel @!p1 .LBB2_13-.Ltmp7, $2  }
0x4c: {  	_ =	sdelay $0x2  }
0x4d: {  	s29 =	sadd.s32 $0x32000, s29;
	s28 =	sadd.s32 $0x640, s28  }
.LBB2_10:
0x4e: {  	s30 =	sadd.s32 s26, s9  }
0x4f: {  	p1 =	sgt.u32 s30, $0x7C  }
.Ltmp8:
0x50: {  	_ = 	snop;
	(pc) =	sbr.rel @p1 .LBB2_12-.Ltmp8, $1  }
0x51: {  	_ =	sdelay $0x3  }
0x52: {  	[tilespmem:s3], [sflag:$0x2] =	stream.linear.gather [hbm4b:s29+s3], $0xC800, $0x38;
	[tilespmem:$0xD9E8] =	vst v63  }
0x53: {  	_ =	swait.ge [sflag:s12], $0xC800  }
0x54: {  	[sflag:s12] =	ssyncset.done $0x0  }
0x55: {  	[sflag:s12] =	ssyncadd.s32 $0xFFFF3800  }
0x56: {  	[tilespmem:s13], [sflag:$0x2] =	stream.linear.gather [hbm4b:s28+s3], $0x190, $0x38;
	[tilespmem:$0xD9E8] =	vst v63  }
0x57: {  	_ =	swait.ge [sflag:s12], $0x190  }
0x58: {  	[sflag:s12] =	ssyncset.done $0x0  }
0x59: {  	[sflag:s12] =	ssyncadd.s32 $0xFFFFFE70  }
0x5a: {  	v2 =	vld [tilespmem:$0xC800]  }
0x5b: {  	v3 =	vld [tilespmem:$0xC810]  }
0x5c: {  	v4 =	vld [tilespmem:$0xC820]  }
0x5d: {  	v5 =	vld [tilespmem:$0xC830]  }
0x5e: {  	v6 =	vld [tilespmem:$0xC840]  }
0x5f: {  	v52 =	vld [tilespmem:$0xC870];
	[tilespmem:$0xC990] =	vst v2  }
0x60: {  	v53 =	vld [tilespmem:$0xC880];
	[tilespmem:$0xC9A0] =	vst v3  }
0x61: {  	v54 =	vld [tilespmem:$0xC890];
	[tilespmem:$0xC9B0] =	vst v4  }
0x62: {  	v2 =	vld [tilespmem:$0xC850];
	[tilespmem:$0xC9C0] =	vst v5  }
0x63: {  	v3 =	vld [tilespmem:$0xC860];
	[tilespmem:$0xC9D0] =	vst v6  }
0x64: {  	v55 =	vld [tilespmem:$0xC8C0];
	[tilespmem:$0xCA00] =	vst v52  }
0x65: {  	v56 =	vld [tilespmem:$0xC8D0];
	[tilespmem:$0xCA10] =	vst v53  }
0x66: {  	v57 =	vld [tilespmem:$0xC8E0];
	[tilespmem:$0xCA20] =	vst v54  }
0x67: {  	[tilespmem:$0xC9E0] =	vst v2;
	v2 =	vld [tilespmem:$0xC8A0]  }
0x68: {  	[tilespmem:$0xC9F0] =	vst v3;
	v3 =	vld [tilespmem:$0xC8B0]  }
0x69: {  	v58 =	vld [tilespmem:$0xC910];
	[tilespmem:$0xCA50] =	vst v55  }
0x6a: {  	v59 =	vld [tilespmem:$0xC920];
	[tilespmem:$0xCA60] =	vst v56  }
0x6b: {  	v60 =	vld [tilespmem:$0xC930];
	[tilespmem:$0xCA70] =	vst v57  }
0x6c: {  	[tilespmem:$0xCA30] =	vst v2;
	v2 =	vld [tilespmem:$0xC8F0]  }
0x6d: {  	[tilespmem:$0xCA40] =	vst v3;
	v3 =	vld [tilespmem:$0xC900]  }
0x6e: {  	v61 =	vld [tilespmem:$0xC960];
	[tilespmem:$0xCAA0] =	vst v58  }
0x6f: {  	v62 =	vld [tilespmem:$0xC970];
	[tilespmem:$0xCAB0] =	vst v59  }
0x70: {  	v63 =	vld [tilespmem:$0xC980];
	[tilespmem:$0xCAC0] =	vst v60  }
0x71: {  	[tilespmem:$0xCA80] =	vst v2;
	v2 =	vld [tilespmem:$0xC940]  }
0x72: {  	[tilespmem:$0xCA90] =	vst v3;
	v3 =	vld [tilespmem:$0xC950]  }
0x73: {  	[tilespmem:$0xCAF0] =	vst v61  }
0x74: {  	[tilespmem:$0xCB00] =	vst v62  }
0x75: {  	[tilespmem:$0xCB10] =	vst v63  }
0x76: {  	[tilespmem:$0xCAD0] =	vst v2  }
0x77: {  	[tilespmem:$0xCAE0] =	vst v3  }
0x78: {  	[spmem:s1] =	stream.indirect.scatter.add.f32 [tilespmem:s3], [sflag:$0x2], $0x80, s15, s14, $0xb8;
	[tilespmem:$0xD9E8] =	vst v63  }
0x79: {  	_ =	swait.ge [sflag:s12], $0x2800  }
0x7a: {  	[sflag:s12] =	ssyncset.done $0x0  }
0x7b: {  	[sflag:s12] =	ssyncadd.s32 $0xFFFFD800  }
0x7c: {  	[spmem:s2] =	stream.indirect.scatter.add.f32 [tilespmem:s16], [sflag:$0x2], $0x10, s15, s14, $0xb8;
	[tilespmem:$0xD9E8] =	vst v63  }
0x7d: {  	_ =	swait.ge [sflag:s12], $0x500  }
0x7e: {  	[sflag:s12] =	ssyncset.done $0x0  }
0x7f: {  	[sflag:s12] =	ssyncadd.s32 $0xFFFFFB00  }
0x80: {  	[spmem:s1] =	stream.indirect.scatter.add.f32 [tilespmem:s18], [sflag:$0x2], $0x80, s17, s14, $0xb8;
	[tilespmem:$0xD9E8] =	vst v63  }
0x81: {  	_ =	swait.ge [sflag:s12], $0x2800  }
0x82: {  	[sflag:s12] =	ssyncset.done $0x0  }
0x83: {  	[sflag:s12] =	ssyncadd.s32 $0xFFFFD800  }
0x84: {  	[spmem:s2] =	stream.indirect.scatter.add.f32 [tilespmem:s16], [sflag:$0x2], $0x10, s17, s14, $0xb8;
	[tilespmem:$0xD9E8] =	vst v63  }
0x85: {  	_ =	swait.ge [sflag:s12], $0x500  }
0x86: {  	[sflag:s12] =	ssyncset.done $0x0  }
0x87: {  	[sflag:s12] =	ssyncadd.s32 $0xFFFFFB00  }
0x88: {  	[spmem:s1] =	stream.indirect.scatter.add.f32 [tilespmem:s20], [sflag:$0x2], $0x80, s19, s14, $0xb8;
	[tilespmem:$0xD9E8] =	vst v63  }
0x89: {  	_ =	swait.ge [sflag:s12], $0x2800  }
0x8a: {  	[sflag:s12] =	ssyncset.done $0x0  }
0x8b: {  	[sflag:s12] =	ssyncadd.s32 $0xFFFFD800  }
0x8c: {  	[spmem:s2] =	stream.indirect.scatter.add.f32 [tilespmem:s16], [sflag:$0x2], $0x10, s19, s14, $0xb8;
	[tilespmem:$0xD9E8] =	vst v63  }
0x8d: {  	_ =	swait.ge [sflag:s12], $0x500  }
0x8e: {  	[sflag:s12] =	ssyncset.done $0x0  }
0x8f: {  	[sflag:s12] =	ssyncadd.s32 $0xFFFFFB00  }
0x90: {  	[spmem:s1] =	stream.indirect.scatter.add.f32 [tilespmem:s22], [sflag:$0x2], $0x80, s21, s14, $0xb8;
	[tilespmem:$0xD9E8] =	vst v63  }
0x91: {  	_ =	swait.ge [sflag:s12], $0x2800  }
0x92: {  	[sflag:s12] =	ssyncset.done $0x0  }
0x93: {  	[sflag:s12] =	ssyncadd.s32 $0xFFFFD800  }
0x94: {  	[spmem:s2] =	stream.indirect.scatter.add.f32 [tilespmem:s16], [sflag:$0x2], $0x10, s21, s14, $0xb8;
	[tilespmem:$0xD9E8] =	vst v63  }
0x95: {  	_ =	swait.ge [sflag:s12], $0x500  }
0x96: {  	[sflag:s12] =	ssyncset.done $0x0  }
0x97: {  	[sflag:s12] =	ssyncadd.s32 $0xFFFFFB00  }
0x98: {  	[spmem:s1] =	stream.indirect.scatter.add.f32 [tilespmem:s24], [sflag:$0x2], $0x80, s23, s14, $0xb8;
	[tilespmem:$0xD9E8] =	vst v63  }
0x99: {  	_ =	swait.ge [sflag:s12], $0x2800  }
0x9a: {  	[sflag:s12] =	ssyncset.done $0x0  }
.Ltmp9:
0x9b: {  	[sflag:s12] =	ssyncadd.s32 $0xFFFFD800;
	(pc) =	sbr.rel .LBB2_12-.Ltmp9, $4  }
0x9c: {  	[spmem:s2] =	stream.indirect.scatter.add.f32 [tilespmem:s16], [sflag:$0x1], $0x10, s23, s14, $0xb8;
	[tilespmem:$0xD9E8] =	vst v63  }
0x9d: {  	_ =	swait.ge [sflag:s10], $0x500  }
0x9e: {  	[sflag:s10] =	ssyncset.done $0x0  }
0x9f: {  	[sflag:s10] =	ssyncadd.s32 $0xFFFFFB00  }
.LBB2_14:
0xa0: {  	_ =	sfence.sel $0x180000  }
0xa1: {  	[bflag:$0x0] =	sbarrier.arrive $0xFFFF  }
0xa2: {  	_ =	strace $0x90000047  }
0xa3: {  	s0 =	sadd.s32 @!p0 $0x100000, s0;
	[bflag:$0x2] =	sbarrier.arrive $0xFFFF  }
0xa4: {  	[sflag:s0] =	ssyncadd.tile.s32 @!p0 $0x1;
	_ =	shalt  }
.Lfunc_end2:
_tile_overlayer_lowered:
.L_overlay_start_2:
0xa5: {  	(tag) =	ssettag $0x2  }
0xa6: {  	s0 =	rddreg [dreg:$0x0];
	s2 =	stileid.u32  }
0xa7: {  	s1 =	rddreg [dreg:$0x1];
	p0 =	sne.s32 s2, $0x0  }
0xa8: {  	s3 =	rddreg [dreg:$0x2];
	[bflag:$0x3] =	sbarrier.arrive $0xFFFF;
	s2 =	simm.s32 @!p0 $0x1C01  }
0xa9: {  	[timem:s3], [sflag:s2] =	dma.local @!p0 [hbm:s0], s1  }
0xaa: {  	s0 =	simm.s32 @!p0 $0x1  }
0xab: {  	_ =	swait.ge @!p0 [sflag:s0], s1  }
0xac: {  	s1 =	ssub.s32 @!p0 $0x0, s1;
	[sflag:s0] =	ssyncset.done @!p0 $0x0  }
0xad: {  	[sflag:s0] =	ssyncadd.s32 @!p0 s1  }
0xae: {  	[bflag:$0x3] =	sbarrier.arrive $0xFFFF  }
0xaf: {  	_ =	shalt  }

</sc_bundles>
